<compile_context>
chip_gen: v7x
topology: tpu7x:2x2x1
jax: 0.10.2.dev20260603
libtpu: 0.0.44.dev20260713+nightly
codegen_flags: <defaults>
</compile_context>

<pallas_src>
import jax
import jax.numpy as jnp
from jax import lax
from jax.experimental import pallas as pl
from jax.experimental.pallas import tpu as pltpu
from jax.experimental.pallas import tpu_sc as plsc

_K = 64
_L = 16
_NC = 2
_NS = 16
_NW = _NC * _NS
_SLOT = 32
_CAP = _SLOT * _L
_CCAP = 256
_NSEG = 8


def _sc_body(x_hbm, out_hbm, row_v, obuf_v, grp_v, cidx_v, cidx2_v, cval2_v,
             pidx_v, sem_in, sem_out):
    n_rows, n_cols = x_hbm.shape
    n_vregs = n_cols // _L
    rows_per_w = n_rows // _NW
    seg_vregs = n_vregs // _NSEG
    ncand = _CCAP // _L

    wid = lax.axis_index("s") * _NC + lax.axis_index("c")
    row0 = wid * rows_per_w
    iota = lax.iota(jnp.int32, _L)
    zero_f = jnp.zeros((_L,), jnp.float32)
    zero_i = jnp.zeros((_L,), jnp.int32)

    pltpu.make_async_copy(
        x_hbm.at[row0], row_v.at[pl.ds(0, n_cols)], sem_in
    ).start()

    @plsc.parallel_loop(0, n_vregs, unroll=8)
    def _(i):
        obuf_v[pl.ds(i * _L, _L)] = zero_f

    def do_row(r, t_prev):
        row = row0 + r
        base = (r % 2) * n_cols
        nbase = ((r + 1) % 2) * n_cols
        base_splat = zero_i + base
        pltpu.make_async_copy(
            x_hbm.at[row], row_v.at[pl.ds(base, n_cols)], sem_in
        ).wait()

        @pl.when(r < rows_per_w - 1)
        def _():
            pltpu.make_async_copy(
                x_hbm.at[row + 1], row_v.at[pl.ds(nbase, n_cols)], sem_in
            ).start()

        def collect(mthr):
            for c in range(_CAP // _L):
                cidx_v[pl.ds(c * _L, _L)] = zero_i

            @plsc.parallel_loop(0, n_vregs, unroll=16, carry=iota)
            def posv(j, p):
                v = row_v[pl.ds(base + j * _L, _L)]
                m = v >= mthr
                plsc.store_scatter(cidx_v, [p & (_CAP - 1)], iota + j * _L,
                                   mask=m)
                return p + jnp.where(m, _L, 0)

            cl = lax.shift_right_logical(posv - iota, 4)

            for c in range(ncand):
                cidx2_v[pl.ds(c * _L, _L)] = zero_i
                cval2_v[pl.ds(c * _L, _L)] = zero_f

            @plsc.parallel_loop(0, _SLOT, unroll=8, carry=zero_i)
            def cnt2(s, cnt):
                iv = cidx_v[pl.ds(s * _L, _L)]
                valid = cl > s
                vals = plsc.load_gather(row_v, [iv + base_splat])
                pos = cnt + plsc.cumsum(valid.astype(jnp.int32)) - 1
                pos = jnp.minimum(jnp.maximum(pos, 0), _CCAP - 1)
                plsc.store_scatter(cidx2_v, [pos], iv, mask=valid)
                plsc.store_scatter(cval2_v, [pos], vals, mask=valid)
                return cnt + plsc.all_reduce_population_count(valid)

            return cl, cnt2

        m_est = lax.bitcast_convert_type(t_prev, jnp.float32) * 0.9375
        cl, cnt2 = collect(m_est)

        max_cl = jnp.max(cl)
        n_cand = jnp.max(cnt2)
        fb = (max_cl >= _SLOT) | (n_cand < _K) | (n_cand > _CCAP)

        @pl.when(fb)
        def _():
            for seg in range(_NSEG):
                @plsc.parallel_loop(0, seg_vregs, unroll=8, carry=zero_f)
                def acc(i, a):
                    v = row_v[pl.ds(base + (seg * seg_vregs + i) * _L, _L)]
                    return jnp.maximum(a, v)
                grp_v[pl.ds(seg * _L, _L)] = acc

            gi = [
                lax.bitcast_convert_type(grp_v[pl.ds(k * _L, _L)], jnp.int32)
                for k in range(_NSEG)
            ]
            t = zero_i
            for b in range(30, 12, -1):
                cand = t | (1 << b)
                cnt = zero_i
                for k in range(_NSEG):
                    cnt = cnt + plsc.all_reduce_population_count(gi[k] >= cand)
                t = jnp.where(cnt >= _K, cand, t)
            collect(lax.bitcast_convert_type(t, jnp.float32))

        ci = [
            lax.bitcast_convert_type(cval2_v[pl.ds(c * _L, _L)], jnp.int32)
            for c in range(ncand)
        ]
        t = zero_i
        for b in range(30, -1, -1):
            cand = t | (1 << b)
            cnt = zero_i
            for c in range(ncand):
                cnt = cnt + plsc.all_reduce_population_count(ci[c] >= cand)
            t = jnp.where(cnt >= _K, cand, t)

        @pl.when(r > 0)
        def _():
            pltpu.make_async_copy(obuf_v, out_hbm.at[row - 1], sem_out).wait()
            for c in range(ncand):
                iv = pidx_v[pl.ds(c * _L, _L)]
                plsc.store_scatter(obuf_v, [iv], zero_f)

        for c in range(ncand):
            iv = cidx2_v[pl.ds(c * _L, _L)]
            keep = ci[c] >= t
            plsc.store_scatter(
                obuf_v, [iv], lax.bitcast_convert_type(ci[c], jnp.float32),
                mask=keep,
            )
        pltpu.make_async_copy(obuf_v, out_hbm.at[row], sem_out).start()
        for c in range(ncand):
            pidx_v[pl.ds(c * _L, _L)] = cidx2_v[pl.ds(c * _L, _L)]
        return t

    init_t = jnp.full((_L,), 0x7F7FFFFF, jnp.int32)
    lax.fori_loop(0, rows_per_w, do_row, init_t)
    pltpu.make_async_copy(
        obuf_v, out_hbm.at[row0 + rows_per_w - 1], sem_out
    ).wait()


@jax.jit
def kernel(x):
    n_rows, n_cols = x.shape
    f = pl.kernel(
        _sc_body,
        out_type=jax.ShapeDtypeStruct((n_rows, n_cols), x.dtype),
        mesh=plsc.VectorSubcoreMesh(
            core_axis_name="c", subcore_axis_name="s",
            num_cores=_NC, num_subcores=_NS,
        ),
        compiler_params=pltpu.CompilerParams(needs_layout_passes=False),
        scratch_types=[
            pltpu.VMEM((2 * n_cols,), jnp.float32),
            pltpu.VMEM((n_cols,), jnp.float32),
            pltpu.VMEM((_NSEG * _L,), jnp.float32),
            pltpu.VMEM((_CAP,), jnp.int32),
            pltpu.VMEM((_CCAP,), jnp.int32),
            pltpu.VMEM((_CCAP,), jnp.float32),
            pltpu.VMEM((_CCAP,), jnp.int32),
            pltpu.SemaphoreType.DMA,
            pltpu.SemaphoreType.DMA,
        ],
    )
    return f(x)

# --- scband reference (transcript-rebuilt; emitter-appended) ---
"""Pipeline reference for scband-top-k-34668976014001 (READ-ONLY COPY).

The authoritative reference and input builder live on the scoring server;
editing this copy changes nothing except your own understanding.
"""

import jax, jax.numpy as jnp
import numpy as np

K = 64

def setup_inputs(seed: int = 0) -> dict:
    key = jax.random.key(seed)
    x = jax.random.normal(key, (128, 32768), dtype=jnp.float32)
    return {"x": x}

def reference(x):
    # postact_fn = ReLU
    out = jax.nn.relu(x)
    # top-k along last dim
    vals, idx = jax.lax.top_k(out, K)
    # scatter top-k values into zeros (torch.scatter_ on dim=-1)
    rows = jnp.arange(out.shape[0])[:, None]
    result = jnp.zeros_like(out).at[rows, idx].set(vals)
    return result

if __name__ == "__main__":
    import jax
    _d = setup_inputs()
    print(jax.jit(kernel)(*tuple(_d.values())))

</pallas_src>

<mosaic_0001>
#map = affine_map<(d0, d1) -> (0, 0)>
module attributes {stable_mosaic.version = 14 : i64} {
  func.func @_sc_body(%arg0: i32, %arg1: i32, %arg2: memref<128x32768xf32, #tpu.memory_space<hbm>>, %arg3: memref<128x32768xf32, #tpu.memory_space<hbm>>, %arg4: memref<65536xf32, #tpu.memory_space<vmem>>, %arg5: memref<32768xf32, #tpu.memory_space<vmem>>, %arg6: memref<128xf32, #tpu.memory_space<vmem>>, %arg7: memref<512xi32, #tpu.memory_space<vmem>>, %arg8: memref<256xi32, #tpu.memory_space<vmem>>, %arg9: memref<256xf32, #tpu.memory_space<vmem>>, %arg10: memref<256xi32, #tpu.memory_space<vmem>>, %arg11: memref<!tpu.dma_semaphore, #tpu.memory_space<semaphore_mem>>, %arg12: memref<!tpu.dma_semaphore, #tpu.memory_space<semaphore_mem>>) attributes {dimension_semantics = [#tpu.dimension_semantics<core_parallel>, #tpu.dimension_semantics<subcore_parallel>], iteration_bounds = array<i64: 2, 16>, scalar_prefetch = 0 : i64, scratch_operands = 9 : i64, tpu.core_type = #tpu.core_type<sc_vector_subcore>, window_params = [{transform_indices = #map}, {transform_indices = #map}]} {
    %mul3A = arith.constant 2 : i32
    %mul3A_0 = arith.muli %arg1, %mul3A : i32
    %add3A = arith.addi %mul3A_0, %arg0 : i32
    %mul3A_1 = arith.constant 4 : i32
    %mul3A_2 = arith.muli %add3A, %mul3A_1 : i32
    %iota3A = tpu.iota {dimensions = array<i32: 0>} : vector<16xi32>
    %broadcast_in_dim3A = arith.constant 0.000000e+00 : f32
    %broadcast_in_dim3A_3 = vector.broadcast %broadcast_in_dim3A : f32 to vector<16xf32>
    %broadcast_in_dim3A_4 = arith.constant 0 : i32
    %broadcast_in_dim3A_5 = vector.broadcast %broadcast_in_dim3A_4 : i32 to vector<16xi32>
    %dma_start3A = arith.constant 0 : i32
    %dma_start3A_6 = tpu.memref_slice %arg4[%dma_start3A] : memref<65536xf32, #tpu.memory_space<vmem>> -> memref<32768xf32, #tpu.memory_space<vmem>>
    %dma_start3A_7 = arith.constant 0 : i32
    %dma_start3A_8 = tpu.memref_slice %arg2[%mul3A_2, %dma_start3A_7] : memref<128x32768xf32, #tpu.memory_space<hbm>> -> memref<1x32768xf32, #tpu.memory_space<hbm>>
    %dma_start3A_9 = tpu.memref_squeeze %dma_start3A_8 : memref<1x32768xf32, #tpu.memory_space<hbm>> -> memref<32768xf32, #tpu.memory_space<hbm>>
    %dma_start3A_10 = arith.constant 0 : i32
    %dma_start3A_11 = tpu.memref_slice %arg4[%dma_start3A_10] : memref<65536xf32, #tpu.memory_space<vmem>> -> memref<32768xf32, #tpu.memory_space<vmem>>
    %dma_start3A_12 = arith.constant 0 : i32
    %dma_start3A_13 = tpu.memref_slice %arg2[%mul3A_2, %dma_start3A_12] : memref<128x32768xf32, #tpu.memory_space<hbm>> -> memref<1x32768xf32, #tpu.memory_space<hbm>>
    %dma_start3A_14 = tpu.memref_squeeze %dma_start3A_13 : memref<1x32768xf32, #tpu.memory_space<hbm>> -> memref<32768xf32, #tpu.memory_space<hbm>>
    tpu.enqueue_dma source(%dma_start3A_14 : memref<32768xf32, #tpu.memory_space<hbm>>) target(%dma_start3A_11 : memref<32768xf32, #tpu.memory_space<vmem>>) target_semaphore(%arg11 : memref<!tpu.dma_semaphore, #tpu.memory_space<semaphore_mem>>)
    %parallel_loop3A = arith.constant 0 : i32
    %parallel_loop3A_15 = arith.constant 2048 : i32
    %parallel_loop3A_16 = arith.constant 1 : i32
    scf.for %parallel_loop3A_32 = %parallel_loop3A to %parallel_loop3A_15 step %parallel_loop3A_16  : i32 {
      %parallel_loop3A_33 = arith.constant 16 : i32
      %parallel_loop3A_34 = arith.muli %parallel_loop3A_32, %parallel_loop3A_33 : i32
      %parallel_loop3A_35 = arith.index_cast %parallel_loop3A_34 : i32 to index
      %parallel_loop3A_36 = tpu.vector_load %arg5[%parallel_loop3A_35] {strides = array<i32>} : memref<32768xf32, #tpu.memory_space<vmem>>, vector<16xf32>,
      tpu.vector_store %arg5[%parallel_loop3A_35], %broadcast_in_dim3A_3 {strides = array<i32>} : memref<32768xf32, #tpu.memory_space<vmem>>, vector<16xf32>,
    } {sc.loop_unroll_factor = 8 : i64, sc.parallel_access}
    %broadcast_in_dim3A_17 = arith.constant 2139095039 : i32
    %broadcast_in_dim3A_18 = vector.broadcast %broadcast_in_dim3A_17 : i32 to vector<16xi32>
    %scan3A = arith.constant 0 : i32
    %scan3A_19 = arith.constant 4 : i32
    %scan3A_20 = arith.addi %scan3A, %scan3A_19 : i32
    %scan3A_21 = arith.constant 1 : i32
    %scan3A_22 = scf.for %scan3A_32 = %scan3A to %scan3A_20 step %scan3A_21 iter_args(%scan3A_33 = %broadcast_in_dim3A_18) -> (vector<16xi32>)  : i32 {
      %add3A_34 = arith.addi %mul3A_2, %scan3A_32 : i32
      %jit3A = arith.constant 2 : i32
      %eq3A = arith.constant 0 : i32
      %eq3A_35 = arith.cmpi eq, %jit3A, %eq3A : i32
      %jit3A_36 = arith.constant 1 : i32
      %select_n3A = arith.select %eq3A_35, %jit3A_36, %jit3A : i32
      %rem3A = arith.remsi %scan3A_32, %select_n3A : i32
      %ne3A = arith.constant 0 : i32
      %ne3A_37 = arith.cmpi ne, %rem3A, %ne3A : i32
      %lt3A = arith.constant 0 : i32
      %lt3A_38 = arith.cmpi slt, %rem3A, %lt3A : i32
      %lt3A_39 = arith.constant 0 : i32
      %lt3A_40 = arith.cmpi slt, %select_n3A, %lt3A_39 : i32
      %ne3A_41 = arith.xori %lt3A_38, %lt3A_40 : i1
      %and3A = arith.andi %ne3A_41, %ne3A_37 : i1
      %add3A_42 = arith.addi %rem3A, %select_n3A : i32
      %select_n3A_43 = arith.select %and3A, %add3A_42, %rem3A : i32
      %mul3A_44 = arith.constant 32768 : i32
      %mul3A_45 = arith.muli %select_n3A_43, %mul3A_44 : i32
      %add3A_46 = arith.constant 1 : i32
      %add3A_47 = arith.addi %scan3A_32, %add3A_46 : i32
      %jit3A_48 = arith.constant 2 : i32
      %eq3A_49 = arith.constant 0 : i32
      %eq3A_50 = arith.cmpi eq, %jit3A_48, %eq3A_49 : i32
      %jit3A_51 = arith.constant 1 : i32
      %select_n3A_52 = arith.select %eq3A_50, %jit3A_51, %jit3A_48 : i32
      %rem3A_53 = arith.remsi %add3A_47, %select_n3A_52 : i32
      %ne3A_54 = arith.constant 0 : i32
      %ne3A_55 = arith.cmpi ne, %rem3A_53, %ne3A_54 : i32
      %lt3A_56 = arith.constant 0 : i32
      %lt3A_57 = arith.cmpi slt, %rem3A_53, %lt3A_56 : i32
      %lt3A_58 = arith.constant 0 : i32
      %lt3A_59 = arith.cmpi slt, %select_n3A_52, %lt3A_58 : i32
      %ne3A_60 = arith.xori %lt3A_57, %lt3A_59 : i1
      %and3A_61 = arith.andi %ne3A_60, %ne3A_55 : i1
      %add3A_62 = arith.addi %rem3A_53, %select_n3A_52 : i32
      %select_n3A_63 = arith.select %and3A_61, %add3A_62, %rem3A_53 : i32
      %mul3A_64 = arith.constant 32768 : i32
      %mul3A_65 = arith.muli %select_n3A_63, %mul3A_64 : i32
      %add3A_66 = vector.broadcast %mul3A_45 : i32 to vector<16xi32>
      %add3A_67 = arith.addi %broadcast_in_dim3A_5, %add3A_66 : vector<16xi32>
      %dma_wait3A_68 = tpu.memref_slice %arg4[%mul3A_45] : memref<65536xf32, #tpu.memory_space<vmem>> -> memref<32768xf32, #tpu.memory_space<vmem>>
      %dma_wait3A_69 = arith.constant 0 : i32
      %dma_wait3A_70 = tpu.memref_slice %arg2[%add3A_34, %dma_wait3A_69] : memref<128x32768xf32, #tpu.memory_space<hbm>> -> memref<1x32768xf32, #tpu.memory_space<hbm>>
      %dma_wait3A_71 = tpu.memref_squeeze %dma_wait3A_70 : memref<1x32768xf32, #tpu.memory_space<hbm>> -> memref<32768xf32, #tpu.memory_space<hbm>>
      %dma_wait3A_72 = tpu.memref_slice %arg4[%mul3A_45] : memref<65536xf32, #tpu.memory_space<vmem>> -> memref<32768xf32, #tpu.memory_space<vmem>>
      %dma_wait3A_73 = arith.constant 0 : i32
      %dma_wait3A_74 = tpu.memref_slice %arg2[%add3A_34, %dma_wait3A_73] : memref<128x32768xf32, #tpu.memory_space<hbm>> -> memref<1x32768xf32, #tpu.memory_space<hbm>>
      %dma_wait3A_75 = tpu.memref_squeeze %dma_wait3A_74 : memref<1x32768xf32, #tpu.memory_space<hbm>> -> memref<32768xf32, #tpu.memory_space<hbm>>
      tpu.wait_dma2 semaphore(%arg11 : memref<!tpu.dma_semaphore, #tpu.memory_space<semaphore_mem>>) src(%dma_wait3A_75 : memref<32768xf32, #tpu.memory_space<hbm>>) dst(%dma_wait3A_72 : memref<32768xf32, #tpu.memory_space<vmem>>)
      %lt3A_76 = arith.constant 3 : i32
      %lt3A_77 = arith.cmpi slt, %scan3A_32, %lt3A_76 : i32
      %convert_element_type3A = arith.extui %lt3A_77 : i1 to i32
      %cond3A = arith.constant 0 : i32
      %cond3A_78 = arith.cmpi ne, %convert_element_type3A, %cond3A : i32
      scf.if %cond3A_78 {
        %add3A_2133 = arith.constant 1 : i32
        %add3A_2134 = arith.addi %add3A_34, %add3A_2133 : i32
        %dma_start3A_2135 = tpu.memref_slice %arg4[%mul3A_65] : memref<65536xf32, #tpu.memory_space<vmem>> -> memref<32768xf32, #tpu.memory_space<vmem>>
        %dma_start3A_2136 = arith.constant 0 : i32
        %dma_start3A_2137 = tpu.memref_slice %arg2[%add3A_2134, %dma_start3A_2136] : memref<128x32768xf32, #tpu.memory_space<hbm>> -> memref<1x32768xf32, #tpu.memory_space<hbm>>
        %dma_start3A_2138 = tpu.memref_squeeze %dma_start3A_2137 : memref<1x32768xf32, #tpu.memory_space<hbm>> -> memref<32768xf32, #tpu.memory_space<hbm>>
        %dma_start3A_2139 = tpu.memref_slice %arg4[%mul3A_65] : memref<65536xf32, #tpu.memory_space<vmem>> -> memref<32768xf32, #tpu.memory_space<vmem>>
        %dma_start3A_2140 = arith.constant 0 : i32
        %dma_start3A_2141 = tpu.memref_slice %arg2[%add3A_2134, %dma_start3A_2140] : memref<128x32768xf32, #tpu.memory_space<hbm>> -> memref<1x32768xf32, #tpu.memory_space<hbm>>
        %dma_start3A_2142 = tpu.memref_squeeze %dma_start3A_2141 : memref<1x32768xf32, #tpu.memory_space<hbm>> -> memref<32768xf32, #tpu.memory_space<hbm>>
        tpu.enqueue_dma source(%dma_start3A_2142 : memref<32768xf32, #tpu.memory_space<hbm>>) target(%dma_start3A_2139 : memref<32768xf32, #tpu.memory_space<vmem>>) target_semaphore(%arg11 : memref<!tpu.dma_semaphore, #tpu.memory_space<semaphore_mem>>)
      } else {
      }
      %bitcast_convert_type3A = tpu.bitcast %scan3A_33 : vector<16xi32> -> vector<16xf32>
      %mul3A_79 = arith.constant 9.375000e-01 : f32
      %mul3A_80 = vector.broadcast %mul3A_79 : f32 to vector<16xf32>
      %mul3A_81 = arith.mulf %bitcast_convert_type3A, %mul3A_80 : vector<16xf32>
      %swap3A = arith.constant 0 : index
      %swap3A_82 = tpu.vector_load %arg7[%swap3A] {strides = array<i32>} : memref<512xi32, #tpu.memory_space<vmem>>, vector<16xi32>,
      tpu.vector_store %arg7[%swap3A], %broadcast_in_dim3A_5 {strides = array<i32>} : memref<512xi32, #tpu.memory_space<vmem>>, vector<16xi32>,
      %swap3A_83 = arith.constant 16 : index
      %swap3A_84 = tpu.vector_load %arg7[%swap3A_83] {strides = array<i32>} : memref<512xi32, #tpu.memory_space<vmem>>, vector<16xi32>,
      tpu.vector_store %arg7[%swap3A_83], %broadcast_in_dim3A_5 {strides = array<i32>} : memref<512xi32, #tpu.memory_space<vmem>>, vector<16xi32>,
      %swap3A_85 = arith.constant 32 : index
      %swap3A_86 = tpu.vector_load %arg7[%swap3A_85] {strides = array<i32>} : memref<512xi32, #tpu.memory_space<vmem>>, vector<16xi32>,
      tpu.vector_store %arg7[%swap3A_85], %broadcast_in_dim3A_5 {strides = array<i32>} : memref<512xi32, #tpu.memory_space<vmem>>, vector<16xi32>,
      %swap3A_87 = arith.constant 48 : index
      %swap3A_88 = tpu.vector_load %arg7[%swap3A_87] {strides = array<i32>} : memref<512xi32, #tpu.memory_space<vmem>>, vector<16xi32>,
      tpu.vector_store %arg7[%swap3A_87], %broadcast_in_dim3A_5 {strides = array<i32>} : memref<512xi32, #tpu.memory_space<vmem>>, vector<16xi32>,
      %swap3A_89 = arith.constant 64 : index
      %swap3A_90 = tpu.vector_load %arg7[%swap3A_89] {strides = array<i32>} : memref<512xi32, #tpu.memory_space<vmem>>, vector<16xi32>,
      tpu.vector_store %arg7[%swap3A_89], %broadcast_in_dim3A_5 {strides = array<i32>} : memref<512xi32, #tpu.memory_space<vmem>>, vector<16xi32>,
      %swap3A_91 = arith.constant 80 : index
      %swap3A_92 = tpu.vector_load %arg7[%swap3A_91] {strides = array<i32>} : memref<512xi32, #tpu.memory_space<vmem>>, vector<16xi32>,
      tpu.vector_store %arg7[%swap3A_91], %broadcast_in_dim3A_5 {strides = array<i32>} : memref<512xi32, #tpu.memory_space<vmem>>, vector<16xi32>,
      %swap3A_93 = arith.constant 96 : index
      %swap3A_94 = tpu.vector_load %arg7[%swap3A_93] {strides = array<i32>} : memref<512xi32, #tpu.memory_space<vmem>>, vector<16xi32>,
      tpu.vector_store %arg7[%swap3A_93], %broadcast_in_dim3A_5 {strides = array<i32>} : memref<512xi32, #tpu.memory_space<vmem>>, vector<16xi32>,
      %swap3A_95 = arith.constant 112 : index
      %swap3A_96 = tpu.vector_load %arg7[%swap3A_95] {strides = array<i32>} : memref<512xi32, #tpu.memory_space<vmem>>, vector<16xi32>,
      tpu.vector_store %arg7[%swap3A_95], %broadcast_in_dim3A_5 {strides = array<i32>} : memref<512xi32, #tpu.memory_space<vmem>>, vector<16xi32>,
      %swap3A_97 = arith.constant 128 : index
      %swap3A_98 = tpu.vector_load %arg7[%swap3A_97] {strides = array<i32>} : memref<512xi32, #tpu.memory_space<vmem>>, vector<16xi32>,
      tpu.vector_store %arg7[%swap3A_97], %broadcast_in_dim3A_5 {strides = array<i32>} : memref<512xi32, #tpu.memory_space<vmem>>, vector<16xi32>,
      %swap3A_99 = arith.constant 144 : index
      %swap3A_100 = tpu.vector_load %arg7[%swap3A_99] {strides = array<i32>} : memref<512xi32, #tpu.memory_space<vmem>>, vector<16xi32>,
      tpu.vector_store %arg7[%swap3A_99], %broadcast_in_dim3A_5 {strides = array<i32>} : memref<512xi32, #tpu.memory_space<vmem>>, vector<16xi32>,
      %swap3A_101 = arith.constant 160 : index
      %swap3A_102 = tpu.vector_load %arg7[%swap3A_101] {strides = array<i32>} : memref<512xi32, #tpu.memory_space<vmem>>, vector<16xi32>,
      tpu.vector_store %arg7[%swap3A_101], %broadcast_in_dim3A_5 {strides = array<i32>} : memref<512xi32, #tpu.memory_space<vmem>>, vector<16xi32>,
      %swap3A_103 = arith.constant 176 : index
      %swap3A_104 = tpu.vector_load %arg7[%swap3A_103] {strides = array<i32>} : memref<512xi32, #tpu.memory_space<vmem>>, vector<16xi32>,
      tpu.vector_store %arg7[%swap3A_103], %broadcast_in_dim3A_5 {strides = array<i32>} : memref<512xi32, #tpu.memory_space<vmem>>, vector<16xi32>,
      %swap3A_105 = arith.constant 192 : index
      %swap3A_106 = tpu.vector_load %arg7[%swap3A_105] {strides = array<i32>} : memref<512xi32, #tpu.memory_space<vmem>>, vector<16xi32>,
      tpu.vector_store %arg7[%swap3A_105], %broadcast_in_dim3A_5 {strides = array<i32>} : memref<512xi32, #tpu.memory_space<vmem>>, vector<16xi32>,
      %swap3A_107 = arith.constant 208 : index
      %swap3A_108 = tpu.vector_load %arg7[%swap3A_107] {strides = array<i32>} : memref<512xi32, #tpu.memory_space<vmem>>, vector<16xi32>,
      tpu.vector_store %arg7[%swap3A_107], %broadcast_in_dim3A_5 {strides = array<i32>} : memref<512xi32, #tpu.memory_space<vmem>>, vector<16xi32>,
      %swap3A_109 = arith.constant 224 : index
      %swap3A_110 = tpu.vector_load %arg7[%swap3A_109] {strides = array<i32>} : memref<512xi32, #tpu.memory_space<vmem>>, vector<16xi32>,
      tpu.vector_store %arg7[%swap3A_109], %broadcast_in_dim3A_5 {strides = array<i32>} : memref<512xi32, #tpu.memory_space<vmem>>, vector<16xi32>,
      %swap3A_111 = arith.constant 240 : index
      %swap3A_112 = tpu.vector_load %arg7[%swap3A_111] {strides = array<i32>} : memref<512xi32, #tpu.memory_space<vmem>>, vector<16xi32>,
      tpu.vector_store %arg7[%swap3A_111], %broadcast_in_dim3A_5 {strides = array<i32>} : memref<512xi32, #tpu.memory_space<vmem>>, vector<16xi32>,
      %swap3A_113 = arith.constant 256 : index
      %swap3A_114 = tpu.vector_load %arg7[%swap3A_113] {strides = array<i32>} : memref<512xi32, #tpu.memory_space<vmem>>, vector<16xi32>,
      tpu.vector_store %arg7[%swap3A_113], %broadcast_in_dim3A_5 {strides = array<i32>} : memref<512xi32, #tpu.memory_space<vmem>>, vector<16xi32>,
      %swap3A_115 = arith.constant 272 : index
      %swap3A_116 = tpu.vector_load %arg7[%swap3A_115] {strides = array<i32>} : memref<512xi32, #tpu.memory_space<vmem>>, vector<16xi32>,
      tpu.vector_store %arg7[%swap3A_115], %broadcast_in_dim3A_5 {strides = array<i32>} : memref<512xi32, #tpu.memory_space<vmem>>, vector<16xi32>,
      %swap3A_117 = arith.constant 288 : index
      %swap3A_118 = tpu.vector_load %arg7[%swap3A_117] {strides = array<i32>} : memref<512xi32, #tpu.memory_space<vmem>>, vector<16xi32>,
      tpu.vector_store %arg7[%swap3A_117], %broadcast_in_dim3A_5 {strides = array<i32>} : memref<512xi32, #tpu.memory_space<vmem>>, vector<16xi32>,
      %swap3A_119 = arith.constant 304 : index
      %swap3A_120 = tpu.vector_load %arg7[%swap3A_119] {strides = array<i32>} : memref<512xi32, #tpu.memory_space<vmem>>, vector<16xi32>,
      tpu.vector_store %arg7[%swap3A_119], %broadcast_in_dim3A_5 {strides = array<i32>} : memref<512xi32, #tpu.memory_space<vmem>>, vector<16xi32>,
      %swap3A_121 = arith.constant 320 : index
      %swap3A_122 = tpu.vector_load %arg7[%swap3A_121] {strides = array<i32>} : memref<512xi32, #tpu.memory_space<vmem>>, vector<16xi32>,
      tpu.vector_store %arg7[%swap3A_121], %broadcast_in_dim3A_5 {strides = array<i32>} : memref<512xi32, #tpu.memory_space<vmem>>, vector<16xi32>,
      %swap3A_123 = arith.constant 336 : index
      %swap3A_124 = tpu.vector_load %arg7[%swap3A_123] {strides = array<i32>} : memref<512xi32, #tpu.memory_space<vmem>>, vector<16xi32>,
      tpu.vector_store %arg7[%swap3A_123], %broadcast_in_dim3A_5 {strides = array<i32>} : memref<512xi32, #tpu.memory_space<vmem>>, vector<16xi32>,
      %swap3A_125 = arith.constant 352 : index
      %swap3A_126 = tpu.vector_load %arg7[%swap3A_125] {strides = array<i32>} : memref<512xi32, #tpu.memory_space<vmem>>, vector<16xi32>,
      tpu.vector_store %arg7[%swap3A_125], %broadcast_in_dim3A_5 {strides = array<i32>} : memref<512xi32, #tpu.memory_space<vmem>>, vector<16xi32>,
      %swap3A_127 = arith.constant 368 : index
      %swap3A_128 = tpu.vector_load %arg7[%swap3A_127] {strides = array<i32>} : memref<512xi32, #tpu.memory_space<vmem>>, vector<16xi32>,
      tpu.vector_store %arg7[%swap3A_127], %broadcast_in_dim3A_5 {strides = array<i32>} : memref<512xi32, #tpu.memory_space<vmem>>, vector<16xi32>,
      %swap3A_129 = arith.constant 384 : index
      %swap3A_130 = tpu.vector_load %arg7[%swap3A_129] {strides = array<i32>} : memref<512xi32, #tpu.memory_space<vmem>>, vector<16xi32>,
      tpu.vector_store %arg7[%swap3A_129], %broadcast_in_dim3A_5 {strides = array<i32>} : memref<512xi32, #tpu.memory_space<vmem>>, vector<16xi32>,
      %swap3A_131 = arith.constant 400 : index
      %swap3A_132 = tpu.vector_load %arg7[%swap3A_131] {strides = array<i32>} : memref<512xi32, #tpu.memory_space<vmem>>, vector<16xi32>,
      tpu.vector_store %arg7[%swap3A_131], %broadcast_in_dim3A_5 {strides = array<i32>} : memref<512xi32, #tpu.memory_space<vmem>>, vector<16xi32>,
      %swap3A_133 = arith.constant 416 : index
      %swap3A_134 = tpu.vector_load %arg7[%swap3A_133] {strides = array<i32>} : memref<512xi32, #tpu.memory_space<vmem>>, vector<16xi32>,
      tpu.vector_store %arg7[%swap3A_133], %broadcast_in_dim3A_5 {strides = array<i32>} : memref<512xi32, #tpu.memory_space<vmem>>, vector<16xi32>,
      %swap3A_135 = arith.constant 432 : index
      %swap3A_136 = tpu.vector_load %arg7[%swap3A_135] {strides = array<i32>} : memref<512xi32, #tpu.memory_space<vmem>>, vector<16xi32>,
      tpu.vector_store %arg7[%swap3A_135], %broadcast_in_dim3A_5 {strides = array<i32>} : memref<512xi32, #tpu.memory_space<vmem>>, vector<16xi32>,
      %swap3A_137 = arith.constant 448 : index
      %swap3A_138 = tpu.vector_load %arg7[%swap3A_137] {strides = array<i32>} : memref<512xi32, #tpu.memory_space<vmem>>, vector<16xi32>,
      tpu.vector_store %arg7[%swap3A_137], %broadcast_in_dim3A_5 {strides = array<i32>} : memref<512xi32, #tpu.memory_space<vmem>>, vector<16xi32>,
      %swap3A_139 = arith.constant 464 : index
      %swap3A_140 = tpu.vector_load %arg7[%swap3A_139] {strides = array<i32>} : memref<512xi32, #tpu.memory_space<vmem>>, vector<16xi32>,
      tpu.vector_store %arg7[%swap3A_139], %broadcast_in_dim3A_5 {strides = array<i32>} : memref<512xi32, #tpu.memory_space<vmem>>, vector<16xi32>,
      %swap3A_141 = arith.constant 480 : index
      %swap3A_142 = tpu.vector_load %arg7[%swap3A_141] {strides = array<i32>} : memref<512xi32, #tpu.memory_space<vmem>>, vector<16xi32>,
      tpu.vector_store %arg7[%swap3A_141], %broadcast_in_dim3A_5 {strides = array<i32>} : memref<512xi32, #tpu.memory_space<vmem>>, vector<16xi32>,
      %swap3A_143 = arith.constant 496 : index
      %swap3A_144 = tpu.vector_load %arg7[%swap3A_143] {strides = array<i32>} : memref<512xi32, #tpu.memory_space<vmem>>, vector<16xi32>,
      tpu.vector_store %arg7[%swap3A_143], %broadcast_in_dim3A_5 {strides = array<i32>} : memref<512xi32, #tpu.memory_space<vmem>>, vector<16xi32>,
      %parallel_loop3A_145 = arith.constant 0 : i32
      %parallel_loop3A_146 = arith.constant 2048 : i32
      %parallel_loop3A_147 = arith.constant 1 : i32
      %parallel_loop3A_148 = scf.for %parallel_loop3A_2133 = %parallel_loop3A_145 to %parallel_loop3A_146 step %parallel_loop3A_147 iter_args(%parallel_loop3A_2134 = %iota3A) -> (vector<16xi32>)  : i32 {
        %parallel_loop3A_2135 = arith.constant 16 : i32
        %parallel_loop3A_2136 = arith.muli %parallel_loop3A_2133, %parallel_loop3A_2135 : i32
        %parallel_loop3A_2137 = arith.addi %mul3A_45, %parallel_loop3A_2136 : i32
        %parallel_loop3A_2138 = arith.index_cast %parallel_loop3A_2137 : i32 to index
        %parallel_loop3A_2139 = tpu.vector_load %arg4[%parallel_loop3A_2138] {strides = array<i32>} : memref<65536xf32, #tpu.memory_space<vmem>>, vector<16xf32>,
        %parallel_loop3A_2140 = arith.cmpf oge, %parallel_loop3A_2139, %mul3A_81 : vector<16xf32>
        %parallel_loop3A_2141 = arith.constant 511 : i32
        %parallel_loop3A_2142 = vector.broadcast %parallel_loop3A_2141 : i32 to vector<16xi32>
        %parallel_loop3A_2143 = arith.andi %parallel_loop3A_2134, %parallel_loop3A_2142 : vector<16xi32>
        %parallel_loop3A_2144 = arith.constant 16 : i32
        %parallel_loop3A_2145 = arith.muli %parallel_loop3A_2133, %parallel_loop3A_2144 : i32
        %parallel_loop3A_2146 = vector.broadcast %parallel_loop3A_2145 : i32 to vector<16xi32>
        %parallel_loop3A_2147 = arith.addi %iota3A, %parallel_loop3A_2146 : vector<16xi32>
        tpu.vector_store_idx %arg7[%parallel_loop3A_2143], %parallel_loop3A_2147 masked %parallel_loop3A_2140 : memref<512xi32, #tpu.memory_space<vmem>>[vector<16xi32>], vector<16xi32>, vector<16xi1>
        %parallel_loop3A_2148 = arith.constant 16 : i32
        %parallel_loop3A_2149 = arith.constant 0 : i32
        %parallel_loop3A_2150 = vector.broadcast %parallel_loop3A_2148 : i32 to vector<16xi32>
        %parallel_loop3A_2151 = vector.broadcast %parallel_loop3A_2149 : i32 to vector<16xi32>
        %parallel_loop3A_2152 = arith.select %parallel_loop3A_2140, %parallel_loop3A_2150, %parallel_loop3A_2151 : vector<16xi1>, vector<16xi32>
        %parallel_loop3A_2153 = arith.addi %parallel_loop3A_2134, %parallel_loop3A_2152 : vector<16xi32>
        scf.yield %parallel_loop3A_2153 : vector<16xi32>
      } {sc.loop_unroll_factor = 16 : i64, sc.parallel_access}
      %sub3A_149 = arith.subi %parallel_loop3A_148, %iota3A : vector<16xi32>
      %shift_right_logical3A = arith.constant 4 : i32
      %shift_right_logical3A_150 = vector.broadcast %shift_right_logical3A : i32 to vector<16xi32>
      %shift_right_logical3A_151 = arith.shrui %sub3A_149, %shift_right_logical3A_150 : vector<16xi32>
      %swap3A_152 = arith.constant 0 : index
      %swap3A_153 = tpu.vector_load %arg8[%swap3A_152] {strides = array<i32>} : memref<256xi32, #tpu.memory_space<vmem>>, vector<16xi32>,
      tpu.vector_store %arg8[%swap3A_152], %broadcast_in_dim3A_5 {strides = array<i32>} : memref<256xi32, #tpu.memory_space<vmem>>, vector<16xi32>,
      %swap3A_154 = arith.constant 0 : index
      %swap3A_155 = tpu.vector_load %arg9[%swap3A_154] {strides = array<i32>} : memref<256xf32, #tpu.memory_space<vmem>>, vector<16xf32>,
      tpu.vector_store %arg9[%swap3A_154], %broadcast_in_dim3A_3 {strides = array<i32>} : memref<256xf32, #tpu.memory_space<vmem>>, vector<16xf32>,
      %swap3A_156 = arith.constant 16 : index
      %swap3A_157 = tpu.vector_load %arg8[%swap3A_156] {strides = array<i32>} : memref<256xi32, #tpu.memory_space<vmem>>, vector<16xi32>,
      tpu.vector_store %arg8[%swap3A_156], %broadcast_in_dim3A_5 {strides = array<i32>} : memref<256xi32, #tpu.memory_space<vmem>>, vector<16xi32>,
      %swap3A_158 = arith.constant 16 : index
      %swap3A_159 = tpu.vector_load %arg9[%swap3A_158] {strides = array<i32>} : memref<256xf32, #tpu.memory_space<vmem>>, vector<16xf32>,
      tpu.vector_store %arg9[%swap3A_158], %broadcast_in_dim3A_3 {strides = array<i32>} : memref<256xf32, #tpu.memory_space<vmem>>, vector<16xf32>,
      %swap3A_160 = arith.constant 32 : index
      %swap3A_161 = tpu.vector_load %arg8[%swap3A_160] {strides = array<i32>} : memref<256xi32, #tpu.memory_space<vmem>>, vector<16xi32>,
      tpu.vector_store %arg8[%swap3A_160], %broadcast_in_dim3A_5 {strides = array<i32>} : memref<256xi32, #tpu.memory_space<vmem>>, vector<16xi32>,
      %swap3A_162 = arith.constant 32 : index
      %swap3A_163 = tpu.vector_load %arg9[%swap3A_162] {strides = array<i32>} : memref<256xf32, #tpu.memory_space<vmem>>, vector<16xf32>,
      tpu.vector_store %arg9[%swap3A_162], %broadcast_in_dim3A_3 {strides = array<i32>} : memref<256xf32, #tpu.memory_space<vmem>>, vector<16xf32>,
      %swap3A_164 = arith.constant 48 : index
      %swap3A_165 = tpu.vector_load %arg8[%swap3A_164] {strides = array<i32>} : memref<256xi32, #tpu.memory_space<vmem>>, vector<16xi32>,
      tpu.vector_store %arg8[%swap3A_164], %broadcast_in_dim3A_5 {strides = array<i32>} : memref<256xi32, #tpu.memory_space<vmem>>, vector<16xi32>,
      %swap3A_166 = arith.constant 48 : index
      %swap3A_167 = tpu.vector_load %arg9[%swap3A_166] {strides = array<i32>} : memref<256xf32, #tpu.memory_space<vmem>>, vector<16xf32>,
      tpu.vector_store %arg9[%swap3A_166], %broadcast_in_dim3A_3 {strides = array<i32>} : memref<256xf32, #tpu.memory_space<vmem>>, vector<16xf32>,
      %swap3A_168 = arith.constant 64 : index
      %swap3A_169 = tpu.vector_load %arg8[%swap3A_168] {strides = array<i32>} : memref<256xi32, #tpu.memory_space<vmem>>, vector<16xi32>,
      tpu.vector_store %arg8[%swap3A_168], %broadcast_in_dim3A_5 {strides = array<i32>} : memref<256xi32, #tpu.memory_space<vmem>>, vector<16xi32>,
      %swap3A_170 = arith.constant 64 : index
      %swap3A_171 = tpu.vector_load %arg9[%swap3A_170] {strides = array<i32>} : memref<256xf32, #tpu.memory_space<vmem>>, vector<16xf32>,
      tpu.vector_store %arg9[%swap3A_170], %broadcast_in_dim3A_3 {strides = array<i32>} : memref<256xf32, #tpu.memory_space<vmem>>, vector<16xf32>,
      %swap3A_172 = arith.constant 80 : index
      %swap3A_173 = tpu.vector_load %arg8[%swap3A_172] {strides = array<i32>} : memref<256xi32, #tpu.memory_space<vmem>>, vector<16xi32>,
      tpu.vector_store %arg8[%swap3A_172], %broadcast_in_dim3A_5 {strides = array<i32>} : memref<256xi32, #tpu.memory_space<vmem>>, vector<16xi32>,
      %swap3A_174 = arith.constant 80 : index
      %swap3A_175 = tpu.vector_load %arg9[%swap3A_174] {strides = array<i32>} : memref<256xf32, #tpu.memory_space<vmem>>, vector<16xf32>,
      tpu.vector_store %arg9[%swap3A_174], %broadcast_in_dim3A_3 {strides = array<i32>} : memref<256xf32, #tpu.memory_space<vmem>>, vector<16xf32>,
      %swap3A_176 = arith.constant 96 : index
      %swap3A_177 = tpu.vector_load %arg8[%swap3A_176] {strides = array<i32>} : memref<256xi32, #tpu.memory_space<vmem>>, vector<16xi32>,
      tpu.vector_store %arg8[%swap3A_176], %broadcast_in_dim3A_5 {strides = array<i32>} : memref<256xi32, #tpu.memory_space<vmem>>, vector<16xi32>,
      %swap3A_178 = arith.constant 96 : index
      %swap3A_179 = tpu.vector_load %arg9[%swap3A_178] {strides = array<i32>} : memref<256xf32, #tpu.memory_space<vmem>>, vector<16xf32>,
      tpu.vector_store %arg9[%swap3A_178], %broadcast_in_dim3A_3 {strides = array<i32>} : memref<256xf32, #tpu.memory_space<vmem>>, vector<16xf32>,
      %swap3A_180 = arith.constant 112 : index
      %swap3A_181 = tpu.vector_load %arg8[%swap3A_180] {strides = array<i32>} : memref<256xi32, #tpu.memory_space<vmem>>, vector<16xi32>,
      tpu.vector_store %arg8[%swap3A_180], %broadcast_in_dim3A_5 {strides = array<i32>} : memref<256xi32, #tpu.memory_space<vmem>>, vector<16xi32>,
      %swap3A_182 = arith.constant 112 : index
      %swap3A_183 = tpu.vector_load %arg9[%swap3A_182] {strides = array<i32>} : memref<256xf32, #tpu.memory_space<vmem>>, vector<16xf32>,
      tpu.vector_store %arg9[%swap3A_182], %broadcast_in_dim3A_3 {strides = array<i32>} : memref<256xf32, #tpu.memory_space<vmem>>, vector<16xf32>,
      %swap3A_184 = arith.constant 128 : index
      %swap3A_185 = tpu.vector_load %arg8[%swap3A_184] {strides = array<i32>} : memref<256xi32, #tpu.memory_space<vmem>>, vector<16xi32>,
      tpu.vector_store %arg8[%swap3A_184], %broadcast_in_dim3A_5 {strides = array<i32>} : memref<256xi32, #tpu.memory_space<vmem>>, vector<16xi32>,
      %swap3A_186 = arith.constant 128 : index
      %swap3A_187 = tpu.vector_load %arg9[%swap3A_186] {strides = array<i32>} : memref<256xf32, #tpu.memory_space<vmem>>, vector<16xf32>,
      tpu.vector_store %arg9[%swap3A_186], %broadcast_in_dim3A_3 {strides = array<i32>} : memref<256xf32, #tpu.memory_space<vmem>>, vector<16xf32>,
      %swap3A_188 = arith.constant 144 : index
      %swap3A_189 = tpu.vector_load %arg8[%swap3A_188] {strides = array<i32>} : memref<256xi32, #tpu.memory_space<vmem>>, vector<16xi32>,
      tpu.vector_store %arg8[%swap3A_188], %broadcast_in_dim3A_5 {strides = array<i32>} : memref<256xi32, #tpu.memory_space<vmem>>, vector<16xi32>,
      %swap3A_190 = arith.constant 144 : index
      %swap3A_191 = tpu.vector_load %arg9[%swap3A_190] {strides = array<i32>} : memref<256xf32, #tpu.memory_space<vmem>>, vector<16xf32>,
      tpu.vector_store %arg9[%swap3A_190], %broadcast_in_dim3A_3 {strides = array<i32>} : memref<256xf32, #tpu.memory_space<vmem>>, vector<16xf32>,
      %swap3A_192 = arith.constant 160 : index
      %swap3A_193 = tpu.vector_load %arg8[%swap3A_192] {strides = array<i32>} : memref<256xi32, #tpu.memory_space<vmem>>, vector<16xi32>,
      tpu.vector_store %arg8[%swap3A_192], %broadcast_in_dim3A_5 {strides = array<i32>} : memref<256xi32, #tpu.memory_space<vmem>>, vector<16xi32>,
      %swap3A_194 = arith.constant 160 : index
      %swap3A_195 = tpu.vector_load %arg9[%swap3A_194] {strides = array<i32>} : memref<256xf32, #tpu.memory_space<vmem>>, vector<16xf32>,
      tpu.vector_store %arg9[%swap3A_194], %broadcast_in_dim3A_3 {strides = array<i32>} : memref<256xf32, #tpu.memory_space<vmem>>, vector<16xf32>,
      %swap3A_196 = arith.constant 176 : index
      %swap3A_197 = tpu.vector_load %arg8[%swap3A_196] {strides = array<i32>} : memref<256xi32, #tpu.memory_space<vmem>>, vector<16xi32>,
      tpu.vector_store %arg8[%swap3A_196], %broadcast_in_dim3A_5 {strides = array<i32>} : memref<256xi32, #tpu.memory_space<vmem>>, vector<16xi32>,
      %swap3A_198 = arith.constant 176 : index
      %swap3A_199 = tpu.vector_load %arg9[%swap3A_198] {strides = array<i32>} : memref<256xf32, #tpu.memory_space<vmem>>, vector<16xf32>,
      tpu.vector_store %arg9[%swap3A_198], %broadcast_in_dim3A_3 {strides = array<i32>} : memref<256xf32, #tpu.memory_space<vmem>>, vector<16xf32>,
      %swap3A_200 = arith.constant 192 : index
      %swap3A_201 = tpu.vector_load %arg8[%swap3A_200] {strides = array<i32>} : memref<256xi32, #tpu.memory_space<vmem>>, vector<16xi32>,
      tpu.vector_store %arg8[%swap3A_200], %broadcast_in_dim3A_5 {strides = array<i32>} : memref<256xi32, #tpu.memory_space<vmem>>, vector<16xi32>,
      %swap3A_202 = arith.constant 192 : index
      %swap3A_203 = tpu.vector_load %arg9[%swap3A_202] {strides = array<i32>} : memref<256xf32, #tpu.memory_space<vmem>>, vector<16xf32>,
      tpu.vector_store %arg9[%swap3A_202], %broadcast_in_dim3A_3 {strides = array<i32>} : memref<256xf32, #tpu.memory_space<vmem>>, vector<16xf32>,
      %swap3A_204 = arith.constant 208 : index
      %swap3A_205 = tpu.vector_load %arg8[%swap3A_204] {strides = array<i32>} : memref<256xi32, #tpu.memory_space<vmem>>, vector<16xi32>,
      tpu.vector_store %arg8[%swap3A_204], %broadcast_in_dim3A_5 {strides = array<i32>} : memref<256xi32, #tpu.memory_space<vmem>>, vector<16xi32>,
      %swap3A_206 = arith.constant 208 : index
      %swap3A_207 = tpu.vector_load %arg9[%swap3A_206] {strides = array<i32>} : memref<256xf32, #tpu.memory_space<vmem>>, vector<16xf32>,
      tpu.vector_store %arg9[%swap3A_206], %broadcast_in_dim3A_3 {strides = array<i32>} : memref<256xf32, #tpu.memory_space<vmem>>, vector<16xf32>,
      %swap3A_208 = arith.constant 224 : index
      %swap3A_209 = tpu.vector_load %arg8[%swap3A_208] {strides = array<i32>} : memref<256xi32, #tpu.memory_space<vmem>>, vector<16xi32>,
      tpu.vector_store %arg8[%swap3A_208], %broadcast_in_dim3A_5 {strides = array<i32>} : memref<256xi32, #tpu.memory_space<vmem>>, vector<16xi32>,
      %swap3A_210 = arith.constant 224 : index
      %swap3A_211 = tpu.vector_load %arg9[%swap3A_210] {strides = array<i32>} : memref<256xf32, #tpu.memory_space<vmem>>, vector<16xf32>,
      tpu.vector_store %arg9[%swap3A_210], %broadcast_in_dim3A_3 {strides = array<i32>} : memref<256xf32, #tpu.memory_space<vmem>>, vector<16xf32>,
      %swap3A_212 = arith.constant 240 : index
      %swap3A_213 = tpu.vector_load %arg8[%swap3A_212] {strides = array<i32>} : memref<256xi32, #tpu.memory_space<vmem>>, vector<16xi32>,
      tpu.vector_store %arg8[%swap3A_212], %broadcast_in_dim3A_5 {strides = array<i32>} : memref<256xi32, #tpu.memory_space<vmem>>, vector<16xi32>,
      %swap3A_214 = arith.constant 240 : index
      %swap3A_215 = tpu.vector_load %arg9[%swap3A_214] {strides = array<i32>} : memref<256xf32, #tpu.memory_space<vmem>>, vector<16xf32>,
      tpu.vector_store %arg9[%swap3A_214], %broadcast_in_dim3A_3 {strides = array<i32>} : memref<256xf32, #tpu.memory_space<vmem>>, vector<16xf32>,
      %parallel_loop3A_216 = arith.constant 0 : i32
      %parallel_loop3A_217 = arith.constant 32 : i32
      %parallel_loop3A_218 = arith.constant 1 : i32
      %parallel_loop3A_219 = scf.for %parallel_loop3A_2133 = %parallel_loop3A_216 to %parallel_loop3A_217 step %parallel_loop3A_218 iter_args(%parallel_loop3A_2134 = %broadcast_in_dim3A_5) -> (vector<16xi32>)  : i32 {
        %parallel_loop3A_2135 = arith.constant 16 : i32
        %parallel_loop3A_2136 = arith.muli %parallel_loop3A_2133, %parallel_loop3A_2135 : i32
        %parallel_loop3A_2137 = arith.index_cast %parallel_loop3A_2136 : i32 to index
        %parallel_loop3A_2138 = tpu.vector_load %arg7[%parallel_loop3A_2137] {strides = array<i32>} : memref<512xi32, #tpu.memory_space<vmem>>, vector<16xi32>,
        %parallel_loop3A_2139 = vector.broadcast %parallel_loop3A_2133 : i32 to vector<16xi32>
        %parallel_loop3A_2140 = arith.cmpi sgt, %shift_right_logical3A_151, %parallel_loop3A_2139 : vector<16xi32>
        %parallel_loop3A_2141 = arith.addi %parallel_loop3A_2138, %add3A_67 : vector<16xi32>
        %parallel_loop3A_2142 = tpu.vector_load_idx %arg4[%parallel_loop3A_2141] : memref<65536xf32, #tpu.memory_space<vmem>>[vector<16xi32>], vector<16xf32>,
        %parallel_loop3A_2143 = arith.extui %parallel_loop3A_2140 : vector<16xi1> to vector<16xi32>
        %parallel_loop3A_2144 = arith.constant true
        %parallel_loop3A_2145 = vector.broadcast %parallel_loop3A_2144 : i1 to vector<16xi1>
        %parallel_loop3A_2146 = tpu.scan <sum>, %parallel_loop3A_2143 masked %parallel_loop3A_2145 : vector<16xi32>, vector<16xi1> -> vector<16xi32>
        %parallel_loop3A_2147 = arith.addi %parallel_loop3A_2134, %parallel_loop3A_2146 : vector<16xi32>
        %parallel_loop3A_2148 = arith.constant 1 : i32
        %parallel_loop3A_2149 = vector.broadcast %parallel_loop3A_2148 : i32 to vector<16xi32>
        %parallel_loop3A_2150 = arith.subi %parallel_loop3A_2147, %parallel_loop3A_2149 : vector<16xi32>
        %parallel_loop3A_2151 = arith.constant 0 : i32
        %parallel_loop3A_2152 = vector.broadcast %parallel_loop3A_2151 : i32 to vector<16xi32>
        %parallel_loop3A_2153 = arith.maxsi %parallel_loop3A_2150, %parallel_loop3A_2152 : vector<16xi32>
        %parallel_loop3A_2154 = arith.constant 255 : i32
        %parallel_loop3A_2155 = vector.broadcast %parallel_loop3A_2154 : i32 to vector<16xi32>
        %parallel_loop3A_2156 = arith.minsi %parallel_loop3A_2153, %parallel_loop3A_2155 : vector<16xi32>
        tpu.vector_store_idx %arg8[%parallel_loop3A_2156], %parallel_loop3A_2138 masked %parallel_loop3A_2140 : memref<256xi32, #tpu.memory_space<vmem>>[vector<16xi32>], vector<16xi32>, vector<16xi1>
        tpu.vector_store_idx %arg9[%parallel_loop3A_2156], %parallel_loop3A_2142 masked %parallel_loop3A_2140 : memref<256xf32, #tpu.memory_space<vmem>>[vector<16xi32>], vector<16xf32>, vector<16xi1>
        %parallel_loop3A_2157 = tpu.all_reduce %parallel_loop3A_2140 {dim = 0 : i64, kind = #tpu.reduction_kind<sum>} : vector<16xi1> -> vector<16xi32>
        %parallel_loop3A_2158 = arith.addi %parallel_loop3A_2134, %parallel_loop3A_2157 : vector<16xi32>
        scf.yield %parallel_loop3A_2158 : vector<16xi32>
      } {sc.loop_unroll_factor = 8 : i64, sc.parallel_access}
      %reduce_max3A = arith.constant true
      %reduce_max3A_220 = vector.broadcast %reduce_max3A : i1 to vector<16xi1>
      %reduce_max3A_221 = arith.constant -2147483648 : i32
      %reduce_max3A_222 = vector.broadcast %reduce_max3A_221 : i32 to vector<16xi32>
      %reduce_max3A_223 = arith.xori %shift_right_logical3A_151, %reduce_max3A_222 : vector<16xi32>
      %reduce_max3A_224 = tpu.scan <max>, %reduce_max3A_223 masked %reduce_max3A_220 : vector<16xi32>, vector<16xi1> -> vector<16xi32>
      %reduce_max3A_225 = arith.xori %reduce_max3A_224, %reduce_max3A_222 : vector<16xi32>
      %reduce_max3A_226 = vector.extract %reduce_max3A_225[15] : i32 from vector<16xi32>
      %reduce_max3A_227 = arith.constant true
      %reduce_max3A_228 = vector.broadcast %reduce_max3A_227 : i1 to vector<16xi1>
      %reduce_max3A_229 = arith.constant -2147483648 : i32
      %reduce_max3A_230 = vector.broadcast %reduce_max3A_229 : i32 to vector<16xi32>
      %reduce_max3A_231 = arith.xori %parallel_loop3A_219, %reduce_max3A_230 : vector<16xi32>
      %reduce_max3A_232 = tpu.scan <max>, %reduce_max3A_231 masked %reduce_max3A_228 : vector<16xi32>, vector<16xi1> -> vector<16xi32>
      %reduce_max3A_233 = arith.xori %reduce_max3A_232, %reduce_max3A_230 : vector<16xi32>
      %reduce_max3A_234 = vector.extract %reduce_max3A_233[15] : i32 from vector<16xi32>
      %ge3A = arith.constant 32 : i32
      %ge3A_235 = arith.cmpi sge, %reduce_max3A_226, %ge3A : i32
      %lt3A_236 = arith.constant 64 : i32
      %lt3A_237 = arith.cmpi slt, %reduce_max3A_234, %lt3A_236 : i32
      %or3A = arith.ori %ge3A_235, %lt3A_237 : i1
      %gt3A = arith.constant 256 : i32
      %gt3A_238 = arith.cmpi sgt, %reduce_max3A_234, %gt3A : i32
      %or3A_239 = arith.ori %or3A, %gt3A_238 : i1
      %convert_element_type3A_240 = arith.extui %or3A_239 : i1 to i32
      %cond3A_241 = arith.constant 0 : i32
      %cond3A_242 = arith.cmpi ne, %convert_element_type3A_240, %cond3A_241 : i32
      scf.if %cond3A_242 {
        %parallel_loop3A_2133 = arith.constant 0 : i32
        %parallel_loop3A_2134 = arith.constant 256 : i32
        %parallel_loop3A_2135 = arith.constant 1 : i32
        %parallel_loop3A_2136 = scf.for %parallel_loop3A_2904 = %parallel_loop3A_2133 to %parallel_loop3A_2134 step %parallel_loop3A_2135 iter_args(%parallel_loop3A_2905 = %broadcast_in_dim3A_3) -> (vector<16xf32>)  : i32 {
          %parallel_loop3A_2906 = arith.constant 0 : i32
          %parallel_loop3A_2907 = arith.addi %parallel_loop3A_2906, %parallel_loop3A_2904 : i32
          %parallel_loop3A_2908 = arith.constant 16 : i32
          %parallel_loop3A_2909 = arith.muli %parallel_loop3A_2907, %parallel_loop3A_2908 : i32
          %parallel_loop3A_2910 = arith.addi %mul3A_45, %parallel_loop3A_2909 : i32
          %parallel_loop3A_2911 = arith.index_cast %parallel_loop3A_2910 : i32 to index
          %parallel_loop3A_2912 = tpu.vector_load %arg4[%parallel_loop3A_2911] {strides = array<i32>} : memref<65536xf32, #tpu.memory_space<vmem>>, vector<16xf32>,
          %parallel_loop3A_2913 = arith.maximumf %parallel_loop3A_2905, %parallel_loop3A_2912 : vector<16xf32>
          scf.yield %parallel_loop3A_2913 : vector<16xf32>
        } {sc.loop_unroll_factor = 8 : i64, sc.parallel_access}
        %swap3A_2137 = arith.constant 0 : index
        %swap3A_2138 = tpu.vector_load %arg6[%swap3A_2137] {strides = array<i32>} : memref<128xf32, #tpu.memory_space<vmem>>, vector<16xf32>,
        tpu.vector_store %arg6[%swap3A_2137], %parallel_loop3A_2136 {strides = array<i32>} : memref<128xf32, #tpu.memory_space<vmem>>, vector<16xf32>,
        %parallel_loop3A_2139 = arith.constant 0 : i32
        %parallel_loop3A_2140 = arith.constant 256 : i32
        %parallel_loop3A_2141 = arith.constant 1 : i32
        %parallel_loop3A_2142 = scf.for %parallel_loop3A_2904 = %parallel_loop3A_2139 to %parallel_loop3A_2140 step %parallel_loop3A_2141 iter_args(%parallel_loop3A_2905 = %broadcast_in_dim3A_3) -> (vector<16xf32>)  : i32 {
          %parallel_loop3A_2906 = arith.constant 256 : i32
          %parallel_loop3A_2907 = arith.addi %parallel_loop3A_2906, %parallel_loop3A_2904 : i32
          %parallel_loop3A_2908 = arith.constant 16 : i32
          %parallel_loop3A_2909 = arith.muli %parallel_loop3A_2907, %parallel_loop3A_2908 : i32
          %parallel_loop3A_2910 = arith.addi %mul3A_45, %parallel_loop3A_2909 : i32
          %parallel_loop3A_2911 = arith.index_cast %parallel_loop3A_2910 : i32 to index
          %parallel_loop3A_2912 = tpu.vector_load %arg4[%parallel_loop3A_2911] {strides = array<i32>} : memref<65536xf32, #tpu.memory_space<vmem>>, vector<16xf32>,
          %parallel_loop3A_2913 = arith.maximumf %parallel_loop3A_2905, %parallel_loop3A_2912 : vector<16xf32>
          scf.yield %parallel_loop3A_2913 : vector<16xf32>
        } {sc.loop_unroll_factor = 8 : i64, sc.parallel_access}
        %swap3A_2143 = arith.constant 16 : index
        %swap3A_2144 = tpu.vector_load %arg6[%swap3A_2143] {strides = array<i32>} : memref<128xf32, #tpu.memory_space<vmem>>, vector<16xf32>,
        tpu.vector_store %arg6[%swap3A_2143], %parallel_loop3A_2142 {strides = array<i32>} : memref<128xf32, #tpu.memory_space<vmem>>, vector<16xf32>,
        %parallel_loop3A_2145 = arith.constant 0 : i32
        %parallel_loop3A_2146 = arith.constant 256 : i32
        %parallel_loop3A_2147 = arith.constant 1 : i32
        %parallel_loop3A_2148 = scf.for %parallel_loop3A_2904 = %parallel_loop3A_2145 to %parallel_loop3A_2146 step %parallel_loop3A_2147 iter_args(%parallel_loop3A_2905 = %broadcast_in_dim3A_3) -> (vector<16xf32>)  : i32 {
          %parallel_loop3A_2906 = arith.constant 512 : i32
          %parallel_loop3A_2907 = arith.addi %parallel_loop3A_2906, %parallel_loop3A_2904 : i32
          %parallel_loop3A_2908 = arith.constant 16 : i32
          %parallel_loop3A_2909 = arith.muli %parallel_loop3A_2907, %parallel_loop3A_2908 : i32
          %parallel_loop3A_2910 = arith.addi %mul3A_45, %parallel_loop3A_2909 : i32
          %parallel_loop3A_2911 = arith.index_cast %parallel_loop3A_2910 : i32 to index
          %parallel_loop3A_2912 = tpu.vector_load %arg4[%parallel_loop3A_2911] {strides = array<i32>} : memref<65536xf32, #tpu.memory_space<vmem>>, vector<16xf32>,
          %parallel_loop3A_2913 = arith.maximumf %parallel_loop3A_2905, %parallel_loop3A_2912 : vector<16xf32>
          scf.yield %parallel_loop3A_2913 : vector<16xf32>
        } {sc.loop_unroll_factor = 8 : i64, sc.parallel_access}
        %swap3A_2149 = arith.constant 32 : index
        %swap3A_2150 = tpu.vector_load %arg6[%swap3A_2149] {strides = array<i32>} : memref<128xf32, #tpu.memory_space<vmem>>, vector<16xf32>,
        tpu.vector_store %arg6[%swap3A_2149], %parallel_loop3A_2148 {strides = array<i32>} : memref<128xf32, #tpu.memory_space<vmem>>, vector<16xf32>,
        %parallel_loop3A_2151 = arith.constant 0 : i32
        %parallel_loop3A_2152 = arith.constant 256 : i32
        %parallel_loop3A_2153 = arith.constant 1 : i32
        %parallel_loop3A_2154 = scf.for %parallel_loop3A_2904 = %parallel_loop3A_2151 to %parallel_loop3A_2152 step %parallel_loop3A_2153 iter_args(%parallel_loop3A_2905 = %broadcast_in_dim3A_3) -> (vector<16xf32>)  : i32 {
          %parallel_loop3A_2906 = arith.constant 768 : i32
          %parallel_loop3A_2907 = arith.addi %parallel_loop3A_2906, %parallel_loop3A_2904 : i32
          %parallel_loop3A_2908 = arith.constant 16 : i32
          %parallel_loop3A_2909 = arith.muli %parallel_loop3A_2907, %parallel_loop3A_2908 : i32
          %parallel_loop3A_2910 = arith.addi %mul3A_45, %parallel_loop3A_2909 : i32
          %parallel_loop3A_2911 = arith.index_cast %parallel_loop3A_2910 : i32 to index
          %parallel_loop3A_2912 = tpu.vector_load %arg4[%parallel_loop3A_2911] {strides = array<i32>} : memref<65536xf32, #tpu.memory_space<vmem>>, vector<16xf32>,
          %parallel_loop3A_2913 = arith.maximumf %parallel_loop3A_2905, %parallel_loop3A_2912 : vector<16xf32>
          scf.yield %parallel_loop3A_2913 : vector<16xf32>
        } {sc.loop_unroll_factor = 8 : i64, sc.parallel_access}
        %swap3A_2155 = arith.constant 48 : index
        %swap3A_2156 = tpu.vector_load %arg6[%swap3A_2155] {strides = array<i32>} : memref<128xf32, #tpu.memory_space<vmem>>, vector<16xf32>,
        tpu.vector_store %arg6[%swap3A_2155], %parallel_loop3A_2154 {strides = array<i32>} : memref<128xf32, #tpu.memory_space<vmem>>, vector<16xf32>,
        %parallel_loop3A_2157 = arith.constant 0 : i32
        %parallel_loop3A_2158 = arith.constant 256 : i32
        %parallel_loop3A_2159 = arith.constant 1 : i32
        %parallel_loop3A_2160 = scf.for %parallel_loop3A_2904 = %parallel_loop3A_2157 to %parallel_loop3A_2158 step %parallel_loop3A_2159 iter_args(%parallel_loop3A_2905 = %broadcast_in_dim3A_3) -> (vector<16xf32>)  : i32 {
          %parallel_loop3A_2906 = arith.constant 1024 : i32
          %parallel_loop3A_2907 = arith.addi %parallel_loop3A_2906, %parallel_loop3A_2904 : i32
          %parallel_loop3A_2908 = arith.constant 16 : i32
          %parallel_loop3A_2909 = arith.muli %parallel_loop3A_2907, %parallel_loop3A_2908 : i32
          %parallel_loop3A_2910 = arith.addi %mul3A_45, %parallel_loop3A_2909 : i32
          %parallel_loop3A_2911 = arith.index_cast %parallel_loop3A_2910 : i32 to index
          %parallel_loop3A_2912 = tpu.vector_load %arg4[%parallel_loop3A_2911] {strides = array<i32>} : memref<65536xf32, #tpu.memory_space<vmem>>, vector<16xf32>,
          %parallel_loop3A_2913 = arith.maximumf %parallel_loop3A_2905, %parallel_loop3A_2912 : vector<16xf32>
          scf.yield %parallel_loop3A_2913 : vector<16xf32>
        } {sc.loop_unroll_factor = 8 : i64, sc.parallel_access}
        %swap3A_2161 = arith.constant 64 : index
        %swap3A_2162 = tpu.vector_load %arg6[%swap3A_2161] {strides = array<i32>} : memref<128xf32, #tpu.memory_space<vmem>>, vector<16xf32>,
        tpu.vector_store %arg6[%swap3A_2161], %parallel_loop3A_2160 {strides = array<i32>} : memref<128xf32, #tpu.memory_space<vmem>>, vector<16xf32>,
        %parallel_loop3A_2163 = arith.constant 0 : i32
        %parallel_loop3A_2164 = arith.constant 256 : i32
        %parallel_loop3A_2165 = arith.constant 1 : i32
        %parallel_loop3A_2166 = scf.for %parallel_loop3A_2904 = %parallel_loop3A_2163 to %parallel_loop3A_2164 step %parallel_loop3A_2165 iter_args(%parallel_loop3A_2905 = %broadcast_in_dim3A_3) -> (vector<16xf32>)  : i32 {
          %parallel_loop3A_2906 = arith.constant 1280 : i32
          %parallel_loop3A_2907 = arith.addi %parallel_loop3A_2906, %parallel_loop3A_2904 : i32
          %parallel_loop3A_2908 = arith.constant 16 : i32
          %parallel_loop3A_2909 = arith.muli %parallel_loop3A_2907, %parallel_loop3A_2908 : i32
          %parallel_loop3A_2910 = arith.addi %mul3A_45, %parallel_loop3A_2909 : i32
          %parallel_loop3A_2911 = arith.index_cast %parallel_loop3A_2910 : i32 to index
          %parallel_loop3A_2912 = tpu.vector_load %arg4[%parallel_loop3A_2911] {strides = array<i32>} : memref<65536xf32, #tpu.memory_space<vmem>>, vector<16xf32>,
          %parallel_loop3A_2913 = arith.maximumf %parallel_loop3A_2905, %parallel_loop3A_2912 : vector<16xf32>
          scf.yield %parallel_loop3A_2913 : vector<16xf32>
        } {sc.loop_unroll_factor = 8 : i64, sc.parallel_access}
        %swap3A_2167 = arith.constant 80 : index
        %swap3A_2168 = tpu.vector_load %arg6[%swap3A_2167] {strides = array<i32>} : memref<128xf32, #tpu.memory_space<vmem>>, vector<16xf32>,
        tpu.vector_store %arg6[%swap3A_2167], %parallel_loop3A_2166 {strides = array<i32>} : memref<128xf32, #tpu.memory_space<vmem>>, vector<16xf32>,
        %parallel_loop3A_2169 = arith.constant 0 : i32
        %parallel_loop3A_2170 = arith.constant 256 : i32
        %parallel_loop3A_2171 = arith.constant 1 : i32
        %parallel_loop3A_2172 = scf.for %parallel_loop3A_2904 = %parallel_loop3A_2169 to %parallel_loop3A_2170 step %parallel_loop3A_2171 iter_args(%parallel_loop3A_2905 = %broadcast_in_dim3A_3) -> (vector<16xf32>)  : i32 {
          %parallel_loop3A_2906 = arith.constant 1536 : i32
          %parallel_loop3A_2907 = arith.addi %parallel_loop3A_2906, %parallel_loop3A_2904 : i32
          %parallel_loop3A_2908 = arith.constant 16 : i32
          %parallel_loop3A_2909 = arith.muli %parallel_loop3A_2907, %parallel_loop3A_2908 : i32
          %parallel_loop3A_2910 = arith.addi %mul3A_45, %parallel_loop3A_2909 : i32
          %parallel_loop3A_2911 = arith.index_cast %parallel_loop3A_2910 : i32 to index
          %parallel_loop3A_2912 = tpu.vector_load %arg4[%parallel_loop3A_2911] {strides = array<i32>} : memref<65536xf32, #tpu.memory_space<vmem>>, vector<16xf32>,
          %parallel_loop3A_2913 = arith.maximumf %parallel_loop3A_2905, %parallel_loop3A_2912 : vector<16xf32>
          scf.yield %parallel_loop3A_2913 : vector<16xf32>
        } {sc.loop_unroll_factor = 8 : i64, sc.parallel_access}
        %swap3A_2173 = arith.constant 96 : index
        %swap3A_2174 = tpu.vector_load %arg6[%swap3A_2173] {strides = array<i32>} : memref<128xf32, #tpu.memory_space<vmem>>, vector<16xf32>,
        tpu.vector_store %arg6[%swap3A_2173], %parallel_loop3A_2172 {strides = array<i32>} : memref<128xf32, #tpu.memory_space<vmem>>, vector<16xf32>,
        %parallel_loop3A_2175 = arith.constant 0 : i32
        %parallel_loop3A_2176 = arith.constant 256 : i32
        %parallel_loop3A_2177 = arith.constant 1 : i32
        %parallel_loop3A_2178 = scf.for %parallel_loop3A_2904 = %parallel_loop3A_2175 to %parallel_loop3A_2176 step %parallel_loop3A_2177 iter_args(%parallel_loop3A_2905 = %broadcast_in_dim3A_3) -> (vector<16xf32>)  : i32 {
          %parallel_loop3A_2906 = arith.constant 1792 : i32
          %parallel_loop3A_2907 = arith.addi %parallel_loop3A_2906, %parallel_loop3A_2904 : i32
          %parallel_loop3A_2908 = arith.constant 16 : i32
          %parallel_loop3A_2909 = arith.muli %parallel_loop3A_2907, %parallel_loop3A_2908 : i32
          %parallel_loop3A_2910 = arith.addi %mul3A_45, %parallel_loop3A_2909 : i32
          %parallel_loop3A_2911 = arith.index_cast %parallel_loop3A_2910 : i32 to index
          %parallel_loop3A_2912 = tpu.vector_load %arg4[%parallel_loop3A_2911] {strides = array<i32>} : memref<65536xf32, #tpu.memory_space<vmem>>, vector<16xf32>,
          %parallel_loop3A_2913 = arith.maximumf %parallel_loop3A_2905, %parallel_loop3A_2912 : vector<16xf32>
          scf.yield %parallel_loop3A_2913 : vector<16xf32>
        } {sc.loop_unroll_factor = 8 : i64, sc.parallel_access}
        %swap3A_2179 = arith.constant 112 : index
        %swap3A_2180 = tpu.vector_load %arg6[%swap3A_2179] {strides = array<i32>} : memref<128xf32, #tpu.memory_space<vmem>>, vector<16xf32>,
        tpu.vector_store %arg6[%swap3A_2179], %parallel_loop3A_2178 {strides = array<i32>} : memref<128xf32, #tpu.memory_space<vmem>>, vector<16xf32>,
        %get3A_2181 = arith.constant 0 : index
        %get3A_2182 = tpu.vector_load %arg6[%get3A_2181] {strides = array<i32>} : memref<128xf32, #tpu.memory_space<vmem>>, vector<16xf32>,
        %bitcast_convert_type3A_2183 = tpu.bitcast %get3A_2182 : vector<16xf32> -> vector<16xi32>
        %get3A_2184 = arith.constant 16 : index
        %get3A_2185 = tpu.vector_load %arg6[%get3A_2184] {strides = array<i32>} : memref<128xf32, #tpu.memory_space<vmem>>, vector<16xf32>,
        %bitcast_convert_type3A_2186 = tpu.bitcast %get3A_2185 : vector<16xf32> -> vector<16xi32>
        %get3A_2187 = arith.constant 32 : index
        %get3A_2188 = tpu.vector_load %arg6[%get3A_2187] {strides = array<i32>} : memref<128xf32, #tpu.memory_space<vmem>>, vector<16xf32>,
        %bitcast_convert_type3A_2189 = tpu.bitcast %get3A_2188 : vector<16xf32> -> vector<16xi32>
        %get3A_2190 = arith.constant 48 : index
        %get3A_2191 = tpu.vector_load %arg6[%get3A_2190] {strides = array<i32>} : memref<128xf32, #tpu.memory_space<vmem>>, vector<16xf32>,
        %bitcast_convert_type3A_2192 = tpu.bitcast %get3A_2191 : vector<16xf32> -> vector<16xi32>
        %get3A_2193 = arith.constant 64 : index
        %get3A_2194 = tpu.vector_load %arg6[%get3A_2193] {strides = array<i32>} : memref<128xf32, #tpu.memory_space<vmem>>, vector<16xf32>,
        %bitcast_convert_type3A_2195 = tpu.bitcast %get3A_2194 : vector<16xf32> -> vector<16xi32>
        %get3A_2196 = arith.constant 80 : index
        %get3A_2197 = tpu.vector_load %arg6[%get3A_2196] {strides = array<i32>} : memref<128xf32, #tpu.memory_space<vmem>>, vector<16xf32>,
        %bitcast_convert_type3A_2198 = tpu.bitcast %get3A_2197 : vector<16xf32> -> vector<16xi32>
        %get3A_2199 = arith.constant 96 : index
        %get3A_2200 = tpu.vector_load %arg6[%get3A_2199] {strides = array<i32>} : memref<128xf32, #tpu.memory_space<vmem>>, vector<16xf32>,
        %bitcast_convert_type3A_2201 = tpu.bitcast %get3A_2200 : vector<16xf32> -> vector<16xi32>
        %get3A_2202 = arith.constant 112 : index
        %get3A_2203 = tpu.vector_load %arg6[%get3A_2202] {strides = array<i32>} : memref<128xf32, #tpu.memory_space<vmem>>, vector<16xf32>,
        %bitcast_convert_type3A_2204 = tpu.bitcast %get3A_2203 : vector<16xf32> -> vector<16xi32>
        %or3A_2205 = arith.constant 1073741824 : i32
        %or3A_2206 = vector.broadcast %or3A_2205 : i32 to vector<16xi32>
        %or3A_2207 = arith.ori %broadcast_in_dim3A_5, %or3A_2206 : vector<16xi32>
        %ge3A_2208 = arith.cmpi sge, %bitcast_convert_type3A_2183, %or3A_2207 : vector<16xi32>
        %all_reduce_population_count3A_2209 = tpu.all_reduce %ge3A_2208 {dim = 0 : i64, kind = #tpu.reduction_kind<sum>} : vector<16xi1> -> vector<16xi32>
        %add3A_2210 = arith.addi %broadcast_in_dim3A_5, %all_reduce_population_count3A_2209 : vector<16xi32>
        %ge3A_2211 = arith.cmpi sge, %bitcast_convert_type3A_2186, %or3A_2207 : vector<16xi32>
        %all_reduce_population_count3A_2212 = tpu.all_reduce %ge3A_2211 {dim = 0 : i64, kind = #tpu.reduction_kind<sum>} : vector<16xi1> -> vector<16xi32>
        %add3A_2213 = arith.addi %add3A_2210, %all_reduce_population_count3A_2212 : vector<16xi32>
        %ge3A_2214 = arith.cmpi sge, %bitcast_convert_type3A_2189, %or3A_2207 : vector<16xi32>
        %all_reduce_population_count3A_2215 = tpu.all_reduce %ge3A_2214 {dim = 0 : i64, kind = #tpu.reduction_kind<sum>} : vector<16xi1> -> vector<16xi32>
        %add3A_2216 = arith.addi %add3A_2213, %all_reduce_population_count3A_2215 : vector<16xi32>
        %ge3A_2217 = arith.cmpi sge, %bitcast_convert_type3A_2192, %or3A_2207 : vector<16xi32>
        %all_reduce_population_count3A_2218 = tpu.all_reduce %ge3A_2217 {dim = 0 : i64, kind = #tpu.reduction_kind<sum>} : vector<16xi1> -> vector<16xi32>
        %add3A_2219 = arith.addi %add3A_2216, %all_reduce_population_count3A_2218 : vector<16xi32>
        %ge3A_2220 = arith.cmpi sge, %bitcast_convert_type3A_2195, %or3A_2207 : vector<16xi32>
        %all_reduce_population_count3A_2221 = tpu.all_reduce %ge3A_2220 {dim = 0 : i64, kind = #tpu.reduction_kind<sum>} : vector<16xi1> -> vector<16xi32>
        %add3A_2222 = arith.addi %add3A_2219, %all_reduce_population_count3A_2221 : vector<16xi32>
        %ge3A_2223 = arith.cmpi sge, %bitcast_convert_type3A_2198, %or3A_2207 : vector<16xi32>
        %all_reduce_population_count3A_2224 = tpu.all_reduce %ge3A_2223 {dim = 0 : i64, kind = #tpu.reduction_kind<sum>} : vector<16xi1> -> vector<16xi32>
        %add3A_2225 = arith.addi %add3A_2222, %all_reduce_population_count3A_2224 : vector<16xi32>
        %ge3A_2226 = arith.cmpi sge, %bitcast_convert_type3A_2201, %or3A_2207 : vector<16xi32>
        %all_reduce_population_count3A_2227 = tpu.all_reduce %ge3A_2226 {dim = 0 : i64, kind = #tpu.reduction_kind<sum>} : vector<16xi1> -> vector<16xi32>
        %add3A_2228 = arith.addi %add3A_2225, %all_reduce_population_count3A_2227 : vector<16xi32>
        %ge3A_2229 = arith.cmpi sge, %bitcast_convert_type3A_2204, %or3A_2207 : vector<16xi32>
        %all_reduce_population_count3A_2230 = tpu.all_reduce %ge3A_2229 {dim = 0 : i64, kind = #tpu.reduction_kind<sum>} : vector<16xi1> -> vector<16xi32>
        %add3A_2231 = arith.addi %add3A_2228, %all_reduce_population_count3A_2230 : vector<16xi32>
        %ge3A_2232 = arith.constant 64 : i32
        %ge3A_2233 = vector.broadcast %ge3A_2232 : i32 to vector<16xi32>
        %ge3A_2234 = arith.cmpi sge, %add3A_2231, %ge3A_2233 : vector<16xi32>
        %select_n3A_2235 = arith.select %ge3A_2234, %or3A_2207, %broadcast_in_dim3A_5 : vector<16xi1>, vector<16xi32>
        %or3A_2236 = arith.constant 536870912 : i32
        %or3A_2237 = vector.broadcast %or3A_2236 : i32 to vector<16xi32>
        %or3A_2238 = arith.ori %select_n3A_2235, %or3A_2237 : vector<16xi32>
        %ge3A_2239 = arith.cmpi sge, %bitcast_convert_type3A_2183, %or3A_2238 : vector<16xi32>
        %all_reduce_population_count3A_2240 = tpu.all_reduce %ge3A_2239 {dim = 0 : i64, kind = #tpu.reduction_kind<sum>} : vector<16xi1> -> vector<16xi32>
        %add3A_2241 = arith.addi %broadcast_in_dim3A_5, %all_reduce_population_count3A_2240 : vector<16xi32>
        %ge3A_2242 = arith.cmpi sge, %bitcast_convert_type3A_2186, %or3A_2238 : vector<16xi32>
        %all_reduce_population_count3A_2243 = tpu.all_reduce %ge3A_2242 {dim = 0 : i64, kind = #tpu.reduction_kind<sum>} : vector<16xi1> -> vector<16xi32>
        %add3A_2244 = arith.addi %add3A_2241, %all_reduce_population_count3A_2243 : vector<16xi32>
        %ge3A_2245 = arith.cmpi sge, %bitcast_convert_type3A_2189, %or3A_2238 : vector<16xi32>
        %all_reduce_population_count3A_2246 = tpu.all_reduce %ge3A_2245 {dim = 0 : i64, kind = #tpu.reduction_kind<sum>} : vector<16xi1> -> vector<16xi32>
        %add3A_2247 = arith.addi %add3A_2244, %all_reduce_population_count3A_2246 : vector<16xi32>
        %ge3A_2248 = arith.cmpi sge, %bitcast_convert_type3A_2192, %or3A_2238 : vector<16xi32>
        %all_reduce_population_count3A_2249 = tpu.all_reduce %ge3A_2248 {dim = 0 : i64, kind = #tpu.reduction_kind<sum>} : vector<16xi1> -> vector<16xi32>
        %add3A_2250 = arith.addi %add3A_2247, %all_reduce_population_count3A_2249 : vector<16xi32>
        %ge3A_2251 = arith.cmpi sge, %bitcast_convert_type3A_2195, %or3A_2238 : vector<16xi32>
        %all_reduce_population_count3A_2252 = tpu.all_reduce %ge3A_2251 {dim = 0 : i64, kind = #tpu.reduction_kind<sum>} : vector<16xi1> -> vector<16xi32>
        %add3A_2253 = arith.addi %add3A_2250, %all_reduce_population_count3A_2252 : vector<16xi32>
        %ge3A_2254 = arith.cmpi sge, %bitcast_convert_type3A_2198, %or3A_2238 : vector<16xi32>
        %all_reduce_population_count3A_2255 = tpu.all_reduce %ge3A_2254 {dim = 0 : i64, kind = #tpu.reduction_kind<sum>} : vector<16xi1> -> vector<16xi32>
        %add3A_2256 = arith.addi %add3A_2253, %all_reduce_population_count3A_2255 : vector<16xi32>
        %ge3A_2257 = arith.cmpi sge, %bitcast_convert_type3A_2201, %or3A_2238 : vector<16xi32>
        %all_reduce_population_count3A_2258 = tpu.all_reduce %ge3A_2257 {dim = 0 : i64, kind = #tpu.reduction_kind<sum>} : vector<16xi1> -> vector<16xi32>
        %add3A_2259 = arith.addi %add3A_2256, %all_reduce_population_count3A_2258 : vector<16xi32>
        %ge3A_2260 = arith.cmpi sge, %bitcast_convert_type3A_2204, %or3A_2238 : vector<16xi32>
        %all_reduce_population_count3A_2261 = tpu.all_reduce %ge3A_2260 {dim = 0 : i64, kind = #tpu.reduction_kind<sum>} : vector<16xi1> -> vector<16xi32>
        %add3A_2262 = arith.addi %add3A_2259, %all_reduce_population_count3A_2261 : vector<16xi32>
        %ge3A_2263 = arith.constant 64 : i32
        %ge3A_2264 = vector.broadcast %ge3A_2263 : i32 to vector<16xi32>
        %ge3A_2265 = arith.cmpi sge, %add3A_2262, %ge3A_2264 : vector<16xi32>
        %select_n3A_2266 = arith.select %ge3A_2265, %or3A_2238, %select_n3A_2235 : vector<16xi1>, vector<16xi32>
        %or3A_2267 = arith.constant 268435456 : i32
        %or3A_2268 = vector.broadcast %or3A_2267 : i32 to vector<16xi32>
        %or3A_2269 = arith.ori %select_n3A_2266, %or3A_2268 : vector<16xi32>
        %ge3A_2270 = arith.cmpi sge, %bitcast_convert_type3A_2183, %or3A_2269 : vector<16xi32>
        %all_reduce_population_count3A_2271 = tpu.all_reduce %ge3A_2270 {dim = 0 : i64, kind = #tpu.reduction_kind<sum>} : vector<16xi1> -> vector<16xi32>
        %add3A_2272 = arith.addi %broadcast_in_dim3A_5, %all_reduce_population_count3A_2271 : vector<16xi32>
        %ge3A_2273 = arith.cmpi sge, %bitcast_convert_type3A_2186, %or3A_2269 : vector<16xi32>
        %all_reduce_population_count3A_2274 = tpu.all_reduce %ge3A_2273 {dim = 0 : i64, kind = #tpu.reduction_kind<sum>} : vector<16xi1> -> vector<16xi32>
        %add3A_2275 = arith.addi %add3A_2272, %all_reduce_population_count3A_2274 : vector<16xi32>
        %ge3A_2276 = arith.cmpi sge, %bitcast_convert_type3A_2189, %or3A_2269 : vector<16xi32>
        %all_reduce_population_count3A_2277 = tpu.all_reduce %ge3A_2276 {dim = 0 : i64, kind = #tpu.reduction_kind<sum>} : vector<16xi1> -> vector<16xi32>
        %add3A_2278 = arith.addi %add3A_2275, %all_reduce_population_count3A_2277 : vector<16xi32>
        %ge3A_2279 = arith.cmpi sge, %bitcast_convert_type3A_2192, %or3A_2269 : vector<16xi32>
        %all_reduce_population_count3A_2280 = tpu.all_reduce %ge3A_2279 {dim = 0 : i64, kind = #tpu.reduction_kind<sum>} : vector<16xi1> -> vector<16xi32>
        %add3A_2281 = arith.addi %add3A_2278, %all_reduce_population_count3A_2280 : vector<16xi32>
        %ge3A_2282 = arith.cmpi sge, %bitcast_convert_type3A_2195, %or3A_2269 : vector<16xi32>
        %all_reduce_population_count3A_2283 = tpu.all_reduce %ge3A_2282 {dim = 0 : i64, kind = #tpu.reduction_kind<sum>} : vector<16xi1> -> vector<16xi32>
        %add3A_2284 = arith.addi %add3A_2281, %all_reduce_population_count3A_2283 : vector<16xi32>
        %ge3A_2285 = arith.cmpi sge, %bitcast_convert_type3A_2198, %or3A_2269 : vector<16xi32>
        %all_reduce_population_count3A_2286 = tpu.all_reduce %ge3A_2285 {dim = 0 : i64, kind = #tpu.reduction_kind<sum>} : vector<16xi1> -> vector<16xi32>
        %add3A_2287 = arith.addi %add3A_2284, %all_reduce_population_count3A_2286 : vector<16xi32>
        %ge3A_2288 = arith.cmpi sge, %bitcast_convert_type3A_2201, %or3A_2269 : vector<16xi32>
        %all_reduce_population_count3A_2289 = tpu.all_reduce %ge3A_2288 {dim = 0 : i64, kind = #tpu.reduction_kind<sum>} : vector<16xi1> -> vector<16xi32>
        %add3A_2290 = arith.addi %add3A_2287, %all_reduce_population_count3A_2289 : vector<16xi32>
        %ge3A_2291 = arith.cmpi sge, %bitcast_convert_type3A_2204, %or3A_2269 : vector<16xi32>
        %all_reduce_population_count3A_2292 = tpu.all_reduce %ge3A_2291 {dim = 0 : i64, kind = #tpu.reduction_kind<sum>} : vector<16xi1> -> vector<16xi32>
        %add3A_2293 = arith.addi %add3A_2290, %all_reduce_population_count3A_2292 : vector<16xi32>
        %ge3A_2294 = arith.constant 64 : i32
        %ge3A_2295 = vector.broadcast %ge3A_2294 : i32 to vector<16xi32>
        %ge3A_2296 = arith.cmpi sge, %add3A_2293, %ge3A_2295 : vector<16xi32>
        %select_n3A_2297 = arith.select %ge3A_2296, %or3A_2269, %select_n3A_2266 : vector<16xi1>, vector<16xi32>
        %or3A_2298 = arith.constant 134217728 : i32
        %or3A_2299 = vector.broadcast %or3A_2298 : i32 to vector<16xi32>
        %or3A_2300 = arith.ori %select_n3A_2297, %or3A_2299 : vector<16xi32>
        %ge3A_2301 = arith.cmpi sge, %bitcast_convert_type3A_2183, %or3A_2300 : vector<16xi32>
        %all_reduce_population_count3A_2302 = tpu.all_reduce %ge3A_2301 {dim = 0 : i64, kind = #tpu.reduction_kind<sum>} : vector<16xi1> -> vector<16xi32>
        %add3A_2303 = arith.addi %broadcast_in_dim3A_5, %all_reduce_population_count3A_2302 : vector<16xi32>
        %ge3A_2304 = arith.cmpi sge, %bitcast_convert_type3A_2186, %or3A_2300 : vector<16xi32>
        %all_reduce_population_count3A_2305 = tpu.all_reduce %ge3A_2304 {dim = 0 : i64, kind = #tpu.reduction_kind<sum>} : vector<16xi1> -> vector<16xi32>
        %add3A_2306 = arith.addi %add3A_2303, %all_reduce_population_count3A_2305 : vector<16xi32>
        %ge3A_2307 = arith.cmpi sge, %bitcast_convert_type3A_2189, %or3A_2300 : vector<16xi32>
        %all_reduce_population_count3A_2308 = tpu.all_reduce %ge3A_2307 {dim = 0 : i64, kind = #tpu.reduction_kind<sum>} : vector<16xi1> -> vector<16xi32>
        %add3A_2309 = arith.addi %add3A_2306, %all_reduce_population_count3A_2308 : vector<16xi32>
        %ge3A_2310 = arith.cmpi sge, %bitcast_convert_type3A_2192, %or3A_2300 : vector<16xi32>
        %all_reduce_population_count3A_2311 = tpu.all_reduce %ge3A_2310 {dim = 0 : i64, kind = #tpu.reduction_kind<sum>} : vector<16xi1> -> vector<16xi32>
        %add3A_2312 = arith.addi %add3A_2309, %all_reduce_population_count3A_2311 : vector<16xi32>
        %ge3A_2313 = arith.cmpi sge, %bitcast_convert_type3A_2195, %or3A_2300 : vector<16xi32>
        %all_reduce_population_count3A_2314 = tpu.all_reduce %ge3A_2313 {dim = 0 : i64, kind = #tpu.reduction_kind<sum>} : vector<16xi1> -> vector<16xi32>
        %add3A_2315 = arith.addi %add3A_2312, %all_reduce_population_count3A_2314 : vector<16xi32>
        %ge3A_2316 = arith.cmpi sge, %bitcast_convert_type3A_2198, %or3A_2300 : vector<16xi32>
        %all_reduce_population_count3A_2317 = tpu.all_reduce %ge3A_2316 {dim = 0 : i64, kind = #tpu.reduction_kind<sum>} : vector<16xi1> -> vector<16xi32>
        %add3A_2318 = arith.addi %add3A_2315, %all_reduce_population_count3A_2317 : vector<16xi32>
        %ge3A_2319 = arith.cmpi sge, %bitcast_convert_type3A_2201, %or3A_2300 : vector<16xi32>
        %all_reduce_population_count3A_2320 = tpu.all_reduce %ge3A_2319 {dim = 0 : i64, kind = #tpu.reduction_kind<sum>} : vector<16xi1> -> vector<16xi32>
        %add3A_2321 = arith.addi %add3A_2318, %all_reduce_population_count3A_2320 : vector<16xi32>
        %ge3A_2322 = arith.cmpi sge, %bitcast_convert_type3A_2204, %or3A_2300 : vector<16xi32>
        %all_reduce_population_count3A_2323 = tpu.all_reduce %ge3A_2322 {dim = 0 : i64, kind = #tpu.reduction_kind<sum>} : vector<16xi1> -> vector<16xi32>
        %add3A_2324 = arith.addi %add3A_2321, %all_reduce_population_count3A_2323 : vector<16xi32>
        %ge3A_2325 = arith.constant 64 : i32
        %ge3A_2326 = vector.broadcast %ge3A_2325 : i32 to vector<16xi32>
        %ge3A_2327 = arith.cmpi sge, %add3A_2324, %ge3A_2326 : vector<16xi32>
        %select_n3A_2328 = arith.select %ge3A_2327, %or3A_2300, %select_n3A_2297 : vector<16xi1>, vector<16xi32>
        %or3A_2329 = arith.constant 67108864 : i32
        %or3A_2330 = vector.broadcast %or3A_2329 : i32 to vector<16xi32>
        %or3A_2331 = arith.ori %select_n3A_2328, %or3A_2330 : vector<16xi32>
        %ge3A_2332 = arith.cmpi sge, %bitcast_convert_type3A_2183, %or3A_2331 : vector<16xi32>
        %all_reduce_population_count3A_2333 = tpu.all_reduce %ge3A_2332 {dim = 0 : i64, kind = #tpu.reduction_kind<sum>} : vector<16xi1> -> vector<16xi32>
        %add3A_2334 = arith.addi %broadcast_in_dim3A_5, %all_reduce_population_count3A_2333 : vector<16xi32>
        %ge3A_2335 = arith.cmpi sge, %bitcast_convert_type3A_2186, %or3A_2331 : vector<16xi32>
        %all_reduce_population_count3A_2336 = tpu.all_reduce %ge3A_2335 {dim = 0 : i64, kind = #tpu.reduction_kind<sum>} : vector<16xi1> -> vector<16xi32>
        %add3A_2337 = arith.addi %add3A_2334, %all_reduce_population_count3A_2336 : vector<16xi32>
        %ge3A_2338 = arith.cmpi sge, %bitcast_convert_type3A_2189, %or3A_2331 : vector<16xi32>
        %all_reduce_population_count3A_2339 = tpu.all_reduce %ge3A_2338 {dim = 0 : i64, kind = #tpu.reduction_kind<sum>} : vector<16xi1> -> vector<16xi32>
        %add3A_2340 = arith.addi %add3A_2337, %all_reduce_population_count3A_2339 : vector<16xi32>
        %ge3A_2341 = arith.cmpi sge, %bitcast_convert_type3A_2192, %or3A_2331 : vector<16xi32>
        %all_reduce_population_count3A_2342 = tpu.all_reduce %ge3A_2341 {dim = 0 : i64, kind = #tpu.reduction_kind<sum>} : vector<16xi1> -> vector<16xi32>
        %add3A_2343 = arith.addi %add3A_2340, %all_reduce_population_count3A_2342 : vector<16xi32>
        %ge3A_2344 = arith.cmpi sge, %bitcast_convert_type3A_2195, %or3A_2331 : vector<16xi32>
        %all_reduce_population_count3A_2345 = tpu.all_reduce %ge3A_2344 {dim = 0 : i64, kind = #tpu.reduction_kind<sum>} : vector<16xi1> -> vector<16xi32>
        %add3A_2346 = arith.addi %add3A_2343, %all_reduce_population_count3A_2345 : vector<16xi32>
        %ge3A_2347 = arith.cmpi sge, %bitcast_convert_type3A_2198, %or3A_2331 : vector<16xi32>
        %all_reduce_population_count3A_2348 = tpu.all_reduce %ge3A_2347 {dim = 0 : i64, kind = #tpu.reduction_kind<sum>} : vector<16xi1> -> vector<16xi32>
        %add3A_2349 = arith.addi %add3A_2346, %all_reduce_population_count3A_2348 : vector<16xi32>
        %ge3A_2350 = arith.cmpi sge, %bitcast_convert_type3A_2201, %or3A_2331 : vector<16xi32>
        %all_reduce_population_count3A_2351 = tpu.all_reduce %ge3A_2350 {dim = 0 : i64, kind = #tpu.reduction_kind<sum>} : vector<16xi1> -> vector<16xi32>
        %add3A_2352 = arith.addi %add3A_2349, %all_reduce_population_count3A_2351 : vector<16xi32>
        %ge3A_2353 = arith.cmpi sge, %bitcast_convert_type3A_2204, %or3A_2331 : vector<16xi32>
        %all_reduce_population_count3A_2354 = tpu.all_reduce %ge3A_2353 {dim = 0 : i64, kind = #tpu.reduction_kind<sum>} : vector<16xi1> -> vector<16xi32>
        %add3A_2355 = arith.addi %add3A_2352, %all_reduce_population_count3A_2354 : vector<16xi32>
        %ge3A_2356 = arith.constant 64 : i32
        %ge3A_2357 = vector.broadcast %ge3A_2356 : i32 to vector<16xi32>
        %ge3A_2358 = arith.cmpi sge, %add3A_2355, %ge3A_2357 : vector<16xi32>
        %select_n3A_2359 = arith.select %ge3A_2358, %or3A_2331, %select_n3A_2328 : vector<16xi1>, vector<16xi32>
        %or3A_2360 = arith.constant 33554432 : i32
        %or3A_2361 = vector.broadcast %or3A_2360 : i32 to vector<16xi32>
        %or3A_2362 = arith.ori %select_n3A_2359, %or3A_2361 : vector<16xi32>
        %ge3A_2363 = arith.cmpi sge, %bitcast_convert_type3A_2183, %or3A_2362 : vector<16xi32>
        %all_reduce_population_count3A_2364 = tpu.all_reduce %ge3A_2363 {dim = 0 : i64, kind = #tpu.reduction_kind<sum>} : vector<16xi1> -> vector<16xi32>
        %add3A_2365 = arith.addi %broadcast_in_dim3A_5, %all_reduce_population_count3A_2364 : vector<16xi32>
        %ge3A_2366 = arith.cmpi sge, %bitcast_convert_type3A_2186, %or3A_2362 : vector<16xi32>
        %all_reduce_population_count3A_2367 = tpu.all_reduce %ge3A_2366 {dim = 0 : i64, kind = #tpu.reduction_kind<sum>} : vector<16xi1> -> vector<16xi32>
        %add3A_2368 = arith.addi %add3A_2365, %all_reduce_population_count3A_2367 : vector<16xi32>
        %ge3A_2369 = arith.cmpi sge, %bitcast_convert_type3A_2189, %or3A_2362 : vector<16xi32>
        %all_reduce_population_count3A_2370 = tpu.all_reduce %ge3A_2369 {dim = 0 : i64, kind = #tpu.reduction_kind<sum>} : vector<16xi1> -> vector<16xi32>
        %add3A_2371 = arith.addi %add3A_2368, %all_reduce_population_count3A_2370 : vector<16xi32>
        %ge3A_2372 = arith.cmpi sge, %bitcast_convert_type3A_2192, %or3A_2362 : vector<16xi32>
        %all_reduce_population_count3A_2373 = tpu.all_reduce %ge3A_2372 {dim = 0 : i64, kind = #tpu.reduction_kind<sum>} : vector<16xi1> -> vector<16xi32>
        %add3A_2374 = arith.addi %add3A_2371, %all_reduce_population_count3A_2373 : vector<16xi32>
        %ge3A_2375 = arith.cmpi sge, %bitcast_convert_type3A_2195, %or3A_2362 : vector<16xi32>
        %all_reduce_population_count3A_2376 = tpu.all_reduce %ge3A_2375 {dim = 0 : i64, kind = #tpu.reduction_kind<sum>} : vector<16xi1> -> vector<16xi32>
        %add3A_2377 = arith.addi %add3A_2374, %all_reduce_population_count3A_2376 : vector<16xi32>
        %ge3A_2378 = arith.cmpi sge, %bitcast_convert_type3A_2198, %or3A_2362 : vector<16xi32>
        %all_reduce_population_count3A_2379 = tpu.all_reduce %ge3A_2378 {dim = 0 : i64, kind = #tpu.reduction_kind<sum>} : vector<16xi1> -> vector<16xi32>
        %add3A_2380 = arith.addi %add3A_2377, %all_reduce_population_count3A_2379 : vector<16xi32>
        %ge3A_2381 = arith.cmpi sge, %bitcast_convert_type3A_2201, %or3A_2362 : vector<16xi32>
        %all_reduce_population_count3A_2382 = tpu.all_reduce %ge3A_2381 {dim = 0 : i64, kind = #tpu.reduction_kind<sum>} : vector<16xi1> -> vector<16xi32>
        %add3A_2383 = arith.addi %add3A_2380, %all_reduce_population_count3A_2382 : vector<16xi32>
        %ge3A_2384 = arith.cmpi sge, %bitcast_convert_type3A_2204, %or3A_2362 : vector<16xi32>
        %all_reduce_population_count3A_2385 = tpu.all_reduce %ge3A_2384 {dim = 0 : i64, kind = #tpu.reduction_kind<sum>} : vector<16xi1> -> vector<16xi32>
        %add3A_2386 = arith.addi %add3A_2383, %all_reduce_population_count3A_2385 : vector<16xi32>
        %ge3A_2387 = arith.constant 64 : i32
        %ge3A_2388 = vector.broadcast %ge3A_2387 : i32 to vector<16xi32>
        %ge3A_2389 = arith.cmpi sge, %add3A_2386, %ge3A_2388 : vector<16xi32>
        %select_n3A_2390 = arith.select %ge3A_2389, %or3A_2362, %select_n3A_2359 : vector<16xi1>, vector<16xi32>
        %or3A_2391 = arith.constant 16777216 : i32
        %or3A_2392 = vector.broadcast %or3A_2391 : i32 to vector<16xi32>
        %or3A_2393 = arith.ori %select_n3A_2390, %or3A_2392 : vector<16xi32>
        %ge3A_2394 = arith.cmpi sge, %bitcast_convert_type3A_2183, %or3A_2393 : vector<16xi32>
        %all_reduce_population_count3A_2395 = tpu.all_reduce %ge3A_2394 {dim = 0 : i64, kind = #tpu.reduction_kind<sum>} : vector<16xi1> -> vector<16xi32>
        %add3A_2396 = arith.addi %broadcast_in_dim3A_5, %all_reduce_population_count3A_2395 : vector<16xi32>
        %ge3A_2397 = arith.cmpi sge, %bitcast_convert_type3A_2186, %or3A_2393 : vector<16xi32>
        %all_reduce_population_count3A_2398 = tpu.all_reduce %ge3A_2397 {dim = 0 : i64, kind = #tpu.reduction_kind<sum>} : vector<16xi1> -> vector<16xi32>
        %add3A_2399 = arith.addi %add3A_2396, %all_reduce_population_count3A_2398 : vector<16xi32>
        %ge3A_2400 = arith.cmpi sge, %bitcast_convert_type3A_2189, %or3A_2393 : vector<16xi32>
        %all_reduce_population_count3A_2401 = tpu.all_reduce %ge3A_2400 {dim = 0 : i64, kind = #tpu.reduction_kind<sum>} : vector<16xi1> -> vector<16xi32>
        %add3A_2402 = arith.addi %add3A_2399, %all_reduce_population_count3A_2401 : vector<16xi32>
        %ge3A_2403 = arith.cmpi sge, %bitcast_convert_type3A_2192, %or3A_2393 : vector<16xi32>
        %all_reduce_population_count3A_2404 = tpu.all_reduce %ge3A_2403 {dim = 0 : i64, kind = #tpu.reduction_kind<sum>} : vector<16xi1> -> vector<16xi32>
        %add3A_2405 = arith.addi %add3A_2402, %all_reduce_population_count3A_2404 : vector<16xi32>
        %ge3A_2406 = arith.cmpi sge, %bitcast_convert_type3A_2195, %or3A_2393 : vector<16xi32>
        %all_reduce_population_count3A_2407 = tpu.all_reduce %ge3A_2406 {dim = 0 : i64, kind = #tpu.reduction_kind<sum>} : vector<16xi1> -> vector<16xi32>
        %add3A_2408 = arith.addi %add3A_2405, %all_reduce_population_count3A_2407 : vector<16xi32>
        %ge3A_2409 = arith.cmpi sge, %bitcast_convert_type3A_2198, %or3A_2393 : vector<16xi32>
        %all_reduce_population_count3A_2410 = tpu.all_reduce %ge3A_2409 {dim = 0 : i64, kind = #tpu.reduction_kind<sum>} : vector<16xi1> -> vector<16xi32>
        %add3A_2411 = arith.addi %add3A_2408, %all_reduce_population_count3A_2410 : vector<16xi32>
        %ge3A_2412 = arith.cmpi sge, %bitcast_convert_type3A_2201, %or3A_2393 : vector<16xi32>
        %all_reduce_population_count3A_2413 = tpu.all_reduce %ge3A_2412 {dim = 0 : i64, kind = #tpu.reduction_kind<sum>} : vector<16xi1> -> vector<16xi32>
        %add3A_2414 = arith.addi %add3A_2411, %all_reduce_population_count3A_2413 : vector<16xi32>
        %ge3A_2415 = arith.cmpi sge, %bitcast_convert_type3A_2204, %or3A_2393 : vector<16xi32>
        %all_reduce_population_count3A_2416 = tpu.all_reduce %ge3A_2415 {dim = 0 : i64, kind = #tpu.reduction_kind<sum>} : vector<16xi1> -> vector<16xi32>
        %add3A_2417 = arith.addi %add3A_2414, %all_reduce_population_count3A_2416 : vector<16xi32>
        %ge3A_2418 = arith.constant 64 : i32
        %ge3A_2419 = vector.broadcast %ge3A_2418 : i32 to vector<16xi32>
        %ge3A_2420 = arith.cmpi sge, %add3A_2417, %ge3A_2419 : vector<16xi32>
        %select_n3A_2421 = arith.select %ge3A_2420, %or3A_2393, %select_n3A_2390 : vector<16xi1>, vector<16xi32>
        %or3A_2422 = arith.constant 8388608 : i32
        %or3A_2423 = vector.broadcast %or3A_2422 : i32 to vector<16xi32>
        %or3A_2424 = arith.ori %select_n3A_2421, %or3A_2423 : vector<16xi32>
        %ge3A_2425 = arith.cmpi sge, %bitcast_convert_type3A_2183, %or3A_2424 : vector<16xi32>
        %all_reduce_population_count3A_2426 = tpu.all_reduce %ge3A_2425 {dim = 0 : i64, kind = #tpu.reduction_kind<sum>} : vector<16xi1> -> vector<16xi32>
        %add3A_2427 = arith.addi %broadcast_in_dim3A_5, %all_reduce_population_count3A_2426 : vector<16xi32>
        %ge3A_2428 = arith.cmpi sge, %bitcast_convert_type3A_2186, %or3A_2424 : vector<16xi32>
        %all_reduce_population_count3A_2429 = tpu.all_reduce %ge3A_2428 {dim = 0 : i64, kind = #tpu.reduction_kind<sum>} : vector<16xi1> -> vector<16xi32>
        %add3A_2430 = arith.addi %add3A_2427, %all_reduce_population_count3A_2429 : vector<16xi32>
        %ge3A_2431 = arith.cmpi sge, %bitcast_convert_type3A_2189, %or3A_2424 : vector<16xi32>
        %all_reduce_population_count3A_2432 = tpu.all_reduce %ge3A_2431 {dim = 0 : i64, kind = #tpu.reduction_kind<sum>} : vector<16xi1> -> vector<16xi32>
        %add3A_2433 = arith.addi %add3A_2430, %all_reduce_population_count3A_2432 : vector<16xi32>
        %ge3A_2434 = arith.cmpi sge, %bitcast_convert_type3A_2192, %or3A_2424 : vector<16xi32>
        %all_reduce_population_count3A_2435 = tpu.all_reduce %ge3A_2434 {dim = 0 : i64, kind = #tpu.reduction_kind<sum>} : vector<16xi1> -> vector<16xi32>
        %add3A_2436 = arith.addi %add3A_2433, %all_reduce_population_count3A_2435 : vector<16xi32>
        %ge3A_2437 = arith.cmpi sge, %bitcast_convert_type3A_2195, %or3A_2424 : vector<16xi32>
        %all_reduce_population_count3A_2438 = tpu.all_reduce %ge3A_2437 {dim = 0 : i64, kind = #tpu.reduction_kind<sum>} : vector<16xi1> -> vector<16xi32>
        %add3A_2439 = arith.addi %add3A_2436, %all_reduce_population_count3A_2438 : vector<16xi32>
        %ge3A_2440 = arith.cmpi sge, %bitcast_convert_type3A_2198, %or3A_2424 : vector<16xi32>
        %all_reduce_population_count3A_2441 = tpu.all_reduce %ge3A_2440 {dim = 0 : i64, kind = #tpu.reduction_kind<sum>} : vector<16xi1> -> vector<16xi32>
        %add3A_2442 = arith.addi %add3A_2439, %all_reduce_population_count3A_2441 : vector<16xi32>
        %ge3A_2443 = arith.cmpi sge, %bitcast_convert_type3A_2201, %or3A_2424 : vector<16xi32>
        %all_reduce_population_count3A_2444 = tpu.all_reduce %ge3A_2443 {dim = 0 : i64, kind = #tpu.reduction_kind<sum>} : vector<16xi1> -> vector<16xi32>
        %add3A_2445 = arith.addi %add3A_2442, %all_reduce_population_count3A_2444 : vector<16xi32>
        %ge3A_2446 = arith.cmpi sge, %bitcast_convert_type3A_2204, %or3A_2424 : vector<16xi32>
        %all_reduce_population_count3A_2447 = tpu.all_reduce %ge3A_2446 {dim = 0 : i64, kind = #tpu.reduction_kind<sum>} : vector<16xi1> -> vector<16xi32>
        %add3A_2448 = arith.addi %add3A_2445, %all_reduce_population_count3A_2447 : vector<16xi32>
        %ge3A_2449 = arith.constant 64 : i32
        %ge3A_2450 = vector.broadcast %ge3A_2449 : i32 to vector<16xi32>
        %ge3A_2451 = arith.cmpi sge, %add3A_2448, %ge3A_2450 : vector<16xi32>
        %select_n3A_2452 = arith.select %ge3A_2451, %or3A_2424, %select_n3A_2421 : vector<16xi1>, vector<16xi32>
        %or3A_2453 = arith.constant 4194304 : i32
        %or3A_2454 = vector.broadcast %or3A_2453 : i32 to vector<16xi32>
        %or3A_2455 = arith.ori %select_n3A_2452, %or3A_2454 : vector<16xi32>
        %ge3A_2456 = arith.cmpi sge, %bitcast_convert_type3A_2183, %or3A_2455 : vector<16xi32>
        %all_reduce_population_count3A_2457 = tpu.all_reduce %ge3A_2456 {dim = 0 : i64, kind = #tpu.reduction_kind<sum>} : vector<16xi1> -> vector<16xi32>
        %add3A_2458 = arith.addi %broadcast_in_dim3A_5, %all_reduce_population_count3A_2457 : vector<16xi32>
        %ge3A_2459 = arith.cmpi sge, %bitcast_convert_type3A_2186, %or3A_2455 : vector<16xi32>
        %all_reduce_population_count3A_2460 = tpu.all_reduce %ge3A_2459 {dim = 0 : i64, kind = #tpu.reduction_kind<sum>} : vector<16xi1> -> vector<16xi32>
        %add3A_2461 = arith.addi %add3A_2458, %all_reduce_population_count3A_2460 : vector<16xi32>
        %ge3A_2462 = arith.cmpi sge, %bitcast_convert_type3A_2189, %or3A_2455 : vector<16xi32>
        %all_reduce_population_count3A_2463 = tpu.all_reduce %ge3A_2462 {dim = 0 : i64, kind = #tpu.reduction_kind<sum>} : vector<16xi1> -> vector<16xi32>
        %add3A_2464 = arith.addi %add3A_2461, %all_reduce_population_count3A_2463 : vector<16xi32>
        %ge3A_2465 = arith.cmpi sge, %bitcast_convert_type3A_2192, %or3A_2455 : vector<16xi32>
        %all_reduce_population_count3A_2466 = tpu.all_reduce %ge3A_2465 {dim = 0 : i64, kind = #tpu.reduction_kind<sum>} : vector<16xi1> -> vector<16xi32>
        %add3A_2467 = arith.addi %add3A_2464, %all_reduce_population_count3A_2466 : vector<16xi32>
        %ge3A_2468 = arith.cmpi sge, %bitcast_convert_type3A_2195, %or3A_2455 : vector<16xi32>
        %all_reduce_population_count3A_2469 = tpu.all_reduce %ge3A_2468 {dim = 0 : i64, kind = #tpu.reduction_kind<sum>} : vector<16xi1> -> vector<16xi32>
        %add3A_2470 = arith.addi %add3A_2467, %all_reduce_population_count3A_2469 : vector<16xi32>
        %ge3A_2471 = arith.cmpi sge, %bitcast_convert_type3A_2198, %or3A_2455 : vector<16xi32>
        %all_reduce_population_count3A_2472 = tpu.all_reduce %ge3A_2471 {dim = 0 : i64, kind = #tpu.reduction_kind<sum>} : vector<16xi1> -> vector<16xi32>
        %add3A_2473 = arith.addi %add3A_2470, %all_reduce_population_count3A_2472 : vector<16xi32>
        %ge3A_2474 = arith.cmpi sge, %bitcast_convert_type3A_2201, %or3A_2455 : vector<16xi32>
        %all_reduce_population_count3A_2475 = tpu.all_reduce %ge3A_2474 {dim = 0 : i64, kind = #tpu.reduction_kind<sum>} : vector<16xi1> -> vector<16xi32>
        %add3A_2476 = arith.addi %add3A_2473, %all_reduce_population_count3A_2475 : vector<16xi32>
        %ge3A_2477 = arith.cmpi sge, %bitcast_convert_type3A_2204, %or3A_2455 : vector<16xi32>
        %all_reduce_population_count3A_2478 = tpu.all_reduce %ge3A_2477 {dim = 0 : i64, kind = #tpu.reduction_kind<sum>} : vector<16xi1> -> vector<16xi32>
        %add3A_2479 = arith.addi %add3A_2476, %all_reduce_population_count3A_2478 : vector<16xi32>
        %ge3A_2480 = arith.constant 64 : i32
        %ge3A_2481 = vector.broadcast %ge3A_2480 : i32 to vector<16xi32>
        %ge3A_2482 = arith.cmpi sge, %add3A_2479, %ge3A_2481 : vector<16xi32>
        %select_n3A_2483 = arith.select %ge3A_2482, %or3A_2455, %select_n3A_2452 : vector<16xi1>, vector<16xi32>
        %or3A_2484 = arith.constant 2097152 : i32
        %or3A_2485 = vector.broadcast %or3A_2484 : i32 to vector<16xi32>
        %or3A_2486 = arith.ori %select_n3A_2483, %or3A_2485 : vector<16xi32>
        %ge3A_2487 = arith.cmpi sge, %bitcast_convert_type3A_2183, %or3A_2486 : vector<16xi32>
        %all_reduce_population_count3A_2488 = tpu.all_reduce %ge3A_2487 {dim = 0 : i64, kind = #tpu.reduction_kind<sum>} : vector<16xi1> -> vector<16xi32>
        %add3A_2489 = arith.addi %broadcast_in_dim3A_5, %all_reduce_population_count3A_2488 : vector<16xi32>
        %ge3A_2490 = arith.cmpi sge, %bitcast_convert_type3A_2186, %or3A_2486 : vector<16xi32>
        %all_reduce_population_count3A_2491 = tpu.all_reduce %ge3A_2490 {dim = 0 : i64, kind = #tpu.reduction_kind<sum>} : vector<16xi1> -> vector<16xi32>
        %add3A_2492 = arith.addi %add3A_2489, %all_reduce_population_count3A_2491 : vector<16xi32>
        %ge3A_2493 = arith.cmpi sge, %bitcast_convert_type3A_2189, %or3A_2486 : vector<16xi32>
        %all_reduce_population_count3A_2494 = tpu.all_reduce %ge3A_2493 {dim = 0 : i64, kind = #tpu.reduction_kind<sum>} : vector<16xi1> -> vector<16xi32>
        %add3A_2495 = arith.addi %add3A_2492, %all_reduce_population_count3A_2494 : vector<16xi32>
        %ge3A_2496 = arith.cmpi sge, %bitcast_convert_type3A_2192, %or3A_2486 : vector<16xi32>
        %all_reduce_population_count3A_2497 = tpu.all_reduce %ge3A_2496 {dim = 0 : i64, kind = #tpu.reduction_kind<sum>} : vector<16xi1> -> vector<16xi32>
        %add3A_2498 = arith.addi %add3A_2495, %all_reduce_population_count3A_2497 : vector<16xi32>
        %ge3A_2499 = arith.cmpi sge, %bitcast_convert_type3A_2195, %or3A_2486 : vector<16xi32>
        %all_reduce_population_count3A_2500 = tpu.all_reduce %ge3A_2499 {dim = 0 : i64, kind = #tpu.reduction_kind<sum>} : vector<16xi1> -> vector<16xi32>
        %add3A_2501 = arith.addi %add3A_2498, %all_reduce_population_count3A_2500 : vector<16xi32>
        %ge3A_2502 = arith.cmpi sge, %bitcast_convert_type3A_2198, %or3A_2486 : vector<16xi32>
        %all_reduce_population_count3A_2503 = tpu.all_reduce %ge3A_2502 {dim = 0 : i64, kind = #tpu.reduction_kind<sum>} : vector<16xi1> -> vector<16xi32>
        %add3A_2504 = arith.addi %add3A_2501, %all_reduce_population_count3A_2503 : vector<16xi32>
        %ge3A_2505 = arith.cmpi sge, %bitcast_convert_type3A_2201, %or3A_2486 : vector<16xi32>
        %all_reduce_population_count3A_2506 = tpu.all_reduce %ge3A_2505 {dim = 0 : i64, kind = #tpu.reduction_kind<sum>} : vector<16xi1> -> vector<16xi32>
        %add3A_2507 = arith.addi %add3A_2504, %all_reduce_population_count3A_2506 : vector<16xi32>
        %ge3A_2508 = arith.cmpi sge, %bitcast_convert_type3A_2204, %or3A_2486 : vector<16xi32>
        %all_reduce_population_count3A_2509 = tpu.all_reduce %ge3A_2508 {dim = 0 : i64, kind = #tpu.reduction_kind<sum>} : vector<16xi1> -> vector<16xi32>
        %add3A_2510 = arith.addi %add3A_2507, %all_reduce_population_count3A_2509 : vector<16xi32>
        %ge3A_2511 = arith.constant 64 : i32
        %ge3A_2512 = vector.broadcast %ge3A_2511 : i32 to vector<16xi32>
        %ge3A_2513 = arith.cmpi sge, %add3A_2510, %ge3A_2512 : vector<16xi32>
        %select_n3A_2514 = arith.select %ge3A_2513, %or3A_2486, %select_n3A_2483 : vector<16xi1>, vector<16xi32>
        %or3A_2515 = arith.constant 1048576 : i32
        %or3A_2516 = vector.broadcast %or3A_2515 : i32 to vector<16xi32>
        %or3A_2517 = arith.ori %select_n3A_2514, %or3A_2516 : vector<16xi32>
        %ge3A_2518 = arith.cmpi sge, %bitcast_convert_type3A_2183, %or3A_2517 : vector<16xi32>
        %all_reduce_population_count3A_2519 = tpu.all_reduce %ge3A_2518 {dim = 0 : i64, kind = #tpu.reduction_kind<sum>} : vector<16xi1> -> vector<16xi32>
        %add3A_2520 = arith.addi %broadcast_in_dim3A_5, %all_reduce_population_count3A_2519 : vector<16xi32>
        %ge3A_2521 = arith.cmpi sge, %bitcast_convert_type3A_2186, %or3A_2517 : vector<16xi32>
        %all_reduce_population_count3A_2522 = tpu.all_reduce %ge3A_2521 {dim = 0 : i64, kind = #tpu.reduction_kind<sum>} : vector<16xi1> -> vector<16xi32>
        %add3A_2523 = arith.addi %add3A_2520, %all_reduce_population_count3A_2522 : vector<16xi32>
        %ge3A_2524 = arith.cmpi sge, %bitcast_convert_type3A_2189, %or3A_2517 : vector<16xi32>
        %all_reduce_population_count3A_2525 = tpu.all_reduce %ge3A_2524 {dim = 0 : i64, kind = #tpu.reduction_kind<sum>} : vector<16xi1> -> vector<16xi32>
        %add3A_2526 = arith.addi %add3A_2523, %all_reduce_population_count3A_2525 : vector<16xi32>
        %ge3A_2527 = arith.cmpi sge, %bitcast_convert_type3A_2192, %or3A_2517 : vector<16xi32>
        %all_reduce_population_count3A_2528 = tpu.all_reduce %ge3A_2527 {dim = 0 : i64, kind = #tpu.reduction_kind<sum>} : vector<16xi1> -> vector<16xi32>
        %add3A_2529 = arith.addi %add3A_2526, %all_reduce_population_count3A_2528 : vector<16xi32>
        %ge3A_2530 = arith.cmpi sge, %bitcast_convert_type3A_2195, %or3A_2517 : vector<16xi32>
        %all_reduce_population_count3A_2531 = tpu.all_reduce %ge3A_2530 {dim = 0 : i64, kind = #tpu.reduction_kind<sum>} : vector<16xi1> -> vector<16xi32>
        %add3A_2532 = arith.addi %add3A_2529, %all_reduce_population_count3A_2531 : vector<16xi32>
        %ge3A_2533 = arith.cmpi sge, %bitcast_convert_type3A_2198, %or3A_2517 : vector<16xi32>
        %all_reduce_population_count3A_2534 = tpu.all_reduce %ge3A_2533 {dim = 0 : i64, kind = #tpu.reduction_kind<sum>} : vector<16xi1> -> vector<16xi32>
        %add3A_2535 = arith.addi %add3A_2532, %all_reduce_population_count3A_2534 : vector<16xi32>
        %ge3A_2536 = arith.cmpi sge, %bitcast_convert_type3A_2201, %or3A_2517 : vector<16xi32>
        %all_reduce_population_count3A_2537 = tpu.all_reduce %ge3A_2536 {dim = 0 : i64, kind = #tpu.reduction_kind<sum>} : vector<16xi1> -> vector<16xi32>
        %add3A_2538 = arith.addi %add3A_2535, %all_reduce_population_count3A_2537 : vector<16xi32>
        %ge3A_2539 = arith.cmpi sge, %bitcast_convert_type3A_2204, %or3A_2517 : vector<16xi32>
        %all_reduce_population_count3A_2540 = tpu.all_reduce %ge3A_2539 {dim = 0 : i64, kind = #tpu.reduction_kind<sum>} : vector<16xi1> -> vector<16xi32>
        %add3A_2541 = arith.addi %add3A_2538, %all_reduce_population_count3A_2540 : vector<16xi32>
        %ge3A_2542 = arith.constant 64 : i32
        %ge3A_2543 = vector.broadcast %ge3A_2542 : i32 to vector<16xi32>
        %ge3A_2544 = arith.cmpi sge, %add3A_2541, %ge3A_2543 : vector<16xi32>
        %select_n3A_2545 = arith.select %ge3A_2544, %or3A_2517, %select_n3A_2514 : vector<16xi1>, vector<16xi32>
        %or3A_2546 = arith.constant 524288 : i32
        %or3A_2547 = vector.broadcast %or3A_2546 : i32 to vector<16xi32>
        %or3A_2548 = arith.ori %select_n3A_2545, %or3A_2547 : vector<16xi32>
        %ge3A_2549 = arith.cmpi sge, %bitcast_convert_type3A_2183, %or3A_2548 : vector<16xi32>
        %all_reduce_population_count3A_2550 = tpu.all_reduce %ge3A_2549 {dim = 0 : i64, kind = #tpu.reduction_kind<sum>} : vector<16xi1> -> vector<16xi32>
        %add3A_2551 = arith.addi %broadcast_in_dim3A_5, %all_reduce_population_count3A_2550 : vector<16xi32>
        %ge3A_2552 = arith.cmpi sge, %bitcast_convert_type3A_2186, %or3A_2548 : vector<16xi32>
        %all_reduce_population_count3A_2553 = tpu.all_reduce %ge3A_2552 {dim = 0 : i64, kind = #tpu.reduction_kind<sum>} : vector<16xi1> -> vector<16xi32>
        %add3A_2554 = arith.addi %add3A_2551, %all_reduce_population_count3A_2553 : vector<16xi32>
        %ge3A_2555 = arith.cmpi sge, %bitcast_convert_type3A_2189, %or3A_2548 : vector<16xi32>
        %all_reduce_population_count3A_2556 = tpu.all_reduce %ge3A_2555 {dim = 0 : i64, kind = #tpu.reduction_kind<sum>} : vector<16xi1> -> vector<16xi32>
        %add3A_2557 = arith.addi %add3A_2554, %all_reduce_population_count3A_2556 : vector<16xi32>
        %ge3A_2558 = arith.cmpi sge, %bitcast_convert_type3A_2192, %or3A_2548 : vector<16xi32>
        %all_reduce_population_count3A_2559 = tpu.all_reduce %ge3A_2558 {dim = 0 : i64, kind = #tpu.reduction_kind<sum>} : vector<16xi1> -> vector<16xi32>
        %add3A_2560 = arith.addi %add3A_2557, %all_reduce_population_count3A_2559 : vector<16xi32>
        %ge3A_2561 = arith.cmpi sge, %bitcast_convert_type3A_2195, %or3A_2548 : vector<16xi32>
        %all_reduce_population_count3A_2562 = tpu.all_reduce %ge3A_2561 {dim = 0 : i64, kind = #tpu.reduction_kind<sum>} : vector<16xi1> -> vector<16xi32>
        %add3A_2563 = arith.addi %add3A_2560, %all_reduce_population_count3A_2562 : vector<16xi32>
        %ge3A_2564 = arith.cmpi sge, %bitcast_convert_type3A_2198, %or3A_2548 : vector<16xi32>
        %all_reduce_population_count3A_2565 = tpu.all_reduce %ge3A_2564 {dim = 0 : i64, kind = #tpu.reduction_kind<sum>} : vector<16xi1> -> vector<16xi32>
        %add3A_2566 = arith.addi %add3A_2563, %all_reduce_population_count3A_2565 : vector<16xi32>
        %ge3A_2567 = arith.cmpi sge, %bitcast_convert_type3A_2201, %or3A_2548 : vector<16xi32>
        %all_reduce_population_count3A_2568 = tpu.all_reduce %ge3A_2567 {dim = 0 : i64, kind = #tpu.reduction_kind<sum>} : vector<16xi1> -> vector<16xi32>
        %add3A_2569 = arith.addi %add3A_2566, %all_reduce_population_count3A_2568 : vector<16xi32>
        %ge3A_2570 = arith.cmpi sge, %bitcast_convert_type3A_2204, %or3A_2548 : vector<16xi32>
        %all_reduce_population_count3A_2571 = tpu.all_reduce %ge3A_2570 {dim = 0 : i64, kind = #tpu.reduction_kind<sum>} : vector<16xi1> -> vector<16xi32>
        %add3A_2572 = arith.addi %add3A_2569, %all_reduce_population_count3A_2571 : vector<16xi32>
        %ge3A_2573 = arith.constant 64 : i32
        %ge3A_2574 = vector.broadcast %ge3A_2573 : i32 to vector<16xi32>
        %ge3A_2575 = arith.cmpi sge, %add3A_2572, %ge3A_2574 : vector<16xi32>
        %select_n3A_2576 = arith.select %ge3A_2575, %or3A_2548, %select_n3A_2545 : vector<16xi1>, vector<16xi32>
        %or3A_2577 = arith.constant 262144 : i32
        %or3A_2578 = vector.broadcast %or3A_2577 : i32 to vector<16xi32>
        %or3A_2579 = arith.ori %select_n3A_2576, %or3A_2578 : vector<16xi32>
        %ge3A_2580 = arith.cmpi sge, %bitcast_convert_type3A_2183, %or3A_2579 : vector<16xi32>
        %all_reduce_population_count3A_2581 = tpu.all_reduce %ge3A_2580 {dim = 0 : i64, kind = #tpu.reduction_kind<sum>} : vector<16xi1> -> vector<16xi32>
        %add3A_2582 = arith.addi %broadcast_in_dim3A_5, %all_reduce_population_count3A_2581 : vector<16xi32>
        %ge3A_2583 = arith.cmpi sge, %bitcast_convert_type3A_2186, %or3A_2579 : vector<16xi32>
        %all_reduce_population_count3A_2584 = tpu.all_reduce %ge3A_2583 {dim = 0 : i64, kind = #tpu.reduction_kind<sum>} : vector<16xi1> -> vector<16xi32>
        %add3A_2585 = arith.addi %add3A_2582, %all_reduce_population_count3A_2584 : vector<16xi32>
        %ge3A_2586 = arith.cmpi sge, %bitcast_convert_type3A_2189, %or3A_2579 : vector<16xi32>
        %all_reduce_population_count3A_2587 = tpu.all_reduce %ge3A_2586 {dim = 0 : i64, kind = #tpu.reduction_kind<sum>} : vector<16xi1> -> vector<16xi32>
        %add3A_2588 = arith.addi %add3A_2585, %all_reduce_population_count3A_2587 : vector<16xi32>
        %ge3A_2589 = arith.cmpi sge, %bitcast_convert_type3A_2192, %or3A_2579 : vector<16xi32>
        %all_reduce_population_count3A_2590 = tpu.all_reduce %ge3A_2589 {dim = 0 : i64, kind = #tpu.reduction_kind<sum>} : vector<16xi1> -> vector<16xi32>
        %add3A_2591 = arith.addi %add3A_2588, %all_reduce_population_count3A_2590 : vector<16xi32>
        %ge3A_2592 = arith.cmpi sge, %bitcast_convert_type3A_2195, %or3A_2579 : vector<16xi32>
        %all_reduce_population_count3A_2593 = tpu.all_reduce %ge3A_2592 {dim = 0 : i64, kind = #tpu.reduction_kind<sum>} : vector<16xi1> -> vector<16xi32>
        %add3A_2594 = arith.addi %add3A_2591, %all_reduce_population_count3A_2593 : vector<16xi32>
        %ge3A_2595 = arith.cmpi sge, %bitcast_convert_type3A_2198, %or3A_2579 : vector<16xi32>
        %all_reduce_population_count3A_2596 = tpu.all_reduce %ge3A_2595 {dim = 0 : i64, kind = #tpu.reduction_kind<sum>} : vector<16xi1> -> vector<16xi32>
        %add3A_2597 = arith.addi %add3A_2594, %all_reduce_population_count3A_2596 : vector<16xi32>
        %ge3A_2598 = arith.cmpi sge, %bitcast_convert_type3A_2201, %or3A_2579 : vector<16xi32>
        %all_reduce_population_count3A_2599 = tpu.all_reduce %ge3A_2598 {dim = 0 : i64, kind = #tpu.reduction_kind<sum>} : vector<16xi1> -> vector<16xi32>
        %add3A_2600 = arith.addi %add3A_2597, %all_reduce_population_count3A_2599 : vector<16xi32>
        %ge3A_2601 = arith.cmpi sge, %bitcast_convert_type3A_2204, %or3A_2579 : vector<16xi32>
        %all_reduce_population_count3A_2602 = tpu.all_reduce %ge3A_2601 {dim = 0 : i64, kind = #tpu.reduction_kind<sum>} : vector<16xi1> -> vector<16xi32>
        %add3A_2603 = arith.addi %add3A_2600, %all_reduce_population_count3A_2602 : vector<16xi32>
        %ge3A_2604 = arith.constant 64 : i32
        %ge3A_2605 = vector.broadcast %ge3A_2604 : i32 to vector<16xi32>
        %ge3A_2606 = arith.cmpi sge, %add3A_2603, %ge3A_2605 : vector<16xi32>
        %select_n3A_2607 = arith.select %ge3A_2606, %or3A_2579, %select_n3A_2576 : vector<16xi1>, vector<16xi32>
        %or3A_2608 = arith.constant 131072 : i32
        %or3A_2609 = vector.broadcast %or3A_2608 : i32 to vector<16xi32>
        %or3A_2610 = arith.ori %select_n3A_2607, %or3A_2609 : vector<16xi32>
        %ge3A_2611 = arith.cmpi sge, %bitcast_convert_type3A_2183, %or3A_2610 : vector<16xi32>
        %all_reduce_population_count3A_2612 = tpu.all_reduce %ge3A_2611 {dim = 0 : i64, kind = #tpu.reduction_kind<sum>} : vector<16xi1> -> vector<16xi32>
        %add3A_2613 = arith.addi %broadcast_in_dim3A_5, %all_reduce_population_count3A_2612 : vector<16xi32>
        %ge3A_2614 = arith.cmpi sge, %bitcast_convert_type3A_2186, %or3A_2610 : vector<16xi32>
        %all_reduce_population_count3A_2615 = tpu.all_reduce %ge3A_2614 {dim = 0 : i64, kind = #tpu.reduction_kind<sum>} : vector<16xi1> -> vector<16xi32>
        %add3A_2616 = arith.addi %add3A_2613, %all_reduce_population_count3A_2615 : vector<16xi32>
        %ge3A_2617 = arith.cmpi sge, %bitcast_convert_type3A_2189, %or3A_2610 : vector<16xi32>
        %all_reduce_population_count3A_2618 = tpu.all_reduce %ge3A_2617 {dim = 0 : i64, kind = #tpu.reduction_kind<sum>} : vector<16xi1> -> vector<16xi32>
        %add3A_2619 = arith.addi %add3A_2616, %all_reduce_population_count3A_2618 : vector<16xi32>
        %ge3A_2620 = arith.cmpi sge, %bitcast_convert_type3A_2192, %or3A_2610 : vector<16xi32>
        %all_reduce_population_count3A_2621 = tpu.all_reduce %ge3A_2620 {dim = 0 : i64, kind = #tpu.reduction_kind<sum>} : vector<16xi1> -> vector<16xi32>
        %add3A_2622 = arith.addi %add3A_2619, %all_reduce_population_count3A_2621 : vector<16xi32>
        %ge3A_2623 = arith.cmpi sge, %bitcast_convert_type3A_2195, %or3A_2610 : vector<16xi32>
        %all_reduce_population_count3A_2624 = tpu.all_reduce %ge3A_2623 {dim = 0 : i64, kind = #tpu.reduction_kind<sum>} : vector<16xi1> -> vector<16xi32>
        %add3A_2625 = arith.addi %add3A_2622, %all_reduce_population_count3A_2624 : vector<16xi32>
        %ge3A_2626 = arith.cmpi sge, %bitcast_convert_type3A_2198, %or3A_2610 : vector<16xi32>
        %all_reduce_population_count3A_2627 = tpu.all_reduce %ge3A_2626 {dim = 0 : i64, kind = #tpu.reduction_kind<sum>} : vector<16xi1> -> vector<16xi32>
        %add3A_2628 = arith.addi %add3A_2625, %all_reduce_population_count3A_2627 : vector<16xi32>
        %ge3A_2629 = arith.cmpi sge, %bitcast_convert_type3A_2201, %or3A_2610 : vector<16xi32>
        %all_reduce_population_count3A_2630 = tpu.all_reduce %ge3A_2629 {dim = 0 : i64, kind = #tpu.reduction_kind<sum>} : vector<16xi1> -> vector<16xi32>
        %add3A_2631 = arith.addi %add3A_2628, %all_reduce_population_count3A_2630 : vector<16xi32>
        %ge3A_2632 = arith.cmpi sge, %bitcast_convert_type3A_2204, %or3A_2610 : vector<16xi32>
        %all_reduce_population_count3A_2633 = tpu.all_reduce %ge3A_2632 {dim = 0 : i64, kind = #tpu.reduction_kind<sum>} : vector<16xi1> -> vector<16xi32>
        %add3A_2634 = arith.addi %add3A_2631, %all_reduce_population_count3A_2633 : vector<16xi32>
        %ge3A_2635 = arith.constant 64 : i32
        %ge3A_2636 = vector.broadcast %ge3A_2635 : i32 to vector<16xi32>
        %ge3A_2637 = arith.cmpi sge, %add3A_2634, %ge3A_2636 : vector<16xi32>
        %select_n3A_2638 = arith.select %ge3A_2637, %or3A_2610, %select_n3A_2607 : vector<16xi1>, vector<16xi32>
        %or3A_2639 = arith.constant 65536 : i32
        %or3A_2640 = vector.broadcast %or3A_2639 : i32 to vector<16xi32>
        %or3A_2641 = arith.ori %select_n3A_2638, %or3A_2640 : vector<16xi32>
        %ge3A_2642 = arith.cmpi sge, %bitcast_convert_type3A_2183, %or3A_2641 : vector<16xi32>
        %all_reduce_population_count3A_2643 = tpu.all_reduce %ge3A_2642 {dim = 0 : i64, kind = #tpu.reduction_kind<sum>} : vector<16xi1> -> vector<16xi32>
        %add3A_2644 = arith.addi %broadcast_in_dim3A_5, %all_reduce_population_count3A_2643 : vector<16xi32>
        %ge3A_2645 = arith.cmpi sge, %bitcast_convert_type3A_2186, %or3A_2641 : vector<16xi32>
        %all_reduce_population_count3A_2646 = tpu.all_reduce %ge3A_2645 {dim = 0 : i64, kind = #tpu.reduction_kind<sum>} : vector<16xi1> -> vector<16xi32>
        %add3A_2647 = arith.addi %add3A_2644, %all_reduce_population_count3A_2646 : vector<16xi32>
        %ge3A_2648 = arith.cmpi sge, %bitcast_convert_type3A_2189, %or3A_2641 : vector<16xi32>
        %all_reduce_population_count3A_2649 = tpu.all_reduce %ge3A_2648 {dim = 0 : i64, kind = #tpu.reduction_kind<sum>} : vector<16xi1> -> vector<16xi32>
        %add3A_2650 = arith.addi %add3A_2647, %all_reduce_population_count3A_2649 : vector<16xi32>
        %ge3A_2651 = arith.cmpi sge, %bitcast_convert_type3A_2192, %or3A_2641 : vector<16xi32>
        %all_reduce_population_count3A_2652 = tpu.all_reduce %ge3A_2651 {dim = 0 : i64, kind = #tpu.reduction_kind<sum>} : vector<16xi1> -> vector<16xi32>
        %add3A_2653 = arith.addi %add3A_2650, %all_reduce_population_count3A_2652 : vector<16xi32>
        %ge3A_2654 = arith.cmpi sge, %bitcast_convert_type3A_2195, %or3A_2641 : vector<16xi32>
        %all_reduce_population_count3A_2655 = tpu.all_reduce %ge3A_2654 {dim = 0 : i64, kind = #tpu.reduction_kind<sum>} : vector<16xi1> -> vector<16xi32>
        %add3A_2656 = arith.addi %add3A_2653, %all_reduce_population_count3A_2655 : vector<16xi32>
        %ge3A_2657 = arith.cmpi sge, %bitcast_convert_type3A_2198, %or3A_2641 : vector<16xi32>
        %all_reduce_population_count3A_2658 = tpu.all_reduce %ge3A_2657 {dim = 0 : i64, kind = #tpu.reduction_kind<sum>} : vector<16xi1> -> vector<16xi32>
        %add3A_2659 = arith.addi %add3A_2656, %all_reduce_population_count3A_2658 : vector<16xi32>
        %ge3A_2660 = arith.cmpi sge, %bitcast_convert_type3A_2201, %or3A_2641 : vector<16xi32>
        %all_reduce_population_count3A_2661 = tpu.all_reduce %ge3A_2660 {dim = 0 : i64, kind = #tpu.reduction_kind<sum>} : vector<16xi1> -> vector<16xi32>
        %add3A_2662 = arith.addi %add3A_2659, %all_reduce_population_count3A_2661 : vector<16xi32>
        %ge3A_2663 = arith.cmpi sge, %bitcast_convert_type3A_2204, %or3A_2641 : vector<16xi32>
        %all_reduce_population_count3A_2664 = tpu.all_reduce %ge3A_2663 {dim = 0 : i64, kind = #tpu.reduction_kind<sum>} : vector<16xi1> -> vector<16xi32>
        %add3A_2665 = arith.addi %add3A_2662, %all_reduce_population_count3A_2664 : vector<16xi32>
        %ge3A_2666 = arith.constant 64 : i32
        %ge3A_2667 = vector.broadcast %ge3A_2666 : i32 to vector<16xi32>
        %ge3A_2668 = arith.cmpi sge, %add3A_2665, %ge3A_2667 : vector<16xi32>
        %select_n3A_2669 = arith.select %ge3A_2668, %or3A_2641, %select_n3A_2638 : vector<16xi1>, vector<16xi32>
        %or3A_2670 = arith.constant 32768 : i32
        %or3A_2671 = vector.broadcast %or3A_2670 : i32 to vector<16xi32>
        %or3A_2672 = arith.ori %select_n3A_2669, %or3A_2671 : vector<16xi32>
        %ge3A_2673 = arith.cmpi sge, %bitcast_convert_type3A_2183, %or3A_2672 : vector<16xi32>
        %all_reduce_population_count3A_2674 = tpu.all_reduce %ge3A_2673 {dim = 0 : i64, kind = #tpu.reduction_kind<sum>} : vector<16xi1> -> vector<16xi32>
        %add3A_2675 = arith.addi %broadcast_in_dim3A_5, %all_reduce_population_count3A_2674 : vector<16xi32>
        %ge3A_2676 = arith.cmpi sge, %bitcast_convert_type3A_2186, %or3A_2672 : vector<16xi32>
        %all_reduce_population_count3A_2677 = tpu.all_reduce %ge3A_2676 {dim = 0 : i64, kind = #tpu.reduction_kind<sum>} : vector<16xi1> -> vector<16xi32>
        %add3A_2678 = arith.addi %add3A_2675, %all_reduce_population_count3A_2677 : vector<16xi32>
        %ge3A_2679 = arith.cmpi sge, %bitcast_convert_type3A_2189, %or3A_2672 : vector<16xi32>
        %all_reduce_population_count3A_2680 = tpu.all_reduce %ge3A_2679 {dim = 0 : i64, kind = #tpu.reduction_kind<sum>} : vector<16xi1> -> vector<16xi32>
        %add3A_2681 = arith.addi %add3A_2678, %all_reduce_population_count3A_2680 : vector<16xi32>
        %ge3A_2682 = arith.cmpi sge, %bitcast_convert_type3A_2192, %or3A_2672 : vector<16xi32>
        %all_reduce_population_count3A_2683 = tpu.all_reduce %ge3A_2682 {dim = 0 : i64, kind = #tpu.reduction_kind<sum>} : vector<16xi1> -> vector<16xi32>
        %add3A_2684 = arith.addi %add3A_2681, %all_reduce_population_count3A_2683 : vector<16xi32>
        %ge3A_2685 = arith.cmpi sge, %bitcast_convert_type3A_2195, %or3A_2672 : vector<16xi32>
        %all_reduce_population_count3A_2686 = tpu.all_reduce %ge3A_2685 {dim = 0 : i64, kind = #tpu.reduction_kind<sum>} : vector<16xi1> -> vector<16xi32>
        %add3A_2687 = arith.addi %add3A_2684, %all_reduce_population_count3A_2686 : vector<16xi32>
        %ge3A_2688 = arith.cmpi sge, %bitcast_convert_type3A_2198, %or3A_2672 : vector<16xi32>
        %all_reduce_population_count3A_2689 = tpu.all_reduce %ge3A_2688 {dim = 0 : i64, kind = #tpu.reduction_kind<sum>} : vector<16xi1> -> vector<16xi32>
        %add3A_2690 = arith.addi %add3A_2687, %all_reduce_population_count3A_2689 : vector<16xi32>
        %ge3A_2691 = arith.cmpi sge, %bitcast_convert_type3A_2201, %or3A_2672 : vector<16xi32>
        %all_reduce_population_count3A_2692 = tpu.all_reduce %ge3A_2691 {dim = 0 : i64, kind = #tpu.reduction_kind<sum>} : vector<16xi1> -> vector<16xi32>
        %add3A_2693 = arith.addi %add3A_2690, %all_reduce_population_count3A_2692 : vector<16xi32>
        %ge3A_2694 = arith.cmpi sge, %bitcast_convert_type3A_2204, %or3A_2672 : vector<16xi32>
        %all_reduce_population_count3A_2695 = tpu.all_reduce %ge3A_2694 {dim = 0 : i64, kind = #tpu.reduction_kind<sum>} : vector<16xi1> -> vector<16xi32>
        %add3A_2696 = arith.addi %add3A_2693, %all_reduce_population_count3A_2695 : vector<16xi32>
        %ge3A_2697 = arith.constant 64 : i32
        %ge3A_2698 = vector.broadcast %ge3A_2697 : i32 to vector<16xi32>
        %ge3A_2699 = arith.cmpi sge, %add3A_2696, %ge3A_2698 : vector<16xi32>
        %select_n3A_2700 = arith.select %ge3A_2699, %or3A_2672, %select_n3A_2669 : vector<16xi1>, vector<16xi32>
        %or3A_2701 = arith.constant 16384 : i32
        %or3A_2702 = vector.broadcast %or3A_2701 : i32 to vector<16xi32>
        %or3A_2703 = arith.ori %select_n3A_2700, %or3A_2702 : vector<16xi32>
        %ge3A_2704 = arith.cmpi sge, %bitcast_convert_type3A_2183, %or3A_2703 : vector<16xi32>
        %all_reduce_population_count3A_2705 = tpu.all_reduce %ge3A_2704 {dim = 0 : i64, kind = #tpu.reduction_kind<sum>} : vector<16xi1> -> vector<16xi32>
        %add3A_2706 = arith.addi %broadcast_in_dim3A_5, %all_reduce_population_count3A_2705 : vector<16xi32>
        %ge3A_2707 = arith.cmpi sge, %bitcast_convert_type3A_2186, %or3A_2703 : vector<16xi32>
        %all_reduce_population_count3A_2708 = tpu.all_reduce %ge3A_2707 {dim = 0 : i64, kind = #tpu.reduction_kind<sum>} : vector<16xi1> -> vector<16xi32>
        %add3A_2709 = arith.addi %add3A_2706, %all_reduce_population_count3A_2708 : vector<16xi32>
        %ge3A_2710 = arith.cmpi sge, %bitcast_convert_type3A_2189, %or3A_2703 : vector<16xi32>
        %all_reduce_population_count3A_2711 = tpu.all_reduce %ge3A_2710 {dim = 0 : i64, kind = #tpu.reduction_kind<sum>} : vector<16xi1> -> vector<16xi32>
        %add3A_2712 = arith.addi %add3A_2709, %all_reduce_population_count3A_2711 : vector<16xi32>
        %ge3A_2713 = arith.cmpi sge, %bitcast_convert_type3A_2192, %or3A_2703 : vector<16xi32>
        %all_reduce_population_count3A_2714 = tpu.all_reduce %ge3A_2713 {dim = 0 : i64, kind = #tpu.reduction_kind<sum>} : vector<16xi1> -> vector<16xi32>
        %add3A_2715 = arith.addi %add3A_2712, %all_reduce_population_count3A_2714 : vector<16xi32>
        %ge3A_2716 = arith.cmpi sge, %bitcast_convert_type3A_2195, %or3A_2703 : vector<16xi32>
        %all_reduce_population_count3A_2717 = tpu.all_reduce %ge3A_2716 {dim = 0 : i64, kind = #tpu.reduction_kind<sum>} : vector<16xi1> -> vector<16xi32>
        %add3A_2718 = arith.addi %add3A_2715, %all_reduce_population_count3A_2717 : vector<16xi32>
        %ge3A_2719 = arith.cmpi sge, %bitcast_convert_type3A_2198, %or3A_2703 : vector<16xi32>
        %all_reduce_population_count3A_2720 = tpu.all_reduce %ge3A_2719 {dim = 0 : i64, kind = #tpu.reduction_kind<sum>} : vector<16xi1> -> vector<16xi32>
        %add3A_2721 = arith.addi %add3A_2718, %all_reduce_population_count3A_2720 : vector<16xi32>
        %ge3A_2722 = arith.cmpi sge, %bitcast_convert_type3A_2201, %or3A_2703 : vector<16xi32>
        %all_reduce_population_count3A_2723 = tpu.all_reduce %ge3A_2722 {dim = 0 : i64, kind = #tpu.reduction_kind<sum>} : vector<16xi1> -> vector<16xi32>
        %add3A_2724 = arith.addi %add3A_2721, %all_reduce_population_count3A_2723 : vector<16xi32>
        %ge3A_2725 = arith.cmpi sge, %bitcast_convert_type3A_2204, %or3A_2703 : vector<16xi32>
        %all_reduce_population_count3A_2726 = tpu.all_reduce %ge3A_2725 {dim = 0 : i64, kind = #tpu.reduction_kind<sum>} : vector<16xi1> -> vector<16xi32>
        %add3A_2727 = arith.addi %add3A_2724, %all_reduce_population_count3A_2726 : vector<16xi32>
        %ge3A_2728 = arith.constant 64 : i32
        %ge3A_2729 = vector.broadcast %ge3A_2728 : i32 to vector<16xi32>
        %ge3A_2730 = arith.cmpi sge, %add3A_2727, %ge3A_2729 : vector<16xi32>
        %select_n3A_2731 = arith.select %ge3A_2730, %or3A_2703, %select_n3A_2700 : vector<16xi1>, vector<16xi32>
        %or3A_2732 = arith.constant 8192 : i32
        %or3A_2733 = vector.broadcast %or3A_2732 : i32 to vector<16xi32>
        %or3A_2734 = arith.ori %select_n3A_2731, %or3A_2733 : vector<16xi32>
        %ge3A_2735 = arith.cmpi sge, %bitcast_convert_type3A_2183, %or3A_2734 : vector<16xi32>
        %all_reduce_population_count3A_2736 = tpu.all_reduce %ge3A_2735 {dim = 0 : i64, kind = #tpu.reduction_kind<sum>} : vector<16xi1> -> vector<16xi32>
        %add3A_2737 = arith.addi %broadcast_in_dim3A_5, %all_reduce_population_count3A_2736 : vector<16xi32>
        %ge3A_2738 = arith.cmpi sge, %bitcast_convert_type3A_2186, %or3A_2734 : vector<16xi32>
        %all_reduce_population_count3A_2739 = tpu.all_reduce %ge3A_2738 {dim = 0 : i64, kind = #tpu.reduction_kind<sum>} : vector<16xi1> -> vector<16xi32>
        %add3A_2740 = arith.addi %add3A_2737, %all_reduce_population_count3A_2739 : vector<16xi32>
        %ge3A_2741 = arith.cmpi sge, %bitcast_convert_type3A_2189, %or3A_2734 : vector<16xi32>
        %all_reduce_population_count3A_2742 = tpu.all_reduce %ge3A_2741 {dim = 0 : i64, kind = #tpu.reduction_kind<sum>} : vector<16xi1> -> vector<16xi32>
        %add3A_2743 = arith.addi %add3A_2740, %all_reduce_population_count3A_2742 : vector<16xi32>
        %ge3A_2744 = arith.cmpi sge, %bitcast_convert_type3A_2192, %or3A_2734 : vector<16xi32>
        %all_reduce_population_count3A_2745 = tpu.all_reduce %ge3A_2744 {dim = 0 : i64, kind = #tpu.reduction_kind<sum>} : vector<16xi1> -> vector<16xi32>
        %add3A_2746 = arith.addi %add3A_2743, %all_reduce_population_count3A_2745 : vector<16xi32>
        %ge3A_2747 = arith.cmpi sge, %bitcast_convert_type3A_2195, %or3A_2734 : vector<16xi32>
        %all_reduce_population_count3A_2748 = tpu.all_reduce %ge3A_2747 {dim = 0 : i64, kind = #tpu.reduction_kind<sum>} : vector<16xi1> -> vector<16xi32>
        %add3A_2749 = arith.addi %add3A_2746, %all_reduce_population_count3A_2748 : vector<16xi32>
        %ge3A_2750 = arith.cmpi sge, %bitcast_convert_type3A_2198, %or3A_2734 : vector<16xi32>
        %all_reduce_population_count3A_2751 = tpu.all_reduce %ge3A_2750 {dim = 0 : i64, kind = #tpu.reduction_kind<sum>} : vector<16xi1> -> vector<16xi32>
        %add3A_2752 = arith.addi %add3A_2749, %all_reduce_population_count3A_2751 : vector<16xi32>
        %ge3A_2753 = arith.cmpi sge, %bitcast_convert_type3A_2201, %or3A_2734 : vector<16xi32>
        %all_reduce_population_count3A_2754 = tpu.all_reduce %ge3A_2753 {dim = 0 : i64, kind = #tpu.reduction_kind<sum>} : vector<16xi1> -> vector<16xi32>
        %add3A_2755 = arith.addi %add3A_2752, %all_reduce_population_count3A_2754 : vector<16xi32>
        %ge3A_2756 = arith.cmpi sge, %bitcast_convert_type3A_2204, %or3A_2734 : vector<16xi32>
        %all_reduce_population_count3A_2757 = tpu.all_reduce %ge3A_2756 {dim = 0 : i64, kind = #tpu.reduction_kind<sum>} : vector<16xi1> -> vector<16xi32>
        %add3A_2758 = arith.addi %add3A_2755, %all_reduce_population_count3A_2757 : vector<16xi32>
        %ge3A_2759 = arith.constant 64 : i32
        %ge3A_2760 = vector.broadcast %ge3A_2759 : i32 to vector<16xi32>
        %ge3A_2761 = arith.cmpi sge, %add3A_2758, %ge3A_2760 : vector<16xi32>
        %select_n3A_2762 = arith.select %ge3A_2761, %or3A_2734, %select_n3A_2731 : vector<16xi1>, vector<16xi32>
        %bitcast_convert_type3A_2763 = tpu.bitcast %select_n3A_2762 : vector<16xi32> -> vector<16xf32>
        %swap3A_2764 = arith.constant 0 : index
        %swap3A_2765 = tpu.vector_load %arg7[%swap3A_2764] {strides = array<i32>} : memref<512xi32, #tpu.memory_space<vmem>>, vector<16xi32>,
        tpu.vector_store %arg7[%swap3A_2764], %broadcast_in_dim3A_5 {strides = array<i32>} : memref<512xi32, #tpu.memory_space<vmem>>, vector<16xi32>,
        %swap3A_2766 = arith.constant 16 : index
        %swap3A_2767 = tpu.vector_load %arg7[%swap3A_2766] {strides = array<i32>} : memref<512xi32, #tpu.memory_space<vmem>>, vector<16xi32>,
        tpu.vector_store %arg7[%swap3A_2766], %broadcast_in_dim3A_5 {strides = array<i32>} : memref<512xi32, #tpu.memory_space<vmem>>, vector<16xi32>,
        %swap3A_2768 = arith.constant 32 : index
        %swap3A_2769 = tpu.vector_load %arg7[%swap3A_2768] {strides = array<i32>} : memref<512xi32, #tpu.memory_space<vmem>>, vector<16xi32>,
        tpu.vector_store %arg7[%swap3A_2768], %broadcast_in_dim3A_5 {strides = array<i32>} : memref<512xi32, #tpu.memory_space<vmem>>, vector<16xi32>,
        %swap3A_2770 = arith.constant 48 : index
        %swap3A_2771 = tpu.vector_load %arg7[%swap3A_2770] {strides = array<i32>} : memref<512xi32, #tpu.memory_space<vmem>>, vector<16xi32>,
        tpu.vector_store %arg7[%swap3A_2770], %broadcast_in_dim3A_5 {strides = array<i32>} : memref<512xi32, #tpu.memory_space<vmem>>, vector<16xi32>,
        %swap3A_2772 = arith.constant 64 : index
        %swap3A_2773 = tpu.vector_load %arg7[%swap3A_2772] {strides = array<i32>} : memref<512xi32, #tpu.memory_space<vmem>>, vector<16xi32>,
        tpu.vector_store %arg7[%swap3A_2772], %broadcast_in_dim3A_5 {strides = array<i32>} : memref<512xi32, #tpu.memory_space<vmem>>, vector<16xi32>,
        %swap3A_2774 = arith.constant 80 : index
        %swap3A_2775 = tpu.vector_load %arg7[%swap3A_2774] {strides = array<i32>} : memref<512xi32, #tpu.memory_space<vmem>>, vector<16xi32>,
        tpu.vector_store %arg7[%swap3A_2774], %broadcast_in_dim3A_5 {strides = array<i32>} : memref<512xi32, #tpu.memory_space<vmem>>, vector<16xi32>,
        %swap3A_2776 = arith.constant 96 : index
        %swap3A_2777 = tpu.vector_load %arg7[%swap3A_2776] {strides = array<i32>} : memref<512xi32, #tpu.memory_space<vmem>>, vector<16xi32>,
        tpu.vector_store %arg7[%swap3A_2776], %broadcast_in_dim3A_5 {strides = array<i32>} : memref<512xi32, #tpu.memory_space<vmem>>, vector<16xi32>,
        %swap3A_2778 = arith.constant 112 : index
        %swap3A_2779 = tpu.vector_load %arg7[%swap3A_2778] {strides = array<i32>} : memref<512xi32, #tpu.memory_space<vmem>>, vector<16xi32>,
        tpu.vector_store %arg7[%swap3A_2778], %broadcast_in_dim3A_5 {strides = array<i32>} : memref<512xi32, #tpu.memory_space<vmem>>, vector<16xi32>,
        %swap3A_2780 = arith.constant 128 : index
        %swap3A_2781 = tpu.vector_load %arg7[%swap3A_2780] {strides = array<i32>} : memref<512xi32, #tpu.memory_space<vmem>>, vector<16xi32>,
        tpu.vector_store %arg7[%swap3A_2780], %broadcast_in_dim3A_5 {strides = array<i32>} : memref<512xi32, #tpu.memory_space<vmem>>, vector<16xi32>,
        %swap3A_2782 = arith.constant 144 : index
        %swap3A_2783 = tpu.vector_load %arg7[%swap3A_2782] {strides = array<i32>} : memref<512xi32, #tpu.memory_space<vmem>>, vector<16xi32>,
        tpu.vector_store %arg7[%swap3A_2782], %broadcast_in_dim3A_5 {strides = array<i32>} : memref<512xi32, #tpu.memory_space<vmem>>, vector<16xi32>,
        %swap3A_2784 = arith.constant 160 : index
        %swap3A_2785 = tpu.vector_load %arg7[%swap3A_2784] {strides = array<i32>} : memref<512xi32, #tpu.memory_space<vmem>>, vector<16xi32>,
        tpu.vector_store %arg7[%swap3A_2784], %broadcast_in_dim3A_5 {strides = array<i32>} : memref<512xi32, #tpu.memory_space<vmem>>, vector<16xi32>,
        %swap3A_2786 = arith.constant 176 : index
        %swap3A_2787 = tpu.vector_load %arg7[%swap3A_2786] {strides = array<i32>} : memref<512xi32, #tpu.memory_space<vmem>>, vector<16xi32>,
        tpu.vector_store %arg7[%swap3A_2786], %broadcast_in_dim3A_5 {strides = array<i32>} : memref<512xi32, #tpu.memory_space<vmem>>, vector<16xi32>,
        %swap3A_2788 = arith.constant 192 : index
        %swap3A_2789 = tpu.vector_load %arg7[%swap3A_2788] {strides = array<i32>} : memref<512xi32, #tpu.memory_space<vmem>>, vector<16xi32>,
        tpu.vector_store %arg7[%swap3A_2788], %broadcast_in_dim3A_5 {strides = array<i32>} : memref<512xi32, #tpu.memory_space<vmem>>, vector<16xi32>,
        %swap3A_2790 = arith.constant 208 : index
        %swap3A_2791 = tpu.vector_load %arg7[%swap3A_2790] {strides = array<i32>} : memref<512xi32, #tpu.memory_space<vmem>>, vector<16xi32>,
        tpu.vector_store %arg7[%swap3A_2790], %broadcast_in_dim3A_5 {strides = array<i32>} : memref<512xi32, #tpu.memory_space<vmem>>, vector<16xi32>,
        %swap3A_2792 = arith.constant 224 : index
        %swap3A_2793 = tpu.vector_load %arg7[%swap3A_2792] {strides = array<i32>} : memref<512xi32, #tpu.memory_space<vmem>>, vector<16xi32>,
        tpu.vector_store %arg7[%swap3A_2792], %broadcast_in_dim3A_5 {strides = array<i32>} : memref<512xi32, #tpu.memory_space<vmem>>, vector<16xi32>,
        %swap3A_2794 = arith.constant 240 : index
        %swap3A_2795 = tpu.vector_load %arg7[%swap3A_2794] {strides = array<i32>} : memref<512xi32, #tpu.memory_space<vmem>>, vector<16xi32>,
        tpu.vector_store %arg7[%swap3A_2794], %broadcast_in_dim3A_5 {strides = array<i32>} : memref<512xi32, #tpu.memory_space<vmem>>, vector<16xi32>,
        %swap3A_2796 = arith.constant 256 : index
        %swap3A_2797 = tpu.vector_load %arg7[%swap3A_2796] {strides = array<i32>} : memref<512xi32, #tpu.memory_space<vmem>>, vector<16xi32>,
        tpu.vector_store %arg7[%swap3A_2796], %broadcast_in_dim3A_5 {strides = array<i32>} : memref<512xi32, #tpu.memory_space<vmem>>, vector<16xi32>,
        %swap3A_2798 = arith.constant 272 : index
        %swap3A_2799 = tpu.vector_load %arg7[%swap3A_2798] {strides = array<i32>} : memref<512xi32, #tpu.memory_space<vmem>>, vector<16xi32>,
        tpu.vector_store %arg7[%swap3A_2798], %broadcast_in_dim3A_5 {strides = array<i32>} : memref<512xi32, #tpu.memory_space<vmem>>, vector<16xi32>,
        %swap3A_2800 = arith.constant 288 : index
        %swap3A_2801 = tpu.vector_load %arg7[%swap3A_2800] {strides = array<i32>} : memref<512xi32, #tpu.memory_space<vmem>>, vector<16xi32>,
        tpu.vector_store %arg7[%swap3A_2800], %broadcast_in_dim3A_5 {strides = array<i32>} : memref<512xi32, #tpu.memory_space<vmem>>, vector<16xi32>,
        %swap3A_2802 = arith.constant 304 : index
        %swap3A_2803 = tpu.vector_load %arg7[%swap3A_2802] {strides = array<i32>} : memref<512xi32, #tpu.memory_space<vmem>>, vector<16xi32>,
        tpu.vector_store %arg7[%swap3A_2802], %broadcast_in_dim3A_5 {strides = array<i32>} : memref<512xi32, #tpu.memory_space<vmem>>, vector<16xi32>,
        %swap3A_2804 = arith.constant 320 : index
        %swap3A_2805 = tpu.vector_load %arg7[%swap3A_2804] {strides = array<i32>} : memref<512xi32, #tpu.memory_space<vmem>>, vector<16xi32>,
        tpu.vector_store %arg7[%swap3A_2804], %broadcast_in_dim3A_5 {strides = array<i32>} : memref<512xi32, #tpu.memory_space<vmem>>, vector<16xi32>,
        %swap3A_2806 = arith.constant 336 : index
        %swap3A_2807 = tpu.vector_load %arg7[%swap3A_2806] {strides = array<i32>} : memref<512xi32, #tpu.memory_space<vmem>>, vector<16xi32>,
        tpu.vector_store %arg7[%swap3A_2806], %broadcast_in_dim3A_5 {strides = array<i32>} : memref<512xi32, #tpu.memory_space<vmem>>, vector<16xi32>,
        %swap3A_2808 = arith.constant 352 : index
        %swap3A_2809 = tpu.vector_load %arg7[%swap3A_2808] {strides = array<i32>} : memref<512xi32, #tpu.memory_space<vmem>>, vector<16xi32>,
        tpu.vector_store %arg7[%swap3A_2808], %broadcast_in_dim3A_5 {strides = array<i32>} : memref<512xi32, #tpu.memory_space<vmem>>, vector<16xi32>,
        %swap3A_2810 = arith.constant 368 : index
        %swap3A_2811 = tpu.vector_load %arg7[%swap3A_2810] {strides = array<i32>} : memref<512xi32, #tpu.memory_space<vmem>>, vector<16xi32>,
        tpu.vector_store %arg7[%swap3A_2810], %broadcast_in_dim3A_5 {strides = array<i32>} : memref<512xi32, #tpu.memory_space<vmem>>, vector<16xi32>,
        %swap3A_2812 = arith.constant 384 : index
        %swap3A_2813 = tpu.vector_load %arg7[%swap3A_2812] {strides = array<i32>} : memref<512xi32, #tpu.memory_space<vmem>>, vector<16xi32>,
        tpu.vector_store %arg7[%swap3A_2812], %broadcast_in_dim3A_5 {strides = array<i32>} : memref<512xi32, #tpu.memory_space<vmem>>, vector<16xi32>,
        %swap3A_2814 = arith.constant 400 : index
        %swap3A_2815 = tpu.vector_load %arg7[%swap3A_2814] {strides = array<i32>} : memref<512xi32, #tpu.memory_space<vmem>>, vector<16xi32>,
        tpu.vector_store %arg7[%swap3A_2814], %broadcast_in_dim3A_5 {strides = array<i32>} : memref<512xi32, #tpu.memory_space<vmem>>, vector<16xi32>,
        %swap3A_2816 = arith.constant 416 : index
        %swap3A_2817 = tpu.vector_load %arg7[%swap3A_2816] {strides = array<i32>} : memref<512xi32, #tpu.memory_space<vmem>>, vector<16xi32>,
        tpu.vector_store %arg7[%swap3A_2816], %broadcast_in_dim3A_5 {strides = array<i32>} : memref<512xi32, #tpu.memory_space<vmem>>, vector<16xi32>,
        %swap3A_2818 = arith.constant 432 : index
        %swap3A_2819 = tpu.vector_load %arg7[%swap3A_2818] {strides = array<i32>} : memref<512xi32, #tpu.memory_space<vmem>>, vector<16xi32>,
        tpu.vector_store %arg7[%swap3A_2818], %broadcast_in_dim3A_5 {strides = array<i32>} : memref<512xi32, #tpu.memory_space<vmem>>, vector<16xi32>,
        %swap3A_2820 = arith.constant 448 : index
        %swap3A_2821 = tpu.vector_load %arg7[%swap3A_2820] {strides = array<i32>} : memref<512xi32, #tpu.memory_space<vmem>>, vector<16xi32>,
        tpu.vector_store %arg7[%swap3A_2820], %broadcast_in_dim3A_5 {strides = array<i32>} : memref<512xi32, #tpu.memory_space<vmem>>, vector<16xi32>,
        %swap3A_2822 = arith.constant 464 : index
        %swap3A_2823 = tpu.vector_load %arg7[%swap3A_2822] {strides = array<i32>} : memref<512xi32, #tpu.memory_space<vmem>>, vector<16xi32>,
        tpu.vector_store %arg7[%swap3A_2822], %broadcast_in_dim3A_5 {strides = array<i32>} : memref<512xi32, #tpu.memory_space<vmem>>, vector<16xi32>,
        %swap3A_2824 = arith.constant 480 : index
        %swap3A_2825 = tpu.vector_load %arg7[%swap3A_2824] {strides = array<i32>} : memref<512xi32, #tpu.memory_space<vmem>>, vector<16xi32>,
        tpu.vector_store %arg7[%swap3A_2824], %broadcast_in_dim3A_5 {strides = array<i32>} : memref<512xi32, #tpu.memory_space<vmem>>, vector<16xi32>,
        %swap3A_2826 = arith.constant 496 : index
        %swap3A_2827 = tpu.vector_load %arg7[%swap3A_2826] {strides = array<i32>} : memref<512xi32, #tpu.memory_space<vmem>>, vector<16xi32>,
        tpu.vector_store %arg7[%swap3A_2826], %broadcast_in_dim3A_5 {strides = array<i32>} : memref<512xi32, #tpu.memory_space<vmem>>, vector<16xi32>,
        %parallel_loop3A_2828 = arith.constant 0 : i32
        %parallel_loop3A_2829 = arith.constant 2048 : i32
        %parallel_loop3A_2830 = arith.constant 1 : i32
        %parallel_loop3A_2831 = scf.for %parallel_loop3A_2904 = %parallel_loop3A_2828 to %parallel_loop3A_2829 step %parallel_loop3A_2830 iter_args(%parallel_loop3A_2905 = %iota3A) -> (vector<16xi32>)  : i32 {
          %parallel_loop3A_2906 = arith.constant 16 : i32
          %parallel_loop3A_2907 = arith.muli %parallel_loop3A_2904, %parallel_loop3A_2906 : i32
          %parallel_loop3A_2908 = arith.addi %mul3A_45, %parallel_loop3A_2907 : i32
          %parallel_loop3A_2909 = arith.index_cast %parallel_loop3A_2908 : i32 to index
          %parallel_loop3A_2910 = tpu.vector_load %arg4[%parallel_loop3A_2909] {strides = array<i32>} : memref<65536xf32, #tpu.memory_space<vmem>>, vector<16xf32>,
          %parallel_loop3A_2911 = arith.cmpf oge, %parallel_loop3A_2910, %bitcast_convert_type3A_2763 : vector<16xf32>
          %parallel_loop3A_2912 = arith.constant 511 : i32
          %parallel_loop3A_2913 = vector.broadcast %parallel_loop3A_2912 : i32 to vector<16xi32>
          %parallel_loop3A_2914 = arith.andi %parallel_loop3A_2905, %parallel_loop3A_2913 : vector<16xi32>
          %parallel_loop3A_2915 = arith.constant 16 : i32
          %parallel_loop3A_2916 = arith.muli %parallel_loop3A_2904, %parallel_loop3A_2915 : i32
          %parallel_loop3A_2917 = vector.broadcast %parallel_loop3A_2916 : i32 to vector<16xi32>
          %parallel_loop3A_2918 = arith.addi %iota3A, %parallel_loop3A_2917 : vector<16xi32>
          tpu.vector_store_idx %arg7[%parallel_loop3A_2914], %parallel_loop3A_2918 masked %parallel_loop3A_2911 : memref<512xi32, #tpu.memory_space<vmem>>[vector<16xi32>], vector<16xi32>, vector<16xi1>
          %parallel_loop3A_2919 = arith.constant 16 : i32
          %parallel_loop3A_2920 = arith.constant 0 : i32
          %parallel_loop3A_2921 = vector.broadcast %parallel_loop3A_2919 : i32 to vector<16xi32>
          %parallel_loop3A_2922 = vector.broadcast %parallel_loop3A_2920 : i32 to vector<16xi32>
          %parallel_loop3A_2923 = arith.select %parallel_loop3A_2911, %parallel_loop3A_2921, %parallel_loop3A_2922 : vector<16xi1>, vector<16xi32>
          %parallel_loop3A_2924 = arith.addi %parallel_loop3A_2905, %parallel_loop3A_2923 : vector<16xi32>
          scf.yield %parallel_loop3A_2924 : vector<16xi32>
        } {sc.loop_unroll_factor = 16 : i64, sc.parallel_access}
        %sub3A_2832 = arith.subi %parallel_loop3A_2831, %iota3A : vector<16xi32>
        %shift_right_logical3A_2833 = arith.constant 4 : i32
        %shift_right_logical3A_2834 = vector.broadcast %shift_right_logical3A_2833 : i32 to vector<16xi32>
        %shift_right_logical3A_2835 = arith.shrui %sub3A_2832, %shift_right_logical3A_2834 : vector<16xi32>
        %swap3A_2836 = arith.constant 0 : index
        %swap3A_2837 = tpu.vector_load %arg8[%swap3A_2836] {strides = array<i32>} : memref<256xi32, #tpu.memory_space<vmem>>, vector<16xi32>,
        tpu.vector_store %arg8[%swap3A_2836], %broadcast_in_dim3A_5 {strides = array<i32>} : memref<256xi32, #tpu.memory_space<vmem>>, vector<16xi32>,
        %swap3A_2838 = arith.constant 0 : index
        %swap3A_2839 = tpu.vector_load %arg9[%swap3A_2838] {strides = array<i32>} : memref<256xf32, #tpu.memory_space<vmem>>, vector<16xf32>,
        tpu.vector_store %arg9[%swap3A_2838], %broadcast_in_dim3A_3 {strides = array<i32>} : memref<256xf32, #tpu.memory_space<vmem>>, vector<16xf32>,
        %swap3A_2840 = arith.constant 16 : index
        %swap3A_2841 = tpu.vector_load %arg8[%swap3A_2840] {strides = array<i32>} : memref<256xi32, #tpu.memory_space<vmem>>, vector<16xi32>,
        tpu.vector_store %arg8[%swap3A_2840], %broadcast_in_dim3A_5 {strides = array<i32>} : memref<256xi32, #tpu.memory_space<vmem>>, vector<16xi32>,
        %swap3A_2842 = arith.constant 16 : index
        %swap3A_2843 = tpu.vector_load %arg9[%swap3A_2842] {strides = array<i32>} : memref<256xf32, #tpu.memory_space<vmem>>, vector<16xf32>,
        tpu.vector_store %arg9[%swap3A_2842], %broadcast_in_dim3A_3 {strides = array<i32>} : memref<256xf32, #tpu.memory_space<vmem>>, vector<16xf32>,
        %swap3A_2844 = arith.constant 32 : index
        %swap3A_2845 = tpu.vector_load %arg8[%swap3A_2844] {strides = array<i32>} : memref<256xi32, #tpu.memory_space<vmem>>, vector<16xi32>,
        tpu.vector_store %arg8[%swap3A_2844], %broadcast_in_dim3A_5 {strides = array<i32>} : memref<256xi32, #tpu.memory_space<vmem>>, vector<16xi32>,
        %swap3A_2846 = arith.constant 32 : index
        %swap3A_2847 = tpu.vector_load %arg9[%swap3A_2846] {strides = array<i32>} : memref<256xf32, #tpu.memory_space<vmem>>, vector<16xf32>,
        tpu.vector_store %arg9[%swap3A_2846], %broadcast_in_dim3A_3 {strides = array<i32>} : memref<256xf32, #tpu.memory_space<vmem>>, vector<16xf32>,
        %swap3A_2848 = arith.constant 48 : index
        %swap3A_2849 = tpu.vector_load %arg8[%swap3A_2848] {strides = array<i32>} : memref<256xi32, #tpu.memory_space<vmem>>, vector<16xi32>,
        tpu.vector_store %arg8[%swap3A_2848], %broadcast_in_dim3A_5 {strides = array<i32>} : memref<256xi32, #tpu.memory_space<vmem>>, vector<16xi32>,
        %swap3A_2850 = arith.constant 48 : index
        %swap3A_2851 = tpu.vector_load %arg9[%swap3A_2850] {strides = array<i32>} : memref<256xf32, #tpu.memory_space<vmem>>, vector<16xf32>,
        tpu.vector_store %arg9[%swap3A_2850], %broadcast_in_dim3A_3 {strides = array<i32>} : memref<256xf32, #tpu.memory_space<vmem>>, vector<16xf32>,
        %swap3A_2852 = arith.constant 64 : index
        %swap3A_2853 = tpu.vector_load %arg8[%swap3A_2852] {strides = array<i32>} : memref<256xi32, #tpu.memory_space<vmem>>, vector<16xi32>,
        tpu.vector_store %arg8[%swap3A_2852], %broadcast_in_dim3A_5 {strides = array<i32>} : memref<256xi32, #tpu.memory_space<vmem>>, vector<16xi32>,
        %swap3A_2854 = arith.constant 64 : index
        %swap3A_2855 = tpu.vector_load %arg9[%swap3A_2854] {strides = array<i32>} : memref<256xf32, #tpu.memory_space<vmem>>, vector<16xf32>,
        tpu.vector_store %arg9[%swap3A_2854], %broadcast_in_dim3A_3 {strides = array<i32>} : memref<256xf32, #tpu.memory_space<vmem>>, vector<16xf32>,
        %swap3A_2856 = arith.constant 80 : index
        %swap3A_2857 = tpu.vector_load %arg8[%swap3A_2856] {strides = array<i32>} : memref<256xi32, #tpu.memory_space<vmem>>, vector<16xi32>,
        tpu.vector_store %arg8[%swap3A_2856], %broadcast_in_dim3A_5 {strides = array<i32>} : memref<256xi32, #tpu.memory_space<vmem>>, vector<16xi32>,
        %swap3A_2858 = arith.constant 80 : index
        %swap3A_2859 = tpu.vector_load %arg9[%swap3A_2858] {strides = array<i32>} : memref<256xf32, #tpu.memory_space<vmem>>, vector<16xf32>,
        tpu.vector_store %arg9[%swap3A_2858], %broadcast_in_dim3A_3 {strides = array<i32>} : memref<256xf32, #tpu.memory_space<vmem>>, vector<16xf32>,
        %swap3A_2860 = arith.constant 96 : index
        %swap3A_2861 = tpu.vector_load %arg8[%swap3A_2860] {strides = array<i32>} : memref<256xi32, #tpu.memory_space<vmem>>, vector<16xi32>,
        tpu.vector_store %arg8[%swap3A_2860], %broadcast_in_dim3A_5 {strides = array<i32>} : memref<256xi32, #tpu.memory_space<vmem>>, vector<16xi32>,
        %swap3A_2862 = arith.constant 96 : index
        %swap3A_2863 = tpu.vector_load %arg9[%swap3A_2862] {strides = array<i32>} : memref<256xf32, #tpu.memory_space<vmem>>, vector<16xf32>,
        tpu.vector_store %arg9[%swap3A_2862], %broadcast_in_dim3A_3 {strides = array<i32>} : memref<256xf32, #tpu.memory_space<vmem>>, vector<16xf32>,
        %swap3A_2864 = arith.constant 112 : index
        %swap3A_2865 = tpu.vector_load %arg8[%swap3A_2864] {strides = array<i32>} : memref<256xi32, #tpu.memory_space<vmem>>, vector<16xi32>,
        tpu.vector_store %arg8[%swap3A_2864], %broadcast_in_dim3A_5 {strides = array<i32>} : memref<256xi32, #tpu.memory_space<vmem>>, vector<16xi32>,
        %swap3A_2866 = arith.constant 112 : index
        %swap3A_2867 = tpu.vector_load %arg9[%swap3A_2866] {strides = array<i32>} : memref<256xf32, #tpu.memory_space<vmem>>, vector<16xf32>,
        tpu.vector_store %arg9[%swap3A_2866], %broadcast_in_dim3A_3 {strides = array<i32>} : memref<256xf32, #tpu.memory_space<vmem>>, vector<16xf32>,
        %swap3A_2868 = arith.constant 128 : index
        %swap3A_2869 = tpu.vector_load %arg8[%swap3A_2868] {strides = array<i32>} : memref<256xi32, #tpu.memory_space<vmem>>, vector<16xi32>,
        tpu.vector_store %arg8[%swap3A_2868], %broadcast_in_dim3A_5 {strides = array<i32>} : memref<256xi32, #tpu.memory_space<vmem>>, vector<16xi32>,
        %swap3A_2870 = arith.constant 128 : index
        %swap3A_2871 = tpu.vector_load %arg9[%swap3A_2870] {strides = array<i32>} : memref<256xf32, #tpu.memory_space<vmem>>, vector<16xf32>,
        tpu.vector_store %arg9[%swap3A_2870], %broadcast_in_dim3A_3 {strides = array<i32>} : memref<256xf32, #tpu.memory_space<vmem>>, vector<16xf32>,
        %swap3A_2872 = arith.constant 144 : index
        %swap3A_2873 = tpu.vector_load %arg8[%swap3A_2872] {strides = array<i32>} : memref<256xi32, #tpu.memory_space<vmem>>, vector<16xi32>,
        tpu.vector_store %arg8[%swap3A_2872], %broadcast_in_dim3A_5 {strides = array<i32>} : memref<256xi32, #tpu.memory_space<vmem>>, vector<16xi32>,
        %swap3A_2874 = arith.constant 144 : index
        %swap3A_2875 = tpu.vector_load %arg9[%swap3A_2874] {strides = array<i32>} : memref<256xf32, #tpu.memory_space<vmem>>, vector<16xf32>,
        tpu.vector_store %arg9[%swap3A_2874], %broadcast_in_dim3A_3 {strides = array<i32>} : memref<256xf32, #tpu.memory_space<vmem>>, vector<16xf32>,
        %swap3A_2876 = arith.constant 160 : index
        %swap3A_2877 = tpu.vector_load %arg8[%swap3A_2876] {strides = array<i32>} : memref<256xi32, #tpu.memory_space<vmem>>, vector<16xi32>,
        tpu.vector_store %arg8[%swap3A_2876], %broadcast_in_dim3A_5 {strides = array<i32>} : memref<256xi32, #tpu.memory_space<vmem>>, vector<16xi32>,
        %swap3A_2878 = arith.constant 160 : index
        %swap3A_2879 = tpu.vector_load %arg9[%swap3A_2878] {strides = array<i32>} : memref<256xf32, #tpu.memory_space<vmem>>, vector<16xf32>,
        tpu.vector_store %arg9[%swap3A_2878], %broadcast_in_dim3A_3 {strides = array<i32>} : memref<256xf32, #tpu.memory_space<vmem>>, vector<16xf32>,
        %swap3A_2880 = arith.constant 176 : index
        %swap3A_2881 = tpu.vector_load %arg8[%swap3A_2880] {strides = array<i32>} : memref<256xi32, #tpu.memory_space<vmem>>, vector<16xi32>,
        tpu.vector_store %arg8[%swap3A_2880], %broadcast_in_dim3A_5 {strides = array<i32>} : memref<256xi32, #tpu.memory_space<vmem>>, vector<16xi32>,
        %swap3A_2882 = arith.constant 176 : index
        %swap3A_2883 = tpu.vector_load %arg9[%swap3A_2882] {strides = array<i32>} : memref<256xf32, #tpu.memory_space<vmem>>, vector<16xf32>,
        tpu.vector_store %arg9[%swap3A_2882], %broadcast_in_dim3A_3 {strides = array<i32>} : memref<256xf32, #tpu.memory_space<vmem>>, vector<16xf32>,
        %swap3A_2884 = arith.constant 192 : index
        %swap3A_2885 = tpu.vector_load %arg8[%swap3A_2884] {strides = array<i32>} : memref<256xi32, #tpu.memory_space<vmem>>, vector<16xi32>,
        tpu.vector_store %arg8[%swap3A_2884], %broadcast_in_dim3A_5 {strides = array<i32>} : memref<256xi32, #tpu.memory_space<vmem>>, vector<16xi32>,
        %swap3A_2886 = arith.constant 192 : index
        %swap3A_2887 = tpu.vector_load %arg9[%swap3A_2886] {strides = array<i32>} : memref<256xf32, #tpu.memory_space<vmem>>, vector<16xf32>,
        tpu.vector_store %arg9[%swap3A_2886], %broadcast_in_dim3A_3 {strides = array<i32>} : memref<256xf32, #tpu.memory_space<vmem>>, vector<16xf32>,
        %swap3A_2888 = arith.constant 208 : index
        %swap3A_2889 = tpu.vector_load %arg8[%swap3A_2888] {strides = array<i32>} : memref<256xi32, #tpu.memory_space<vmem>>, vector<16xi32>,
        tpu.vector_store %arg8[%swap3A_2888], %broadcast_in_dim3A_5 {strides = array<i32>} : memref<256xi32, #tpu.memory_space<vmem>>, vector<16xi32>,
        %swap3A_2890 = arith.constant 208 : index
        %swap3A_2891 = tpu.vector_load %arg9[%swap3A_2890] {strides = array<i32>} : memref<256xf32, #tpu.memory_space<vmem>>, vector<16xf32>,
        tpu.vector_store %arg9[%swap3A_2890], %broadcast_in_dim3A_3 {strides = array<i32>} : memref<256xf32, #tpu.memory_space<vmem>>, vector<16xf32>,
        %swap3A_2892 = arith.constant 224 : index
        %swap3A_2893 = tpu.vector_load %arg8[%swap3A_2892] {strides = array<i32>} : memref<256xi32, #tpu.memory_space<vmem>>, vector<16xi32>,
        tpu.vector_store %arg8[%swap3A_2892], %broadcast_in_dim3A_5 {strides = array<i32>} : memref<256xi32, #tpu.memory_space<vmem>>, vector<16xi32>,
        %swap3A_2894 = arith.constant 224 : index
        %swap3A_2895 = tpu.vector_load %arg9[%swap3A_2894] {strides = array<i32>} : memref<256xf32, #tpu.memory_space<vmem>>, vector<16xf32>,
        tpu.vector_store %arg9[%swap3A_2894], %broadcast_in_dim3A_3 {strides = array<i32>} : memref<256xf32, #tpu.memory_space<vmem>>, vector<16xf32>,
        %swap3A_2896 = arith.constant 240 : index
        %swap3A_2897 = tpu.vector_load %arg8[%swap3A_2896] {strides = array<i32>} : memref<256xi32, #tpu.memory_space<vmem>>, vector<16xi32>,
        tpu.vector_store %arg8[%swap3A_2896], %broadcast_in_dim3A_5 {strides = array<i32>} : memref<256xi32, #tpu.memory_space<vmem>>, vector<16xi32>,
        %swap3A_2898 = arith.constant 240 : index
        %swap3A_2899 = tpu.vector_load %arg9[%swap3A_2898] {strides = array<i32>} : memref<256xf32, #tpu.memory_space<vmem>>, vector<16xf32>,
        tpu.vector_store %arg9[%swap3A_2898], %broadcast_in_dim3A_3 {strides = array<i32>} : memref<256xf32, #tpu.memory_space<vmem>>, vector<16xf32>,
        %parallel_loop3A_2900 = arith.constant 0 : i32
        %parallel_loop3A_2901 = arith.constant 32 : i32
        %parallel_loop3A_2902 = arith.constant 1 : i32
        %parallel_loop3A_2903 = scf.for %parallel_loop3A_2904 = %parallel_loop3A_2900 to %parallel_loop3A_2901 step %parallel_loop3A_2902 iter_args(%parallel_loop3A_2905 = %broadcast_in_dim3A_5) -> (vector<16xi32>)  : i32 {
          %parallel_loop3A_2906 = arith.constant 16 : i32
          %parallel_loop3A_2907 = arith.muli %parallel_loop3A_2904, %parallel_loop3A_2906 : i32
          %parallel_loop3A_2908 = arith.index_cast %parallel_loop3A_2907 : i32 to index
          %parallel_loop3A_2909 = tpu.vector_load %arg7[%parallel_loop3A_2908] {strides = array<i32>} : memref<512xi32, #tpu.memory_space<vmem>>, vector<16xi32>,
          %parallel_loop3A_2910 = vector.broadcast %parallel_loop3A_2904 : i32 to vector<16xi32>
          %parallel_loop3A_2911 = arith.cmpi sgt, %shift_right_logical3A_2835, %parallel_loop3A_2910 : vector<16xi32>
          %parallel_loop3A_2912 = arith.addi %parallel_loop3A_2909, %add3A_67 : vector<16xi32>
          %parallel_loop3A_2913 = tpu.vector_load_idx %arg4[%parallel_loop3A_2912] : memref<65536xf32, #tpu.memory_space<vmem>>[vector<16xi32>], vector<16xf32>,
          %parallel_loop3A_2914 = arith.extui %parallel_loop3A_2911 : vector<16xi1> to vector<16xi32>
          %parallel_loop3A_2915 = arith.constant true
          %parallel_loop3A_2916 = vector.broadcast %parallel_loop3A_2915 : i1 to vector<16xi1>
          %parallel_loop3A_2917 = tpu.scan <sum>, %parallel_loop3A_2914 masked %parallel_loop3A_2916 : vector<16xi32>, vector<16xi1> -> vector<16xi32>
          %parallel_loop3A_2918 = arith.addi %parallel_loop3A_2905, %parallel_loop3A_2917 : vector<16xi32>
          %parallel_loop3A_2919 = arith.constant 1 : i32
          %parallel_loop3A_2920 = vector.broadcast %parallel_loop3A_2919 : i32 to vector<16xi32>
          %parallel_loop3A_2921 = arith.subi %parallel_loop3A_2918, %parallel_loop3A_2920 : vector<16xi32>
          %parallel_loop3A_2922 = arith.constant 0 : i32
          %parallel_loop3A_2923 = vector.broadcast %parallel_loop3A_2922 : i32 to vector<16xi32>
          %parallel_loop3A_2924 = arith.maxsi %parallel_loop3A_2921, %parallel_loop3A_2923 : vector<16xi32>
          %parallel_loop3A_2925 = arith.constant 255 : i32
          %parallel_loop3A_2926 = vector.broadcast %parallel_loop3A_2925 : i32 to vector<16xi32>
          %parallel_loop3A_2927 = arith.minsi %parallel_loop3A_2924, %parallel_loop3A_2926 : vector<16xi32>
          tpu.vector_store_idx %arg8[%parallel_loop3A_2927], %parallel_loop3A_2909 masked %parallel_loop3A_2911 : memref<256xi32, #tpu.memory_space<vmem>>[vector<16xi32>], vector<16xi32>, vector<16xi1>
          tpu.vector_store_idx %arg9[%parallel_loop3A_2927], %parallel_loop3A_2913 masked %parallel_loop3A_2911 : memref<256xf32, #tpu.memory_space<vmem>>[vector<16xi32>], vector<16xf32>, vector<16xi1>
          %parallel_loop3A_2928 = tpu.all_reduce %parallel_loop3A_2911 {dim = 0 : i64, kind = #tpu.reduction_kind<sum>} : vector<16xi1> -> vector<16xi32>
          %parallel_loop3A_2929 = arith.addi %parallel_loop3A_2905, %parallel_loop3A_2928 : vector<16xi32>
          scf.yield %parallel_loop3A_2929 : vector<16xi32>
        } {sc.loop_unroll_factor = 8 : i64, sc.parallel_access}
      } else {
      }
      %get3A = arith.constant 0 : index
      %get3A_243 = tpu.vector_load %arg9[%get3A] {strides = array<i32>} : memref<256xf32, #tpu.memory_space<vmem>>, vector<16xf32>,
      %bitcast_convert_type3A_244 = tpu.bitcast %get3A_243 : vector<16xf32> -> vector<16xi32>
      %get3A_245 = arith.constant 16 : index
      %get3A_246 = tpu.vector_load %arg9[%get3A_245] {strides = array<i32>} : memref<256xf32, #tpu.memory_space<vmem>>, vector<16xf32>,
      %bitcast_convert_type3A_247 = tpu.bitcast %get3A_246 : vector<16xf32> -> vector<16xi32>
      %get3A_248 = arith.constant 32 : index
      %get3A_249 = tpu.vector_load %arg9[%get3A_248] {strides = array<i32>} : memref<256xf32, #tpu.memory_space<vmem>>, vector<16xf32>,
      %bitcast_convert_type3A_250 = tpu.bitcast %get3A_249 : vector<16xf32> -> vector<16xi32>
      %get3A_251 = arith.constant 48 : index
      %get3A_252 = tpu.vector_load %arg9[%get3A_251] {strides = array<i32>} : memref<256xf32, #tpu.memory_space<vmem>>, vector<16xf32>,
      %bitcast_convert_type3A_253 = tpu.bitcast %get3A_252 : vector<16xf32> -> vector<16xi32>
      %get3A_254 = arith.constant 64 : index
      %get3A_255 = tpu.vector_load %arg9[%get3A_254] {strides = array<i32>} : memref<256xf32, #tpu.memory_space<vmem>>, vector<16xf32>,
      %bitcast_convert_type3A_256 = tpu.bitcast %get3A_255 : vector<16xf32> -> vector<16xi32>
      %get3A_257 = arith.constant 80 : index
      %get3A_258 = tpu.vector_load %arg9[%get3A_257] {strides = array<i32>} : memref<256xf32, #tpu.memory_space<vmem>>, vector<16xf32>,
      %bitcast_convert_type3A_259 = tpu.bitcast %get3A_258 : vector<16xf32> -> vector<16xi32>
      %get3A_260 = arith.constant 96 : index
      %get3A_261 = tpu.vector_load %arg9[%get3A_260] {strides = array<i32>} : memref<256xf32, #tpu.memory_space<vmem>>, vector<16xf32>,
      %bitcast_convert_type3A_262 = tpu.bitcast %get3A_261 : vector<16xf32> -> vector<16xi32>
      %get3A_263 = arith.constant 112 : index
      %get3A_264 = tpu.vector_load %arg9[%get3A_263] {strides = array<i32>} : memref<256xf32, #tpu.memory_space<vmem>>, vector<16xf32>,
      %bitcast_convert_type3A_265 = tpu.bitcast %get3A_264 : vector<16xf32> -> vector<16xi32>
      %get3A_266 = arith.constant 128 : index
      %get3A_267 = tpu.vector_load %arg9[%get3A_266] {strides = array<i32>} : memref<256xf32, #tpu.memory_space<vmem>>, vector<16xf32>,
      %bitcast_convert_type3A_268 = tpu.bitcast %get3A_267 : vector<16xf32> -> vector<16xi32>
      %get3A_269 = arith.constant 144 : index
      %get3A_270 = tpu.vector_load %arg9[%get3A_269] {strides = array<i32>} : memref<256xf32, #tpu.memory_space<vmem>>, vector<16xf32>,
      %bitcast_convert_type3A_271 = tpu.bitcast %get3A_270 : vector<16xf32> -> vector<16xi32>
      %get3A_272 = arith.constant 160 : index
      %get3A_273 = tpu.vector_load %arg9[%get3A_272] {strides = array<i32>} : memref<256xf32, #tpu.memory_space<vmem>>, vector<16xf32>,
      %bitcast_convert_type3A_274 = tpu.bitcast %get3A_273 : vector<16xf32> -> vector<16xi32>
      %get3A_275 = arith.constant 176 : index
      %get3A_276 = tpu.vector_load %arg9[%get3A_275] {strides = array<i32>} : memref<256xf32, #tpu.memory_space<vmem>>, vector<16xf32>,
      %bitcast_convert_type3A_277 = tpu.bitcast %get3A_276 : vector<16xf32> -> vector<16xi32>
      %get3A_278 = arith.constant 192 : index
      %get3A_279 = tpu.vector_load %arg9[%get3A_278] {strides = array<i32>} : memref<256xf32, #tpu.memory_space<vmem>>, vector<16xf32>,
      %bitcast_convert_type3A_280 = tpu.bitcast %get3A_279 : vector<16xf32> -> vector<16xi32>
      %get3A_281 = arith.constant 208 : index
      %get3A_282 = tpu.vector_load %arg9[%get3A_281] {strides = array<i32>} : memref<256xf32, #tpu.memory_space<vmem>>, vector<16xf32>,
      %bitcast_convert_type3A_283 = tpu.bitcast %get3A_282 : vector<16xf32> -> vector<16xi32>
      %get3A_284 = arith.constant 224 : index
      %get3A_285 = tpu.vector_load %arg9[%get3A_284] {strides = array<i32>} : memref<256xf32, #tpu.memory_space<vmem>>, vector<16xf32>,
      %bitcast_convert_type3A_286 = tpu.bitcast %get3A_285 : vector<16xf32> -> vector<16xi32>
      %get3A_287 = arith.constant 240 : index
      %get3A_288 = tpu.vector_load %arg9[%get3A_287] {strides = array<i32>} : memref<256xf32, #tpu.memory_space<vmem>>, vector<16xf32>,
      %bitcast_convert_type3A_289 = tpu.bitcast %get3A_288 : vector<16xf32> -> vector<16xi32>
      %or3A_290 = arith.constant 1073741824 : i32
      %or3A_291 = vector.broadcast %or3A_290 : i32 to vector<16xi32>
      %or3A_292 = arith.ori %broadcast_in_dim3A_5, %or3A_291 : vector<16xi32>
      %ge3A_293 = arith.cmpi sge, %bitcast_convert_type3A_244, %or3A_292 : vector<16xi32>
      %all_reduce_population_count3A = tpu.all_reduce %ge3A_293 {dim = 0 : i64, kind = #tpu.reduction_kind<sum>} : vector<16xi1> -> vector<16xi32>
      %add3A_294 = arith.addi %broadcast_in_dim3A_5, %all_reduce_population_count3A : vector<16xi32>
      %ge3A_295 = arith.cmpi sge, %bitcast_convert_type3A_247, %or3A_292 : vector<16xi32>
      %all_reduce_population_count3A_296 = tpu.all_reduce %ge3A_295 {dim = 0 : i64, kind = #tpu.reduction_kind<sum>} : vector<16xi1> -> vector<16xi32>
      %add3A_297 = arith.addi %add3A_294, %all_reduce_population_count3A_296 : vector<16xi32>
      %ge3A_298 = arith.cmpi sge, %bitcast_convert_type3A_250, %or3A_292 : vector<16xi32>
      %all_reduce_population_count3A_299 = tpu.all_reduce %ge3A_298 {dim = 0 : i64, kind = #tpu.reduction_kind<sum>} : vector<16xi1> -> vector<16xi32>
      %add3A_300 = arith.addi %add3A_297, %all_reduce_population_count3A_299 : vector<16xi32>
      %ge3A_301 = arith.cmpi sge, %bitcast_convert_type3A_253, %or3A_292 : vector<16xi32>
      %all_reduce_population_count3A_302 = tpu.all_reduce %ge3A_301 {dim = 0 : i64, kind = #tpu.reduction_kind<sum>} : vector<16xi1> -> vector<16xi32>
      %add3A_303 = arith.addi %add3A_300, %all_reduce_population_count3A_302 : vector<16xi32>
      %ge3A_304 = arith.cmpi sge, %bitcast_convert_type3A_256, %or3A_292 : vector<16xi32>
      %all_reduce_population_count3A_305 = tpu.all_reduce %ge3A_304 {dim = 0 : i64, kind = #tpu.reduction_kind<sum>} : vector<16xi1> -> vector<16xi32>
      %add3A_306 = arith.addi %add3A_303, %all_reduce_population_count3A_305 : vector<16xi32>
      %ge3A_307 = arith.cmpi sge, %bitcast_convert_type3A_259, %or3A_292 : vector<16xi32>
      %all_reduce_population_count3A_308 = tpu.all_reduce %ge3A_307 {dim = 0 : i64, kind = #tpu.reduction_kind<sum>} : vector<16xi1> -> vector<16xi32>
      %add3A_309 = arith.addi %add3A_306, %all_reduce_population_count3A_308 : vector<16xi32>
      %ge3A_310 = arith.cmpi sge, %bitcast_convert_type3A_262, %or3A_292 : vector<16xi32>
      %all_reduce_population_count3A_311 = tpu.all_reduce %ge3A_310 {dim = 0 : i64, kind = #tpu.reduction_kind<sum>} : vector<16xi1> -> vector<16xi32>
      %add3A_312 = arith.addi %add3A_309, %all_reduce_population_count3A_311 : vector<16xi32>
      %ge3A_313 = arith.cmpi sge, %bitcast_convert_type3A_265, %or3A_292 : vector<16xi32>
      %all_reduce_population_count3A_314 = tpu.all_reduce %ge3A_313 {dim = 0 : i64, kind = #tpu.reduction_kind<sum>} : vector<16xi1> -> vector<16xi32>
      %add3A_315 = arith.addi %add3A_312, %all_reduce_population_count3A_314 : vector<16xi32>
      %ge3A_316 = arith.cmpi sge, %bitcast_convert_type3A_268, %or3A_292 : vector<16xi32>
      %all_reduce_population_count3A_317 = tpu.all_reduce %ge3A_316 {dim = 0 : i64, kind = #tpu.reduction_kind<sum>} : vector<16xi1> -> vector<16xi32>
      %add3A_318 = arith.addi %add3A_315, %all_reduce_population_count3A_317 : vector<16xi32>
      %ge3A_319 = arith.cmpi sge, %bitcast_convert_type3A_271, %or3A_292 : vector<16xi32>
      %all_reduce_population_count3A_320 = tpu.all_reduce %ge3A_319 {dim = 0 : i64, kind = #tpu.reduction_kind<sum>} : vector<16xi1> -> vector<16xi32>
      %add3A_321 = arith.addi %add3A_318, %all_reduce_population_count3A_320 : vector<16xi32>
      %ge3A_322 = arith.cmpi sge, %bitcast_convert_type3A_274, %or3A_292 : vector<16xi32>
      %all_reduce_population_count3A_323 = tpu.all_reduce %ge3A_322 {dim = 0 : i64, kind = #tpu.reduction_kind<sum>} : vector<16xi1> -> vector<16xi32>
      %add3A_324 = arith.addi %add3A_321, %all_reduce_population_count3A_323 : vector<16xi32>
      %ge3A_325 = arith.cmpi sge, %bitcast_convert_type3A_277, %or3A_292 : vector<16xi32>
      %all_reduce_population_count3A_326 = tpu.all_reduce %ge3A_325 {dim = 0 : i64, kind = #tpu.reduction_kind<sum>} : vector<16xi1> -> vector<16xi32>
      %add3A_327 = arith.addi %add3A_324, %all_reduce_population_count3A_326 : vector<16xi32>
      %ge3A_328 = arith.cmpi sge, %bitcast_convert_type3A_280, %or3A_292 : vector<16xi32>
      %all_reduce_population_count3A_329 = tpu.all_reduce %ge3A_328 {dim = 0 : i64, kind = #tpu.reduction_kind<sum>} : vector<16xi1> -> vector<16xi32>
      %add3A_330 = arith.addi %add3A_327, %all_reduce_population_count3A_329 : vector<16xi32>
      %ge3A_331 = arith.cmpi sge, %bitcast_convert_type3A_283, %or3A_292 : vector<16xi32>
      %all_reduce_population_count3A_332 = tpu.all_reduce %ge3A_331 {dim = 0 : i64, kind = #tpu.reduction_kind<sum>} : vector<16xi1> -> vector<16xi32>
      %add3A_333 = arith.addi %add3A_330, %all_reduce_population_count3A_332 : vector<16xi32>
      %ge3A_334 = arith.cmpi sge, %bitcast_convert_type3A_286, %or3A_292 : vector<16xi32>
      %all_reduce_population_count3A_335 = tpu.all_reduce %ge3A_334 {dim = 0 : i64, kind = #tpu.reduction_kind<sum>} : vector<16xi1> -> vector<16xi32>
      %add3A_336 = arith.addi %add3A_333, %all_reduce_population_count3A_335 : vector<16xi32>
      %ge3A_337 = arith.cmpi sge, %bitcast_convert_type3A_289, %or3A_292 : vector<16xi32>
      %all_reduce_population_count3A_338 = tpu.all_reduce %ge3A_337 {dim = 0 : i64, kind = #tpu.reduction_kind<sum>} : vector<16xi1> -> vector<16xi32>
      %add3A_339 = arith.addi %add3A_336, %all_reduce_population_count3A_338 : vector<16xi32>
      %ge3A_340 = arith.constant 64 : i32
      %ge3A_341 = vector.broadcast %ge3A_340 : i32 to vector<16xi32>
      %ge3A_342 = arith.cmpi sge, %add3A_339, %ge3A_341 : vector<16xi32>
      %select_n3A_343 = arith.select %ge3A_342, %or3A_292, %broadcast_in_dim3A_5 : vector<16xi1>, vector<16xi32>
      %or3A_344 = arith.constant 536870912 : i32
      %or3A_345 = vector.broadcast %or3A_344 : i32 to vector<16xi32>
      %or3A_346 = arith.ori %select_n3A_343, %or3A_345 : vector<16xi32>
      %ge3A_347 = arith.cmpi sge, %bitcast_convert_type3A_244, %or3A_346 : vector<16xi32>
      %all_reduce_population_count3A_348 = tpu.all_reduce %ge3A_347 {dim = 0 : i64, kind = #tpu.reduction_kind<sum>} : vector<16xi1> -> vector<16xi32>
      %add3A_349 = arith.addi %broadcast_in_dim3A_5, %all_reduce_population_count3A_348 : vector<16xi32>
      %ge3A_350 = arith.cmpi sge, %bitcast_convert_type3A_247, %or3A_346 : vector<16xi32>
      %all_reduce_population_count3A_351 = tpu.all_reduce %ge3A_350 {dim = 0 : i64, kind = #tpu.reduction_kind<sum>} : vector<16xi1> -> vector<16xi32>
      %add3A_352 = arith.addi %add3A_349, %all_reduce_population_count3A_351 : vector<16xi32>
      %ge3A_353 = arith.cmpi sge, %bitcast_convert_type3A_250, %or3A_346 : vector<16xi32>
      %all_reduce_population_count3A_354 = tpu.all_reduce %ge3A_353 {dim = 0 : i64, kind = #tpu.reduction_kind<sum>} : vector<16xi1> -> vector<16xi32>
      %add3A_355 = arith.addi %add3A_352, %all_reduce_population_count3A_354 : vector<16xi32>
      %ge3A_356 = arith.cmpi sge, %bitcast_convert_type3A_253, %or3A_346 : vector<16xi32>
      %all_reduce_population_count3A_357 = tpu.all_reduce %ge3A_356 {dim = 0 : i64, kind = #tpu.reduction_kind<sum>} : vector<16xi1> -> vector<16xi32>
      %add3A_358 = arith.addi %add3A_355, %all_reduce_population_count3A_357 : vector<16xi32>
      %ge3A_359 = arith.cmpi sge, %bitcast_convert_type3A_256, %or3A_346 : vector<16xi32>
      %all_reduce_population_count3A_360 = tpu.all_reduce %ge3A_359 {dim = 0 : i64, kind = #tpu.reduction_kind<sum>} : vector<16xi1> -> vector<16xi32>
      %add3A_361 = arith.addi %add3A_358, %all_reduce_population_count3A_360 : vector<16xi32>
      %ge3A_362 = arith.cmpi sge, %bitcast_convert_type3A_259, %or3A_346 : vector<16xi32>
      %all_reduce_population_count3A_363 = tpu.all_reduce %ge3A_362 {dim = 0 : i64, kind = #tpu.reduction_kind<sum>} : vector<16xi1> -> vector<16xi32>
      %add3A_364 = arith.addi %add3A_361, %all_reduce_population_count3A_363 : vector<16xi32>
      %ge3A_365 = arith.cmpi sge, %bitcast_convert_type3A_262, %or3A_346 : vector<16xi32>
      %all_reduce_population_count3A_366 = tpu.all_reduce %ge3A_365 {dim = 0 : i64, kind = #tpu.reduction_kind<sum>} : vector<16xi1> -> vector<16xi32>
      %add3A_367 = arith.addi %add3A_364, %all_reduce_population_count3A_366 : vector<16xi32>
      %ge3A_368 = arith.cmpi sge, %bitcast_convert_type3A_265, %or3A_346 : vector<16xi32>
      %all_reduce_population_count3A_369 = tpu.all_reduce %ge3A_368 {dim = 0 : i64, kind = #tpu.reduction_kind<sum>} : vector<16xi1> -> vector<16xi32>
      %add3A_370 = arith.addi %add3A_367, %all_reduce_population_count3A_369 : vector<16xi32>
      %ge3A_371 = arith.cmpi sge, %bitcast_convert_type3A_268, %or3A_346 : vector<16xi32>
      %all_reduce_population_count3A_372 = tpu.all_reduce %ge3A_371 {dim = 0 : i64, kind = #tpu.reduction_kind<sum>} : vector<16xi1> -> vector<16xi32>
      %add3A_373 = arith.addi %add3A_370, %all_reduce_population_count3A_372 : vector<16xi32>
      %ge3A_374 = arith.cmpi sge, %bitcast_convert_type3A_271, %or3A_346 : vector<16xi32>
      %all_reduce_population_count3A_375 = tpu.all_reduce %ge3A_374 {dim = 0 : i64, kind = #tpu.reduction_kind<sum>} : vector<16xi1> -> vector<16xi32>
      %add3A_376 = arith.addi %add3A_373, %all_reduce_population_count3A_375 : vector<16xi32>
      %ge3A_377 = arith.cmpi sge, %bitcast_convert_type3A_274, %or3A_346 : vector<16xi32>
      %all_reduce_population_count3A_378 = tpu.all_reduce %ge3A_377 {dim = 0 : i64, kind = #tpu.reduction_kind<sum>} : vector<16xi1> -> vector<16xi32>
      %add3A_379 = arith.addi %add3A_376, %all_reduce_population_count3A_378 : vector<16xi32>
      %ge3A_380 = arith.cmpi sge, %bitcast_convert_type3A_277, %or3A_346 : vector<16xi32>
      %all_reduce_population_count3A_381 = tpu.all_reduce %ge3A_380 {dim = 0 : i64, kind = #tpu.reduction_kind<sum>} : vector<16xi1> -> vector<16xi32>
      %add3A_382 = arith.addi %add3A_379, %all_reduce_population_count3A_381 : vector<16xi32>
      %ge3A_383 = arith.cmpi sge, %bitcast_convert_type3A_280, %or3A_346 : vector<16xi32>
      %all_reduce_population_count3A_384 = tpu.all_reduce %ge3A_383 {dim = 0 : i64, kind = #tpu.reduction_kind<sum>} : vector<16xi1> -> vector<16xi32>
      %add3A_385 = arith.addi %add3A_382, %all_reduce_population_count3A_384 : vector<16xi32>
      %ge3A_386 = arith.cmpi sge, %bitcast_convert_type3A_283, %or3A_346 : vector<16xi32>
      %all_reduce_population_count3A_387 = tpu.all_reduce %ge3A_386 {dim = 0 : i64, kind = #tpu.reduction_kind<sum>} : vector<16xi1> -> vector<16xi32>
      %add3A_388 = arith.addi %add3A_385, %all_reduce_population_count3A_387 : vector<16xi32>
      %ge3A_389 = arith.cmpi sge, %bitcast_convert_type3A_286, %or3A_346 : vector<16xi32>
      %all_reduce_population_count3A_390 = tpu.all_reduce %ge3A_389 {dim = 0 : i64, kind = #tpu.reduction_kind<sum>} : vector<16xi1> -> vector<16xi32>
      %add3A_391 = arith.addi %add3A_388, %all_reduce_population_count3A_390 : vector<16xi32>
      %ge3A_392 = arith.cmpi sge, %bitcast_convert_type3A_289, %or3A_346 : vector<16xi32>
      %all_reduce_population_count3A_393 = tpu.all_reduce %ge3A_392 {dim = 0 : i64, kind = #tpu.reduction_kind<sum>} : vector<16xi1> -> vector<16xi32>
      %add3A_394 = arith.addi %add3A_391, %all_reduce_population_count3A_393 : vector<16xi32>
      %ge3A_395 = arith.constant 64 : i32
      %ge3A_396 = vector.broadcast %ge3A_395 : i32 to vector<16xi32>
      %ge3A_397 = arith.cmpi sge, %add3A_394, %ge3A_396 : vector<16xi32>
      %select_n3A_398 = arith.select %ge3A_397, %or3A_346, %select_n3A_343 : vector<16xi1>, vector<16xi32>
      %or3A_399 = arith.constant 268435456 : i32
      %or3A_400 = vector.broadcast %or3A_399 : i32 to vector<16xi32>
      %or3A_401 = arith.ori %select_n3A_398, %or3A_400 : vector<16xi32>
      %ge3A_402 = arith.cmpi sge, %bitcast_convert_type3A_244, %or3A_401 : vector<16xi32>
      %all_reduce_population_count3A_403 = tpu.all_reduce %ge3A_402 {dim = 0 : i64, kind = #tpu.reduction_kind<sum>} : vector<16xi1> -> vector<16xi32>
      %add3A_404 = arith.addi %broadcast_in_dim3A_5, %all_reduce_population_count3A_403 : vector<16xi32>
      %ge3A_405 = arith.cmpi sge, %bitcast_convert_type3A_247, %or3A_401 : vector<16xi32>
      %all_reduce_population_count3A_406 = tpu.all_reduce %ge3A_405 {dim = 0 : i64, kind = #tpu.reduction_kind<sum>} : vector<16xi1> -> vector<16xi32>
      %add3A_407 = arith.addi %add3A_404, %all_reduce_population_count3A_406 : vector<16xi32>
      %ge3A_408 = arith.cmpi sge, %bitcast_convert_type3A_250, %or3A_401 : vector<16xi32>
      %all_reduce_population_count3A_409 = tpu.all_reduce %ge3A_408 {dim = 0 : i64, kind = #tpu.reduction_kind<sum>} : vector<16xi1> -> vector<16xi32>
      %add3A_410 = arith.addi %add3A_407, %all_reduce_population_count3A_409 : vector<16xi32>
      %ge3A_411 = arith.cmpi sge, %bitcast_convert_type3A_253, %or3A_401 : vector<16xi32>
      %all_reduce_population_count3A_412 = tpu.all_reduce %ge3A_411 {dim = 0 : i64, kind = #tpu.reduction_kind<sum>} : vector<16xi1> -> vector<16xi32>
      %add3A_413 = arith.addi %add3A_410, %all_reduce_population_count3A_412 : vector<16xi32>
      %ge3A_414 = arith.cmpi sge, %bitcast_convert_type3A_256, %or3A_401 : vector<16xi32>
      %all_reduce_population_count3A_415 = tpu.all_reduce %ge3A_414 {dim = 0 : i64, kind = #tpu.reduction_kind<sum>} : vector<16xi1> -> vector<16xi32>
      %add3A_416 = arith.addi %add3A_413, %all_reduce_population_count3A_415 : vector<16xi32>
      %ge3A_417 = arith.cmpi sge, %bitcast_convert_type3A_259, %or3A_401 : vector<16xi32>
      %all_reduce_population_count3A_418 = tpu.all_reduce %ge3A_417 {dim = 0 : i64, kind = #tpu.reduction_kind<sum>} : vector<16xi1> -> vector<16xi32>
      %add3A_419 = arith.addi %add3A_416, %all_reduce_population_count3A_418 : vector<16xi32>
      %ge3A_420 = arith.cmpi sge, %bitcast_convert_type3A_262, %or3A_401 : vector<16xi32>
      %all_reduce_population_count3A_421 = tpu.all_reduce %ge3A_420 {dim = 0 : i64, kind = #tpu.reduction_kind<sum>} : vector<16xi1> -> vector<16xi32>
      %add3A_422 = arith.addi %add3A_419, %all_reduce_population_count3A_421 : vector<16xi32>
      %ge3A_423 = arith.cmpi sge, %bitcast_convert_type3A_265, %or3A_401 : vector<16xi32>
      %all_reduce_population_count3A_424 = tpu.all_reduce %ge3A_423 {dim = 0 : i64, kind = #tpu.reduction_kind<sum>} : vector<16xi1> -> vector<16xi32>
      %add3A_425 = arith.addi %add3A_422, %all_reduce_population_count3A_424 : vector<16xi32>
      %ge3A_426 = arith.cmpi sge, %bitcast_convert_type3A_268, %or3A_401 : vector<16xi32>
      %all_reduce_population_count3A_427 = tpu.all_reduce %ge3A_426 {dim = 0 : i64, kind = #tpu.reduction_kind<sum>} : vector<16xi1> -> vector<16xi32>
      %add3A_428 = arith.addi %add3A_425, %all_reduce_population_count3A_427 : vector<16xi32>
      %ge3A_429 = arith.cmpi sge, %bitcast_convert_type3A_271, %or3A_401 : vector<16xi32>
      %all_reduce_population_count3A_430 = tpu.all_reduce %ge3A_429 {dim = 0 : i64, kind = #tpu.reduction_kind<sum>} : vector<16xi1> -> vector<16xi32>
      %add3A_431 = arith.addi %add3A_428, %all_reduce_population_count3A_430 : vector<16xi32>
      %ge3A_432 = arith.cmpi sge, %bitcast_convert_type3A_274, %or3A_401 : vector<16xi32>
      %all_reduce_population_count3A_433 = tpu.all_reduce %ge3A_432 {dim = 0 : i64, kind = #tpu.reduction_kind<sum>} : vector<16xi1> -> vector<16xi32>
      %add3A_434 = arith.addi %add3A_431, %all_reduce_population_count3A_433 : vector<16xi32>
      %ge3A_435 = arith.cmpi sge, %bitcast_convert_type3A_277, %or3A_401 : vector<16xi32>
      %all_reduce_population_count3A_436 = tpu.all_reduce %ge3A_435 {dim = 0 : i64, kind = #tpu.reduction_kind<sum>} : vector<16xi1> -> vector<16xi32>
      %add3A_437 = arith.addi %add3A_434, %all_reduce_population_count3A_436 : vector<16xi32>
      %ge3A_438 = arith.cmpi sge, %bitcast_convert_type3A_280, %or3A_401 : vector<16xi32>
      %all_reduce_population_count3A_439 = tpu.all_reduce %ge3A_438 {dim = 0 : i64, kind = #tpu.reduction_kind<sum>} : vector<16xi1> -> vector<16xi32>
      %add3A_440 = arith.addi %add3A_437, %all_reduce_population_count3A_439 : vector<16xi32>
      %ge3A_441 = arith.cmpi sge, %bitcast_convert_type3A_283, %or3A_401 : vector<16xi32>
      %all_reduce_population_count3A_442 = tpu.all_reduce %ge3A_441 {dim = 0 : i64, kind = #tpu.reduction_kind<sum>} : vector<16xi1> -> vector<16xi32>
      %add3A_443 = arith.addi %add3A_440, %all_reduce_population_count3A_442 : vector<16xi32>
      %ge3A_444 = arith.cmpi sge, %bitcast_convert_type3A_286, %or3A_401 : vector<16xi32>
      %all_reduce_population_count3A_445 = tpu.all_reduce %ge3A_444 {dim = 0 : i64, kind = #tpu.reduction_kind<sum>} : vector<16xi1> -> vector<16xi32>
      %add3A_446 = arith.addi %add3A_443, %all_reduce_population_count3A_445 : vector<16xi32>
      %ge3A_447 = arith.cmpi sge, %bitcast_convert_type3A_289, %or3A_401 : vector<16xi32>
      %all_reduce_population_count3A_448 = tpu.all_reduce %ge3A_447 {dim = 0 : i64, kind = #tpu.reduction_kind<sum>} : vector<16xi1> -> vector<16xi32>
      %add3A_449 = arith.addi %add3A_446, %all_reduce_population_count3A_448 : vector<16xi32>
      %ge3A_450 = arith.constant 64 : i32
      %ge3A_451 = vector.broadcast %ge3A_450 : i32 to vector<16xi32>
      %ge3A_452 = arith.cmpi sge, %add3A_449, %ge3A_451 : vector<16xi32>
      %select_n3A_453 = arith.select %ge3A_452, %or3A_401, %select_n3A_398 : vector<16xi1>, vector<16xi32>
      %or3A_454 = arith.constant 134217728 : i32
      %or3A_455 = vector.broadcast %or3A_454 : i32 to vector<16xi32>
      %or3A_456 = arith.ori %select_n3A_453, %or3A_455 : vector<16xi32>
      %ge3A_457 = arith.cmpi sge, %bitcast_convert_type3A_244, %or3A_456 : vector<16xi32>
      %all_reduce_population_count3A_458 = tpu.all_reduce %ge3A_457 {dim = 0 : i64, kind = #tpu.reduction_kind<sum>} : vector<16xi1> -> vector<16xi32>
      %add3A_459 = arith.addi %broadcast_in_dim3A_5, %all_reduce_population_count3A_458 : vector<16xi32>
      %ge3A_460 = arith.cmpi sge, %bitcast_convert_type3A_247, %or3A_456 : vector<16xi32>
      %all_reduce_population_count3A_461 = tpu.all_reduce %ge3A_460 {dim = 0 : i64, kind = #tpu.reduction_kind<sum>} : vector<16xi1> -> vector<16xi32>
      %add3A_462 = arith.addi %add3A_459, %all_reduce_population_count3A_461 : vector<16xi32>
      %ge3A_463 = arith.cmpi sge, %bitcast_convert_type3A_250, %or3A_456 : vector<16xi32>
      %all_reduce_population_count3A_464 = tpu.all_reduce %ge3A_463 {dim = 0 : i64, kind = #tpu.reduction_kind<sum>} : vector<16xi1> -> vector<16xi32>
      %add3A_465 = arith.addi %add3A_462, %all_reduce_population_count3A_464 : vector<16xi32>
      %ge3A_466 = arith.cmpi sge, %bitcast_convert_type3A_253, %or3A_456 : vector<16xi32>
      %all_reduce_population_count3A_467 = tpu.all_reduce %ge3A_466 {dim = 0 : i64, kind = #tpu.reduction_kind<sum>} : vector<16xi1> -> vector<16xi32>
      %add3A_468 = arith.addi %add3A_465, %all_reduce_population_count3A_467 : vector<16xi32>
      %ge3A_469 = arith.cmpi sge, %bitcast_convert_type3A_256, %or3A_456 : vector<16xi32>
      %all_reduce_population_count3A_470 = tpu.all_reduce %ge3A_469 {dim = 0 : i64, kind = #tpu.reduction_kind<sum>} : vector<16xi1> -> vector<16xi32>
      %add3A_471 = arith.addi %add3A_468, %all_reduce_population_count3A_470 : vector<16xi32>
      %ge3A_472 = arith.cmpi sge, %bitcast_convert_type3A_259, %or3A_456 : vector<16xi32>
      %all_reduce_population_count3A_473 = tpu.all_reduce %ge3A_472 {dim = 0 : i64, kind = #tpu.reduction_kind<sum>} : vector<16xi1> -> vector<16xi32>
      %add3A_474 = arith.addi %add3A_471, %all_reduce_population_count3A_473 : vector<16xi32>
      %ge3A_475 = arith.cmpi sge, %bitcast_convert_type3A_262, %or3A_456 : vector<16xi32>
      %all_reduce_population_count3A_476 = tpu.all_reduce %ge3A_475 {dim = 0 : i64, kind = #tpu.reduction_kind<sum>} : vector<16xi1> -> vector<16xi32>
      %add3A_477 = arith.addi %add3A_474, %all_reduce_population_count3A_476 : vector<16xi32>
      %ge3A_478 = arith.cmpi sge, %bitcast_convert_type3A_265, %or3A_456 : vector<16xi32>
      %all_reduce_population_count3A_479 = tpu.all_reduce %ge3A_478 {dim = 0 : i64, kind = #tpu.reduction_kind<sum>} : vector<16xi1> -> vector<16xi32>
      %add3A_480 = arith.addi %add3A_477, %all_reduce_population_count3A_479 : vector<16xi32>
      %ge3A_481 = arith.cmpi sge, %bitcast_convert_type3A_268, %or3A_456 : vector<16xi32>
      %all_reduce_population_count3A_482 = tpu.all_reduce %ge3A_481 {dim = 0 : i64, kind = #tpu.reduction_kind<sum>} : vector<16xi1> -> vector<16xi32>
      %add3A_483 = arith.addi %add3A_480, %all_reduce_population_count3A_482 : vector<16xi32>
      %ge3A_484 = arith.cmpi sge, %bitcast_convert_type3A_271, %or3A_456 : vector<16xi32>
      %all_reduce_population_count3A_485 = tpu.all_reduce %ge3A_484 {dim = 0 : i64, kind = #tpu.reduction_kind<sum>} : vector<16xi1> -> vector<16xi32>
      %add3A_486 = arith.addi %add3A_483, %all_reduce_population_count3A_485 : vector<16xi32>
      %ge3A_487 = arith.cmpi sge, %bitcast_convert_type3A_274, %or3A_456 : vector<16xi32>
      %all_reduce_population_count3A_488 = tpu.all_reduce %ge3A_487 {dim = 0 : i64, kind = #tpu.reduction_kind<sum>} : vector<16xi1> -> vector<16xi32>
      %add3A_489 = arith.addi %add3A_486, %all_reduce_population_count3A_488 : vector<16xi32>
      %ge3A_490 = arith.cmpi sge, %bitcast_convert_type3A_277, %or3A_456 : vector<16xi32>
      %all_reduce_population_count3A_491 = tpu.all_reduce %ge3A_490 {dim = 0 : i64, kind = #tpu.reduction_kind<sum>} : vector<16xi1> -> vector<16xi32>
      %add3A_492 = arith.addi %add3A_489, %all_reduce_population_count3A_491 : vector<16xi32>
      %ge3A_493 = arith.cmpi sge, %bitcast_convert_type3A_280, %or3A_456 : vector<16xi32>
      %all_reduce_population_count3A_494 = tpu.all_reduce %ge3A_493 {dim = 0 : i64, kind = #tpu.reduction_kind<sum>} : vector<16xi1> -> vector<16xi32>
      %add3A_495 = arith.addi %add3A_492, %all_reduce_population_count3A_494 : vector<16xi32>
      %ge3A_496 = arith.cmpi sge, %bitcast_convert_type3A_283, %or3A_456 : vector<16xi32>
      %all_reduce_population_count3A_497 = tpu.all_reduce %ge3A_496 {dim = 0 : i64, kind = #tpu.reduction_kind<sum>} : vector<16xi1> -> vector<16xi32>
      %add3A_498 = arith.addi %add3A_495, %all_reduce_population_count3A_497 : vector<16xi32>
      %ge3A_499 = arith.cmpi sge, %bitcast_convert_type3A_286, %or3A_456 : vector<16xi32>
      %all_reduce_population_count3A_500 = tpu.all_reduce %ge3A_499 {dim = 0 : i64, kind = #tpu.reduction_kind<sum>} : vector<16xi1> -> vector<16xi32>
      %add3A_501 = arith.addi %add3A_498, %all_reduce_population_count3A_500 : vector<16xi32>
      %ge3A_502 = arith.cmpi sge, %bitcast_convert_type3A_289, %or3A_456 : vector<16xi32>
      %all_reduce_population_count3A_503 = tpu.all_reduce %ge3A_502 {dim = 0 : i64, kind = #tpu.reduction_kind<sum>} : vector<16xi1> -> vector<16xi32>
      %add3A_504 = arith.addi %add3A_501, %all_reduce_population_count3A_503 : vector<16xi32>
      %ge3A_505 = arith.constant 64 : i32
      %ge3A_506 = vector.broadcast %ge3A_505 : i32 to vector<16xi32>
      %ge3A_507 = arith.cmpi sge, %add3A_504, %ge3A_506 : vector<16xi32>
      %select_n3A_508 = arith.select %ge3A_507, %or3A_456, %select_n3A_453 : vector<16xi1>, vector<16xi32>
      %or3A_509 = arith.constant 67108864 : i32
      %or3A_510 = vector.broadcast %or3A_509 : i32 to vector<16xi32>
      %or3A_511 = arith.ori %select_n3A_508, %or3A_510 : vector<16xi32>
      %ge3A_512 = arith.cmpi sge, %bitcast_convert_type3A_244, %or3A_511 : vector<16xi32>
      %all_reduce_population_count3A_513 = tpu.all_reduce %ge3A_512 {dim = 0 : i64, kind = #tpu.reduction_kind<sum>} : vector<16xi1> -> vector<16xi32>
      %add3A_514 = arith.addi %broadcast_in_dim3A_5, %all_reduce_population_count3A_513 : vector<16xi32>
      %ge3A_515 = arith.cmpi sge, %bitcast_convert_type3A_247, %or3A_511 : vector<16xi32>
      %all_reduce_population_count3A_516 = tpu.all_reduce %ge3A_515 {dim = 0 : i64, kind = #tpu.reduction_kind<sum>} : vector<16xi1> -> vector<16xi32>
      %add3A_517 = arith.addi %add3A_514, %all_reduce_population_count3A_516 : vector<16xi32>
      %ge3A_518 = arith.cmpi sge, %bitcast_convert_type3A_250, %or3A_511 : vector<16xi32>
      %all_reduce_population_count3A_519 = tpu.all_reduce %ge3A_518 {dim = 0 : i64, kind = #tpu.reduction_kind<sum>} : vector<16xi1> -> vector<16xi32>
      %add3A_520 = arith.addi %add3A_517, %all_reduce_population_count3A_519 : vector<16xi32>
      %ge3A_521 = arith.cmpi sge, %bitcast_convert_type3A_253, %or3A_511 : vector<16xi32>
      %all_reduce_population_count3A_522 = tpu.all_reduce %ge3A_521 {dim = 0 : i64, kind = #tpu.reduction_kind<sum>} : vector<16xi1> -> vector<16xi32>
      %add3A_523 = arith.addi %add3A_520, %all_reduce_population_count3A_522 : vector<16xi32>
      %ge3A_524 = arith.cmpi sge, %bitcast_convert_type3A_256, %or3A_511 : vector<16xi32>
      %all_reduce_population_count3A_525 = tpu.all_reduce %ge3A_524 {dim = 0 : i64, kind = #tpu.reduction_kind<sum>} : vector<16xi1> -> vector<16xi32>
      %add3A_526 = arith.addi %add3A_523, %all_reduce_population_count3A_525 : vector<16xi32>
      %ge3A_527 = arith.cmpi sge, %bitcast_convert_type3A_259, %or3A_511 : vector<16xi32>
      %all_reduce_population_count3A_528 = tpu.all_reduce %ge3A_527 {dim = 0 : i64, kind = #tpu.reduction_kind<sum>} : vector<16xi1> -> vector<16xi32>
      %add3A_529 = arith.addi %add3A_526, %all_reduce_population_count3A_528 : vector<16xi32>
      %ge3A_530 = arith.cmpi sge, %bitcast_convert_type3A_262, %or3A_511 : vector<16xi32>
      %all_reduce_population_count3A_531 = tpu.all_reduce %ge3A_530 {dim = 0 : i64, kind = #tpu.reduction_kind<sum>} : vector<16xi1> -> vector<16xi32>
      %add3A_532 = arith.addi %add3A_529, %all_reduce_population_count3A_531 : vector<16xi32>
      %ge3A_533 = arith.cmpi sge, %bitcast_convert_type3A_265, %or3A_511 : vector<16xi32>
      %all_reduce_population_count3A_534 = tpu.all_reduce %ge3A_533 {dim = 0 : i64, kind = #tpu.reduction_kind<sum>} : vector<16xi1> -> vector<16xi32>
      %add3A_535 = arith.addi %add3A_532, %all_reduce_population_count3A_534 : vector<16xi32>
      %ge3A_536 = arith.cmpi sge, %bitcast_convert_type3A_268, %or3A_511 : vector<16xi32>
      %all_reduce_population_count3A_537 = tpu.all_reduce %ge3A_536 {dim = 0 : i64, kind = #tpu.reduction_kind<sum>} : vector<16xi1> -> vector<16xi32>
      %add3A_538 = arith.addi %add3A_535, %all_reduce_population_count3A_537 : vector<16xi32>
      %ge3A_539 = arith.cmpi sge, %bitcast_convert_type3A_271, %or3A_511 : vector<16xi32>
      %all_reduce_population_count3A_540 = tpu.all_reduce %ge3A_539 {dim = 0 : i64, kind = #tpu.reduction_kind<sum>} : vector<16xi1> -> vector<16xi32>
      %add3A_541 = arith.addi %add3A_538, %all_reduce_population_count3A_540 : vector<16xi32>
      %ge3A_542 = arith.cmpi sge, %bitcast_convert_type3A_274, %or3A_511 : vector<16xi32>
      %all_reduce_population_count3A_543 = tpu.all_reduce %ge3A_542 {dim = 0 : i64, kind = #tpu.reduction_kind<sum>} : vector<16xi1> -> vector<16xi32>
      %add3A_544 = arith.addi %add3A_541, %all_reduce_population_count3A_543 : vector<16xi32>
      %ge3A_545 = arith.cmpi sge, %bitcast_convert_type3A_277, %or3A_511 : vector<16xi32>
      %all_reduce_population_count3A_546 = tpu.all_reduce %ge3A_545 {dim = 0 : i64, kind = #tpu.reduction_kind<sum>} : vector<16xi1> -> vector<16xi32>
      %add3A_547 = arith.addi %add3A_544, %all_reduce_population_count3A_546 : vector<16xi32>
      %ge3A_548 = arith.cmpi sge, %bitcast_convert_type3A_280, %or3A_511 : vector<16xi32>
      %all_reduce_population_count3A_549 = tpu.all_reduce %ge3A_548 {dim = 0 : i64, kind = #tpu.reduction_kind<sum>} : vector<16xi1> -> vector<16xi32>
      %add3A_550 = arith.addi %add3A_547, %all_reduce_population_count3A_549 : vector<16xi32>
      %ge3A_551 = arith.cmpi sge, %bitcast_convert_type3A_283, %or3A_511 : vector<16xi32>
      %all_reduce_population_count3A_552 = tpu.all_reduce %ge3A_551 {dim = 0 : i64, kind = #tpu.reduction_kind<sum>} : vector<16xi1> -> vector<16xi32>
      %add3A_553 = arith.addi %add3A_550, %all_reduce_population_count3A_552 : vector<16xi32>
      %ge3A_554 = arith.cmpi sge, %bitcast_convert_type3A_286, %or3A_511 : vector<16xi32>
      %all_reduce_population_count3A_555 = tpu.all_reduce %ge3A_554 {dim = 0 : i64, kind = #tpu.reduction_kind<sum>} : vector<16xi1> -> vector<16xi32>
      %add3A_556 = arith.addi %add3A_553, %all_reduce_population_count3A_555 : vector<16xi32>
      %ge3A_557 = arith.cmpi sge, %bitcast_convert_type3A_289, %or3A_511 : vector<16xi32>
      %all_reduce_population_count3A_558 = tpu.all_reduce %ge3A_557 {dim = 0 : i64, kind = #tpu.reduction_kind<sum>} : vector<16xi1> -> vector<16xi32>
      %add3A_559 = arith.addi %add3A_556, %all_reduce_population_count3A_558 : vector<16xi32>
      %ge3A_560 = arith.constant 64 : i32
      %ge3A_561 = vector.broadcast %ge3A_560 : i32 to vector<16xi32>
      %ge3A_562 = arith.cmpi sge, %add3A_559, %ge3A_561 : vector<16xi32>
      %select_n3A_563 = arith.select %ge3A_562, %or3A_511, %select_n3A_508 : vector<16xi1>, vector<16xi32>
      %or3A_564 = arith.constant 33554432 : i32
      %or3A_565 = vector.broadcast %or3A_564 : i32 to vector<16xi32>
      %or3A_566 = arith.ori %select_n3A_563, %or3A_565 : vector<16xi32>
      %ge3A_567 = arith.cmpi sge, %bitcast_convert_type3A_244, %or3A_566 : vector<16xi32>
      %all_reduce_population_count3A_568 = tpu.all_reduce %ge3A_567 {dim = 0 : i64, kind = #tpu.reduction_kind<sum>} : vector<16xi1> -> vector<16xi32>
      %add3A_569 = arith.addi %broadcast_in_dim3A_5, %all_reduce_population_count3A_568 : vector<16xi32>
      %ge3A_570 = arith.cmpi sge, %bitcast_convert_type3A_247, %or3A_566 : vector<16xi32>
      %all_reduce_population_count3A_571 = tpu.all_reduce %ge3A_570 {dim = 0 : i64, kind = #tpu.reduction_kind<sum>} : vector<16xi1> -> vector<16xi32>
      %add3A_572 = arith.addi %add3A_569, %all_reduce_population_count3A_571 : vector<16xi32>
      %ge3A_573 = arith.cmpi sge, %bitcast_convert_type3A_250, %or3A_566 : vector<16xi32>
      %all_reduce_population_count3A_574 = tpu.all_reduce %ge3A_573 {dim = 0 : i64, kind = #tpu.reduction_kind<sum>} : vector<16xi1> -> vector<16xi32>
      %add3A_575 = arith.addi %add3A_572, %all_reduce_population_count3A_574 : vector<16xi32>
      %ge3A_576 = arith.cmpi sge, %bitcast_convert_type3A_253, %or3A_566 : vector<16xi32>
      %all_reduce_population_count3A_577 = tpu.all_reduce %ge3A_576 {dim = 0 : i64, kind = #tpu.reduction_kind<sum>} : vector<16xi1> -> vector<16xi32>
      %add3A_578 = arith.addi %add3A_575, %all_reduce_population_count3A_577 : vector<16xi32>
      %ge3A_579 = arith.cmpi sge, %bitcast_convert_type3A_256, %or3A_566 : vector<16xi32>
      %all_reduce_population_count3A_580 = tpu.all_reduce %ge3A_579 {dim = 0 : i64, kind = #tpu.reduction_kind<sum>} : vector<16xi1> -> vector<16xi32>
      %add3A_581 = arith.addi %add3A_578, %all_reduce_population_count3A_580 : vector<16xi32>
      %ge3A_582 = arith.cmpi sge, %bitcast_convert_type3A_259, %or3A_566 : vector<16xi32>
      %all_reduce_population_count3A_583 = tpu.all_reduce %ge3A_582 {dim = 0 : i64, kind = #tpu.reduction_kind<sum>} : vector<16xi1> -> vector<16xi32>
      %add3A_584 = arith.addi %add3A_581, %all_reduce_population_count3A_583 : vector<16xi32>
      %ge3A_585 = arith.cmpi sge, %bitcast_convert_type3A_262, %or3A_566 : vector<16xi32>
      %all_reduce_population_count3A_586 = tpu.all_reduce %ge3A_585 {dim = 0 : i64, kind = #tpu.reduction_kind<sum>} : vector<16xi1> -> vector<16xi32>
      %add3A_587 = arith.addi %add3A_584, %all_reduce_population_count3A_586 : vector<16xi32>
      %ge3A_588 = arith.cmpi sge, %bitcast_convert_type3A_265, %or3A_566 : vector<16xi32>
      %all_reduce_population_count3A_589 = tpu.all_reduce %ge3A_588 {dim = 0 : i64, kind = #tpu.reduction_kind<sum>} : vector<16xi1> -> vector<16xi32>
      %add3A_590 = arith.addi %add3A_587, %all_reduce_population_count3A_589 : vector<16xi32>
      %ge3A_591 = arith.cmpi sge, %bitcast_convert_type3A_268, %or3A_566 : vector<16xi32>
      %all_reduce_population_count3A_592 = tpu.all_reduce %ge3A_591 {dim = 0 : i64, kind = #tpu.reduction_kind<sum>} : vector<16xi1> -> vector<16xi32>
      %add3A_593 = arith.addi %add3A_590, %all_reduce_population_count3A_592 : vector<16xi32>
      %ge3A_594 = arith.cmpi sge, %bitcast_convert_type3A_271, %or3A_566 : vector<16xi32>
      %all_reduce_population_count3A_595 = tpu.all_reduce %ge3A_594 {dim = 0 : i64, kind = #tpu.reduction_kind<sum>} : vector<16xi1> -> vector<16xi32>
      %add3A_596 = arith.addi %add3A_593, %all_reduce_population_count3A_595 : vector<16xi32>
      %ge3A_597 = arith.cmpi sge, %bitcast_convert_type3A_274, %or3A_566 : vector<16xi32>
      %all_reduce_population_count3A_598 = tpu.all_reduce %ge3A_597 {dim = 0 : i64, kind = #tpu.reduction_kind<sum>} : vector<16xi1> -> vector<16xi32>
      %add3A_599 = arith.addi %add3A_596, %all_reduce_population_count3A_598 : vector<16xi32>
      %ge3A_600 = arith.cmpi sge, %bitcast_convert_type3A_277, %or3A_566 : vector<16xi32>
      %all_reduce_population_count3A_601 = tpu.all_reduce %ge3A_600 {dim = 0 : i64, kind = #tpu.reduction_kind<sum>} : vector<16xi1> -> vector<16xi32>
      %add3A_602 = arith.addi %add3A_599, %all_reduce_population_count3A_601 : vector<16xi32>
      %ge3A_603 = arith.cmpi sge, %bitcast_convert_type3A_280, %or3A_566 : vector<16xi32>
      %all_reduce_population_count3A_604 = tpu.all_reduce %ge3A_603 {dim = 0 : i64, kind = #tpu.reduction_kind<sum>} : vector<16xi1> -> vector<16xi32>
      %add3A_605 = arith.addi %add3A_602, %all_reduce_population_count3A_604 : vector<16xi32>
      %ge3A_606 = arith.cmpi sge, %bitcast_convert_type3A_283, %or3A_566 : vector<16xi32>
      %all_reduce_population_count3A_607 = tpu.all_reduce %ge3A_606 {dim = 0 : i64, kind = #tpu.reduction_kind<sum>} : vector<16xi1> -> vector<16xi32>
      %add3A_608 = arith.addi %add3A_605, %all_reduce_population_count3A_607 : vector<16xi32>
      %ge3A_609 = arith.cmpi sge, %bitcast_convert_type3A_286, %or3A_566 : vector<16xi32>
      %all_reduce_population_count3A_610 = tpu.all_reduce %ge3A_609 {dim = 0 : i64, kind = #tpu.reduction_kind<sum>} : vector<16xi1> -> vector<16xi32>
      %add3A_611 = arith.addi %add3A_608, %all_reduce_population_count3A_610 : vector<16xi32>
      %ge3A_612 = arith.cmpi sge, %bitcast_convert_type3A_289, %or3A_566 : vector<16xi32>
      %all_reduce_population_count3A_613 = tpu.all_reduce %ge3A_612 {dim = 0 : i64, kind = #tpu.reduction_kind<sum>} : vector<16xi1> -> vector<16xi32>
      %add3A_614 = arith.addi %add3A_611, %all_reduce_population_count3A_613 : vector<16xi32>
      %ge3A_615 = arith.constant 64 : i32
      %ge3A_616 = vector.broadcast %ge3A_615 : i32 to vector<16xi32>
      %ge3A_617 = arith.cmpi sge, %add3A_614, %ge3A_616 : vector<16xi32>
      %select_n3A_618 = arith.select %ge3A_617, %or3A_566, %select_n3A_563 : vector<16xi1>, vector<16xi32>
      %or3A_619 = arith.constant 16777216 : i32
      %or3A_620 = vector.broadcast %or3A_619 : i32 to vector<16xi32>
      %or3A_621 = arith.ori %select_n3A_618, %or3A_620 : vector<16xi32>
      %ge3A_622 = arith.cmpi sge, %bitcast_convert_type3A_244, %or3A_621 : vector<16xi32>
      %all_reduce_population_count3A_623 = tpu.all_reduce %ge3A_622 {dim = 0 : i64, kind = #tpu.reduction_kind<sum>} : vector<16xi1> -> vector<16xi32>
      %add3A_624 = arith.addi %broadcast_in_dim3A_5, %all_reduce_population_count3A_623 : vector<16xi32>
      %ge3A_625 = arith.cmpi sge, %bitcast_convert_type3A_247, %or3A_621 : vector<16xi32>
      %all_reduce_population_count3A_626 = tpu.all_reduce %ge3A_625 {dim = 0 : i64, kind = #tpu.reduction_kind<sum>} : vector<16xi1> -> vector<16xi32>
      %add3A_627 = arith.addi %add3A_624, %all_reduce_population_count3A_626 : vector<16xi32>
      %ge3A_628 = arith.cmpi sge, %bitcast_convert_type3A_250, %or3A_621 : vector<16xi32>
      %all_reduce_population_count3A_629 = tpu.all_reduce %ge3A_628 {dim = 0 : i64, kind = #tpu.reduction_kind<sum>} : vector<16xi1> -> vector<16xi32>
      %add3A_630 = arith.addi %add3A_627, %all_reduce_population_count3A_629 : vector<16xi32>
      %ge3A_631 = arith.cmpi sge, %bitcast_convert_type3A_253, %or3A_621 : vector<16xi32>
      %all_reduce_population_count3A_632 = tpu.all_reduce %ge3A_631 {dim = 0 : i64, kind = #tpu.reduction_kind<sum>} : vector<16xi1> -> vector<16xi32>
      %add3A_633 = arith.addi %add3A_630, %all_reduce_population_count3A_632 : vector<16xi32>
      %ge3A_634 = arith.cmpi sge, %bitcast_convert_type3A_256, %or3A_621 : vector<16xi32>
      %all_reduce_population_count3A_635 = tpu.all_reduce %ge3A_634 {dim = 0 : i64, kind = #tpu.reduction_kind<sum>} : vector<16xi1> -> vector<16xi32>
      %add3A_636 = arith.addi %add3A_633, %all_reduce_population_count3A_635 : vector<16xi32>
      %ge3A_637 = arith.cmpi sge, %bitcast_convert_type3A_259, %or3A_621 : vector<16xi32>
      %all_reduce_population_count3A_638 = tpu.all_reduce %ge3A_637 {dim = 0 : i64, kind = #tpu.reduction_kind<sum>} : vector<16xi1> -> vector<16xi32>
      %add3A_639 = arith.addi %add3A_636, %all_reduce_population_count3A_638 : vector<16xi32>
      %ge3A_640 = arith.cmpi sge, %bitcast_convert_type3A_262, %or3A_621 : vector<16xi32>
      %all_reduce_population_count3A_641 = tpu.all_reduce %ge3A_640 {dim = 0 : i64, kind = #tpu.reduction_kind<sum>} : vector<16xi1> -> vector<16xi32>
      %add3A_642 = arith.addi %add3A_639, %all_reduce_population_count3A_641 : vector<16xi32>
      %ge3A_643 = arith.cmpi sge, %bitcast_convert_type3A_265, %or3A_621 : vector<16xi32>
      %all_reduce_population_count3A_644 = tpu.all_reduce %ge3A_643 {dim = 0 : i64, kind = #tpu.reduction_kind<sum>} : vector<16xi1> -> vector<16xi32>
      %add3A_645 = arith.addi %add3A_642, %all_reduce_population_count3A_644 : vector<16xi32>
      %ge3A_646 = arith.cmpi sge, %bitcast_convert_type3A_268, %or3A_621 : vector<16xi32>
      %all_reduce_population_count3A_647 = tpu.all_reduce %ge3A_646 {dim = 0 : i64, kind = #tpu.reduction_kind<sum>} : vector<16xi1> -> vector<16xi32>
      %add3A_648 = arith.addi %add3A_645, %all_reduce_population_count3A_647 : vector<16xi32>
      %ge3A_649 = arith.cmpi sge, %bitcast_convert_type3A_271, %or3A_621 : vector<16xi32>
      %all_reduce_population_count3A_650 = tpu.all_reduce %ge3A_649 {dim = 0 : i64, kind = #tpu.reduction_kind<sum>} : vector<16xi1> -> vector<16xi32>
      %add3A_651 = arith.addi %add3A_648, %all_reduce_population_count3A_650 : vector<16xi32>
      %ge3A_652 = arith.cmpi sge, %bitcast_convert_type3A_274, %or3A_621 : vector<16xi32>
      %all_reduce_population_count3A_653 = tpu.all_reduce %ge3A_652 {dim = 0 : i64, kind = #tpu.reduction_kind<sum>} : vector<16xi1> -> vector<16xi32>
      %add3A_654 = arith.addi %add3A_651, %all_reduce_population_count3A_653 : vector<16xi32>
      %ge3A_655 = arith.cmpi sge, %bitcast_convert_type3A_277, %or3A_621 : vector<16xi32>
      %all_reduce_population_count3A_656 = tpu.all_reduce %ge3A_655 {dim = 0 : i64, kind = #tpu.reduction_kind<sum>} : vector<16xi1> -> vector<16xi32>
      %add3A_657 = arith.addi %add3A_654, %all_reduce_population_count3A_656 : vector<16xi32>
      %ge3A_658 = arith.cmpi sge, %bitcast_convert_type3A_280, %or3A_621 : vector<16xi32>
      %all_reduce_population_count3A_659 = tpu.all_reduce %ge3A_658 {dim = 0 : i64, kind = #tpu.reduction_kind<sum>} : vector<16xi1> -> vector<16xi32>
      %add3A_660 = arith.addi %add3A_657, %all_reduce_population_count3A_659 : vector<16xi32>
      %ge3A_661 = arith.cmpi sge, %bitcast_convert_type3A_283, %or3A_621 : vector<16xi32>
      %all_reduce_population_count3A_662 = tpu.all_reduce %ge3A_661 {dim = 0 : i64, kind = #tpu.reduction_kind<sum>} : vector<16xi1> -> vector<16xi32>
      %add3A_663 = arith.addi %add3A_660, %all_reduce_population_count3A_662 : vector<16xi32>
      %ge3A_664 = arith.cmpi sge, %bitcast_convert_type3A_286, %or3A_621 : vector<16xi32>
      %all_reduce_population_count3A_665 = tpu.all_reduce %ge3A_664 {dim = 0 : i64, kind = #tpu.reduction_kind<sum>} : vector<16xi1> -> vector<16xi32>
      %add3A_666 = arith.addi %add3A_663, %all_reduce_population_count3A_665 : vector<16xi32>
      %ge3A_667 = arith.cmpi sge, %bitcast_convert_type3A_289, %or3A_621 : vector<16xi32>
      %all_reduce_population_count3A_668 = tpu.all_reduce %ge3A_667 {dim = 0 : i64, kind = #tpu.reduction_kind<sum>} : vector<16xi1> -> vector<16xi32>
      %add3A_669 = arith.addi %add3A_666, %all_reduce_population_count3A_668 : vector<16xi32>
      %ge3A_670 = arith.constant 64 : i32
      %ge3A_671 = vector.broadcast %ge3A_670 : i32 to vector<16xi32>
      %ge3A_672 = arith.cmpi sge, %add3A_669, %ge3A_671 : vector<16xi32>
      %select_n3A_673 = arith.select %ge3A_672, %or3A_621, %select_n3A_618 : vector<16xi1>, vector<16xi32>
      %or3A_674 = arith.constant 8388608 : i32
      %or3A_675 = vector.broadcast %or3A_674 : i32 to vector<16xi32>
      %or3A_676 = arith.ori %select_n3A_673, %or3A_675 : vector<16xi32>
      %ge3A_677 = arith.cmpi sge, %bitcast_convert_type3A_244, %or3A_676 : vector<16xi32>
      %all_reduce_population_count3A_678 = tpu.all_reduce %ge3A_677 {dim = 0 : i64, kind = #tpu.reduction_kind<sum>} : vector<16xi1> -> vector<16xi32>
      %add3A_679 = arith.addi %broadcast_in_dim3A_5, %all_reduce_population_count3A_678 : vector<16xi32>
      %ge3A_680 = arith.cmpi sge, %bitcast_convert_type3A_247, %or3A_676 : vector<16xi32>
      %all_reduce_population_count3A_681 = tpu.all_reduce %ge3A_680 {dim = 0 : i64, kind = #tpu.reduction_kind<sum>} : vector<16xi1> -> vector<16xi32>
      %add3A_682 = arith.addi %add3A_679, %all_reduce_population_count3A_681 : vector<16xi32>
      %ge3A_683 = arith.cmpi sge, %bitcast_convert_type3A_250, %or3A_676 : vector<16xi32>
      %all_reduce_population_count3A_684 = tpu.all_reduce %ge3A_683 {dim = 0 : i64, kind = #tpu.reduction_kind<sum>} : vector<16xi1> -> vector<16xi32>
      %add3A_685 = arith.addi %add3A_682, %all_reduce_population_count3A_684 : vector<16xi32>
      %ge3A_686 = arith.cmpi sge, %bitcast_convert_type3A_253, %or3A_676 : vector<16xi32>
      %all_reduce_population_count3A_687 = tpu.all_reduce %ge3A_686 {dim = 0 : i64, kind = #tpu.reduction_kind<sum>} : vector<16xi1> -> vector<16xi32>
      %add3A_688 = arith.addi %add3A_685, %all_reduce_population_count3A_687 : vector<16xi32>
      %ge3A_689 = arith.cmpi sge, %bitcast_convert_type3A_256, %or3A_676 : vector<16xi32>
      %all_reduce_population_count3A_690 = tpu.all_reduce %ge3A_689 {dim = 0 : i64, kind = #tpu.reduction_kind<sum>} : vector<16xi1> -> vector<16xi32>
      %add3A_691 = arith.addi %add3A_688, %all_reduce_population_count3A_690 : vector<16xi32>
      %ge3A_692 = arith.cmpi sge, %bitcast_convert_type3A_259, %or3A_676 : vector<16xi32>
      %all_reduce_population_count3A_693 = tpu.all_reduce %ge3A_692 {dim = 0 : i64, kind = #tpu.reduction_kind<sum>} : vector<16xi1> -> vector<16xi32>
      %add3A_694 = arith.addi %add3A_691, %all_reduce_population_count3A_693 : vector<16xi32>
      %ge3A_695 = arith.cmpi sge, %bitcast_convert_type3A_262, %or3A_676 : vector<16xi32>
      %all_reduce_population_count3A_696 = tpu.all_reduce %ge3A_695 {dim = 0 : i64, kind = #tpu.reduction_kind<sum>} : vector<16xi1> -> vector<16xi32>
      %add3A_697 = arith.addi %add3A_694, %all_reduce_population_count3A_696 : vector<16xi32>
      %ge3A_698 = arith.cmpi sge, %bitcast_convert_type3A_265, %or3A_676 : vector<16xi32>
      %all_reduce_population_count3A_699 = tpu.all_reduce %ge3A_698 {dim = 0 : i64, kind = #tpu.reduction_kind<sum>} : vector<16xi1> -> vector<16xi32>
      %add3A_700 = arith.addi %add3A_697, %all_reduce_population_count3A_699 : vector<16xi32>
      %ge3A_701 = arith.cmpi sge, %bitcast_convert_type3A_268, %or3A_676 : vector<16xi32>
      %all_reduce_population_count3A_702 = tpu.all_reduce %ge3A_701 {dim = 0 : i64, kind = #tpu.reduction_kind<sum>} : vector<16xi1> -> vector<16xi32>
      %add3A_703 = arith.addi %add3A_700, %all_reduce_population_count3A_702 : vector<16xi32>
      %ge3A_704 = arith.cmpi sge, %bitcast_convert_type3A_271, %or3A_676 : vector<16xi32>
      %all_reduce_population_count3A_705 = tpu.all_reduce %ge3A_704 {dim = 0 : i64, kind = #tpu.reduction_kind<sum>} : vector<16xi1> -> vector<16xi32>
      %add3A_706 = arith.addi %add3A_703, %all_reduce_population_count3A_705 : vector<16xi32>
      %ge3A_707 = arith.cmpi sge, %bitcast_convert_type3A_274, %or3A_676 : vector<16xi32>
      %all_reduce_population_count3A_708 = tpu.all_reduce %ge3A_707 {dim = 0 : i64, kind = #tpu.reduction_kind<sum>} : vector<16xi1> -> vector<16xi32>
      %add3A_709 = arith.addi %add3A_706, %all_reduce_population_count3A_708 : vector<16xi32>
      %ge3A_710 = arith.cmpi sge, %bitcast_convert_type3A_277, %or3A_676 : vector<16xi32>
      %all_reduce_population_count3A_711 = tpu.all_reduce %ge3A_710 {dim = 0 : i64, kind = #tpu.reduction_kind<sum>} : vector<16xi1> -> vector<16xi32>
      %add3A_712 = arith.addi %add3A_709, %all_reduce_population_count3A_711 : vector<16xi32>
      %ge3A_713 = arith.cmpi sge, %bitcast_convert_type3A_280, %or3A_676 : vector<16xi32>
      %all_reduce_population_count3A_714 = tpu.all_reduce %ge3A_713 {dim = 0 : i64, kind = #tpu.reduction_kind<sum>} : vector<16xi1> -> vector<16xi32>
      %add3A_715 = arith.addi %add3A_712, %all_reduce_population_count3A_714 : vector<16xi32>
      %ge3A_716 = arith.cmpi sge, %bitcast_convert_type3A_283, %or3A_676 : vector<16xi32>
      %all_reduce_population_count3A_717 = tpu.all_reduce %ge3A_716 {dim = 0 : i64, kind = #tpu.reduction_kind<sum>} : vector<16xi1> -> vector<16xi32>
      %add3A_718 = arith.addi %add3A_715, %all_reduce_population_count3A_717 : vector<16xi32>
      %ge3A_719 = arith.cmpi sge, %bitcast_convert_type3A_286, %or3A_676 : vector<16xi32>
      %all_reduce_population_count3A_720 = tpu.all_reduce %ge3A_719 {dim = 0 : i64, kind = #tpu.reduction_kind<sum>} : vector<16xi1> -> vector<16xi32>
      %add3A_721 = arith.addi %add3A_718, %all_reduce_population_count3A_720 : vector<16xi32>
      %ge3A_722 = arith.cmpi sge, %bitcast_convert_type3A_289, %or3A_676 : vector<16xi32>
      %all_reduce_population_count3A_723 = tpu.all_reduce %ge3A_722 {dim = 0 : i64, kind = #tpu.reduction_kind<sum>} : vector<16xi1> -> vector<16xi32>
      %add3A_724 = arith.addi %add3A_721, %all_reduce_population_count3A_723 : vector<16xi32>
      %ge3A_725 = arith.constant 64 : i32
      %ge3A_726 = vector.broadcast %ge3A_725 : i32 to vector<16xi32>
      %ge3A_727 = arith.cmpi sge, %add3A_724, %ge3A_726 : vector<16xi32>
      %select_n3A_728 = arith.select %ge3A_727, %or3A_676, %select_n3A_673 : vector<16xi1>, vector<16xi32>
      %or3A_729 = arith.constant 4194304 : i32
      %or3A_730 = vector.broadcast %or3A_729 : i32 to vector<16xi32>
      %or3A_731 = arith.ori %select_n3A_728, %or3A_730 : vector<16xi32>
      %ge3A_732 = arith.cmpi sge, %bitcast_convert_type3A_244, %or3A_731 : vector<16xi32>
      %all_reduce_population_count3A_733 = tpu.all_reduce %ge3A_732 {dim = 0 : i64, kind = #tpu.reduction_kind<sum>} : vector<16xi1> -> vector<16xi32>
      %add3A_734 = arith.addi %broadcast_in_dim3A_5, %all_reduce_population_count3A_733 : vector<16xi32>
      %ge3A_735 = arith.cmpi sge, %bitcast_convert_type3A_247, %or3A_731 : vector<16xi32>
      %all_reduce_population_count3A_736 = tpu.all_reduce %ge3A_735 {dim = 0 : i64, kind = #tpu.reduction_kind<sum>} : vector<16xi1> -> vector<16xi32>
      %add3A_737 = arith.addi %add3A_734, %all_reduce_population_count3A_736 : vector<16xi32>
      %ge3A_738 = arith.cmpi sge, %bitcast_convert_type3A_250, %or3A_731 : vector<16xi32>
      %all_reduce_population_count3A_739 = tpu.all_reduce %ge3A_738 {dim = 0 : i64, kind = #tpu.reduction_kind<sum>} : vector<16xi1> -> vector<16xi32>
      %add3A_740 = arith.addi %add3A_737, %all_reduce_population_count3A_739 : vector<16xi32>
      %ge3A_741 = arith.cmpi sge, %bitcast_convert_type3A_253, %or3A_731 : vector<16xi32>
      %all_reduce_population_count3A_742 = tpu.all_reduce %ge3A_741 {dim = 0 : i64, kind = #tpu.reduction_kind<sum>} : vector<16xi1> -> vector<16xi32>
      %add3A_743 = arith.addi %add3A_740, %all_reduce_population_count3A_742 : vector<16xi32>
      %ge3A_744 = arith.cmpi sge, %bitcast_convert_type3A_256, %or3A_731 : vector<16xi32>
      %all_reduce_population_count3A_745 = tpu.all_reduce %ge3A_744 {dim = 0 : i64, kind = #tpu.reduction_kind<sum>} : vector<16xi1> -> vector<16xi32>
      %add3A_746 = arith.addi %add3A_743, %all_reduce_population_count3A_745 : vector<16xi32>
      %ge3A_747 = arith.cmpi sge, %bitcast_convert_type3A_259, %or3A_731 : vector<16xi32>
      %all_reduce_population_count3A_748 = tpu.all_reduce %ge3A_747 {dim = 0 : i64, kind = #tpu.reduction_kind<sum>} : vector<16xi1> -> vector<16xi32>
      %add3A_749 = arith.addi %add3A_746, %all_reduce_population_count3A_748 : vector<16xi32>
      %ge3A_750 = arith.cmpi sge, %bitcast_convert_type3A_262, %or3A_731 : vector<16xi32>
      %all_reduce_population_count3A_751 = tpu.all_reduce %ge3A_750 {dim = 0 : i64, kind = #tpu.reduction_kind<sum>} : vector<16xi1> -> vector<16xi32>
      %add3A_752 = arith.addi %add3A_749, %all_reduce_population_count3A_751 : vector<16xi32>
      %ge3A_753 = arith.cmpi sge, %bitcast_convert_type3A_265, %or3A_731 : vector<16xi32>
      %all_reduce_population_count3A_754 = tpu.all_reduce %ge3A_753 {dim = 0 : i64, kind = #tpu.reduction_kind<sum>} : vector<16xi1> -> vector<16xi32>
      %add3A_755 = arith.addi %add3A_752, %all_reduce_population_count3A_754 : vector<16xi32>
      %ge3A_756 = arith.cmpi sge, %bitcast_convert_type3A_268, %or3A_731 : vector<16xi32>
      %all_reduce_population_count3A_757 = tpu.all_reduce %ge3A_756 {dim = 0 : i64, kind = #tpu.reduction_kind<sum>} : vector<16xi1> -> vector<16xi32>
      %add3A_758 = arith.addi %add3A_755, %all_reduce_population_count3A_757 : vector<16xi32>
      %ge3A_759 = arith.cmpi sge, %bitcast_convert_type3A_271, %or3A_731 : vector<16xi32>
      %all_reduce_population_count3A_760 = tpu.all_reduce %ge3A_759 {dim = 0 : i64, kind = #tpu.reduction_kind<sum>} : vector<16xi1> -> vector<16xi32>
      %add3A_761 = arith.addi %add3A_758, %all_reduce_population_count3A_760 : vector<16xi32>
      %ge3A_762 = arith.cmpi sge, %bitcast_convert_type3A_274, %or3A_731 : vector<16xi32>
      %all_reduce_population_count3A_763 = tpu.all_reduce %ge3A_762 {dim = 0 : i64, kind = #tpu.reduction_kind<sum>} : vector<16xi1> -> vector<16xi32>
      %add3A_764 = arith.addi %add3A_761, %all_reduce_population_count3A_763 : vector<16xi32>
      %ge3A_765 = arith.cmpi sge, %bitcast_convert_type3A_277, %or3A_731 : vector<16xi32>
      %all_reduce_population_count3A_766 = tpu.all_reduce %ge3A_765 {dim = 0 : i64, kind = #tpu.reduction_kind<sum>} : vector<16xi1> -> vector<16xi32>
      %add3A_767 = arith.addi %add3A_764, %all_reduce_population_count3A_766 : vector<16xi32>
      %ge3A_768 = arith.cmpi sge, %bitcast_convert_type3A_280, %or3A_731 : vector<16xi32>
      %all_reduce_population_count3A_769 = tpu.all_reduce %ge3A_768 {dim = 0 : i64, kind = #tpu.reduction_kind<sum>} : vector<16xi1> -> vector<16xi32>
      %add3A_770 = arith.addi %add3A_767, %all_reduce_population_count3A_769 : vector<16xi32>
      %ge3A_771 = arith.cmpi sge, %bitcast_convert_type3A_283, %or3A_731 : vector<16xi32>
      %all_reduce_population_count3A_772 = tpu.all_reduce %ge3A_771 {dim = 0 : i64, kind = #tpu.reduction_kind<sum>} : vector<16xi1> -> vector<16xi32>
      %add3A_773 = arith.addi %add3A_770, %all_reduce_population_count3A_772 : vector<16xi32>
      %ge3A_774 = arith.cmpi sge, %bitcast_convert_type3A_286, %or3A_731 : vector<16xi32>
      %all_reduce_population_count3A_775 = tpu.all_reduce %ge3A_774 {dim = 0 : i64, kind = #tpu.reduction_kind<sum>} : vector<16xi1> -> vector<16xi32>
      %add3A_776 = arith.addi %add3A_773, %all_reduce_population_count3A_775 : vector<16xi32>
      %ge3A_777 = arith.cmpi sge, %bitcast_convert_type3A_289, %or3A_731 : vector<16xi32>
      %all_reduce_population_count3A_778 = tpu.all_reduce %ge3A_777 {dim = 0 : i64, kind = #tpu.reduction_kind<sum>} : vector<16xi1> -> vector<16xi32>
      %add3A_779 = arith.addi %add3A_776, %all_reduce_population_count3A_778 : vector<16xi32>
      %ge3A_780 = arith.constant 64 : i32
      %ge3A_781 = vector.broadcast %ge3A_780 : i32 to vector<16xi32>
      %ge3A_782 = arith.cmpi sge, %add3A_779, %ge3A_781 : vector<16xi32>
      %select_n3A_783 = arith.select %ge3A_782, %or3A_731, %select_n3A_728 : vector<16xi1>, vector<16xi32>
      %or3A_784 = arith.constant 2097152 : i32
      %or3A_785 = vector.broadcast %or3A_784 : i32 to vector<16xi32>
      %or3A_786 = arith.ori %select_n3A_783, %or3A_785 : vector<16xi32>
      %ge3A_787 = arith.cmpi sge, %bitcast_convert_type3A_244, %or3A_786 : vector<16xi32>
      %all_reduce_population_count3A_788 = tpu.all_reduce %ge3A_787 {dim = 0 : i64, kind = #tpu.reduction_kind<sum>} : vector<16xi1> -> vector<16xi32>
      %add3A_789 = arith.addi %broadcast_in_dim3A_5, %all_reduce_population_count3A_788 : vector<16xi32>
      %ge3A_790 = arith.cmpi sge, %bitcast_convert_type3A_247, %or3A_786 : vector<16xi32>
      %all_reduce_population_count3A_791 = tpu.all_reduce %ge3A_790 {dim = 0 : i64, kind = #tpu.reduction_kind<sum>} : vector<16xi1> -> vector<16xi32>
      %add3A_792 = arith.addi %add3A_789, %all_reduce_population_count3A_791 : vector<16xi32>
      %ge3A_793 = arith.cmpi sge, %bitcast_convert_type3A_250, %or3A_786 : vector<16xi32>
      %all_reduce_population_count3A_794 = tpu.all_reduce %ge3A_793 {dim = 0 : i64, kind = #tpu.reduction_kind<sum>} : vector<16xi1> -> vector<16xi32>
      %add3A_795 = arith.addi %add3A_792, %all_reduce_population_count3A_794 : vector<16xi32>
      %ge3A_796 = arith.cmpi sge, %bitcast_convert_type3A_253, %or3A_786 : vector<16xi32>
      %all_reduce_population_count3A_797 = tpu.all_reduce %ge3A_796 {dim = 0 : i64, kind = #tpu.reduction_kind<sum>} : vector<16xi1> -> vector<16xi32>
      %add3A_798 = arith.addi %add3A_795, %all_reduce_population_count3A_797 : vector<16xi32>
      %ge3A_799 = arith.cmpi sge, %bitcast_convert_type3A_256, %or3A_786 : vector<16xi32>
      %all_reduce_population_count3A_800 = tpu.all_reduce %ge3A_799 {dim = 0 : i64, kind = #tpu.reduction_kind<sum>} : vector<16xi1> -> vector<16xi32>
      %add3A_801 = arith.addi %add3A_798, %all_reduce_population_count3A_800 : vector<16xi32>
      %ge3A_802 = arith.cmpi sge, %bitcast_convert_type3A_259, %or3A_786 : vector<16xi32>
      %all_reduce_population_count3A_803 = tpu.all_reduce %ge3A_802 {dim = 0 : i64, kind = #tpu.reduction_kind<sum>} : vector<16xi1> -> vector<16xi32>
      %add3A_804 = arith.addi %add3A_801, %all_reduce_population_count3A_803 : vector<16xi32>
      %ge3A_805 = arith.cmpi sge, %bitcast_convert_type3A_262, %or3A_786 : vector<16xi32>
      %all_reduce_population_count3A_806 = tpu.all_reduce %ge3A_805 {dim = 0 : i64, kind = #tpu.reduction_kind<sum>} : vector<16xi1> -> vector<16xi32>
      %add3A_807 = arith.addi %add3A_804, %all_reduce_population_count3A_806 : vector<16xi32>
      %ge3A_808 = arith.cmpi sge, %bitcast_convert_type3A_265, %or3A_786 : vector<16xi32>
      %all_reduce_population_count3A_809 = tpu.all_reduce %ge3A_808 {dim = 0 : i64, kind = #tpu.reduction_kind<sum>} : vector<16xi1> -> vector<16xi32>
      %add3A_810 = arith.addi %add3A_807, %all_reduce_population_count3A_809 : vector<16xi32>
      %ge3A_811 = arith.cmpi sge, %bitcast_convert_type3A_268, %or3A_786 : vector<16xi32>
      %all_reduce_population_count3A_812 = tpu.all_reduce %ge3A_811 {dim = 0 : i64, kind = #tpu.reduction_kind<sum>} : vector<16xi1> -> vector<16xi32>
      %add3A_813 = arith.addi %add3A_810, %all_reduce_population_count3A_812 : vector<16xi32>
      %ge3A_814 = arith.cmpi sge, %bitcast_convert_type3A_271, %or3A_786 : vector<16xi32>
      %all_reduce_population_count3A_815 = tpu.all_reduce %ge3A_814 {dim = 0 : i64, kind = #tpu.reduction_kind<sum>} : vector<16xi1> -> vector<16xi32>
      %add3A_816 = arith.addi %add3A_813, %all_reduce_population_count3A_815 : vector<16xi32>
      %ge3A_817 = arith.cmpi sge, %bitcast_convert_type3A_274, %or3A_786 : vector<16xi32>
      %all_reduce_population_count3A_818 = tpu.all_reduce %ge3A_817 {dim = 0 : i64, kind = #tpu.reduction_kind<sum>} : vector<16xi1> -> vector<16xi32>
      %add3A_819 = arith.addi %add3A_816, %all_reduce_population_count3A_818 : vector<16xi32>
      %ge3A_820 = arith.cmpi sge, %bitcast_convert_type3A_277, %or3A_786 : vector<16xi32>
      %all_reduce_population_count3A_821 = tpu.all_reduce %ge3A_820 {dim = 0 : i64, kind = #tpu.reduction_kind<sum>} : vector<16xi1> -> vector<16xi32>
      %add3A_822 = arith.addi %add3A_819, %all_reduce_population_count3A_821 : vector<16xi32>
      %ge3A_823 = arith.cmpi sge, %bitcast_convert_type3A_280, %or3A_786 : vector<16xi32>
      %all_reduce_population_count3A_824 = tpu.all_reduce %ge3A_823 {dim = 0 : i64, kind = #tpu.reduction_kind<sum>} : vector<16xi1> -> vector<16xi32>
      %add3A_825 = arith.addi %add3A_822, %all_reduce_population_count3A_824 : vector<16xi32>
      %ge3A_826 = arith.cmpi sge, %bitcast_convert_type3A_283, %or3A_786 : vector<16xi32>
      %all_reduce_population_count3A_827 = tpu.all_reduce %ge3A_826 {dim = 0 : i64, kind = #tpu.reduction_kind<sum>} : vector<16xi1> -> vector<16xi32>
      %add3A_828 = arith.addi %add3A_825, %all_reduce_population_count3A_827 : vector<16xi32>
      %ge3A_829 = arith.cmpi sge, %bitcast_convert_type3A_286, %or3A_786 : vector<16xi32>
      %all_reduce_population_count3A_830 = tpu.all_reduce %ge3A_829 {dim = 0 : i64, kind = #tpu.reduction_kind<sum>} : vector<16xi1> -> vector<16xi32>
      %add3A_831 = arith.addi %add3A_828, %all_reduce_population_count3A_830 : vector<16xi32>
      %ge3A_832 = arith.cmpi sge, %bitcast_convert_type3A_289, %or3A_786 : vector<16xi32>
      %all_reduce_population_count3A_833 = tpu.all_reduce %ge3A_832 {dim = 0 : i64, kind = #tpu.reduction_kind<sum>} : vector<16xi1> -> vector<16xi32>
      %add3A_834 = arith.addi %add3A_831, %all_reduce_population_count3A_833 : vector<16xi32>
      %ge3A_835 = arith.constant 64 : i32
      %ge3A_836 = vector.broadcast %ge3A_835 : i32 to vector<16xi32>
      %ge3A_837 = arith.cmpi sge, %add3A_834, %ge3A_836 : vector<16xi32>
      %select_n3A_838 = arith.select %ge3A_837, %or3A_786, %select_n3A_783 : vector<16xi1>, vector<16xi32>
      %or3A_839 = arith.constant 1048576 : i32
      %or3A_840 = vector.broadcast %or3A_839 : i32 to vector<16xi32>
      %or3A_841 = arith.ori %select_n3A_838, %or3A_840 : vector<16xi32>
      %ge3A_842 = arith.cmpi sge, %bitcast_convert_type3A_244, %or3A_841 : vector<16xi32>
      %all_reduce_population_count3A_843 = tpu.all_reduce %ge3A_842 {dim = 0 : i64, kind = #tpu.reduction_kind<sum>} : vector<16xi1> -> vector<16xi32>
      %add3A_844 = arith.addi %broadcast_in_dim3A_5, %all_reduce_population_count3A_843 : vector<16xi32>
      %ge3A_845 = arith.cmpi sge, %bitcast_convert_type3A_247, %or3A_841 : vector<16xi32>
      %all_reduce_population_count3A_846 = tpu.all_reduce %ge3A_845 {dim = 0 : i64, kind = #tpu.reduction_kind<sum>} : vector<16xi1> -> vector<16xi32>
      %add3A_847 = arith.addi %add3A_844, %all_reduce_population_count3A_846 : vector<16xi32>
      %ge3A_848 = arith.cmpi sge, %bitcast_convert_type3A_250, %or3A_841 : vector<16xi32>
      %all_reduce_population_count3A_849 = tpu.all_reduce %ge3A_848 {dim = 0 : i64, kind = #tpu.reduction_kind<sum>} : vector<16xi1> -> vector<16xi32>
      %add3A_850 = arith.addi %add3A_847, %all_reduce_population_count3A_849 : vector<16xi32>
      %ge3A_851 = arith.cmpi sge, %bitcast_convert_type3A_253, %or3A_841 : vector<16xi32>
      %all_reduce_population_count3A_852 = tpu.all_reduce %ge3A_851 {dim = 0 : i64, kind = #tpu.reduction_kind<sum>} : vector<16xi1> -> vector<16xi32>
      %add3A_853 = arith.addi %add3A_850, %all_reduce_population_count3A_852 : vector<16xi32>
      %ge3A_854 = arith.cmpi sge, %bitcast_convert_type3A_256, %or3A_841 : vector<16xi32>
      %all_reduce_population_count3A_855 = tpu.all_reduce %ge3A_854 {dim = 0 : i64, kind = #tpu.reduction_kind<sum>} : vector<16xi1> -> vector<16xi32>
      %add3A_856 = arith.addi %add3A_853, %all_reduce_population_count3A_855 : vector<16xi32>
      %ge3A_857 = arith.cmpi sge, %bitcast_convert_type3A_259, %or3A_841 : vector<16xi32>
      %all_reduce_population_count3A_858 = tpu.all_reduce %ge3A_857 {dim = 0 : i64, kind = #tpu.reduction_kind<sum>} : vector<16xi1> -> vector<16xi32>
      %add3A_859 = arith.addi %add3A_856, %all_reduce_population_count3A_858 : vector<16xi32>
      %ge3A_860 = arith.cmpi sge, %bitcast_convert_type3A_262, %or3A_841 : vector<16xi32>
      %all_reduce_population_count3A_861 = tpu.all_reduce %ge3A_860 {dim = 0 : i64, kind = #tpu.reduction_kind<sum>} : vector<16xi1> -> vector<16xi32>
      %add3A_862 = arith.addi %add3A_859, %all_reduce_population_count3A_861 : vector<16xi32>
      %ge3A_863 = arith.cmpi sge, %bitcast_convert_type3A_265, %or3A_841 : vector<16xi32>
      %all_reduce_population_count3A_864 = tpu.all_reduce %ge3A_863 {dim = 0 : i64, kind = #tpu.reduction_kind<sum>} : vector<16xi1> -> vector<16xi32>
      %add3A_865 = arith.addi %add3A_862, %all_reduce_population_count3A_864 : vector<16xi32>
      %ge3A_866 = arith.cmpi sge, %bitcast_convert_type3A_268, %or3A_841 : vector<16xi32>
      %all_reduce_population_count3A_867 = tpu.all_reduce %ge3A_866 {dim = 0 : i64, kind = #tpu.reduction_kind<sum>} : vector<16xi1> -> vector<16xi32>
      %add3A_868 = arith.addi %add3A_865, %all_reduce_population_count3A_867 : vector<16xi32>
      %ge3A_869 = arith.cmpi sge, %bitcast_convert_type3A_271, %or3A_841 : vector<16xi32>
      %all_reduce_population_count3A_870 = tpu.all_reduce %ge3A_869 {dim = 0 : i64, kind = #tpu.reduction_kind<sum>} : vector<16xi1> -> vector<16xi32>
      %add3A_871 = arith.addi %add3A_868, %all_reduce_population_count3A_870 : vector<16xi32>
      %ge3A_872 = arith.cmpi sge, %bitcast_convert_type3A_274, %or3A_841 : vector<16xi32>
      %all_reduce_population_count3A_873 = tpu.all_reduce %ge3A_872 {dim = 0 : i64, kind = #tpu.reduction_kind<sum>} : vector<16xi1> -> vector<16xi32>
      %add3A_874 = arith.addi %add3A_871, %all_reduce_population_count3A_873 : vector<16xi32>
      %ge3A_875 = arith.cmpi sge, %bitcast_convert_type3A_277, %or3A_841 : vector<16xi32>
      %all_reduce_population_count3A_876 = tpu.all_reduce %ge3A_875 {dim = 0 : i64, kind = #tpu.reduction_kind<sum>} : vector<16xi1> -> vector<16xi32>
      %add3A_877 = arith.addi %add3A_874, %all_reduce_population_count3A_876 : vector<16xi32>
      %ge3A_878 = arith.cmpi sge, %bitcast_convert_type3A_280, %or3A_841 : vector<16xi32>
      %all_reduce_population_count3A_879 = tpu.all_reduce %ge3A_878 {dim = 0 : i64, kind = #tpu.reduction_kind<sum>} : vector<16xi1> -> vector<16xi32>
      %add3A_880 = arith.addi %add3A_877, %all_reduce_population_count3A_879 : vector<16xi32>
      %ge3A_881 = arith.cmpi sge, %bitcast_convert_type3A_283, %or3A_841 : vector<16xi32>
      %all_reduce_population_count3A_882 = tpu.all_reduce %ge3A_881 {dim = 0 : i64, kind = #tpu.reduction_kind<sum>} : vector<16xi1> -> vector<16xi32>
      %add3A_883 = arith.addi %add3A_880, %all_reduce_population_count3A_882 : vector<16xi32>
      %ge3A_884 = arith.cmpi sge, %bitcast_convert_type3A_286, %or3A_841 : vector<16xi32>
      %all_reduce_population_count3A_885 = tpu.all_reduce %ge3A_884 {dim = 0 : i64, kind = #tpu.reduction_kind<sum>} : vector<16xi1> -> vector<16xi32>
      %add3A_886 = arith.addi %add3A_883, %all_reduce_population_count3A_885 : vector<16xi32>
      %ge3A_887 = arith.cmpi sge, %bitcast_convert_type3A_289, %or3A_841 : vector<16xi32>
      %all_reduce_population_count3A_888 = tpu.all_reduce %ge3A_887 {dim = 0 : i64, kind = #tpu.reduction_kind<sum>} : vector<16xi1> -> vector<16xi32>
      %add3A_889 = arith.addi %add3A_886, %all_reduce_population_count3A_888 : vector<16xi32>
      %ge3A_890 = arith.constant 64 : i32
      %ge3A_891 = vector.broadcast %ge3A_890 : i32 to vector<16xi32>
      %ge3A_892 = arith.cmpi sge, %add3A_889, %ge3A_891 : vector<16xi32>
      %select_n3A_893 = arith.select %ge3A_892, %or3A_841, %select_n3A_838 : vector<16xi1>, vector<16xi32>
      %or3A_894 = arith.constant 524288 : i32
      %or3A_895 = vector.broadcast %or3A_894 : i32 to vector<16xi32>
      %or3A_896 = arith.ori %select_n3A_893, %or3A_895 : vector<16xi32>
      %ge3A_897 = arith.cmpi sge, %bitcast_convert_type3A_244, %or3A_896 : vector<16xi32>
      %all_reduce_population_count3A_898 = tpu.all_reduce %ge3A_897 {dim = 0 : i64, kind = #tpu.reduction_kind<sum>} : vector<16xi1> -> vector<16xi32>
      %add3A_899 = arith.addi %broadcast_in_dim3A_5, %all_reduce_population_count3A_898 : vector<16xi32>
      %ge3A_900 = arith.cmpi sge, %bitcast_convert_type3A_247, %or3A_896 : vector<16xi32>
      %all_reduce_population_count3A_901 = tpu.all_reduce %ge3A_900 {dim = 0 : i64, kind = #tpu.reduction_kind<sum>} : vector<16xi1> -> vector<16xi32>
      %add3A_902 = arith.addi %add3A_899, %all_reduce_population_count3A_901 : vector<16xi32>
      %ge3A_903 = arith.cmpi sge, %bitcast_convert_type3A_250, %or3A_896 : vector<16xi32>
      %all_reduce_population_count3A_904 = tpu.all_reduce %ge3A_903 {dim = 0 : i64, kind = #tpu.reduction_kind<sum>} : vector<16xi1> -> vector<16xi32>
      %add3A_905 = arith.addi %add3A_902, %all_reduce_population_count3A_904 : vector<16xi32>
      %ge3A_906 = arith.cmpi sge, %bitcast_convert_type3A_253, %or3A_896 : vector<16xi32>
      %all_reduce_population_count3A_907 = tpu.all_reduce %ge3A_906 {dim = 0 : i64, kind = #tpu.reduction_kind<sum>} : vector<16xi1> -> vector<16xi32>
      %add3A_908 = arith.addi %add3A_905, %all_reduce_population_count3A_907 : vector<16xi32>
      %ge3A_909 = arith.cmpi sge, %bitcast_convert_type3A_256, %or3A_896 : vector<16xi32>
      %all_reduce_population_count3A_910 = tpu.all_reduce %ge3A_909 {dim = 0 : i64, kind = #tpu.reduction_kind<sum>} : vector<16xi1> -> vector<16xi32>
      %add3A_911 = arith.addi %add3A_908, %all_reduce_population_count3A_910 : vector<16xi32>
      %ge3A_912 = arith.cmpi sge, %bitcast_convert_type3A_259, %or3A_896 : vector<16xi32>
      %all_reduce_population_count3A_913 = tpu.all_reduce %ge3A_912 {dim = 0 : i64, kind = #tpu.reduction_kind<sum>} : vector<16xi1> -> vector<16xi32>
      %add3A_914 = arith.addi %add3A_911, %all_reduce_population_count3A_913 : vector<16xi32>
      %ge3A_915 = arith.cmpi sge, %bitcast_convert_type3A_262, %or3A_896 : vector<16xi32>
      %all_reduce_population_count3A_916 = tpu.all_reduce %ge3A_915 {dim = 0 : i64, kind = #tpu.reduction_kind<sum>} : vector<16xi1> -> vector<16xi32>
      %add3A_917 = arith.addi %add3A_914, %all_reduce_population_count3A_916 : vector<16xi32>
      %ge3A_918 = arith.cmpi sge, %bitcast_convert_type3A_265, %or3A_896 : vector<16xi32>
      %all_reduce_population_count3A_919 = tpu.all_reduce %ge3A_918 {dim = 0 : i64, kind = #tpu.reduction_kind<sum>} : vector<16xi1> -> vector<16xi32>
      %add3A_920 = arith.addi %add3A_917, %all_reduce_population_count3A_919 : vector<16xi32>
      %ge3A_921 = arith.cmpi sge, %bitcast_convert_type3A_268, %or3A_896 : vector<16xi32>
      %all_reduce_population_count3A_922 = tpu.all_reduce %ge3A_921 {dim = 0 : i64, kind = #tpu.reduction_kind<sum>} : vector<16xi1> -> vector<16xi32>
      %add3A_923 = arith.addi %add3A_920, %all_reduce_population_count3A_922 : vector<16xi32>
      %ge3A_924 = arith.cmpi sge, %bitcast_convert_type3A_271, %or3A_896 : vector<16xi32>
      %all_reduce_population_count3A_925 = tpu.all_reduce %ge3A_924 {dim = 0 : i64, kind = #tpu.reduction_kind<sum>} : vector<16xi1> -> vector<16xi32>
      %add3A_926 = arith.addi %add3A_923, %all_reduce_population_count3A_925 : vector<16xi32>
      %ge3A_927 = arith.cmpi sge, %bitcast_convert_type3A_274, %or3A_896 : vector<16xi32>
      %all_reduce_population_count3A_928 = tpu.all_reduce %ge3A_927 {dim = 0 : i64, kind = #tpu.reduction_kind<sum>} : vector<16xi1> -> vector<16xi32>
      %add3A_929 = arith.addi %add3A_926, %all_reduce_population_count3A_928 : vector<16xi32>
      %ge3A_930 = arith.cmpi sge, %bitcast_convert_type3A_277, %or3A_896 : vector<16xi32>
      %all_reduce_population_count3A_931 = tpu.all_reduce %ge3A_930 {dim = 0 : i64, kind = #tpu.reduction_kind<sum>} : vector<16xi1> -> vector<16xi32>
      %add3A_932 = arith.addi %add3A_929, %all_reduce_population_count3A_931 : vector<16xi32>
      %ge3A_933 = arith.cmpi sge, %bitcast_convert_type3A_280, %or3A_896 : vector<16xi32>
      %all_reduce_population_count3A_934 = tpu.all_reduce %ge3A_933 {dim = 0 : i64, kind = #tpu.reduction_kind<sum>} : vector<16xi1> -> vector<16xi32>
      %add3A_935 = arith.addi %add3A_932, %all_reduce_population_count3A_934 : vector<16xi32>
      %ge3A_936 = arith.cmpi sge, %bitcast_convert_type3A_283, %or3A_896 : vector<16xi32>
      %all_reduce_population_count3A_937 = tpu.all_reduce %ge3A_936 {dim = 0 : i64, kind = #tpu.reduction_kind<sum>} : vector<16xi1> -> vector<16xi32>
      %add3A_938 = arith.addi %add3A_935, %all_reduce_population_count3A_937 : vector<16xi32>
      %ge3A_939 = arith.cmpi sge, %bitcast_convert_type3A_286, %or3A_896 : vector<16xi32>
      %all_reduce_population_count3A_940 = tpu.all_reduce %ge3A_939 {dim = 0 : i64, kind = #tpu.reduction_kind<sum>} : vector<16xi1> -> vector<16xi32>
      %add3A_941 = arith.addi %add3A_938, %all_reduce_population_count3A_940 : vector<16xi32>
      %ge3A_942 = arith.cmpi sge, %bitcast_convert_type3A_289, %or3A_896 : vector<16xi32>
      %all_reduce_population_count3A_943 = tpu.all_reduce %ge3A_942 {dim = 0 : i64, kind = #tpu.reduction_kind<sum>} : vector<16xi1> -> vector<16xi32>
      %add3A_944 = arith.addi %add3A_941, %all_reduce_population_count3A_943 : vector<16xi32>
      %ge3A_945 = arith.constant 64 : i32
      %ge3A_946 = vector.broadcast %ge3A_945 : i32 to vector<16xi32>
      %ge3A_947 = arith.cmpi sge, %add3A_944, %ge3A_946 : vector<16xi32>
      %select_n3A_948 = arith.select %ge3A_947, %or3A_896, %select_n3A_893 : vector<16xi1>, vector<16xi32>
      %or3A_949 = arith.constant 262144 : i32
      %or3A_950 = vector.broadcast %or3A_949 : i32 to vector<16xi32>
      %or3A_951 = arith.ori %select_n3A_948, %or3A_950 : vector<16xi32>
      %ge3A_952 = arith.cmpi sge, %bitcast_convert_type3A_244, %or3A_951 : vector<16xi32>
      %all_reduce_population_count3A_953 = tpu.all_reduce %ge3A_952 {dim = 0 : i64, kind = #tpu.reduction_kind<sum>} : vector<16xi1> -> vector<16xi32>
      %add3A_954 = arith.addi %broadcast_in_dim3A_5, %all_reduce_population_count3A_953 : vector<16xi32>
      %ge3A_955 = arith.cmpi sge, %bitcast_convert_type3A_247, %or3A_951 : vector<16xi32>
      %all_reduce_population_count3A_956 = tpu.all_reduce %ge3A_955 {dim = 0 : i64, kind = #tpu.reduction_kind<sum>} : vector<16xi1> -> vector<16xi32>
      %add3A_957 = arith.addi %add3A_954, %all_reduce_population_count3A_956 : vector<16xi32>
      %ge3A_958 = arith.cmpi sge, %bitcast_convert_type3A_250, %or3A_951 : vector<16xi32>
      %all_reduce_population_count3A_959 = tpu.all_reduce %ge3A_958 {dim = 0 : i64, kind = #tpu.reduction_kind<sum>} : vector<16xi1> -> vector<16xi32>
      %add3A_960 = arith.addi %add3A_957, %all_reduce_population_count3A_959 : vector<16xi32>
      %ge3A_961 = arith.cmpi sge, %bitcast_convert_type3A_253, %or3A_951 : vector<16xi32>
      %all_reduce_population_count3A_962 = tpu.all_reduce %ge3A_961 {dim = 0 : i64, kind = #tpu.reduction_kind<sum>} : vector<16xi1> -> vector<16xi32>
      %add3A_963 = arith.addi %add3A_960, %all_reduce_population_count3A_962 : vector<16xi32>
      %ge3A_964 = arith.cmpi sge, %bitcast_convert_type3A_256, %or3A_951 : vector<16xi32>
      %all_reduce_population_count3A_965 = tpu.all_reduce %ge3A_964 {dim = 0 : i64, kind = #tpu.reduction_kind<sum>} : vector<16xi1> -> vector<16xi32>
      %add3A_966 = arith.addi %add3A_963, %all_reduce_population_count3A_965 : vector<16xi32>
      %ge3A_967 = arith.cmpi sge, %bitcast_convert_type3A_259, %or3A_951 : vector<16xi32>
      %all_reduce_population_count3A_968 = tpu.all_reduce %ge3A_967 {dim = 0 : i64, kind = #tpu.reduction_kind<sum>} : vector<16xi1> -> vector<16xi32>
      %add3A_969 = arith.addi %add3A_966, %all_reduce_population_count3A_968 : vector<16xi32>
      %ge3A_970 = arith.cmpi sge, %bitcast_convert_type3A_262, %or3A_951 : vector<16xi32>
      %all_reduce_population_count3A_971 = tpu.all_reduce %ge3A_970 {dim = 0 : i64, kind = #tpu.reduction_kind<sum>} : vector<16xi1> -> vector<16xi32>
      %add3A_972 = arith.addi %add3A_969, %all_reduce_population_count3A_971 : vector<16xi32>
      %ge3A_973 = arith.cmpi sge, %bitcast_convert_type3A_265, %or3A_951 : vector<16xi32>
      %all_reduce_population_count3A_974 = tpu.all_reduce %ge3A_973 {dim = 0 : i64, kind = #tpu.reduction_kind<sum>} : vector<16xi1> -> vector<16xi32>
      %add3A_975 = arith.addi %add3A_972, %all_reduce_population_count3A_974 : vector<16xi32>
      %ge3A_976 = arith.cmpi sge, %bitcast_convert_type3A_268, %or3A_951 : vector<16xi32>
      %all_reduce_population_count3A_977 = tpu.all_reduce %ge3A_976 {dim = 0 : i64, kind = #tpu.reduction_kind<sum>} : vector<16xi1> -> vector<16xi32>
      %add3A_978 = arith.addi %add3A_975, %all_reduce_population_count3A_977 : vector<16xi32>
      %ge3A_979 = arith.cmpi sge, %bitcast_convert_type3A_271, %or3A_951 : vector<16xi32>
      %all_reduce_population_count3A_980 = tpu.all_reduce %ge3A_979 {dim = 0 : i64, kind = #tpu.reduction_kind<sum>} : vector<16xi1> -> vector<16xi32>
      %add3A_981 = arith.addi %add3A_978, %all_reduce_population_count3A_980 : vector<16xi32>
      %ge3A_982 = arith.cmpi sge, %bitcast_convert_type3A_274, %or3A_951 : vector<16xi32>
      %all_reduce_population_count3A_983 = tpu.all_reduce %ge3A_982 {dim = 0 : i64, kind = #tpu.reduction_kind<sum>} : vector<16xi1> -> vector<16xi32>
      %add3A_984 = arith.addi %add3A_981, %all_reduce_population_count3A_983 : vector<16xi32>
      %ge3A_985 = arith.cmpi sge, %bitcast_convert_type3A_277, %or3A_951 : vector<16xi32>
      %all_reduce_population_count3A_986 = tpu.all_reduce %ge3A_985 {dim = 0 : i64, kind = #tpu.reduction_kind<sum>} : vector<16xi1> -> vector<16xi32>
      %add3A_987 = arith.addi %add3A_984, %all_reduce_population_count3A_986 : vector<16xi32>
      %ge3A_988 = arith.cmpi sge, %bitcast_convert_type3A_280, %or3A_951 : vector<16xi32>
      %all_reduce_population_count3A_989 = tpu.all_reduce %ge3A_988 {dim = 0 : i64, kind = #tpu.reduction_kind<sum>} : vector<16xi1> -> vector<16xi32>
      %add3A_990 = arith.addi %add3A_987, %all_reduce_population_count3A_989 : vector<16xi32>
      %ge3A_991 = arith.cmpi sge, %bitcast_convert_type3A_283, %or3A_951 : vector<16xi32>
      %all_reduce_population_count3A_992 = tpu.all_reduce %ge3A_991 {dim = 0 : i64, kind = #tpu.reduction_kind<sum>} : vector<16xi1> -> vector<16xi32>
      %add3A_993 = arith.addi %add3A_990, %all_reduce_population_count3A_992 : vector<16xi32>
      %ge3A_994 = arith.cmpi sge, %bitcast_convert_type3A_286, %or3A_951 : vector<16xi32>
      %all_reduce_population_count3A_995 = tpu.all_reduce %ge3A_994 {dim = 0 : i64, kind = #tpu.reduction_kind<sum>} : vector<16xi1> -> vector<16xi32>
      %add3A_996 = arith.addi %add3A_993, %all_reduce_population_count3A_995 : vector<16xi32>
      %ge3A_997 = arith.cmpi sge, %bitcast_convert_type3A_289, %or3A_951 : vector<16xi32>
      %all_reduce_population_count3A_998 = tpu.all_reduce %ge3A_997 {dim = 0 : i64, kind = #tpu.reduction_kind<sum>} : vector<16xi1> -> vector<16xi32>
      %add3A_999 = arith.addi %add3A_996, %all_reduce_population_count3A_998 : vector<16xi32>
      %ge3A_1000 = arith.constant 64 : i32
      %ge3A_1001 = vector.broadcast %ge3A_1000 : i32 to vector<16xi32>
      %ge3A_1002 = arith.cmpi sge, %add3A_999, %ge3A_1001 : vector<16xi32>
      %select_n3A_1003 = arith.select %ge3A_1002, %or3A_951, %select_n3A_948 : vector<16xi1>, vector<16xi32>
      %or3A_1004 = arith.constant 131072 : i32
      %or3A_1005 = vector.broadcast %or3A_1004 : i32 to vector<16xi32>
      %or3A_1006 = arith.ori %select_n3A_1003, %or3A_1005 : vector<16xi32>
      %ge3A_1007 = arith.cmpi sge, %bitcast_convert_type3A_244, %or3A_1006 : vector<16xi32>
      %all_reduce_population_count3A_1008 = tpu.all_reduce %ge3A_1007 {dim = 0 : i64, kind = #tpu.reduction_kind<sum>} : vector<16xi1> -> vector<16xi32>
      %add3A_1009 = arith.addi %broadcast_in_dim3A_5, %all_reduce_population_count3A_1008 : vector<16xi32>
      %ge3A_1010 = arith.cmpi sge, %bitcast_convert_type3A_247, %or3A_1006 : vector<16xi32>
      %all_reduce_population_count3A_1011 = tpu.all_reduce %ge3A_1010 {dim = 0 : i64, kind = #tpu.reduction_kind<sum>} : vector<16xi1> -> vector<16xi32>
      %add3A_1012 = arith.addi %add3A_1009, %all_reduce_population_count3A_1011 : vector<16xi32>
      %ge3A_1013 = arith.cmpi sge, %bitcast_convert_type3A_250, %or3A_1006 : vector<16xi32>
      %all_reduce_population_count3A_1014 = tpu.all_reduce %ge3A_1013 {dim = 0 : i64, kind = #tpu.reduction_kind<sum>} : vector<16xi1> -> vector<16xi32>
      %add3A_1015 = arith.addi %add3A_1012, %all_reduce_population_count3A_1014 : vector<16xi32>
      %ge3A_1016 = arith.cmpi sge, %bitcast_convert_type3A_253, %or3A_1006 : vector<16xi32>
      %all_reduce_population_count3A_1017 = tpu.all_reduce %ge3A_1016 {dim = 0 : i64, kind = #tpu.reduction_kind<sum>} : vector<16xi1> -> vector<16xi32>
      %add3A_1018 = arith.addi %add3A_1015, %all_reduce_population_count3A_1017 : vector<16xi32>
      %ge3A_1019 = arith.cmpi sge, %bitcast_convert_type3A_256, %or3A_1006 : vector<16xi32>
      %all_reduce_population_count3A_1020 = tpu.all_reduce %ge3A_1019 {dim = 0 : i64, kind = #tpu.reduction_kind<sum>} : vector<16xi1> -> vector<16xi32>
      %add3A_1021 = arith.addi %add3A_1018, %all_reduce_population_count3A_1020 : vector<16xi32>
      %ge3A_1022 = arith.cmpi sge, %bitcast_convert_type3A_259, %or3A_1006 : vector<16xi32>
      %all_reduce_population_count3A_1023 = tpu.all_reduce %ge3A_1022 {dim = 0 : i64, kind = #tpu.reduction_kind<sum>} : vector<16xi1> -> vector<16xi32>
      %add3A_1024 = arith.addi %add3A_1021, %all_reduce_population_count3A_1023 : vector<16xi32>
      %ge3A_1025 = arith.cmpi sge, %bitcast_convert_type3A_262, %or3A_1006 : vector<16xi32>
      %all_reduce_population_count3A_1026 = tpu.all_reduce %ge3A_1025 {dim = 0 : i64, kind = #tpu.reduction_kind<sum>} : vector<16xi1> -> vector<16xi32>
      %add3A_1027 = arith.addi %add3A_1024, %all_reduce_population_count3A_1026 : vector<16xi32>
      %ge3A_1028 = arith.cmpi sge, %bitcast_convert_type3A_265, %or3A_1006 : vector<16xi32>
      %all_reduce_population_count3A_1029 = tpu.all_reduce %ge3A_1028 {dim = 0 : i64, kind = #tpu.reduction_kind<sum>} : vector<16xi1> -> vector<16xi32>
      %add3A_1030 = arith.addi %add3A_1027, %all_reduce_population_count3A_1029 : vector<16xi32>
      %ge3A_1031 = arith.cmpi sge, %bitcast_convert_type3A_268, %or3A_1006 : vector<16xi32>
      %all_reduce_population_count3A_1032 = tpu.all_reduce %ge3A_1031 {dim = 0 : i64, kind = #tpu.reduction_kind<sum>} : vector<16xi1> -> vector<16xi32>
      %add3A_1033 = arith.addi %add3A_1030, %all_reduce_population_count3A_1032 : vector<16xi32>
      %ge3A_1034 = arith.cmpi sge, %bitcast_convert_type3A_271, %or3A_1006 : vector<16xi32>
      %all_reduce_population_count3A_1035 = tpu.all_reduce %ge3A_1034 {dim = 0 : i64, kind = #tpu.reduction_kind<sum>} : vector<16xi1> -> vector<16xi32>
      %add3A_1036 = arith.addi %add3A_1033, %all_reduce_population_count3A_1035 : vector<16xi32>
      %ge3A_1037 = arith.cmpi sge, %bitcast_convert_type3A_274, %or3A_1006 : vector<16xi32>
      %all_reduce_population_count3A_1038 = tpu.all_reduce %ge3A_1037 {dim = 0 : i64, kind = #tpu.reduction_kind<sum>} : vector<16xi1> -> vector<16xi32>
      %add3A_1039 = arith.addi %add3A_1036, %all_reduce_population_count3A_1038 : vector<16xi32>
      %ge3A_1040 = arith.cmpi sge, %bitcast_convert_type3A_277, %or3A_1006 : vector<16xi32>
      %all_reduce_population_count3A_1041 = tpu.all_reduce %ge3A_1040 {dim = 0 : i64, kind = #tpu.reduction_kind<sum>} : vector<16xi1> -> vector<16xi32>
      %add3A_1042 = arith.addi %add3A_1039, %all_reduce_population_count3A_1041 : vector<16xi32>
      %ge3A_1043 = arith.cmpi sge, %bitcast_convert_type3A_280, %or3A_1006 : vector<16xi32>
      %all_reduce_population_count3A_1044 = tpu.all_reduce %ge3A_1043 {dim = 0 : i64, kind = #tpu.reduction_kind<sum>} : vector<16xi1> -> vector<16xi32>
      %add3A_1045 = arith.addi %add3A_1042, %all_reduce_population_count3A_1044 : vector<16xi32>
      %ge3A_1046 = arith.cmpi sge, %bitcast_convert_type3A_283, %or3A_1006 : vector<16xi32>
      %all_reduce_population_count3A_1047 = tpu.all_reduce %ge3A_1046 {dim = 0 : i64, kind = #tpu.reduction_kind<sum>} : vector<16xi1> -> vector<16xi32>
      %add3A_1048 = arith.addi %add3A_1045, %all_reduce_population_count3A_1047 : vector<16xi32>
      %ge3A_1049 = arith.cmpi sge, %bitcast_convert_type3A_286, %or3A_1006 : vector<16xi32>
      %all_reduce_population_count3A_1050 = tpu.all_reduce %ge3A_1049 {dim = 0 : i64, kind = #tpu.reduction_kind<sum>} : vector<16xi1> -> vector<16xi32>
      %add3A_1051 = arith.addi %add3A_1048, %all_reduce_population_count3A_1050 : vector<16xi32>
      %ge3A_1052 = arith.cmpi sge, %bitcast_convert_type3A_289, %or3A_1006 : vector<16xi32>
      %all_reduce_population_count3A_1053 = tpu.all_reduce %ge3A_1052 {dim = 0 : i64, kind = #tpu.reduction_kind<sum>} : vector<16xi1> -> vector<16xi32>
      %add3A_1054 = arith.addi %add3A_1051, %all_reduce_population_count3A_1053 : vector<16xi32>
      %ge3A_1055 = arith.constant 64 : i32
      %ge3A_1056 = vector.broadcast %ge3A_1055 : i32 to vector<16xi32>
      %ge3A_1057 = arith.cmpi sge, %add3A_1054, %ge3A_1056 : vector<16xi32>
      %select_n3A_1058 = arith.select %ge3A_1057, %or3A_1006, %select_n3A_1003 : vector<16xi1>, vector<16xi32>
      %or3A_1059 = arith.constant 65536 : i32
      %or3A_1060 = vector.broadcast %or3A_1059 : i32 to vector<16xi32>
      %or3A_1061 = arith.ori %select_n3A_1058, %or3A_1060 : vector<16xi32>
      %ge3A_1062 = arith.cmpi sge, %bitcast_convert_type3A_244, %or3A_1061 : vector<16xi32>
      %all_reduce_population_count3A_1063 = tpu.all_reduce %ge3A_1062 {dim = 0 : i64, kind = #tpu.reduction_kind<sum>} : vector<16xi1> -> vector<16xi32>
      %add3A_1064 = arith.addi %broadcast_in_dim3A_5, %all_reduce_population_count3A_1063 : vector<16xi32>
      %ge3A_1065 = arith.cmpi sge, %bitcast_convert_type3A_247, %or3A_1061 : vector<16xi32>
      %all_reduce_population_count3A_1066 = tpu.all_reduce %ge3A_1065 {dim = 0 : i64, kind = #tpu.reduction_kind<sum>} : vector<16xi1> -> vector<16xi32>
      %add3A_1067 = arith.addi %add3A_1064, %all_reduce_population_count3A_1066 : vector<16xi32>
      %ge3A_1068 = arith.cmpi sge, %bitcast_convert_type3A_250, %or3A_1061 : vector<16xi32>
      %all_reduce_population_count3A_1069 = tpu.all_reduce %ge3A_1068 {dim = 0 : i64, kind = #tpu.reduction_kind<sum>} : vector<16xi1> -> vector<16xi32>
      %add3A_1070 = arith.addi %add3A_1067, %all_reduce_population_count3A_1069 : vector<16xi32>
      %ge3A_1071 = arith.cmpi sge, %bitcast_convert_type3A_253, %or3A_1061 : vector<16xi32>
      %all_reduce_population_count3A_1072 = tpu.all_reduce %ge3A_1071 {dim = 0 : i64, kind = #tpu.reduction_kind<sum>} : vector<16xi1> -> vector<16xi32>
      %add3A_1073 = arith.addi %add3A_1070, %all_reduce_population_count3A_1072 : vector<16xi32>
      %ge3A_1074 = arith.cmpi sge, %bitcast_convert_type3A_256, %or3A_1061 : vector<16xi32>
      %all_reduce_population_count3A_1075 = tpu.all_reduce %ge3A_1074 {dim = 0 : i64, kind = #tpu.reduction_kind<sum>} : vector<16xi1> -> vector<16xi32>
      %add3A_1076 = arith.addi %add3A_1073, %all_reduce_population_count3A_1075 : vector<16xi32>
      %ge3A_1077 = arith.cmpi sge, %bitcast_convert_type3A_259, %or3A_1061 : vector<16xi32>
      %all_reduce_population_count3A_1078 = tpu.all_reduce %ge3A_1077 {dim = 0 : i64, kind = #tpu.reduction_kind<sum>} : vector<16xi1> -> vector<16xi32>
      %add3A_1079 = arith.addi %add3A_1076, %all_reduce_population_count3A_1078 : vector<16xi32>
      %ge3A_1080 = arith.cmpi sge, %bitcast_convert_type3A_262, %or3A_1061 : vector<16xi32>
      %all_reduce_population_count3A_1081 = tpu.all_reduce %ge3A_1080 {dim = 0 : i64, kind = #tpu.reduction_kind<sum>} : vector<16xi1> -> vector<16xi32>
      %add3A_1082 = arith.addi %add3A_1079, %all_reduce_population_count3A_1081 : vector<16xi32>
      %ge3A_1083 = arith.cmpi sge, %bitcast_convert_type3A_265, %or3A_1061 : vector<16xi32>
      %all_reduce_population_count3A_1084 = tpu.all_reduce %ge3A_1083 {dim = 0 : i64, kind = #tpu.reduction_kind<sum>} : vector<16xi1> -> vector<16xi32>
      %add3A_1085 = arith.addi %add3A_1082, %all_reduce_population_count3A_1084 : vector<16xi32>
      %ge3A_1086 = arith.cmpi sge, %bitcast_convert_type3A_268, %or3A_1061 : vector<16xi32>
      %all_reduce_population_count3A_1087 = tpu.all_reduce %ge3A_1086 {dim = 0 : i64, kind = #tpu.reduction_kind<sum>} : vector<16xi1> -> vector<16xi32>
      %add3A_1088 = arith.addi %add3A_1085, %all_reduce_population_count3A_1087 : vector<16xi32>
      %ge3A_1089 = arith.cmpi sge, %bitcast_convert_type3A_271, %or3A_1061 : vector<16xi32>
      %all_reduce_population_count3A_1090 = tpu.all_reduce %ge3A_1089 {dim = 0 : i64, kind = #tpu.reduction_kind<sum>} : vector<16xi1> -> vector<16xi32>
      %add3A_1091 = arith.addi %add3A_1088, %all_reduce_population_count3A_1090 : vector<16xi32>
      %ge3A_1092 = arith.cmpi sge, %bitcast_convert_type3A_274, %or3A_1061 : vector<16xi32>
      %all_reduce_population_count3A_1093 = tpu.all_reduce %ge3A_1092 {dim = 0 : i64, kind = #tpu.reduction_kind<sum>} : vector<16xi1> -> vector<16xi32>
      %add3A_1094 = arith.addi %add3A_1091, %all_reduce_population_count3A_1093 : vector<16xi32>
      %ge3A_1095 = arith.cmpi sge, %bitcast_convert_type3A_277, %or3A_1061 : vector<16xi32>
      %all_reduce_population_count3A_1096 = tpu.all_reduce %ge3A_1095 {dim = 0 : i64, kind = #tpu.reduction_kind<sum>} : vector<16xi1> -> vector<16xi32>
      %add3A_1097 = arith.addi %add3A_1094, %all_reduce_population_count3A_1096 : vector<16xi32>
      %ge3A_1098 = arith.cmpi sge, %bitcast_convert_type3A_280, %or3A_1061 : vector<16xi32>
      %all_reduce_population_count3A_1099 = tpu.all_reduce %ge3A_1098 {dim = 0 : i64, kind = #tpu.reduction_kind<sum>} : vector<16xi1> -> vector<16xi32>
      %add3A_1100 = arith.addi %add3A_1097, %all_reduce_population_count3A_1099 : vector<16xi32>
      %ge3A_1101 = arith.cmpi sge, %bitcast_convert_type3A_283, %or3A_1061 : vector<16xi32>
      %all_reduce_population_count3A_1102 = tpu.all_reduce %ge3A_1101 {dim = 0 : i64, kind = #tpu.reduction_kind<sum>} : vector<16xi1> -> vector<16xi32>
      %add3A_1103 = arith.addi %add3A_1100, %all_reduce_population_count3A_1102 : vector<16xi32>
      %ge3A_1104 = arith.cmpi sge, %bitcast_convert_type3A_286, %or3A_1061 : vector<16xi32>
      %all_reduce_population_count3A_1105 = tpu.all_reduce %ge3A_1104 {dim = 0 : i64, kind = #tpu.reduction_kind<sum>} : vector<16xi1> -> vector<16xi32>
      %add3A_1106 = arith.addi %add3A_1103, %all_reduce_population_count3A_1105 : vector<16xi32>
      %ge3A_1107 = arith.cmpi sge, %bitcast_convert_type3A_289, %or3A_1061 : vector<16xi32>
      %all_reduce_population_count3A_1108 = tpu.all_reduce %ge3A_1107 {dim = 0 : i64, kind = #tpu.reduction_kind<sum>} : vector<16xi1> -> vector<16xi32>
      %add3A_1109 = arith.addi %add3A_1106, %all_reduce_population_count3A_1108 : vector<16xi32>
      %ge3A_1110 = arith.constant 64 : i32
      %ge3A_1111 = vector.broadcast %ge3A_1110 : i32 to vector<16xi32>
      %ge3A_1112 = arith.cmpi sge, %add3A_1109, %ge3A_1111 : vector<16xi32>
      %select_n3A_1113 = arith.select %ge3A_1112, %or3A_1061, %select_n3A_1058 : vector<16xi1>, vector<16xi32>
      %or3A_1114 = arith.constant 32768 : i32
      %or3A_1115 = vector.broadcast %or3A_1114 : i32 to vector<16xi32>
      %or3A_1116 = arith.ori %select_n3A_1113, %or3A_1115 : vector<16xi32>
      %ge3A_1117 = arith.cmpi sge, %bitcast_convert_type3A_244, %or3A_1116 : vector<16xi32>
      %all_reduce_population_count3A_1118 = tpu.all_reduce %ge3A_1117 {dim = 0 : i64, kind = #tpu.reduction_kind<sum>} : vector<16xi1> -> vector<16xi32>
      %add3A_1119 = arith.addi %broadcast_in_dim3A_5, %all_reduce_population_count3A_1118 : vector<16xi32>
      %ge3A_1120 = arith.cmpi sge, %bitcast_convert_type3A_247, %or3A_1116 : vector<16xi32>
      %all_reduce_population_count3A_1121 = tpu.all_reduce %ge3A_1120 {dim = 0 : i64, kind = #tpu.reduction_kind<sum>} : vector<16xi1> -> vector<16xi32>
      %add3A_1122 = arith.addi %add3A_1119, %all_reduce_population_count3A_1121 : vector<16xi32>
      %ge3A_1123 = arith.cmpi sge, %bitcast_convert_type3A_250, %or3A_1116 : vector<16xi32>
      %all_reduce_population_count3A_1124 = tpu.all_reduce %ge3A_1123 {dim = 0 : i64, kind = #tpu.reduction_kind<sum>} : vector<16xi1> -> vector<16xi32>
      %add3A_1125 = arith.addi %add3A_1122, %all_reduce_population_count3A_1124 : vector<16xi32>
      %ge3A_1126 = arith.cmpi sge, %bitcast_convert_type3A_253, %or3A_1116 : vector<16xi32>
      %all_reduce_population_count3A_1127 = tpu.all_reduce %ge3A_1126 {dim = 0 : i64, kind = #tpu.reduction_kind<sum>} : vector<16xi1> -> vector<16xi32>
      %add3A_1128 = arith.addi %add3A_1125, %all_reduce_population_count3A_1127 : vector<16xi32>
      %ge3A_1129 = arith.cmpi sge, %bitcast_convert_type3A_256, %or3A_1116 : vector<16xi32>
      %all_reduce_population_count3A_1130 = tpu.all_reduce %ge3A_1129 {dim = 0 : i64, kind = #tpu.reduction_kind<sum>} : vector<16xi1> -> vector<16xi32>
      %add3A_1131 = arith.addi %add3A_1128, %all_reduce_population_count3A_1130 : vector<16xi32>
      %ge3A_1132 = arith.cmpi sge, %bitcast_convert_type3A_259, %or3A_1116 : vector<16xi32>
      %all_reduce_population_count3A_1133 = tpu.all_reduce %ge3A_1132 {dim = 0 : i64, kind = #tpu.reduction_kind<sum>} : vector<16xi1> -> vector<16xi32>
      %add3A_1134 = arith.addi %add3A_1131, %all_reduce_population_count3A_1133 : vector<16xi32>
      %ge3A_1135 = arith.cmpi sge, %bitcast_convert_type3A_262, %or3A_1116 : vector<16xi32>
      %all_reduce_population_count3A_1136 = tpu.all_reduce %ge3A_1135 {dim = 0 : i64, kind = #tpu.reduction_kind<sum>} : vector<16xi1> -> vector<16xi32>
      %add3A_1137 = arith.addi %add3A_1134, %all_reduce_population_count3A_1136 : vector<16xi32>
      %ge3A_1138 = arith.cmpi sge, %bitcast_convert_type3A_265, %or3A_1116 : vector<16xi32>
      %all_reduce_population_count3A_1139 = tpu.all_reduce %ge3A_1138 {dim = 0 : i64, kind = #tpu.reduction_kind<sum>} : vector<16xi1> -> vector<16xi32>
      %add3A_1140 = arith.addi %add3A_1137, %all_reduce_population_count3A_1139 : vector<16xi32>
      %ge3A_1141 = arith.cmpi sge, %bitcast_convert_type3A_268, %or3A_1116 : vector<16xi32>
      %all_reduce_population_count3A_1142 = tpu.all_reduce %ge3A_1141 {dim = 0 : i64, kind = #tpu.reduction_kind<sum>} : vector<16xi1> -> vector<16xi32>
      %add3A_1143 = arith.addi %add3A_1140, %all_reduce_population_count3A_1142 : vector<16xi32>
      %ge3A_1144 = arith.cmpi sge, %bitcast_convert_type3A_271, %or3A_1116 : vector<16xi32>
      %all_reduce_population_count3A_1145 = tpu.all_reduce %ge3A_1144 {dim = 0 : i64, kind = #tpu.reduction_kind<sum>} : vector<16xi1> -> vector<16xi32>
      %add3A_1146 = arith.addi %add3A_1143, %all_reduce_population_count3A_1145 : vector<16xi32>
      %ge3A_1147 = arith.cmpi sge, %bitcast_convert_type3A_274, %or3A_1116 : vector<16xi32>
      %all_reduce_population_count3A_1148 = tpu.all_reduce %ge3A_1147 {dim = 0 : i64, kind = #tpu.reduction_kind<sum>} : vector<16xi1> -> vector<16xi32>
      %add3A_1149 = arith.addi %add3A_1146, %all_reduce_population_count3A_1148 : vector<16xi32>
      %ge3A_1150 = arith.cmpi sge, %bitcast_convert_type3A_277, %or3A_1116 : vector<16xi32>
      %all_reduce_population_count3A_1151 = tpu.all_reduce %ge3A_1150 {dim = 0 : i64, kind = #tpu.reduction_kind<sum>} : vector<16xi1> -> vector<16xi32>
      %add3A_1152 = arith.addi %add3A_1149, %all_reduce_population_count3A_1151 : vector<16xi32>
      %ge3A_1153 = arith.cmpi sge, %bitcast_convert_type3A_280, %or3A_1116 : vector<16xi32>
      %all_reduce_population_count3A_1154 = tpu.all_reduce %ge3A_1153 {dim = 0 : i64, kind = #tpu.reduction_kind<sum>} : vector<16xi1> -> vector<16xi32>
      %add3A_1155 = arith.addi %add3A_1152, %all_reduce_population_count3A_1154 : vector<16xi32>
      %ge3A_1156 = arith.cmpi sge, %bitcast_convert_type3A_283, %or3A_1116 : vector<16xi32>
      %all_reduce_population_count3A_1157 = tpu.all_reduce %ge3A_1156 {dim = 0 : i64, kind = #tpu.reduction_kind<sum>} : vector<16xi1> -> vector<16xi32>
      %add3A_1158 = arith.addi %add3A_1155, %all_reduce_population_count3A_1157 : vector<16xi32>
      %ge3A_1159 = arith.cmpi sge, %bitcast_convert_type3A_286, %or3A_1116 : vector<16xi32>
      %all_reduce_population_count3A_1160 = tpu.all_reduce %ge3A_1159 {dim = 0 : i64, kind = #tpu.reduction_kind<sum>} : vector<16xi1> -> vector<16xi32>
      %add3A_1161 = arith.addi %add3A_1158, %all_reduce_population_count3A_1160 : vector<16xi32>
      %ge3A_1162 = arith.cmpi sge, %bitcast_convert_type3A_289, %or3A_1116 : vector<16xi32>
      %all_reduce_population_count3A_1163 = tpu.all_reduce %ge3A_1162 {dim = 0 : i64, kind = #tpu.reduction_kind<sum>} : vector<16xi1> -> vector<16xi32>
      %add3A_1164 = arith.addi %add3A_1161, %all_reduce_population_count3A_1163 : vector<16xi32>
      %ge3A_1165 = arith.constant 64 : i32
      %ge3A_1166 = vector.broadcast %ge3A_1165 : i32 to vector<16xi32>
      %ge3A_1167 = arith.cmpi sge, %add3A_1164, %ge3A_1166 : vector<16xi32>
      %select_n3A_1168 = arith.select %ge3A_1167, %or3A_1116, %select_n3A_1113 : vector<16xi1>, vector<16xi32>
      %or3A_1169 = arith.constant 16384 : i32
      %or3A_1170 = vector.broadcast %or3A_1169 : i32 to vector<16xi32>
      %or3A_1171 = arith.ori %select_n3A_1168, %or3A_1170 : vector<16xi32>
      %ge3A_1172 = arith.cmpi sge, %bitcast_convert_type3A_244, %or3A_1171 : vector<16xi32>
      %all_reduce_population_count3A_1173 = tpu.all_reduce %ge3A_1172 {dim = 0 : i64, kind = #tpu.reduction_kind<sum>} : vector<16xi1> -> vector<16xi32>
      %add3A_1174 = arith.addi %broadcast_in_dim3A_5, %all_reduce_population_count3A_1173 : vector<16xi32>
      %ge3A_1175 = arith.cmpi sge, %bitcast_convert_type3A_247, %or3A_1171 : vector<16xi32>
      %all_reduce_population_count3A_1176 = tpu.all_reduce %ge3A_1175 {dim = 0 : i64, kind = #tpu.reduction_kind<sum>} : vector<16xi1> -> vector<16xi32>
      %add3A_1177 = arith.addi %add3A_1174, %all_reduce_population_count3A_1176 : vector<16xi32>
      %ge3A_1178 = arith.cmpi sge, %bitcast_convert_type3A_250, %or3A_1171 : vector<16xi32>
      %all_reduce_population_count3A_1179 = tpu.all_reduce %ge3A_1178 {dim = 0 : i64, kind = #tpu.reduction_kind<sum>} : vector<16xi1> -> vector<16xi32>
      %add3A_1180 = arith.addi %add3A_1177, %all_reduce_population_count3A_1179 : vector<16xi32>
      %ge3A_1181 = arith.cmpi sge, %bitcast_convert_type3A_253, %or3A_1171 : vector<16xi32>
      %all_reduce_population_count3A_1182 = tpu.all_reduce %ge3A_1181 {dim = 0 : i64, kind = #tpu.reduction_kind<sum>} : vector<16xi1> -> vector<16xi32>
      %add3A_1183 = arith.addi %add3A_1180, %all_reduce_population_count3A_1182 : vector<16xi32>
      %ge3A_1184 = arith.cmpi sge, %bitcast_convert_type3A_256, %or3A_1171 : vector<16xi32>
      %all_reduce_population_count3A_1185 = tpu.all_reduce %ge3A_1184 {dim = 0 : i64, kind = #tpu.reduction_kind<sum>} : vector<16xi1> -> vector<16xi32>
      %add3A_1186 = arith.addi %add3A_1183, %all_reduce_population_count3A_1185 : vector<16xi32>
      %ge3A_1187 = arith.cmpi sge, %bitcast_convert_type3A_259, %or3A_1171 : vector<16xi32>
      %all_reduce_population_count3A_1188 = tpu.all_reduce %ge3A_1187 {dim = 0 : i64, kind = #tpu.reduction_kind<sum>} : vector<16xi1> -> vector<16xi32>
      %add3A_1189 = arith.addi %add3A_1186, %all_reduce_population_count3A_1188 : vector<16xi32>
      %ge3A_1190 = arith.cmpi sge, %bitcast_convert_type3A_262, %or3A_1171 : vector<16xi32>
      %all_reduce_population_count3A_1191 = tpu.all_reduce %ge3A_1190 {dim = 0 : i64, kind = #tpu.reduction_kind<sum>} : vector<16xi1> -> vector<16xi32>
      %add3A_1192 = arith.addi %add3A_1189, %all_reduce_population_count3A_1191 : vector<16xi32>
      %ge3A_1193 = arith.cmpi sge, %bitcast_convert_type3A_265, %or3A_1171 : vector<16xi32>
      %all_reduce_population_count3A_1194 = tpu.all_reduce %ge3A_1193 {dim = 0 : i64, kind = #tpu.reduction_kind<sum>} : vector<16xi1> -> vector<16xi32>
      %add3A_1195 = arith.addi %add3A_1192, %all_reduce_population_count3A_1194 : vector<16xi32>
      %ge3A_1196 = arith.cmpi sge, %bitcast_convert_type3A_268, %or3A_1171 : vector<16xi32>
      %all_reduce_population_count3A_1197 = tpu.all_reduce %ge3A_1196 {dim = 0 : i64, kind = #tpu.reduction_kind<sum>} : vector<16xi1> -> vector<16xi32>
      %add3A_1198 = arith.addi %add3A_1195, %all_reduce_population_count3A_1197 : vector<16xi32>
      %ge3A_1199 = arith.cmpi sge, %bitcast_convert_type3A_271, %or3A_1171 : vector<16xi32>
      %all_reduce_population_count3A_1200 = tpu.all_reduce %ge3A_1199 {dim = 0 : i64, kind = #tpu.reduction_kind<sum>} : vector<16xi1> -> vector<16xi32>
      %add3A_1201 = arith.addi %add3A_1198, %all_reduce_population_count3A_1200 : vector<16xi32>
      %ge3A_1202 = arith.cmpi sge, %bitcast_convert_type3A_274, %or3A_1171 : vector<16xi32>
      %all_reduce_population_count3A_1203 = tpu.all_reduce %ge3A_1202 {dim = 0 : i64, kind = #tpu.reduction_kind<sum>} : vector<16xi1> -> vector<16xi32>
      %add3A_1204 = arith.addi %add3A_1201, %all_reduce_population_count3A_1203 : vector<16xi32>
      %ge3A_1205 = arith.cmpi sge, %bitcast_convert_type3A_277, %or3A_1171 : vector<16xi32>
      %all_reduce_population_count3A_1206 = tpu.all_reduce %ge3A_1205 {dim = 0 : i64, kind = #tpu.reduction_kind<sum>} : vector<16xi1> -> vector<16xi32>
      %add3A_1207 = arith.addi %add3A_1204, %all_reduce_population_count3A_1206 : vector<16xi32>
      %ge3A_1208 = arith.cmpi sge, %bitcast_convert_type3A_280, %or3A_1171 : vector<16xi32>
      %all_reduce_population_count3A_1209 = tpu.all_reduce %ge3A_1208 {dim = 0 : i64, kind = #tpu.reduction_kind<sum>} : vector<16xi1> -> vector<16xi32>
      %add3A_1210 = arith.addi %add3A_1207, %all_reduce_population_count3A_1209 : vector<16xi32>
      %ge3A_1211 = arith.cmpi sge, %bitcast_convert_type3A_283, %or3A_1171 : vector<16xi32>
      %all_reduce_population_count3A_1212 = tpu.all_reduce %ge3A_1211 {dim = 0 : i64, kind = #tpu.reduction_kind<sum>} : vector<16xi1> -> vector<16xi32>
      %add3A_1213 = arith.addi %add3A_1210, %all_reduce_population_count3A_1212 : vector<16xi32>
      %ge3A_1214 = arith.cmpi sge, %bitcast_convert_type3A_286, %or3A_1171 : vector<16xi32>
      %all_reduce_population_count3A_1215 = tpu.all_reduce %ge3A_1214 {dim = 0 : i64, kind = #tpu.reduction_kind<sum>} : vector<16xi1> -> vector<16xi32>
      %add3A_1216 = arith.addi %add3A_1213, %all_reduce_population_count3A_1215 : vector<16xi32>
      %ge3A_1217 = arith.cmpi sge, %bitcast_convert_type3A_289, %or3A_1171 : vector<16xi32>
      %all_reduce_population_count3A_1218 = tpu.all_reduce %ge3A_1217 {dim = 0 : i64, kind = #tpu.reduction_kind<sum>} : vector<16xi1> -> vector<16xi32>
      %add3A_1219 = arith.addi %add3A_1216, %all_reduce_population_count3A_1218 : vector<16xi32>
      %ge3A_1220 = arith.constant 64 : i32
      %ge3A_1221 = vector.broadcast %ge3A_1220 : i32 to vector<16xi32>
      %ge3A_1222 = arith.cmpi sge, %add3A_1219, %ge3A_1221 : vector<16xi32>
      %select_n3A_1223 = arith.select %ge3A_1222, %or3A_1171, %select_n3A_1168 : vector<16xi1>, vector<16xi32>
      %or3A_1224 = arith.constant 8192 : i32
      %or3A_1225 = vector.broadcast %or3A_1224 : i32 to vector<16xi32>
      %or3A_1226 = arith.ori %select_n3A_1223, %or3A_1225 : vector<16xi32>
      %ge3A_1227 = arith.cmpi sge, %bitcast_convert_type3A_244, %or3A_1226 : vector<16xi32>
      %all_reduce_population_count3A_1228 = tpu.all_reduce %ge3A_1227 {dim = 0 : i64, kind = #tpu.reduction_kind<sum>} : vector<16xi1> -> vector<16xi32>
      %add3A_1229 = arith.addi %broadcast_in_dim3A_5, %all_reduce_population_count3A_1228 : vector<16xi32>
      %ge3A_1230 = arith.cmpi sge, %bitcast_convert_type3A_247, %or3A_1226 : vector<16xi32>
      %all_reduce_population_count3A_1231 = tpu.all_reduce %ge3A_1230 {dim = 0 : i64, kind = #tpu.reduction_kind<sum>} : vector<16xi1> -> vector<16xi32>
      %add3A_1232 = arith.addi %add3A_1229, %all_reduce_population_count3A_1231 : vector<16xi32>
      %ge3A_1233 = arith.cmpi sge, %bitcast_convert_type3A_250, %or3A_1226 : vector<16xi32>
      %all_reduce_population_count3A_1234 = tpu.all_reduce %ge3A_1233 {dim = 0 : i64, kind = #tpu.reduction_kind<sum>} : vector<16xi1> -> vector<16xi32>
      %add3A_1235 = arith.addi %add3A_1232, %all_reduce_population_count3A_1234 : vector<16xi32>
      %ge3A_1236 = arith.cmpi sge, %bitcast_convert_type3A_253, %or3A_1226 : vector<16xi32>
      %all_reduce_population_count3A_1237 = tpu.all_reduce %ge3A_1236 {dim = 0 : i64, kind = #tpu.reduction_kind<sum>} : vector<16xi1> -> vector<16xi32>
      %add3A_1238 = arith.addi %add3A_1235, %all_reduce_population_count3A_1237 : vector<16xi32>
      %ge3A_1239 = arith.cmpi sge, %bitcast_convert_type3A_256, %or3A_1226 : vector<16xi32>
      %all_reduce_population_count3A_1240 = tpu.all_reduce %ge3A_1239 {dim = 0 : i64, kind = #tpu.reduction_kind<sum>} : vector<16xi1> -> vector<16xi32>
      %add3A_1241 = arith.addi %add3A_1238, %all_reduce_population_count3A_1240 : vector<16xi32>
      %ge3A_1242 = arith.cmpi sge, %bitcast_convert_type3A_259, %or3A_1226 : vector<16xi32>
      %all_reduce_population_count3A_1243 = tpu.all_reduce %ge3A_1242 {dim = 0 : i64, kind = #tpu.reduction_kind<sum>} : vector<16xi1> -> vector<16xi32>
      %add3A_1244 = arith.addi %add3A_1241, %all_reduce_population_count3A_1243 : vector<16xi32>
      %ge3A_1245 = arith.cmpi sge, %bitcast_convert_type3A_262, %or3A_1226 : vector<16xi32>
      %all_reduce_population_count3A_1246 = tpu.all_reduce %ge3A_1245 {dim = 0 : i64, kind = #tpu.reduction_kind<sum>} : vector<16xi1> -> vector<16xi32>
      %add3A_1247 = arith.addi %add3A_1244, %all_reduce_population_count3A_1246 : vector<16xi32>
      %ge3A_1248 = arith.cmpi sge, %bitcast_convert_type3A_265, %or3A_1226 : vector<16xi32>
      %all_reduce_population_count3A_1249 = tpu.all_reduce %ge3A_1248 {dim = 0 : i64, kind = #tpu.reduction_kind<sum>} : vector<16xi1> -> vector<16xi32>
      %add3A_1250 = arith.addi %add3A_1247, %all_reduce_population_count3A_1249 : vector<16xi32>
      %ge3A_1251 = arith.cmpi sge, %bitcast_convert_type3A_268, %or3A_1226 : vector<16xi32>
      %all_reduce_population_count3A_1252 = tpu.all_reduce %ge3A_1251 {dim = 0 : i64, kind = #tpu.reduction_kind<sum>} : vector<16xi1> -> vector<16xi32>
      %add3A_1253 = arith.addi %add3A_1250, %all_reduce_population_count3A_1252 : vector<16xi32>
      %ge3A_1254 = arith.cmpi sge, %bitcast_convert_type3A_271, %or3A_1226 : vector<16xi32>
      %all_reduce_population_count3A_1255 = tpu.all_reduce %ge3A_1254 {dim = 0 : i64, kind = #tpu.reduction_kind<sum>} : vector<16xi1> -> vector<16xi32>
      %add3A_1256 = arith.addi %add3A_1253, %all_reduce_population_count3A_1255 : vector<16xi32>
      %ge3A_1257 = arith.cmpi sge, %bitcast_convert_type3A_274, %or3A_1226 : vector<16xi32>
      %all_reduce_population_count3A_1258 = tpu.all_reduce %ge3A_1257 {dim = 0 : i64, kind = #tpu.reduction_kind<sum>} : vector<16xi1> -> vector<16xi32>
      %add3A_1259 = arith.addi %add3A_1256, %all_reduce_population_count3A_1258 : vector<16xi32>
      %ge3A_1260 = arith.cmpi sge, %bitcast_convert_type3A_277, %or3A_1226 : vector<16xi32>
      %all_reduce_population_count3A_1261 = tpu.all_reduce %ge3A_1260 {dim = 0 : i64, kind = #tpu.reduction_kind<sum>} : vector<16xi1> -> vector<16xi32>
      %add3A_1262 = arith.addi %add3A_1259, %all_reduce_population_count3A_1261 : vector<16xi32>
      %ge3A_1263 = arith.cmpi sge, %bitcast_convert_type3A_280, %or3A_1226 : vector<16xi32>
      %all_reduce_population_count3A_1264 = tpu.all_reduce %ge3A_1263 {dim = 0 : i64, kind = #tpu.reduction_kind<sum>} : vector<16xi1> -> vector<16xi32>
      %add3A_1265 = arith.addi %add3A_1262, %all_reduce_population_count3A_1264 : vector<16xi32>
      %ge3A_1266 = arith.cmpi sge, %bitcast_convert_type3A_283, %or3A_1226 : vector<16xi32>
      %all_reduce_population_count3A_1267 = tpu.all_reduce %ge3A_1266 {dim = 0 : i64, kind = #tpu.reduction_kind<sum>} : vector<16xi1> -> vector<16xi32>
      %add3A_1268 = arith.addi %add3A_1265, %all_reduce_population_count3A_1267 : vector<16xi32>
      %ge3A_1269 = arith.cmpi sge, %bitcast_convert_type3A_286, %or3A_1226 : vector<16xi32>
      %all_reduce_population_count3A_1270 = tpu.all_reduce %ge3A_1269 {dim = 0 : i64, kind = #tpu.reduction_kind<sum>} : vector<16xi1> -> vector<16xi32>
      %add3A_1271 = arith.addi %add3A_1268, %all_reduce_population_count3A_1270 : vector<16xi32>
      %ge3A_1272 = arith.cmpi sge, %bitcast_convert_type3A_289, %or3A_1226 : vector<16xi32>
      %all_reduce_population_count3A_1273 = tpu.all_reduce %ge3A_1272 {dim = 0 : i64, kind = #tpu.reduction_kind<sum>} : vector<16xi1> -> vector<16xi32>
      %add3A_1274 = arith.addi %add3A_1271, %all_reduce_population_count3A_1273 : vector<16xi32>
      %ge3A_1275 = arith.constant 64 : i32
      %ge3A_1276 = vector.broadcast %ge3A_1275 : i32 to vector<16xi32>
      %ge3A_1277 = arith.cmpi sge, %add3A_1274, %ge3A_1276 : vector<16xi32>
      %select_n3A_1278 = arith.select %ge3A_1277, %or3A_1226, %select_n3A_1223 : vector<16xi1>, vector<16xi32>
      %or3A_1279 = arith.constant 4096 : i32
      %or3A_1280 = vector.broadcast %or3A_1279 : i32 to vector<16xi32>
      %or3A_1281 = arith.ori %select_n3A_1278, %or3A_1280 : vector<16xi32>
      %ge3A_1282 = arith.cmpi sge, %bitcast_convert_type3A_244, %or3A_1281 : vector<16xi32>
      %all_reduce_population_count3A_1283 = tpu.all_reduce %ge3A_1282 {dim = 0 : i64, kind = #tpu.reduction_kind<sum>} : vector<16xi1> -> vector<16xi32>
      %add3A_1284 = arith.addi %broadcast_in_dim3A_5, %all_reduce_population_count3A_1283 : vector<16xi32>
      %ge3A_1285 = arith.cmpi sge, %bitcast_convert_type3A_247, %or3A_1281 : vector<16xi32>
      %all_reduce_population_count3A_1286 = tpu.all_reduce %ge3A_1285 {dim = 0 : i64, kind = #tpu.reduction_kind<sum>} : vector<16xi1> -> vector<16xi32>
      %add3A_1287 = arith.addi %add3A_1284, %all_reduce_population_count3A_1286 : vector<16xi32>
      %ge3A_1288 = arith.cmpi sge, %bitcast_convert_type3A_250, %or3A_1281 : vector<16xi32>
      %all_reduce_population_count3A_1289 = tpu.all_reduce %ge3A_1288 {dim = 0 : i64, kind = #tpu.reduction_kind<sum>} : vector<16xi1> -> vector<16xi32>
      %add3A_1290 = arith.addi %add3A_1287, %all_reduce_population_count3A_1289 : vector<16xi32>
      %ge3A_1291 = arith.cmpi sge, %bitcast_convert_type3A_253, %or3A_1281 : vector<16xi32>
      %all_reduce_population_count3A_1292 = tpu.all_reduce %ge3A_1291 {dim = 0 : i64, kind = #tpu.reduction_kind<sum>} : vector<16xi1> -> vector<16xi32>
      %add3A_1293 = arith.addi %add3A_1290, %all_reduce_population_count3A_1292 : vector<16xi32>
      %ge3A_1294 = arith.cmpi sge, %bitcast_convert_type3A_256, %or3A_1281 : vector<16xi32>
      %all_reduce_population_count3A_1295 = tpu.all_reduce %ge3A_1294 {dim = 0 : i64, kind = #tpu.reduction_kind<sum>} : vector<16xi1> -> vector<16xi32>
      %add3A_1296 = arith.addi %add3A_1293, %all_reduce_population_count3A_1295 : vector<16xi32>
      %ge3A_1297 = arith.cmpi sge, %bitcast_convert_type3A_259, %or3A_1281 : vector<16xi32>
      %all_reduce_population_count3A_1298 = tpu.all_reduce %ge3A_1297 {dim = 0 : i64, kind = #tpu.reduction_kind<sum>} : vector<16xi1> -> vector<16xi32>
      %add3A_1299 = arith.addi %add3A_1296, %all_reduce_population_count3A_1298 : vector<16xi32>
      %ge3A_1300 = arith.cmpi sge, %bitcast_convert_type3A_262, %or3A_1281 : vector<16xi32>
      %all_reduce_population_count3A_1301 = tpu.all_reduce %ge3A_1300 {dim = 0 : i64, kind = #tpu.reduction_kind<sum>} : vector<16xi1> -> vector<16xi32>
      %add3A_1302 = arith.addi %add3A_1299, %all_reduce_population_count3A_1301 : vector<16xi32>
      %ge3A_1303 = arith.cmpi sge, %bitcast_convert_type3A_265, %or3A_1281 : vector<16xi32>
      %all_reduce_population_count3A_1304 = tpu.all_reduce %ge3A_1303 {dim = 0 : i64, kind = #tpu.reduction_kind<sum>} : vector<16xi1> -> vector<16xi32>
      %add3A_1305 = arith.addi %add3A_1302, %all_reduce_population_count3A_1304 : vector<16xi32>
      %ge3A_1306 = arith.cmpi sge, %bitcast_convert_type3A_268, %or3A_1281 : vector<16xi32>
      %all_reduce_population_count3A_1307 = tpu.all_reduce %ge3A_1306 {dim = 0 : i64, kind = #tpu.reduction_kind<sum>} : vector<16xi1> -> vector<16xi32>
      %add3A_1308 = arith.addi %add3A_1305, %all_reduce_population_count3A_1307 : vector<16xi32>
      %ge3A_1309 = arith.cmpi sge, %bitcast_convert_type3A_271, %or3A_1281 : vector<16xi32>
      %all_reduce_population_count3A_1310 = tpu.all_reduce %ge3A_1309 {dim = 0 : i64, kind = #tpu.reduction_kind<sum>} : vector<16xi1> -> vector<16xi32>
      %add3A_1311 = arith.addi %add3A_1308, %all_reduce_population_count3A_1310 : vector<16xi32>
      %ge3A_1312 = arith.cmpi sge, %bitcast_convert_type3A_274, %or3A_1281 : vector<16xi32>
      %all_reduce_population_count3A_1313 = tpu.all_reduce %ge3A_1312 {dim = 0 : i64, kind = #tpu.reduction_kind<sum>} : vector<16xi1> -> vector<16xi32>
      %add3A_1314 = arith.addi %add3A_1311, %all_reduce_population_count3A_1313 : vector<16xi32>
      %ge3A_1315 = arith.cmpi sge, %bitcast_convert_type3A_277, %or3A_1281 : vector<16xi32>
      %all_reduce_population_count3A_1316 = tpu.all_reduce %ge3A_1315 {dim = 0 : i64, kind = #tpu.reduction_kind<sum>} : vector<16xi1> -> vector<16xi32>
      %add3A_1317 = arith.addi %add3A_1314, %all_reduce_population_count3A_1316 : vector<16xi32>
      %ge3A_1318 = arith.cmpi sge, %bitcast_convert_type3A_280, %or3A_1281 : vector<16xi32>
      %all_reduce_population_count3A_1319 = tpu.all_reduce %ge3A_1318 {dim = 0 : i64, kind = #tpu.reduction_kind<sum>} : vector<16xi1> -> vector<16xi32>
      %add3A_1320 = arith.addi %add3A_1317, %all_reduce_population_count3A_1319 : vector<16xi32>
      %ge3A_1321 = arith.cmpi sge, %bitcast_convert_type3A_283, %or3A_1281 : vector<16xi32>
      %all_reduce_population_count3A_1322 = tpu.all_reduce %ge3A_1321 {dim = 0 : i64, kind = #tpu.reduction_kind<sum>} : vector<16xi1> -> vector<16xi32>
      %add3A_1323 = arith.addi %add3A_1320, %all_reduce_population_count3A_1322 : vector<16xi32>
      %ge3A_1324 = arith.cmpi sge, %bitcast_convert_type3A_286, %or3A_1281 : vector<16xi32>
      %all_reduce_population_count3A_1325 = tpu.all_reduce %ge3A_1324 {dim = 0 : i64, kind = #tpu.reduction_kind<sum>} : vector<16xi1> -> vector<16xi32>
      %add3A_1326 = arith.addi %add3A_1323, %all_reduce_population_count3A_1325 : vector<16xi32>
      %ge3A_1327 = arith.cmpi sge, %bitcast_convert_type3A_289, %or3A_1281 : vector<16xi32>
      %all_reduce_population_count3A_1328 = tpu.all_reduce %ge3A_1327 {dim = 0 : i64, kind = #tpu.reduction_kind<sum>} : vector<16xi1> -> vector<16xi32>
      %add3A_1329 = arith.addi %add3A_1326, %all_reduce_population_count3A_1328 : vector<16xi32>
      %ge3A_1330 = arith.constant 64 : i32
      %ge3A_1331 = vector.broadcast %ge3A_1330 : i32 to vector<16xi32>
      %ge3A_1332 = arith.cmpi sge, %add3A_1329, %ge3A_1331 : vector<16xi32>
      %select_n3A_1333 = arith.select %ge3A_1332, %or3A_1281, %select_n3A_1278 : vector<16xi1>, vector<16xi32>
      %or3A_1334 = arith.constant 2048 : i32
      %or3A_1335 = vector.broadcast %or3A_1334 : i32 to vector<16xi32>
      %or3A_1336 = arith.ori %select_n3A_1333, %or3A_1335 : vector<16xi32>
      %ge3A_1337 = arith.cmpi sge, %bitcast_convert_type3A_244, %or3A_1336 : vector<16xi32>
      %all_reduce_population_count3A_1338 = tpu.all_reduce %ge3A_1337 {dim = 0 : i64, kind = #tpu.reduction_kind<sum>} : vector<16xi1> -> vector<16xi32>
      %add3A_1339 = arith.addi %broadcast_in_dim3A_5, %all_reduce_population_count3A_1338 : vector<16xi32>
      %ge3A_1340 = arith.cmpi sge, %bitcast_convert_type3A_247, %or3A_1336 : vector<16xi32>
      %all_reduce_population_count3A_1341 = tpu.all_reduce %ge3A_1340 {dim = 0 : i64, kind = #tpu.reduction_kind<sum>} : vector<16xi1> -> vector<16xi32>
      %add3A_1342 = arith.addi %add3A_1339, %all_reduce_population_count3A_1341 : vector<16xi32>
      %ge3A_1343 = arith.cmpi sge, %bitcast_convert_type3A_250, %or3A_1336 : vector<16xi32>
      %all_reduce_population_count3A_1344 = tpu.all_reduce %ge3A_1343 {dim = 0 : i64, kind = #tpu.reduction_kind<sum>} : vector<16xi1> -> vector<16xi32>
      %add3A_1345 = arith.addi %add3A_1342, %all_reduce_population_count3A_1344 : vector<16xi32>
      %ge3A_1346 = arith.cmpi sge, %bitcast_convert_type3A_253, %or3A_1336 : vector<16xi32>
      %all_reduce_population_count3A_1347 = tpu.all_reduce %ge3A_1346 {dim = 0 : i64, kind = #tpu.reduction_kind<sum>} : vector<16xi1> -> vector<16xi32>
      %add3A_1348 = arith.addi %add3A_1345, %all_reduce_population_count3A_1347 : vector<16xi32>
      %ge3A_1349 = arith.cmpi sge, %bitcast_convert_type3A_256, %or3A_1336 : vector<16xi32>
      %all_reduce_population_count3A_1350 = tpu.all_reduce %ge3A_1349 {dim = 0 : i64, kind = #tpu.reduction_kind<sum>} : vector<16xi1> -> vector<16xi32>
      %add3A_1351 = arith.addi %add3A_1348, %all_reduce_population_count3A_1350 : vector<16xi32>
      %ge3A_1352 = arith.cmpi sge, %bitcast_convert_type3A_259, %or3A_1336 : vector<16xi32>
      %all_reduce_population_count3A_1353 = tpu.all_reduce %ge3A_1352 {dim = 0 : i64, kind = #tpu.reduction_kind<sum>} : vector<16xi1> -> vector<16xi32>
      %add3A_1354 = arith.addi %add3A_1351, %all_reduce_population_count3A_1353 : vector<16xi32>
      %ge3A_1355 = arith.cmpi sge, %bitcast_convert_type3A_262, %or3A_1336 : vector<16xi32>
      %all_reduce_population_count3A_1356 = tpu.all_reduce %ge3A_1355 {dim = 0 : i64, kind = #tpu.reduction_kind<sum>} : vector<16xi1> -> vector<16xi32>
      %add3A_1357 = arith.addi %add3A_1354, %all_reduce_population_count3A_1356 : vector<16xi32>
      %ge3A_1358 = arith.cmpi sge, %bitcast_convert_type3A_265, %or3A_1336 : vector<16xi32>
      %all_reduce_population_count3A_1359 = tpu.all_reduce %ge3A_1358 {dim = 0 : i64, kind = #tpu.reduction_kind<sum>} : vector<16xi1> -> vector<16xi32>
      %add3A_1360 = arith.addi %add3A_1357, %all_reduce_population_count3A_1359 : vector<16xi32>
      %ge3A_1361 = arith.cmpi sge, %bitcast_convert_type3A_268, %or3A_1336 : vector<16xi32>
      %all_reduce_population_count3A_1362 = tpu.all_reduce %ge3A_1361 {dim = 0 : i64, kind = #tpu.reduction_kind<sum>} : vector<16xi1> -> vector<16xi32>
      %add3A_1363 = arith.addi %add3A_1360, %all_reduce_population_count3A_1362 : vector<16xi32>
      %ge3A_1364 = arith.cmpi sge, %bitcast_convert_type3A_271, %or3A_1336 : vector<16xi32>
      %all_reduce_population_count3A_1365 = tpu.all_reduce %ge3A_1364 {dim = 0 : i64, kind = #tpu.reduction_kind<sum>} : vector<16xi1> -> vector<16xi32>
      %add3A_1366 = arith.addi %add3A_1363, %all_reduce_population_count3A_1365 : vector<16xi32>
      %ge3A_1367 = arith.cmpi sge, %bitcast_convert_type3A_274, %or3A_1336 : vector<16xi32>
      %all_reduce_population_count3A_1368 = tpu.all_reduce %ge3A_1367 {dim = 0 : i64, kind = #tpu.reduction_kind<sum>} : vector<16xi1> -> vector<16xi32>
      %add3A_1369 = arith.addi %add3A_1366, %all_reduce_population_count3A_1368 : vector<16xi32>
      %ge3A_1370 = arith.cmpi sge, %bitcast_convert_type3A_277, %or3A_1336 : vector<16xi32>
      %all_reduce_population_count3A_1371 = tpu.all_reduce %ge3A_1370 {dim = 0 : i64, kind = #tpu.reduction_kind<sum>} : vector<16xi1> -> vector<16xi32>
      %add3A_1372 = arith.addi %add3A_1369, %all_reduce_population_count3A_1371 : vector<16xi32>
      %ge3A_1373 = arith.cmpi sge, %bitcast_convert_type3A_280, %or3A_1336 : vector<16xi32>
      %all_reduce_population_count3A_1374 = tpu.all_reduce %ge3A_1373 {dim = 0 : i64, kind = #tpu.reduction_kind<sum>} : vector<16xi1> -> vector<16xi32>
      %add3A_1375 = arith.addi %add3A_1372, %all_reduce_population_count3A_1374 : vector<16xi32>
      %ge3A_1376 = arith.cmpi sge, %bitcast_convert_type3A_283, %or3A_1336 : vector<16xi32>
      %all_reduce_population_count3A_1377 = tpu.all_reduce %ge3A_1376 {dim = 0 : i64, kind = #tpu.reduction_kind<sum>} : vector<16xi1> -> vector<16xi32>
      %add3A_1378 = arith.addi %add3A_1375, %all_reduce_population_count3A_1377 : vector<16xi32>
      %ge3A_1379 = arith.cmpi sge, %bitcast_convert_type3A_286, %or3A_1336 : vector<16xi32>
      %all_reduce_population_count3A_1380 = tpu.all_reduce %ge3A_1379 {dim = 0 : i64, kind = #tpu.reduction_kind<sum>} : vector<16xi1> -> vector<16xi32>
      %add3A_1381 = arith.addi %add3A_1378, %all_reduce_population_count3A_1380 : vector<16xi32>
      %ge3A_1382 = arith.cmpi sge, %bitcast_convert_type3A_289, %or3A_1336 : vector<16xi32>
      %all_reduce_population_count3A_1383 = tpu.all_reduce %ge3A_1382 {dim = 0 : i64, kind = #tpu.reduction_kind<sum>} : vector<16xi1> -> vector<16xi32>
      %add3A_1384 = arith.addi %add3A_1381, %all_reduce_population_count3A_1383 : vector<16xi32>
      %ge3A_1385 = arith.constant 64 : i32
      %ge3A_1386 = vector.broadcast %ge3A_1385 : i32 to vector<16xi32>
      %ge3A_1387 = arith.cmpi sge, %add3A_1384, %ge3A_1386 : vector<16xi32>
      %select_n3A_1388 = arith.select %ge3A_1387, %or3A_1336, %select_n3A_1333 : vector<16xi1>, vector<16xi32>
      %or3A_1389 = arith.constant 1024 : i32
      %or3A_1390 = vector.broadcast %or3A_1389 : i32 to vector<16xi32>
      %or3A_1391 = arith.ori %select_n3A_1388, %or3A_1390 : vector<16xi32>
      %ge3A_1392 = arith.cmpi sge, %bitcast_convert_type3A_244, %or3A_1391 : vector<16xi32>
      %all_reduce_population_count3A_1393 = tpu.all_reduce %ge3A_1392 {dim = 0 : i64, kind = #tpu.reduction_kind<sum>} : vector<16xi1> -> vector<16xi32>
      %add3A_1394 = arith.addi %broadcast_in_dim3A_5, %all_reduce_population_count3A_1393 : vector<16xi32>
      %ge3A_1395 = arith.cmpi sge, %bitcast_convert_type3A_247, %or3A_1391 : vector<16xi32>
      %all_reduce_population_count3A_1396 = tpu.all_reduce %ge3A_1395 {dim = 0 : i64, kind = #tpu.reduction_kind<sum>} : vector<16xi1> -> vector<16xi32>
      %add3A_1397 = arith.addi %add3A_1394, %all_reduce_population_count3A_1396 : vector<16xi32>
      %ge3A_1398 = arith.cmpi sge, %bitcast_convert_type3A_250, %or3A_1391 : vector<16xi32>
      %all_reduce_population_count3A_1399 = tpu.all_reduce %ge3A_1398 {dim = 0 : i64, kind = #tpu.reduction_kind<sum>} : vector<16xi1> -> vector<16xi32>
      %add3A_1400 = arith.addi %add3A_1397, %all_reduce_population_count3A_1399 : vector<16xi32>
      %ge3A_1401 = arith.cmpi sge, %bitcast_convert_type3A_253, %or3A_1391 : vector<16xi32>
      %all_reduce_population_count3A_1402 = tpu.all_reduce %ge3A_1401 {dim = 0 : i64, kind = #tpu.reduction_kind<sum>} : vector<16xi1> -> vector<16xi32>
      %add3A_1403 = arith.addi %add3A_1400, %all_reduce_population_count3A_1402 : vector<16xi32>
      %ge3A_1404 = arith.cmpi sge, %bitcast_convert_type3A_256, %or3A_1391 : vector<16xi32>
      %all_reduce_population_count3A_1405 = tpu.all_reduce %ge3A_1404 {dim = 0 : i64, kind = #tpu.reduction_kind<sum>} : vector<16xi1> -> vector<16xi32>
      %add3A_1406 = arith.addi %add3A_1403, %all_reduce_population_count3A_1405 : vector<16xi32>
      %ge3A_1407 = arith.cmpi sge, %bitcast_convert_type3A_259, %or3A_1391 : vector<16xi32>
      %all_reduce_population_count3A_1408 = tpu.all_reduce %ge3A_1407 {dim = 0 : i64, kind = #tpu.reduction_kind<sum>} : vector<16xi1> -> vector<16xi32>
      %add3A_1409 = arith.addi %add3A_1406, %all_reduce_population_count3A_1408 : vector<16xi32>
      %ge3A_1410 = arith.cmpi sge, %bitcast_convert_type3A_262, %or3A_1391 : vector<16xi32>
      %all_reduce_population_count3A_1411 = tpu.all_reduce %ge3A_1410 {dim = 0 : i64, kind = #tpu.reduction_kind<sum>} : vector<16xi1> -> vector<16xi32>
      %add3A_1412 = arith.addi %add3A_1409, %all_reduce_population_count3A_1411 : vector<16xi32>
      %ge3A_1413 = arith.cmpi sge, %bitcast_convert_type3A_265, %or3A_1391 : vector<16xi32>
      %all_reduce_population_count3A_1414 = tpu.all_reduce %ge3A_1413 {dim = 0 : i64, kind = #tpu.reduction_kind<sum>} : vector<16xi1> -> vector<16xi32>
      %add3A_1415 = arith.addi %add3A_1412, %all_reduce_population_count3A_1414 : vector<16xi32>
      %ge3A_1416 = arith.cmpi sge, %bitcast_convert_type3A_268, %or3A_1391 : vector<16xi32>
      %all_reduce_population_count3A_1417 = tpu.all_reduce %ge3A_1416 {dim = 0 : i64, kind = #tpu.reduction_kind<sum>} : vector<16xi1> -> vector<16xi32>
      %add3A_1418 = arith.addi %add3A_1415, %all_reduce_population_count3A_1417 : vector<16xi32>
      %ge3A_1419 = arith.cmpi sge, %bitcast_convert_type3A_271, %or3A_1391 : vector<16xi32>
      %all_reduce_population_count3A_1420 = tpu.all_reduce %ge3A_1419 {dim = 0 : i64, kind = #tpu.reduction_kind<sum>} : vector<16xi1> -> vector<16xi32>
      %add3A_1421 = arith.addi %add3A_1418, %all_reduce_population_count3A_1420 : vector<16xi32>
      %ge3A_1422 = arith.cmpi sge, %bitcast_convert_type3A_274, %or3A_1391 : vector<16xi32>
      %all_reduce_population_count3A_1423 = tpu.all_reduce %ge3A_1422 {dim = 0 : i64, kind = #tpu.reduction_kind<sum>} : vector<16xi1> -> vector<16xi32>
      %add3A_1424 = arith.addi %add3A_1421, %all_reduce_population_count3A_1423 : vector<16xi32>
      %ge3A_1425 = arith.cmpi sge, %bitcast_convert_type3A_277, %or3A_1391 : vector<16xi32>
      %all_reduce_population_count3A_1426 = tpu.all_reduce %ge3A_1425 {dim = 0 : i64, kind = #tpu.reduction_kind<sum>} : vector<16xi1> -> vector<16xi32>
      %add3A_1427 = arith.addi %add3A_1424, %all_reduce_population_count3A_1426 : vector<16xi32>
      %ge3A_1428 = arith.cmpi sge, %bitcast_convert_type3A_280, %or3A_1391 : vector<16xi32>
      %all_reduce_population_count3A_1429 = tpu.all_reduce %ge3A_1428 {dim = 0 : i64, kind = #tpu.reduction_kind<sum>} : vector<16xi1> -> vector<16xi32>
      %add3A_1430 = arith.addi %add3A_1427, %all_reduce_population_count3A_1429 : vector<16xi32>
      %ge3A_1431 = arith.cmpi sge, %bitcast_convert_type3A_283, %or3A_1391 : vector<16xi32>
      %all_reduce_population_count3A_1432 = tpu.all_reduce %ge3A_1431 {dim = 0 : i64, kind = #tpu.reduction_kind<sum>} : vector<16xi1> -> vector<16xi32>
      %add3A_1433 = arith.addi %add3A_1430, %all_reduce_population_count3A_1432 : vector<16xi32>
      %ge3A_1434 = arith.cmpi sge, %bitcast_convert_type3A_286, %or3A_1391 : vector<16xi32>
      %all_reduce_population_count3A_1435 = tpu.all_reduce %ge3A_1434 {dim = 0 : i64, kind = #tpu.reduction_kind<sum>} : vector<16xi1> -> vector<16xi32>
      %add3A_1436 = arith.addi %add3A_1433, %all_reduce_population_count3A_1435 : vector<16xi32>
      %ge3A_1437 = arith.cmpi sge, %bitcast_convert_type3A_289, %or3A_1391 : vector<16xi32>
      %all_reduce_population_count3A_1438 = tpu.all_reduce %ge3A_1437 {dim = 0 : i64, kind = #tpu.reduction_kind<sum>} : vector<16xi1> -> vector<16xi32>
      %add3A_1439 = arith.addi %add3A_1436, %all_reduce_population_count3A_1438 : vector<16xi32>
      %ge3A_1440 = arith.constant 64 : i32
      %ge3A_1441 = vector.broadcast %ge3A_1440 : i32 to vector<16xi32>
      %ge3A_1442 = arith.cmpi sge, %add3A_1439, %ge3A_1441 : vector<16xi32>
      %select_n3A_1443 = arith.select %ge3A_1442, %or3A_1391, %select_n3A_1388 : vector<16xi1>, vector<16xi32>
      %or3A_1444 = arith.constant 512 : i32
      %or3A_1445 = vector.broadcast %or3A_1444 : i32 to vector<16xi32>
      %or3A_1446 = arith.ori %select_n3A_1443, %or3A_1445 : vector<16xi32>
      %ge3A_1447 = arith.cmpi sge, %bitcast_convert_type3A_244, %or3A_1446 : vector<16xi32>
      %all_reduce_population_count3A_1448 = tpu.all_reduce %ge3A_1447 {dim = 0 : i64, kind = #tpu.reduction_kind<sum>} : vector<16xi1> -> vector<16xi32>
      %add3A_1449 = arith.addi %broadcast_in_dim3A_5, %all_reduce_population_count3A_1448 : vector<16xi32>
      %ge3A_1450 = arith.cmpi sge, %bitcast_convert_type3A_247, %or3A_1446 : vector<16xi32>
      %all_reduce_population_count3A_1451 = tpu.all_reduce %ge3A_1450 {dim = 0 : i64, kind = #tpu.reduction_kind<sum>} : vector<16xi1> -> vector<16xi32>
      %add3A_1452 = arith.addi %add3A_1449, %all_reduce_population_count3A_1451 : vector<16xi32>
      %ge3A_1453 = arith.cmpi sge, %bitcast_convert_type3A_250, %or3A_1446 : vector<16xi32>
      %all_reduce_population_count3A_1454 = tpu.all_reduce %ge3A_1453 {dim = 0 : i64, kind = #tpu.reduction_kind<sum>} : vector<16xi1> -> vector<16xi32>
      %add3A_1455 = arith.addi %add3A_1452, %all_reduce_population_count3A_1454 : vector<16xi32>
      %ge3A_1456 = arith.cmpi sge, %bitcast_convert_type3A_253, %or3A_1446 : vector<16xi32>
      %all_reduce_population_count3A_1457 = tpu.all_reduce %ge3A_1456 {dim = 0 : i64, kind = #tpu.reduction_kind<sum>} : vector<16xi1> -> vector<16xi32>
      %add3A_1458 = arith.addi %add3A_1455, %all_reduce_population_count3A_1457 : vector<16xi32>
      %ge3A_1459 = arith.cmpi sge, %bitcast_convert_type3A_256, %or3A_1446 : vector<16xi32>
      %all_reduce_population_count3A_1460 = tpu.all_reduce %ge3A_1459 {dim = 0 : i64, kind = #tpu.reduction_kind<sum>} : vector<16xi1> -> vector<16xi32>
      %add3A_1461 = arith.addi %add3A_1458, %all_reduce_population_count3A_1460 : vector<16xi32>
      %ge3A_1462 = arith.cmpi sge, %bitcast_convert_type3A_259, %or3A_1446 : vector<16xi32>
      %all_reduce_population_count3A_1463 = tpu.all_reduce %ge3A_1462 {dim = 0 : i64, kind = #tpu.reduction_kind<sum>} : vector<16xi1> -> vector<16xi32>
      %add3A_1464 = arith.addi %add3A_1461, %all_reduce_population_count3A_1463 : vector<16xi32>
      %ge3A_1465 = arith.cmpi sge, %bitcast_convert_type3A_262, %or3A_1446 : vector<16xi32>
      %all_reduce_population_count3A_1466 = tpu.all_reduce %ge3A_1465 {dim = 0 : i64, kind = #tpu.reduction_kind<sum>} : vector<16xi1> -> vector<16xi32>
      %add3A_1467 = arith.addi %add3A_1464, %all_reduce_population_count3A_1466 : vector<16xi32>
      %ge3A_1468 = arith.cmpi sge, %bitcast_convert_type3A_265, %or3A_1446 : vector<16xi32>
      %all_reduce_population_count3A_1469 = tpu.all_reduce %ge3A_1468 {dim = 0 : i64, kind = #tpu.reduction_kind<sum>} : vector<16xi1> -> vector<16xi32>
      %add3A_1470 = arith.addi %add3A_1467, %all_reduce_population_count3A_1469 : vector<16xi32>
      %ge3A_1471 = arith.cmpi sge, %bitcast_convert_type3A_268, %or3A_1446 : vector<16xi32>
      %all_reduce_population_count3A_1472 = tpu.all_reduce %ge3A_1471 {dim = 0 : i64, kind = #tpu.reduction_kind<sum>} : vector<16xi1> -> vector<16xi32>
      %add3A_1473 = arith.addi %add3A_1470, %all_reduce_population_count3A_1472 : vector<16xi32>
      %ge3A_1474 = arith.cmpi sge, %bitcast_convert_type3A_271, %or3A_1446 : vector<16xi32>
      %all_reduce_population_count3A_1475 = tpu.all_reduce %ge3A_1474 {dim = 0 : i64, kind = #tpu.reduction_kind<sum>} : vector<16xi1> -> vector<16xi32>
      %add3A_1476 = arith.addi %add3A_1473, %all_reduce_population_count3A_1475 : vector<16xi32>
      %ge3A_1477 = arith.cmpi sge, %bitcast_convert_type3A_274, %or3A_1446 : vector<16xi32>
      %all_reduce_population_count3A_1478 = tpu.all_reduce %ge3A_1477 {dim = 0 : i64, kind = #tpu.reduction_kind<sum>} : vector<16xi1> -> vector<16xi32>
      %add3A_1479 = arith.addi %add3A_1476, %all_reduce_population_count3A_1478 : vector<16xi32>
      %ge3A_1480 = arith.cmpi sge, %bitcast_convert_type3A_277, %or3A_1446 : vector<16xi32>
      %all_reduce_population_count3A_1481 = tpu.all_reduce %ge3A_1480 {dim = 0 : i64, kind = #tpu.reduction_kind<sum>} : vector<16xi1> -> vector<16xi32>
      %add3A_1482 = arith.addi %add3A_1479, %all_reduce_population_count3A_1481 : vector<16xi32>
      %ge3A_1483 = arith.cmpi sge, %bitcast_convert_type3A_280, %or3A_1446 : vector<16xi32>
      %all_reduce_population_count3A_1484 = tpu.all_reduce %ge3A_1483 {dim = 0 : i64, kind = #tpu.reduction_kind<sum>} : vector<16xi1> -> vector<16xi32>
      %add3A_1485 = arith.addi %add3A_1482, %all_reduce_population_count3A_1484 : vector<16xi32>
      %ge3A_1486 = arith.cmpi sge, %bitcast_convert_type3A_283, %or3A_1446 : vector<16xi32>
      %all_reduce_population_count3A_1487 = tpu.all_reduce %ge3A_1486 {dim = 0 : i64, kind = #tpu.reduction_kind<sum>} : vector<16xi1> -> vector<16xi32>
      %add3A_1488 = arith.addi %add3A_1485, %all_reduce_population_count3A_1487 : vector<16xi32>
      %ge3A_1489 = arith.cmpi sge, %bitcast_convert_type3A_286, %or3A_1446 : vector<16xi32>
      %all_reduce_population_count3A_1490 = tpu.all_reduce %ge3A_1489 {dim = 0 : i64, kind = #tpu.reduction_kind<sum>} : vector<16xi1> -> vector<16xi32>
      %add3A_1491 = arith.addi %add3A_1488, %all_reduce_population_count3A_1490 : vector<16xi32>
      %ge3A_1492 = arith.cmpi sge, %bitcast_convert_type3A_289, %or3A_1446 : vector<16xi32>
      %all_reduce_population_count3A_1493 = tpu.all_reduce %ge3A_1492 {dim = 0 : i64, kind = #tpu.reduction_kind<sum>} : vector<16xi1> -> vector<16xi32>
      %add3A_1494 = arith.addi %add3A_1491, %all_reduce_population_count3A_1493 : vector<16xi32>
      %ge3A_1495 = arith.constant 64 : i32
      %ge3A_1496 = vector.broadcast %ge3A_1495 : i32 to vector<16xi32>
      %ge3A_1497 = arith.cmpi sge, %add3A_1494, %ge3A_1496 : vector<16xi32>
      %select_n3A_1498 = arith.select %ge3A_1497, %or3A_1446, %select_n3A_1443 : vector<16xi1>, vector<16xi32>
      %or3A_1499 = arith.constant 256 : i32
      %or3A_1500 = vector.broadcast %or3A_1499 : i32 to vector<16xi32>
      %or3A_1501 = arith.ori %select_n3A_1498, %or3A_1500 : vector<16xi32>
      %ge3A_1502 = arith.cmpi sge, %bitcast_convert_type3A_244, %or3A_1501 : vector<16xi32>
      %all_reduce_population_count3A_1503 = tpu.all_reduce %ge3A_1502 {dim = 0 : i64, kind = #tpu.reduction_kind<sum>} : vector<16xi1> -> vector<16xi32>
      %add3A_1504 = arith.addi %broadcast_in_dim3A_5, %all_reduce_population_count3A_1503 : vector<16xi32>
      %ge3A_1505 = arith.cmpi sge, %bitcast_convert_type3A_247, %or3A_1501 : vector<16xi32>
      %all_reduce_population_count3A_1506 = tpu.all_reduce %ge3A_1505 {dim = 0 : i64, kind = #tpu.reduction_kind<sum>} : vector<16xi1> -> vector<16xi32>
      %add3A_1507 = arith.addi %add3A_1504, %all_reduce_population_count3A_1506 : vector<16xi32>
      %ge3A_1508 = arith.cmpi sge, %bitcast_convert_type3A_250, %or3A_1501 : vector<16xi32>
      %all_reduce_population_count3A_1509 = tpu.all_reduce %ge3A_1508 {dim = 0 : i64, kind = #tpu.reduction_kind<sum>} : vector<16xi1> -> vector<16xi32>
      %add3A_1510 = arith.addi %add3A_1507, %all_reduce_population_count3A_1509 : vector<16xi32>
      %ge3A_1511 = arith.cmpi sge, %bitcast_convert_type3A_253, %or3A_1501 : vector<16xi32>
      %all_reduce_population_count3A_1512 = tpu.all_reduce %ge3A_1511 {dim = 0 : i64, kind = #tpu.reduction_kind<sum>} : vector<16xi1> -> vector<16xi32>
      %add3A_1513 = arith.addi %add3A_1510, %all_reduce_population_count3A_1512 : vector<16xi32>
      %ge3A_1514 = arith.cmpi sge, %bitcast_convert_type3A_256, %or3A_1501 : vector<16xi32>
      %all_reduce_population_count3A_1515 = tpu.all_reduce %ge3A_1514 {dim = 0 : i64, kind = #tpu.reduction_kind<sum>} : vector<16xi1> -> vector<16xi32>
      %add3A_1516 = arith.addi %add3A_1513, %all_reduce_population_count3A_1515 : vector<16xi32>
      %ge3A_1517 = arith.cmpi sge, %bitcast_convert_type3A_259, %or3A_1501 : vector<16xi32>
      %all_reduce_population_count3A_1518 = tpu.all_reduce %ge3A_1517 {dim = 0 : i64, kind = #tpu.reduction_kind<sum>} : vector<16xi1> -> vector<16xi32>
      %add3A_1519 = arith.addi %add3A_1516, %all_reduce_population_count3A_1518 : vector<16xi32>
      %ge3A_1520 = arith.cmpi sge, %bitcast_convert_type3A_262, %or3A_1501 : vector<16xi32>
      %all_reduce_population_count3A_1521 = tpu.all_reduce %ge3A_1520 {dim = 0 : i64, kind = #tpu.reduction_kind<sum>} : vector<16xi1> -> vector<16xi32>
      %add3A_1522 = arith.addi %add3A_1519, %all_reduce_population_count3A_1521 : vector<16xi32>
      %ge3A_1523 = arith.cmpi sge, %bitcast_convert_type3A_265, %or3A_1501 : vector<16xi32>
      %all_reduce_population_count3A_1524 = tpu.all_reduce %ge3A_1523 {dim = 0 : i64, kind = #tpu.reduction_kind<sum>} : vector<16xi1> -> vector<16xi32>
      %add3A_1525 = arith.addi %add3A_1522, %all_reduce_population_count3A_1524 : vector<16xi32>
      %ge3A_1526 = arith.cmpi sge, %bitcast_convert_type3A_268, %or3A_1501 : vector<16xi32>
      %all_reduce_population_count3A_1527 = tpu.all_reduce %ge3A_1526 {dim = 0 : i64, kind = #tpu.reduction_kind<sum>} : vector<16xi1> -> vector<16xi32>
      %add3A_1528 = arith.addi %add3A_1525, %all_reduce_population_count3A_1527 : vector<16xi32>
      %ge3A_1529 = arith.cmpi sge, %bitcast_convert_type3A_271, %or3A_1501 : vector<16xi32>
      %all_reduce_population_count3A_1530 = tpu.all_reduce %ge3A_1529 {dim = 0 : i64, kind = #tpu.reduction_kind<sum>} : vector<16xi1> -> vector<16xi32>
      %add3A_1531 = arith.addi %add3A_1528, %all_reduce_population_count3A_1530 : vector<16xi32>
      %ge3A_1532 = arith.cmpi sge, %bitcast_convert_type3A_274, %or3A_1501 : vector<16xi32>
      %all_reduce_population_count3A_1533 = tpu.all_reduce %ge3A_1532 {dim = 0 : i64, kind = #tpu.reduction_kind<sum>} : vector<16xi1> -> vector<16xi32>
      %add3A_1534 = arith.addi %add3A_1531, %all_reduce_population_count3A_1533 : vector<16xi32>
      %ge3A_1535 = arith.cmpi sge, %bitcast_convert_type3A_277, %or3A_1501 : vector<16xi32>
      %all_reduce_population_count3A_1536 = tpu.all_reduce %ge3A_1535 {dim = 0 : i64, kind = #tpu.reduction_kind<sum>} : vector<16xi1> -> vector<16xi32>
      %add3A_1537 = arith.addi %add3A_1534, %all_reduce_population_count3A_1536 : vector<16xi32>
      %ge3A_1538 = arith.cmpi sge, %bitcast_convert_type3A_280, %or3A_1501 : vector<16xi32>
      %all_reduce_population_count3A_1539 = tpu.all_reduce %ge3A_1538 {dim = 0 : i64, kind = #tpu.reduction_kind<sum>} : vector<16xi1> -> vector<16xi32>
      %add3A_1540 = arith.addi %add3A_1537, %all_reduce_population_count3A_1539 : vector<16xi32>
      %ge3A_1541 = arith.cmpi sge, %bitcast_convert_type3A_283, %or3A_1501 : vector<16xi32>
      %all_reduce_population_count3A_1542 = tpu.all_reduce %ge3A_1541 {dim = 0 : i64, kind = #tpu.reduction_kind<sum>} : vector<16xi1> -> vector<16xi32>
      %add3A_1543 = arith.addi %add3A_1540, %all_reduce_population_count3A_1542 : vector<16xi32>
      %ge3A_1544 = arith.cmpi sge, %bitcast_convert_type3A_286, %or3A_1501 : vector<16xi32>
      %all_reduce_population_count3A_1545 = tpu.all_reduce %ge3A_1544 {dim = 0 : i64, kind = #tpu.reduction_kind<sum>} : vector<16xi1> -> vector<16xi32>
      %add3A_1546 = arith.addi %add3A_1543, %all_reduce_population_count3A_1545 : vector<16xi32>
      %ge3A_1547 = arith.cmpi sge, %bitcast_convert_type3A_289, %or3A_1501 : vector<16xi32>
      %all_reduce_population_count3A_1548 = tpu.all_reduce %ge3A_1547 {dim = 0 : i64, kind = #tpu.reduction_kind<sum>} : vector<16xi1> -> vector<16xi32>
      %add3A_1549 = arith.addi %add3A_1546, %all_reduce_population_count3A_1548 : vector<16xi32>
      %ge3A_1550 = arith.constant 64 : i32
      %ge3A_1551 = vector.broadcast %ge3A_1550 : i32 to vector<16xi32>
      %ge3A_1552 = arith.cmpi sge, %add3A_1549, %ge3A_1551 : vector<16xi32>
      %select_n3A_1553 = arith.select %ge3A_1552, %or3A_1501, %select_n3A_1498 : vector<16xi1>, vector<16xi32>
      %or3A_1554 = arith.constant 128 : i32
      %or3A_1555 = vector.broadcast %or3A_1554 : i32 to vector<16xi32>
      %or3A_1556 = arith.ori %select_n3A_1553, %or3A_1555 : vector<16xi32>
      %ge3A_1557 = arith.cmpi sge, %bitcast_convert_type3A_244, %or3A_1556 : vector<16xi32>
      %all_reduce_population_count3A_1558 = tpu.all_reduce %ge3A_1557 {dim = 0 : i64, kind = #tpu.reduction_kind<sum>} : vector<16xi1> -> vector<16xi32>
      %add3A_1559 = arith.addi %broadcast_in_dim3A_5, %all_reduce_population_count3A_1558 : vector<16xi32>
      %ge3A_1560 = arith.cmpi sge, %bitcast_convert_type3A_247, %or3A_1556 : vector<16xi32>
      %all_reduce_population_count3A_1561 = tpu.all_reduce %ge3A_1560 {dim = 0 : i64, kind = #tpu.reduction_kind<sum>} : vector<16xi1> -> vector<16xi32>
      %add3A_1562 = arith.addi %add3A_1559, %all_reduce_population_count3A_1561 : vector<16xi32>
      %ge3A_1563 = arith.cmpi sge, %bitcast_convert_type3A_250, %or3A_1556 : vector<16xi32>
      %all_reduce_population_count3A_1564 = tpu.all_reduce %ge3A_1563 {dim = 0 : i64, kind = #tpu.reduction_kind<sum>} : vector<16xi1> -> vector<16xi32>
      %add3A_1565 = arith.addi %add3A_1562, %all_reduce_population_count3A_1564 : vector<16xi32>
      %ge3A_1566 = arith.cmpi sge, %bitcast_convert_type3A_253, %or3A_1556 : vector<16xi32>
      %all_reduce_population_count3A_1567 = tpu.all_reduce %ge3A_1566 {dim = 0 : i64, kind = #tpu.reduction_kind<sum>} : vector<16xi1> -> vector<16xi32>
      %add3A_1568 = arith.addi %add3A_1565, %all_reduce_population_count3A_1567 : vector<16xi32>
      %ge3A_1569 = arith.cmpi sge, %bitcast_convert_type3A_256, %or3A_1556 : vector<16xi32>
      %all_reduce_population_count3A_1570 = tpu.all_reduce %ge3A_1569 {dim = 0 : i64, kind = #tpu.reduction_kind<sum>} : vector<16xi1> -> vector<16xi32>
      %add3A_1571 = arith.addi %add3A_1568, %all_reduce_population_count3A_1570 : vector<16xi32>
      %ge3A_1572 = arith.cmpi sge, %bitcast_convert_type3A_259, %or3A_1556 : vector<16xi32>
      %all_reduce_population_count3A_1573 = tpu.all_reduce %ge3A_1572 {dim = 0 : i64, kind = #tpu.reduction_kind<sum>} : vector<16xi1> -> vector<16xi32>
      %add3A_1574 = arith.addi %add3A_1571, %all_reduce_population_count3A_1573 : vector<16xi32>
      %ge3A_1575 = arith.cmpi sge, %bitcast_convert_type3A_262, %or3A_1556 : vector<16xi32>
      %all_reduce_population_count3A_1576 = tpu.all_reduce %ge3A_1575 {dim = 0 : i64, kind = #tpu.reduction_kind<sum>} : vector<16xi1> -> vector<16xi32>
      %add3A_1577 = arith.addi %add3A_1574, %all_reduce_population_count3A_1576 : vector<16xi32>
      %ge3A_1578 = arith.cmpi sge, %bitcast_convert_type3A_265, %or3A_1556 : vector<16xi32>
      %all_reduce_population_count3A_1579 = tpu.all_reduce %ge3A_1578 {dim = 0 : i64, kind = #tpu.reduction_kind<sum>} : vector<16xi1> -> vector<16xi32>
      %add3A_1580 = arith.addi %add3A_1577, %all_reduce_population_count3A_1579 : vector<16xi32>
      %ge3A_1581 = arith.cmpi sge, %bitcast_convert_type3A_268, %or3A_1556 : vector<16xi32>
      %all_reduce_population_count3A_1582 = tpu.all_reduce %ge3A_1581 {dim = 0 : i64, kind = #tpu.reduction_kind<sum>} : vector<16xi1> -> vector<16xi32>
      %add3A_1583 = arith.addi %add3A_1580, %all_reduce_population_count3A_1582 : vector<16xi32>
      %ge3A_1584 = arith.cmpi sge, %bitcast_convert_type3A_271, %or3A_1556 : vector<16xi32>
      %all_reduce_population_count3A_1585 = tpu.all_reduce %ge3A_1584 {dim = 0 : i64, kind = #tpu.reduction_kind<sum>} : vector<16xi1> -> vector<16xi32>
      %add3A_1586 = arith.addi %add3A_1583, %all_reduce_population_count3A_1585 : vector<16xi32>
      %ge3A_1587 = arith.cmpi sge, %bitcast_convert_type3A_274, %or3A_1556 : vector<16xi32>
      %all_reduce_population_count3A_1588 = tpu.all_reduce %ge3A_1587 {dim = 0 : i64, kind = #tpu.reduction_kind<sum>} : vector<16xi1> -> vector<16xi32>
      %add3A_1589 = arith.addi %add3A_1586, %all_reduce_population_count3A_1588 : vector<16xi32>
      %ge3A_1590 = arith.cmpi sge, %bitcast_convert_type3A_277, %or3A_1556 : vector<16xi32>
      %all_reduce_population_count3A_1591 = tpu.all_reduce %ge3A_1590 {dim = 0 : i64, kind = #tpu.reduction_kind<sum>} : vector<16xi1> -> vector<16xi32>
      %add3A_1592 = arith.addi %add3A_1589, %all_reduce_population_count3A_1591 : vector<16xi32>
      %ge3A_1593 = arith.cmpi sge, %bitcast_convert_type3A_280, %or3A_1556 : vector<16xi32>
      %all_reduce_population_count3A_1594 = tpu.all_reduce %ge3A_1593 {dim = 0 : i64, kind = #tpu.reduction_kind<sum>} : vector<16xi1> -> vector<16xi32>
      %add3A_1595 = arith.addi %add3A_1592, %all_reduce_population_count3A_1594 : vector<16xi32>
      %ge3A_1596 = arith.cmpi sge, %bitcast_convert_type3A_283, %or3A_1556 : vector<16xi32>
      %all_reduce_population_count3A_1597 = tpu.all_reduce %ge3A_1596 {dim = 0 : i64, kind = #tpu.reduction_kind<sum>} : vector<16xi1> -> vector<16xi32>
      %add3A_1598 = arith.addi %add3A_1595, %all_reduce_population_count3A_1597 : vector<16xi32>
      %ge3A_1599 = arith.cmpi sge, %bitcast_convert_type3A_286, %or3A_1556 : vector<16xi32>
      %all_reduce_population_count3A_1600 = tpu.all_reduce %ge3A_1599 {dim = 0 : i64, kind = #tpu.reduction_kind<sum>} : vector<16xi1> -> vector<16xi32>
      %add3A_1601 = arith.addi %add3A_1598, %all_reduce_population_count3A_1600 : vector<16xi32>
      %ge3A_1602 = arith.cmpi sge, %bitcast_convert_type3A_289, %or3A_1556 : vector<16xi32>
      %all_reduce_population_count3A_1603 = tpu.all_reduce %ge3A_1602 {dim = 0 : i64, kind = #tpu.reduction_kind<sum>} : vector<16xi1> -> vector<16xi32>
      %add3A_1604 = arith.addi %add3A_1601, %all_reduce_population_count3A_1603 : vector<16xi32>
      %ge3A_1605 = arith.constant 64 : i32
      %ge3A_1606 = vector.broadcast %ge3A_1605 : i32 to vector<16xi32>
      %ge3A_1607 = arith.cmpi sge, %add3A_1604, %ge3A_1606 : vector<16xi32>
      %select_n3A_1608 = arith.select %ge3A_1607, %or3A_1556, %select_n3A_1553 : vector<16xi1>, vector<16xi32>
      %or3A_1609 = arith.constant 64 : i32
      %or3A_1610 = vector.broadcast %or3A_1609 : i32 to vector<16xi32>
      %or3A_1611 = arith.ori %select_n3A_1608, %or3A_1610 : vector<16xi32>
      %ge3A_1612 = arith.cmpi sge, %bitcast_convert_type3A_244, %or3A_1611 : vector<16xi32>
      %all_reduce_population_count3A_1613 = tpu.all_reduce %ge3A_1612 {dim = 0 : i64, kind = #tpu.reduction_kind<sum>} : vector<16xi1> -> vector<16xi32>
      %add3A_1614 = arith.addi %broadcast_in_dim3A_5, %all_reduce_population_count3A_1613 : vector<16xi32>
      %ge3A_1615 = arith.cmpi sge, %bitcast_convert_type3A_247, %or3A_1611 : vector<16xi32>
      %all_reduce_population_count3A_1616 = tpu.all_reduce %ge3A_1615 {dim = 0 : i64, kind = #tpu.reduction_kind<sum>} : vector<16xi1> -> vector<16xi32>
      %add3A_1617 = arith.addi %add3A_1614, %all_reduce_population_count3A_1616 : vector<16xi32>
      %ge3A_1618 = arith.cmpi sge, %bitcast_convert_type3A_250, %or3A_1611 : vector<16xi32>
      %all_reduce_population_count3A_1619 = tpu.all_reduce %ge3A_1618 {dim = 0 : i64, kind = #tpu.reduction_kind<sum>} : vector<16xi1> -> vector<16xi32>
      %add3A_1620 = arith.addi %add3A_1617, %all_reduce_population_count3A_1619 : vector<16xi32>
      %ge3A_1621 = arith.cmpi sge, %bitcast_convert_type3A_253, %or3A_1611 : vector<16xi32>
      %all_reduce_population_count3A_1622 = tpu.all_reduce %ge3A_1621 {dim = 0 : i64, kind = #tpu.reduction_kind<sum>} : vector<16xi1> -> vector<16xi32>
      %add3A_1623 = arith.addi %add3A_1620, %all_reduce_population_count3A_1622 : vector<16xi32>
      %ge3A_1624 = arith.cmpi sge, %bitcast_convert_type3A_256, %or3A_1611 : vector<16xi32>
      %all_reduce_population_count3A_1625 = tpu.all_reduce %ge3A_1624 {dim = 0 : i64, kind = #tpu.reduction_kind<sum>} : vector<16xi1> -> vector<16xi32>
      %add3A_1626 = arith.addi %add3A_1623, %all_reduce_population_count3A_1625 : vector<16xi32>
      %ge3A_1627 = arith.cmpi sge, %bitcast_convert_type3A_259, %or3A_1611 : vector<16xi32>
      %all_reduce_population_count3A_1628 = tpu.all_reduce %ge3A_1627 {dim = 0 : i64, kind = #tpu.reduction_kind<sum>} : vector<16xi1> -> vector<16xi32>
      %add3A_1629 = arith.addi %add3A_1626, %all_reduce_population_count3A_1628 : vector<16xi32>
      %ge3A_1630 = arith.cmpi sge, %bitcast_convert_type3A_262, %or3A_1611 : vector<16xi32>
      %all_reduce_population_count3A_1631 = tpu.all_reduce %ge3A_1630 {dim = 0 : i64, kind = #tpu.reduction_kind<sum>} : vector<16xi1> -> vector<16xi32>
      %add3A_1632 = arith.addi %add3A_1629, %all_reduce_population_count3A_1631 : vector<16xi32>
      %ge3A_1633 = arith.cmpi sge, %bitcast_convert_type3A_265, %or3A_1611 : vector<16xi32>
      %all_reduce_population_count3A_1634 = tpu.all_reduce %ge3A_1633 {dim = 0 : i64, kind = #tpu.reduction_kind<sum>} : vector<16xi1> -> vector<16xi32>
      %add3A_1635 = arith.addi %add3A_1632, %all_reduce_population_count3A_1634 : vector<16xi32>
      %ge3A_1636 = arith.cmpi sge, %bitcast_convert_type3A_268, %or3A_1611 : vector<16xi32>
      %all_reduce_population_count3A_1637 = tpu.all_reduce %ge3A_1636 {dim = 0 : i64, kind = #tpu.reduction_kind<sum>} : vector<16xi1> -> vector<16xi32>
      %add3A_1638 = arith.addi %add3A_1635, %all_reduce_population_count3A_1637 : vector<16xi32>
      %ge3A_1639 = arith.cmpi sge, %bitcast_convert_type3A_271, %or3A_1611 : vector<16xi32>
      %all_reduce_population_count3A_1640 = tpu.all_reduce %ge3A_1639 {dim = 0 : i64, kind = #tpu.reduction_kind<sum>} : vector<16xi1> -> vector<16xi32>
      %add3A_1641 = arith.addi %add3A_1638, %all_reduce_population_count3A_1640 : vector<16xi32>
      %ge3A_1642 = arith.cmpi sge, %bitcast_convert_type3A_274, %or3A_1611 : vector<16xi32>
      %all_reduce_population_count3A_1643 = tpu.all_reduce %ge3A_1642 {dim = 0 : i64, kind = #tpu.reduction_kind<sum>} : vector<16xi1> -> vector<16xi32>
      %add3A_1644 = arith.addi %add3A_1641, %all_reduce_population_count3A_1643 : vector<16xi32>
      %ge3A_1645 = arith.cmpi sge, %bitcast_convert_type3A_277, %or3A_1611 : vector<16xi32>
      %all_reduce_population_count3A_1646 = tpu.all_reduce %ge3A_1645 {dim = 0 : i64, kind = #tpu.reduction_kind<sum>} : vector<16xi1> -> vector<16xi32>
      %add3A_1647 = arith.addi %add3A_1644, %all_reduce_population_count3A_1646 : vector<16xi32>
      %ge3A_1648 = arith.cmpi sge, %bitcast_convert_type3A_280, %or3A_1611 : vector<16xi32>
      %all_reduce_population_count3A_1649 = tpu.all_reduce %ge3A_1648 {dim = 0 : i64, kind = #tpu.reduction_kind<sum>} : vector<16xi1> -> vector<16xi32>
      %add3A_1650 = arith.addi %add3A_1647, %all_reduce_population_count3A_1649 : vector<16xi32>
      %ge3A_1651 = arith.cmpi sge, %bitcast_convert_type3A_283, %or3A_1611 : vector<16xi32>
      %all_reduce_population_count3A_1652 = tpu.all_reduce %ge3A_1651 {dim = 0 : i64, kind = #tpu.reduction_kind<sum>} : vector<16xi1> -> vector<16xi32>
      %add3A_1653 = arith.addi %add3A_1650, %all_reduce_population_count3A_1652 : vector<16xi32>
      %ge3A_1654 = arith.cmpi sge, %bitcast_convert_type3A_286, %or3A_1611 : vector<16xi32>
      %all_reduce_population_count3A_1655 = tpu.all_reduce %ge3A_1654 {dim = 0 : i64, kind = #tpu.reduction_kind<sum>} : vector<16xi1> -> vector<16xi32>
      %add3A_1656 = arith.addi %add3A_1653, %all_reduce_population_count3A_1655 : vector<16xi32>
      %ge3A_1657 = arith.cmpi sge, %bitcast_convert_type3A_289, %or3A_1611 : vector<16xi32>
      %all_reduce_population_count3A_1658 = tpu.all_reduce %ge3A_1657 {dim = 0 : i64, kind = #tpu.reduction_kind<sum>} : vector<16xi1> -> vector<16xi32>
      %add3A_1659 = arith.addi %add3A_1656, %all_reduce_population_count3A_1658 : vector<16xi32>
      %ge3A_1660 = arith.constant 64 : i32
      %ge3A_1661 = vector.broadcast %ge3A_1660 : i32 to vector<16xi32>
      %ge3A_1662 = arith.cmpi sge, %add3A_1659, %ge3A_1661 : vector<16xi32>
      %select_n3A_1663 = arith.select %ge3A_1662, %or3A_1611, %select_n3A_1608 : vector<16xi1>, vector<16xi32>
      %or3A_1664 = arith.constant 32 : i32
      %or3A_1665 = vector.broadcast %or3A_1664 : i32 to vector<16xi32>
      %or3A_1666 = arith.ori %select_n3A_1663, %or3A_1665 : vector<16xi32>
      %ge3A_1667 = arith.cmpi sge, %bitcast_convert_type3A_244, %or3A_1666 : vector<16xi32>
      %all_reduce_population_count3A_1668 = tpu.all_reduce %ge3A_1667 {dim = 0 : i64, kind = #tpu.reduction_kind<sum>} : vector<16xi1> -> vector<16xi32>
      %add3A_1669 = arith.addi %broadcast_in_dim3A_5, %all_reduce_population_count3A_1668 : vector<16xi32>
      %ge3A_1670 = arith.cmpi sge, %bitcast_convert_type3A_247, %or3A_1666 : vector<16xi32>
      %all_reduce_population_count3A_1671 = tpu.all_reduce %ge3A_1670 {dim = 0 : i64, kind = #tpu.reduction_kind<sum>} : vector<16xi1> -> vector<16xi32>
      %add3A_1672 = arith.addi %add3A_1669, %all_reduce_population_count3A_1671 : vector<16xi32>
      %ge3A_1673 = arith.cmpi sge, %bitcast_convert_type3A_250, %or3A_1666 : vector<16xi32>
      %all_reduce_population_count3A_1674 = tpu.all_reduce %ge3A_1673 {dim = 0 : i64, kind = #tpu.reduction_kind<sum>} : vector<16xi1> -> vector<16xi32>
      %add3A_1675 = arith.addi %add3A_1672, %all_reduce_population_count3A_1674 : vector<16xi32>
      %ge3A_1676 = arith.cmpi sge, %bitcast_convert_type3A_253, %or3A_1666 : vector<16xi32>
      %all_reduce_population_count3A_1677 = tpu.all_reduce %ge3A_1676 {dim = 0 : i64, kind = #tpu.reduction_kind<sum>} : vector<16xi1> -> vector<16xi32>
      %add3A_1678 = arith.addi %add3A_1675, %all_reduce_population_count3A_1677 : vector<16xi32>
      %ge3A_1679 = arith.cmpi sge, %bitcast_convert_type3A_256, %or3A_1666 : vector<16xi32>
      %all_reduce_population_count3A_1680 = tpu.all_reduce %ge3A_1679 {dim = 0 : i64, kind = #tpu.reduction_kind<sum>} : vector<16xi1> -> vector<16xi32>
      %add3A_1681 = arith.addi %add3A_1678, %all_reduce_population_count3A_1680 : vector<16xi32>
      %ge3A_1682 = arith.cmpi sge, %bitcast_convert_type3A_259, %or3A_1666 : vector<16xi32>
      %all_reduce_population_count3A_1683 = tpu.all_reduce %ge3A_1682 {dim = 0 : i64, kind = #tpu.reduction_kind<sum>} : vector<16xi1> -> vector<16xi32>
      %add3A_1684 = arith.addi %add3A_1681, %all_reduce_population_count3A_1683 : vector<16xi32>
      %ge3A_1685 = arith.cmpi sge, %bitcast_convert_type3A_262, %or3A_1666 : vector<16xi32>
      %all_reduce_population_count3A_1686 = tpu.all_reduce %ge3A_1685 {dim = 0 : i64, kind = #tpu.reduction_kind<sum>} : vector<16xi1> -> vector<16xi32>
      %add3A_1687 = arith.addi %add3A_1684, %all_reduce_population_count3A_1686 : vector<16xi32>
      %ge3A_1688 = arith.cmpi sge, %bitcast_convert_type3A_265, %or3A_1666 : vector<16xi32>
      %all_reduce_population_count3A_1689 = tpu.all_reduce %ge3A_1688 {dim = 0 : i64, kind = #tpu.reduction_kind<sum>} : vector<16xi1> -> vector<16xi32>
      %add3A_1690 = arith.addi %add3A_1687, %all_reduce_population_count3A_1689 : vector<16xi32>
      %ge3A_1691 = arith.cmpi sge, %bitcast_convert_type3A_268, %or3A_1666 : vector<16xi32>
      %all_reduce_population_count3A_1692 = tpu.all_reduce %ge3A_1691 {dim = 0 : i64, kind = #tpu.reduction_kind<sum>} : vector<16xi1> -> vector<16xi32>
      %add3A_1693 = arith.addi %add3A_1690, %all_reduce_population_count3A_1692 : vector<16xi32>
      %ge3A_1694 = arith.cmpi sge, %bitcast_convert_type3A_271, %or3A_1666 : vector<16xi32>
      %all_reduce_population_count3A_1695 = tpu.all_reduce %ge3A_1694 {dim = 0 : i64, kind = #tpu.reduction_kind<sum>} : vector<16xi1> -> vector<16xi32>
      %add3A_1696 = arith.addi %add3A_1693, %all_reduce_population_count3A_1695 : vector<16xi32>
      %ge3A_1697 = arith.cmpi sge, %bitcast_convert_type3A_274, %or3A_1666 : vector<16xi32>
      %all_reduce_population_count3A_1698 = tpu.all_reduce %ge3A_1697 {dim = 0 : i64, kind = #tpu.reduction_kind<sum>} : vector<16xi1> -> vector<16xi32>
      %add3A_1699 = arith.addi %add3A_1696, %all_reduce_population_count3A_1698 : vector<16xi32>
      %ge3A_1700 = arith.cmpi sge, %bitcast_convert_type3A_277, %or3A_1666 : vector<16xi32>
      %all_reduce_population_count3A_1701 = tpu.all_reduce %ge3A_1700 {dim = 0 : i64, kind = #tpu.reduction_kind<sum>} : vector<16xi1> -> vector<16xi32>
      %add3A_1702 = arith.addi %add3A_1699, %all_reduce_population_count3A_1701 : vector<16xi32>
      %ge3A_1703 = arith.cmpi sge, %bitcast_convert_type3A_280, %or3A_1666 : vector<16xi32>
      %all_reduce_population_count3A_1704 = tpu.all_reduce %ge3A_1703 {dim = 0 : i64, kind = #tpu.reduction_kind<sum>} : vector<16xi1> -> vector<16xi32>
      %add3A_1705 = arith.addi %add3A_1702, %all_reduce_population_count3A_1704 : vector<16xi32>
      %ge3A_1706 = arith.cmpi sge, %bitcast_convert_type3A_283, %or3A_1666 : vector<16xi32>
      %all_reduce_population_count3A_1707 = tpu.all_reduce %ge3A_1706 {dim = 0 : i64, kind = #tpu.reduction_kind<sum>} : vector<16xi1> -> vector<16xi32>
      %add3A_1708 = arith.addi %add3A_1705, %all_reduce_population_count3A_1707 : vector<16xi32>
      %ge3A_1709 = arith.cmpi sge, %bitcast_convert_type3A_286, %or3A_1666 : vector<16xi32>
      %all_reduce_population_count3A_1710 = tpu.all_reduce %ge3A_1709 {dim = 0 : i64, kind = #tpu.reduction_kind<sum>} : vector<16xi1> -> vector<16xi32>
      %add3A_1711 = arith.addi %add3A_1708, %all_reduce_population_count3A_1710 : vector<16xi32>
      %ge3A_1712 = arith.cmpi sge, %bitcast_convert_type3A_289, %or3A_1666 : vector<16xi32>
      %all_reduce_population_count3A_1713 = tpu.all_reduce %ge3A_1712 {dim = 0 : i64, kind = #tpu.reduction_kind<sum>} : vector<16xi1> -> vector<16xi32>
      %add3A_1714 = arith.addi %add3A_1711, %all_reduce_population_count3A_1713 : vector<16xi32>
      %ge3A_1715 = arith.constant 64 : i32
      %ge3A_1716 = vector.broadcast %ge3A_1715 : i32 to vector<16xi32>
      %ge3A_1717 = arith.cmpi sge, %add3A_1714, %ge3A_1716 : vector<16xi32>
      %select_n3A_1718 = arith.select %ge3A_1717, %or3A_1666, %select_n3A_1663 : vector<16xi1>, vector<16xi32>
      %or3A_1719 = arith.constant 16 : i32
      %or3A_1720 = vector.broadcast %or3A_1719 : i32 to vector<16xi32>
      %or3A_1721 = arith.ori %select_n3A_1718, %or3A_1720 : vector<16xi32>
      %ge3A_1722 = arith.cmpi sge, %bitcast_convert_type3A_244, %or3A_1721 : vector<16xi32>
      %all_reduce_population_count3A_1723 = tpu.all_reduce %ge3A_1722 {dim = 0 : i64, kind = #tpu.reduction_kind<sum>} : vector<16xi1> -> vector<16xi32>
      %add3A_1724 = arith.addi %broadcast_in_dim3A_5, %all_reduce_population_count3A_1723 : vector<16xi32>
      %ge3A_1725 = arith.cmpi sge, %bitcast_convert_type3A_247, %or3A_1721 : vector<16xi32>
      %all_reduce_population_count3A_1726 = tpu.all_reduce %ge3A_1725 {dim = 0 : i64, kind = #tpu.reduction_kind<sum>} : vector<16xi1> -> vector<16xi32>
      %add3A_1727 = arith.addi %add3A_1724, %all_reduce_population_count3A_1726 : vector<16xi32>
      %ge3A_1728 = arith.cmpi sge, %bitcast_convert_type3A_250, %or3A_1721 : vector<16xi32>
      %all_reduce_population_count3A_1729 = tpu.all_reduce %ge3A_1728 {dim = 0 : i64, kind = #tpu.reduction_kind<sum>} : vector<16xi1> -> vector<16xi32>
      %add3A_1730 = arith.addi %add3A_1727, %all_reduce_population_count3A_1729 : vector<16xi32>
      %ge3A_1731 = arith.cmpi sge, %bitcast_convert_type3A_253, %or3A_1721 : vector<16xi32>
      %all_reduce_population_count3A_1732 = tpu.all_reduce %ge3A_1731 {dim = 0 : i64, kind = #tpu.reduction_kind<sum>} : vector<16xi1> -> vector<16xi32>
      %add3A_1733 = arith.addi %add3A_1730, %all_reduce_population_count3A_1732 : vector<16xi32>
      %ge3A_1734 = arith.cmpi sge, %bitcast_convert_type3A_256, %or3A_1721 : vector<16xi32>
      %all_reduce_population_count3A_1735 = tpu.all_reduce %ge3A_1734 {dim = 0 : i64, kind = #tpu.reduction_kind<sum>} : vector<16xi1> -> vector<16xi32>
      %add3A_1736 = arith.addi %add3A_1733, %all_reduce_population_count3A_1735 : vector<16xi32>
      %ge3A_1737 = arith.cmpi sge, %bitcast_convert_type3A_259, %or3A_1721 : vector<16xi32>
      %all_reduce_population_count3A_1738 = tpu.all_reduce %ge3A_1737 {dim = 0 : i64, kind = #tpu.reduction_kind<sum>} : vector<16xi1> -> vector<16xi32>
      %add3A_1739 = arith.addi %add3A_1736, %all_reduce_population_count3A_1738 : vector<16xi32>
      %ge3A_1740 = arith.cmpi sge, %bitcast_convert_type3A_262, %or3A_1721 : vector<16xi32>
      %all_reduce_population_count3A_1741 = tpu.all_reduce %ge3A_1740 {dim = 0 : i64, kind = #tpu.reduction_kind<sum>} : vector<16xi1> -> vector<16xi32>
      %add3A_1742 = arith.addi %add3A_1739, %all_reduce_population_count3A_1741 : vector<16xi32>
      %ge3A_1743 = arith.cmpi sge, %bitcast_convert_type3A_265, %or3A_1721 : vector<16xi32>
      %all_reduce_population_count3A_1744 = tpu.all_reduce %ge3A_1743 {dim = 0 : i64, kind = #tpu.reduction_kind<sum>} : vector<16xi1> -> vector<16xi32>
      %add3A_1745 = arith.addi %add3A_1742, %all_reduce_population_count3A_1744 : vector<16xi32>
      %ge3A_1746 = arith.cmpi sge, %bitcast_convert_type3A_268, %or3A_1721 : vector<16xi32>
      %all_reduce_population_count3A_1747 = tpu.all_reduce %ge3A_1746 {dim = 0 : i64, kind = #tpu.reduction_kind<sum>} : vector<16xi1> -> vector<16xi32>
      %add3A_1748 = arith.addi %add3A_1745, %all_reduce_population_count3A_1747 : vector<16xi32>
      %ge3A_1749 = arith.cmpi sge, %bitcast_convert_type3A_271, %or3A_1721 : vector<16xi32>
      %all_reduce_population_count3A_1750 = tpu.all_reduce %ge3A_1749 {dim = 0 : i64, kind = #tpu.reduction_kind<sum>} : vector<16xi1> -> vector<16xi32>
      %add3A_1751 = arith.addi %add3A_1748, %all_reduce_population_count3A_1750 : vector<16xi32>
      %ge3A_1752 = arith.cmpi sge, %bitcast_convert_type3A_274, %or3A_1721 : vector<16xi32>
      %all_reduce_population_count3A_1753 = tpu.all_reduce %ge3A_1752 {dim = 0 : i64, kind = #tpu.reduction_kind<sum>} : vector<16xi1> -> vector<16xi32>
      %add3A_1754 = arith.addi %add3A_1751, %all_reduce_population_count3A_1753 : vector<16xi32>
      %ge3A_1755 = arith.cmpi sge, %bitcast_convert_type3A_277, %or3A_1721 : vector<16xi32>
      %all_reduce_population_count3A_1756 = tpu.all_reduce %ge3A_1755 {dim = 0 : i64, kind = #tpu.reduction_kind<sum>} : vector<16xi1> -> vector<16xi32>
      %add3A_1757 = arith.addi %add3A_1754, %all_reduce_population_count3A_1756 : vector<16xi32>
      %ge3A_1758 = arith.cmpi sge, %bitcast_convert_type3A_280, %or3A_1721 : vector<16xi32>
      %all_reduce_population_count3A_1759 = tpu.all_reduce %ge3A_1758 {dim = 0 : i64, kind = #tpu.reduction_kind<sum>} : vector<16xi1> -> vector<16xi32>
      %add3A_1760 = arith.addi %add3A_1757, %all_reduce_population_count3A_1759 : vector<16xi32>
      %ge3A_1761 = arith.cmpi sge, %bitcast_convert_type3A_283, %or3A_1721 : vector<16xi32>
      %all_reduce_population_count3A_1762 = tpu.all_reduce %ge3A_1761 {dim = 0 : i64, kind = #tpu.reduction_kind<sum>} : vector<16xi1> -> vector<16xi32>
      %add3A_1763 = arith.addi %add3A_1760, %all_reduce_population_count3A_1762 : vector<16xi32>
      %ge3A_1764 = arith.cmpi sge, %bitcast_convert_type3A_286, %or3A_1721 : vector<16xi32>
      %all_reduce_population_count3A_1765 = tpu.all_reduce %ge3A_1764 {dim = 0 : i64, kind = #tpu.reduction_kind<sum>} : vector<16xi1> -> vector<16xi32>
      %add3A_1766 = arith.addi %add3A_1763, %all_reduce_population_count3A_1765 : vector<16xi32>
      %ge3A_1767 = arith.cmpi sge, %bitcast_convert_type3A_289, %or3A_1721 : vector<16xi32>
      %all_reduce_population_count3A_1768 = tpu.all_reduce %ge3A_1767 {dim = 0 : i64, kind = #tpu.reduction_kind<sum>} : vector<16xi1> -> vector<16xi32>
      %add3A_1769 = arith.addi %add3A_1766, %all_reduce_population_count3A_1768 : vector<16xi32>
      %ge3A_1770 = arith.constant 64 : i32
      %ge3A_1771 = vector.broadcast %ge3A_1770 : i32 to vector<16xi32>
      %ge3A_1772 = arith.cmpi sge, %add3A_1769, %ge3A_1771 : vector<16xi32>
      %select_n3A_1773 = arith.select %ge3A_1772, %or3A_1721, %select_n3A_1718 : vector<16xi1>, vector<16xi32>
      %or3A_1774 = arith.constant 8 : i32
      %or3A_1775 = vector.broadcast %or3A_1774 : i32 to vector<16xi32>
      %or3A_1776 = arith.ori %select_n3A_1773, %or3A_1775 : vector<16xi32>
      %ge3A_1777 = arith.cmpi sge, %bitcast_convert_type3A_244, %or3A_1776 : vector<16xi32>
      %all_reduce_population_count3A_1778 = tpu.all_reduce %ge3A_1777 {dim = 0 : i64, kind = #tpu.reduction_kind<sum>} : vector<16xi1> -> vector<16xi32>
      %add3A_1779 = arith.addi %broadcast_in_dim3A_5, %all_reduce_population_count3A_1778 : vector<16xi32>
      %ge3A_1780 = arith.cmpi sge, %bitcast_convert_type3A_247, %or3A_1776 : vector<16xi32>
      %all_reduce_population_count3A_1781 = tpu.all_reduce %ge3A_1780 {dim = 0 : i64, kind = #tpu.reduction_kind<sum>} : vector<16xi1> -> vector<16xi32>
      %add3A_1782 = arith.addi %add3A_1779, %all_reduce_population_count3A_1781 : vector<16xi32>
      %ge3A_1783 = arith.cmpi sge, %bitcast_convert_type3A_250, %or3A_1776 : vector<16xi32>
      %all_reduce_population_count3A_1784 = tpu.all_reduce %ge3A_1783 {dim = 0 : i64, kind = #tpu.reduction_kind<sum>} : vector<16xi1> -> vector<16xi32>
      %add3A_1785 = arith.addi %add3A_1782, %all_reduce_population_count3A_1784 : vector<16xi32>
      %ge3A_1786 = arith.cmpi sge, %bitcast_convert_type3A_253, %or3A_1776 : vector<16xi32>
      %all_reduce_population_count3A_1787 = tpu.all_reduce %ge3A_1786 {dim = 0 : i64, kind = #tpu.reduction_kind<sum>} : vector<16xi1> -> vector<16xi32>
      %add3A_1788 = arith.addi %add3A_1785, %all_reduce_population_count3A_1787 : vector<16xi32>
      %ge3A_1789 = arith.cmpi sge, %bitcast_convert_type3A_256, %or3A_1776 : vector<16xi32>
      %all_reduce_population_count3A_1790 = tpu.all_reduce %ge3A_1789 {dim = 0 : i64, kind = #tpu.reduction_kind<sum>} : vector<16xi1> -> vector<16xi32>
      %add3A_1791 = arith.addi %add3A_1788, %all_reduce_population_count3A_1790 : vector<16xi32>
      %ge3A_1792 = arith.cmpi sge, %bitcast_convert_type3A_259, %or3A_1776 : vector<16xi32>
      %all_reduce_population_count3A_1793 = tpu.all_reduce %ge3A_1792 {dim = 0 : i64, kind = #tpu.reduction_kind<sum>} : vector<16xi1> -> vector<16xi32>
      %add3A_1794 = arith.addi %add3A_1791, %all_reduce_population_count3A_1793 : vector<16xi32>
      %ge3A_1795 = arith.cmpi sge, %bitcast_convert_type3A_262, %or3A_1776 : vector<16xi32>
      %all_reduce_population_count3A_1796 = tpu.all_reduce %ge3A_1795 {dim = 0 : i64, kind = #tpu.reduction_kind<sum>} : vector<16xi1> -> vector<16xi32>
      %add3A_1797 = arith.addi %add3A_1794, %all_reduce_population_count3A_1796 : vector<16xi32>
      %ge3A_1798 = arith.cmpi sge, %bitcast_convert_type3A_265, %or3A_1776 : vector<16xi32>
      %all_reduce_population_count3A_1799 = tpu.all_reduce %ge3A_1798 {dim = 0 : i64, kind = #tpu.reduction_kind<sum>} : vector<16xi1> -> vector<16xi32>
      %add3A_1800 = arith.addi %add3A_1797, %all_reduce_population_count3A_1799 : vector<16xi32>
      %ge3A_1801 = arith.cmpi sge, %bitcast_convert_type3A_268, %or3A_1776 : vector<16xi32>
      %all_reduce_population_count3A_1802 = tpu.all_reduce %ge3A_1801 {dim = 0 : i64, kind = #tpu.reduction_kind<sum>} : vector<16xi1> -> vector<16xi32>
      %add3A_1803 = arith.addi %add3A_1800, %all_reduce_population_count3A_1802 : vector<16xi32>
      %ge3A_1804 = arith.cmpi sge, %bitcast_convert_type3A_271, %or3A_1776 : vector<16xi32>
      %all_reduce_population_count3A_1805 = tpu.all_reduce %ge3A_1804 {dim = 0 : i64, kind = #tpu.reduction_kind<sum>} : vector<16xi1> -> vector<16xi32>
      %add3A_1806 = arith.addi %add3A_1803, %all_reduce_population_count3A_1805 : vector<16xi32>
      %ge3A_1807 = arith.cmpi sge, %bitcast_convert_type3A_274, %or3A_1776 : vector<16xi32>
      %all_reduce_population_count3A_1808 = tpu.all_reduce %ge3A_1807 {dim = 0 : i64, kind = #tpu.reduction_kind<sum>} : vector<16xi1> -> vector<16xi32>
      %add3A_1809 = arith.addi %add3A_1806, %all_reduce_population_count3A_1808 : vector<16xi32>
      %ge3A_1810 = arith.cmpi sge, %bitcast_convert_type3A_277, %or3A_1776 : vector<16xi32>
      %all_reduce_population_count3A_1811 = tpu.all_reduce %ge3A_1810 {dim = 0 : i64, kind = #tpu.reduction_kind<sum>} : vector<16xi1> -> vector<16xi32>
      %add3A_1812 = arith.addi %add3A_1809, %all_reduce_population_count3A_1811 : vector<16xi32>
      %ge3A_1813 = arith.cmpi sge, %bitcast_convert_type3A_280, %or3A_1776 : vector<16xi32>
      %all_reduce_population_count3A_1814 = tpu.all_reduce %ge3A_1813 {dim = 0 : i64, kind = #tpu.reduction_kind<sum>} : vector<16xi1> -> vector<16xi32>
      %add3A_1815 = arith.addi %add3A_1812, %all_reduce_population_count3A_1814 : vector<16xi32>
      %ge3A_1816 = arith.cmpi sge, %bitcast_convert_type3A_283, %or3A_1776 : vector<16xi32>
      %all_reduce_population_count3A_1817 = tpu.all_reduce %ge3A_1816 {dim = 0 : i64, kind = #tpu.reduction_kind<sum>} : vector<16xi1> -> vector<16xi32>
      %add3A_1818 = arith.addi %add3A_1815, %all_reduce_population_count3A_1817 : vector<16xi32>
      %ge3A_1819 = arith.cmpi sge, %bitcast_convert_type3A_286, %or3A_1776 : vector<16xi32>
      %all_reduce_population_count3A_1820 = tpu.all_reduce %ge3A_1819 {dim = 0 : i64, kind = #tpu.reduction_kind<sum>} : vector<16xi1> -> vector<16xi32>
      %add3A_1821 = arith.addi %add3A_1818, %all_reduce_population_count3A_1820 : vector<16xi32>
      %ge3A_1822 = arith.cmpi sge, %bitcast_convert_type3A_289, %or3A_1776 : vector<16xi32>
      %all_reduce_population_count3A_1823 = tpu.all_reduce %ge3A_1822 {dim = 0 : i64, kind = #tpu.reduction_kind<sum>} : vector<16xi1> -> vector<16xi32>
      %add3A_1824 = arith.addi %add3A_1821, %all_reduce_population_count3A_1823 : vector<16xi32>
      %ge3A_1825 = arith.constant 64 : i32
      %ge3A_1826 = vector.broadcast %ge3A_1825 : i32 to vector<16xi32>
      %ge3A_1827 = arith.cmpi sge, %add3A_1824, %ge3A_1826 : vector<16xi32>
      %select_n3A_1828 = arith.select %ge3A_1827, %or3A_1776, %select_n3A_1773 : vector<16xi1>, vector<16xi32>
      %or3A_1829 = arith.constant 4 : i32
      %or3A_1830 = vector.broadcast %or3A_1829 : i32 to vector<16xi32>
      %or3A_1831 = arith.ori %select_n3A_1828, %or3A_1830 : vector<16xi32>
      %ge3A_1832 = arith.cmpi sge, %bitcast_convert_type3A_244, %or3A_1831 : vector<16xi32>
      %all_reduce_population_count3A_1833 = tpu.all_reduce %ge3A_1832 {dim = 0 : i64, kind = #tpu.reduction_kind<sum>} : vector<16xi1> -> vector<16xi32>
      %add3A_1834 = arith.addi %broadcast_in_dim3A_5, %all_reduce_population_count3A_1833 : vector<16xi32>
      %ge3A_1835 = arith.cmpi sge, %bitcast_convert_type3A_247, %or3A_1831 : vector<16xi32>
      %all_reduce_population_count3A_1836 = tpu.all_reduce %ge3A_1835 {dim = 0 : i64, kind = #tpu.reduction_kind<sum>} : vector<16xi1> -> vector<16xi32>
      %add3A_1837 = arith.addi %add3A_1834, %all_reduce_population_count3A_1836 : vector<16xi32>
      %ge3A_1838 = arith.cmpi sge, %bitcast_convert_type3A_250, %or3A_1831 : vector<16xi32>
      %all_reduce_population_count3A_1839 = tpu.all_reduce %ge3A_1838 {dim = 0 : i64, kind = #tpu.reduction_kind<sum>} : vector<16xi1> -> vector<16xi32>
      %add3A_1840 = arith.addi %add3A_1837, %all_reduce_population_count3A_1839 : vector<16xi32>
      %ge3A_1841 = arith.cmpi sge, %bitcast_convert_type3A_253, %or3A_1831 : vector<16xi32>
      %all_reduce_population_count3A_1842 = tpu.all_reduce %ge3A_1841 {dim = 0 : i64, kind = #tpu.reduction_kind<sum>} : vector<16xi1> -> vector<16xi32>
      %add3A_1843 = arith.addi %add3A_1840, %all_reduce_population_count3A_1842 : vector<16xi32>
      %ge3A_1844 = arith.cmpi sge, %bitcast_convert_type3A_256, %or3A_1831 : vector<16xi32>
      %all_reduce_population_count3A_1845 = tpu.all_reduce %ge3A_1844 {dim = 0 : i64, kind = #tpu.reduction_kind<sum>} : vector<16xi1> -> vector<16xi32>
      %add3A_1846 = arith.addi %add3A_1843, %all_reduce_population_count3A_1845 : vector<16xi32>
      %ge3A_1847 = arith.cmpi sge, %bitcast_convert_type3A_259, %or3A_1831 : vector<16xi32>
      %all_reduce_population_count3A_1848 = tpu.all_reduce %ge3A_1847 {dim = 0 : i64, kind = #tpu.reduction_kind<sum>} : vector<16xi1> -> vector<16xi32>
      %add3A_1849 = arith.addi %add3A_1846, %all_reduce_population_count3A_1848 : vector<16xi32>
      %ge3A_1850 = arith.cmpi sge, %bitcast_convert_type3A_262, %or3A_1831 : vector<16xi32>
      %all_reduce_population_count3A_1851 = tpu.all_reduce %ge3A_1850 {dim = 0 : i64, kind = #tpu.reduction_kind<sum>} : vector<16xi1> -> vector<16xi32>
      %add3A_1852 = arith.addi %add3A_1849, %all_reduce_population_count3A_1851 : vector<16xi32>
      %ge3A_1853 = arith.cmpi sge, %bitcast_convert_type3A_265, %or3A_1831 : vector<16xi32>
      %all_reduce_population_count3A_1854 = tpu.all_reduce %ge3A_1853 {dim = 0 : i64, kind = #tpu.reduction_kind<sum>} : vector<16xi1> -> vector<16xi32>
      %add3A_1855 = arith.addi %add3A_1852, %all_reduce_population_count3A_1854 : vector<16xi32>
      %ge3A_1856 = arith.cmpi sge, %bitcast_convert_type3A_268, %or3A_1831 : vector<16xi32>
      %all_reduce_population_count3A_1857 = tpu.all_reduce %ge3A_1856 {dim = 0 : i64, kind = #tpu.reduction_kind<sum>} : vector<16xi1> -> vector<16xi32>
      %add3A_1858 = arith.addi %add3A_1855, %all_reduce_population_count3A_1857 : vector<16xi32>
      %ge3A_1859 = arith.cmpi sge, %bitcast_convert_type3A_271, %or3A_1831 : vector<16xi32>
      %all_reduce_population_count3A_1860 = tpu.all_reduce %ge3A_1859 {dim = 0 : i64, kind = #tpu.reduction_kind<sum>} : vector<16xi1> -> vector<16xi32>
      %add3A_1861 = arith.addi %add3A_1858, %all_reduce_population_count3A_1860 : vector<16xi32>
      %ge3A_1862 = arith.cmpi sge, %bitcast_convert_type3A_274, %or3A_1831 : vector<16xi32>
      %all_reduce_population_count3A_1863 = tpu.all_reduce %ge3A_1862 {dim = 0 : i64, kind = #tpu.reduction_kind<sum>} : vector<16xi1> -> vector<16xi32>
      %add3A_1864 = arith.addi %add3A_1861, %all_reduce_population_count3A_1863 : vector<16xi32>
      %ge3A_1865 = arith.cmpi sge, %bitcast_convert_type3A_277, %or3A_1831 : vector<16xi32>
      %all_reduce_population_count3A_1866 = tpu.all_reduce %ge3A_1865 {dim = 0 : i64, kind = #tpu.reduction_kind<sum>} : vector<16xi1> -> vector<16xi32>
      %add3A_1867 = arith.addi %add3A_1864, %all_reduce_population_count3A_1866 : vector<16xi32>
      %ge3A_1868 = arith.cmpi sge, %bitcast_convert_type3A_280, %or3A_1831 : vector<16xi32>
      %all_reduce_population_count3A_1869 = tpu.all_reduce %ge3A_1868 {dim = 0 : i64, kind = #tpu.reduction_kind<sum>} : vector<16xi1> -> vector<16xi32>
      %add3A_1870 = arith.addi %add3A_1867, %all_reduce_population_count3A_1869 : vector<16xi32>
      %ge3A_1871 = arith.cmpi sge, %bitcast_convert_type3A_283, %or3A_1831 : vector<16xi32>
      %all_reduce_population_count3A_1872 = tpu.all_reduce %ge3A_1871 {dim = 0 : i64, kind = #tpu.reduction_kind<sum>} : vector<16xi1> -> vector<16xi32>
      %add3A_1873 = arith.addi %add3A_1870, %all_reduce_population_count3A_1872 : vector<16xi32>
      %ge3A_1874 = arith.cmpi sge, %bitcast_convert_type3A_286, %or3A_1831 : vector<16xi32>
      %all_reduce_population_count3A_1875 = tpu.all_reduce %ge3A_1874 {dim = 0 : i64, kind = #tpu.reduction_kind<sum>} : vector<16xi1> -> vector<16xi32>
      %add3A_1876 = arith.addi %add3A_1873, %all_reduce_population_count3A_1875 : vector<16xi32>
      %ge3A_1877 = arith.cmpi sge, %bitcast_convert_type3A_289, %or3A_1831 : vector<16xi32>
      %all_reduce_population_count3A_1878 = tpu.all_reduce %ge3A_1877 {dim = 0 : i64, kind = #tpu.reduction_kind<sum>} : vector<16xi1> -> vector<16xi32>
      %add3A_1879 = arith.addi %add3A_1876, %all_reduce_population_count3A_1878 : vector<16xi32>
      %ge3A_1880 = arith.constant 64 : i32
      %ge3A_1881 = vector.broadcast %ge3A_1880 : i32 to vector<16xi32>
      %ge3A_1882 = arith.cmpi sge, %add3A_1879, %ge3A_1881 : vector<16xi32>
      %select_n3A_1883 = arith.select %ge3A_1882, %or3A_1831, %select_n3A_1828 : vector<16xi1>, vector<16xi32>
      %or3A_1884 = arith.constant 2 : i32
      %or3A_1885 = vector.broadcast %or3A_1884 : i32 to vector<16xi32>
      %or3A_1886 = arith.ori %select_n3A_1883, %or3A_1885 : vector<16xi32>
      %ge3A_1887 = arith.cmpi sge, %bitcast_convert_type3A_244, %or3A_1886 : vector<16xi32>
      %all_reduce_population_count3A_1888 = tpu.all_reduce %ge3A_1887 {dim = 0 : i64, kind = #tpu.reduction_kind<sum>} : vector<16xi1> -> vector<16xi32>
      %add3A_1889 = arith.addi %broadcast_in_dim3A_5, %all_reduce_population_count3A_1888 : vector<16xi32>
      %ge3A_1890 = arith.cmpi sge, %bitcast_convert_type3A_247, %or3A_1886 : vector<16xi32>
      %all_reduce_population_count3A_1891 = tpu.all_reduce %ge3A_1890 {dim = 0 : i64, kind = #tpu.reduction_kind<sum>} : vector<16xi1> -> vector<16xi32>
      %add3A_1892 = arith.addi %add3A_1889, %all_reduce_population_count3A_1891 : vector<16xi32>
      %ge3A_1893 = arith.cmpi sge, %bitcast_convert_type3A_250, %or3A_1886 : vector<16xi32>
      %all_reduce_population_count3A_1894 = tpu.all_reduce %ge3A_1893 {dim = 0 : i64, kind = #tpu.reduction_kind<sum>} : vector<16xi1> -> vector<16xi32>
      %add3A_1895 = arith.addi %add3A_1892, %all_reduce_population_count3A_1894 : vector<16xi32>
      %ge3A_1896 = arith.cmpi sge, %bitcast_convert_type3A_253, %or3A_1886 : vector<16xi32>
      %all_reduce_population_count3A_1897 = tpu.all_reduce %ge3A_1896 {dim = 0 : i64, kind = #tpu.reduction_kind<sum>} : vector<16xi1> -> vector<16xi32>
      %add3A_1898 = arith.addi %add3A_1895, %all_reduce_population_count3A_1897 : vector<16xi32>
      %ge3A_1899 = arith.cmpi sge, %bitcast_convert_type3A_256, %or3A_1886 : vector<16xi32>
      %all_reduce_population_count3A_1900 = tpu.all_reduce %ge3A_1899 {dim = 0 : i64, kind = #tpu.reduction_kind<sum>} : vector<16xi1> -> vector<16xi32>
      %add3A_1901 = arith.addi %add3A_1898, %all_reduce_population_count3A_1900 : vector<16xi32>
      %ge3A_1902 = arith.cmpi sge, %bitcast_convert_type3A_259, %or3A_1886 : vector<16xi32>
      %all_reduce_population_count3A_1903 = tpu.all_reduce %ge3A_1902 {dim = 0 : i64, kind = #tpu.reduction_kind<sum>} : vector<16xi1> -> vector<16xi32>
      %add3A_1904 = arith.addi %add3A_1901, %all_reduce_population_count3A_1903 : vector<16xi32>
      %ge3A_1905 = arith.cmpi sge, %bitcast_convert_type3A_262, %or3A_1886 : vector<16xi32>
      %all_reduce_population_count3A_1906 = tpu.all_reduce %ge3A_1905 {dim = 0 : i64, kind = #tpu.reduction_kind<sum>} : vector<16xi1> -> vector<16xi32>
      %add3A_1907 = arith.addi %add3A_1904, %all_reduce_population_count3A_1906 : vector<16xi32>
      %ge3A_1908 = arith.cmpi sge, %bitcast_convert_type3A_265, %or3A_1886 : vector<16xi32>
      %all_reduce_population_count3A_1909 = tpu.all_reduce %ge3A_1908 {dim = 0 : i64, kind = #tpu.reduction_kind<sum>} : vector<16xi1> -> vector<16xi32>
      %add3A_1910 = arith.addi %add3A_1907, %all_reduce_population_count3A_1909 : vector<16xi32>
      %ge3A_1911 = arith.cmpi sge, %bitcast_convert_type3A_268, %or3A_1886 : vector<16xi32>
      %all_reduce_population_count3A_1912 = tpu.all_reduce %ge3A_1911 {dim = 0 : i64, kind = #tpu.reduction_kind<sum>} : vector<16xi1> -> vector<16xi32>
      %add3A_1913 = arith.addi %add3A_1910, %all_reduce_population_count3A_1912 : vector<16xi32>
      %ge3A_1914 = arith.cmpi sge, %bitcast_convert_type3A_271, %or3A_1886 : vector<16xi32>
      %all_reduce_population_count3A_1915 = tpu.all_reduce %ge3A_1914 {dim = 0 : i64, kind = #tpu.reduction_kind<sum>} : vector<16xi1> -> vector<16xi32>
      %add3A_1916 = arith.addi %add3A_1913, %all_reduce_population_count3A_1915 : vector<16xi32>
      %ge3A_1917 = arith.cmpi sge, %bitcast_convert_type3A_274, %or3A_1886 : vector<16xi32>
      %all_reduce_population_count3A_1918 = tpu.all_reduce %ge3A_1917 {dim = 0 : i64, kind = #tpu.reduction_kind<sum>} : vector<16xi1> -> vector<16xi32>
      %add3A_1919 = arith.addi %add3A_1916, %all_reduce_population_count3A_1918 : vector<16xi32>
      %ge3A_1920 = arith.cmpi sge, %bitcast_convert_type3A_277, %or3A_1886 : vector<16xi32>
      %all_reduce_population_count3A_1921 = tpu.all_reduce %ge3A_1920 {dim = 0 : i64, kind = #tpu.reduction_kind<sum>} : vector<16xi1> -> vector<16xi32>
      %add3A_1922 = arith.addi %add3A_1919, %all_reduce_population_count3A_1921 : vector<16xi32>
      %ge3A_1923 = arith.cmpi sge, %bitcast_convert_type3A_280, %or3A_1886 : vector<16xi32>
      %all_reduce_population_count3A_1924 = tpu.all_reduce %ge3A_1923 {dim = 0 : i64, kind = #tpu.reduction_kind<sum>} : vector<16xi1> -> vector<16xi32>
      %add3A_1925 = arith.addi %add3A_1922, %all_reduce_population_count3A_1924 : vector<16xi32>
      %ge3A_1926 = arith.cmpi sge, %bitcast_convert_type3A_283, %or3A_1886 : vector<16xi32>
      %all_reduce_population_count3A_1927 = tpu.all_reduce %ge3A_1926 {dim = 0 : i64, kind = #tpu.reduction_kind<sum>} : vector<16xi1> -> vector<16xi32>
      %add3A_1928 = arith.addi %add3A_1925, %all_reduce_population_count3A_1927 : vector<16xi32>
      %ge3A_1929 = arith.cmpi sge, %bitcast_convert_type3A_286, %or3A_1886 : vector<16xi32>
      %all_reduce_population_count3A_1930 = tpu.all_reduce %ge3A_1929 {dim = 0 : i64, kind = #tpu.reduction_kind<sum>} : vector<16xi1> -> vector<16xi32>
      %add3A_1931 = arith.addi %add3A_1928, %all_reduce_population_count3A_1930 : vector<16xi32>
      %ge3A_1932 = arith.cmpi sge, %bitcast_convert_type3A_289, %or3A_1886 : vector<16xi32>
      %all_reduce_population_count3A_1933 = tpu.all_reduce %ge3A_1932 {dim = 0 : i64, kind = #tpu.reduction_kind<sum>} : vector<16xi1> -> vector<16xi32>
      %add3A_1934 = arith.addi %add3A_1931, %all_reduce_population_count3A_1933 : vector<16xi32>
      %ge3A_1935 = arith.constant 64 : i32
      %ge3A_1936 = vector.broadcast %ge3A_1935 : i32 to vector<16xi32>
      %ge3A_1937 = arith.cmpi sge, %add3A_1934, %ge3A_1936 : vector<16xi32>
      %select_n3A_1938 = arith.select %ge3A_1937, %or3A_1886, %select_n3A_1883 : vector<16xi1>, vector<16xi32>
      %or3A_1939 = arith.constant 1 : i32
      %or3A_1940 = vector.broadcast %or3A_1939 : i32 to vector<16xi32>
      %or3A_1941 = arith.ori %select_n3A_1938, %or3A_1940 : vector<16xi32>
      %ge3A_1942 = arith.cmpi sge, %bitcast_convert_type3A_244, %or3A_1941 : vector<16xi32>
      %all_reduce_population_count3A_1943 = tpu.all_reduce %ge3A_1942 {dim = 0 : i64, kind = #tpu.reduction_kind<sum>} : vector<16xi1> -> vector<16xi32>
      %add3A_1944 = arith.addi %broadcast_in_dim3A_5, %all_reduce_population_count3A_1943 : vector<16xi32>
      %ge3A_1945 = arith.cmpi sge, %bitcast_convert_type3A_247, %or3A_1941 : vector<16xi32>
      %all_reduce_population_count3A_1946 = tpu.all_reduce %ge3A_1945 {dim = 0 : i64, kind = #tpu.reduction_kind<sum>} : vector<16xi1> -> vector<16xi32>
      %add3A_1947 = arith.addi %add3A_1944, %all_reduce_population_count3A_1946 : vector<16xi32>
      %ge3A_1948 = arith.cmpi sge, %bitcast_convert_type3A_250, %or3A_1941 : vector<16xi32>
      %all_reduce_population_count3A_1949 = tpu.all_reduce %ge3A_1948 {dim = 0 : i64, kind = #tpu.reduction_kind<sum>} : vector<16xi1> -> vector<16xi32>
      %add3A_1950 = arith.addi %add3A_1947, %all_reduce_population_count3A_1949 : vector<16xi32>
      %ge3A_1951 = arith.cmpi sge, %bitcast_convert_type3A_253, %or3A_1941 : vector<16xi32>
      %all_reduce_population_count3A_1952 = tpu.all_reduce %ge3A_1951 {dim = 0 : i64, kind = #tpu.reduction_kind<sum>} : vector<16xi1> -> vector<16xi32>
      %add3A_1953 = arith.addi %add3A_1950, %all_reduce_population_count3A_1952 : vector<16xi32>
      %ge3A_1954 = arith.cmpi sge, %bitcast_convert_type3A_256, %or3A_1941 : vector<16xi32>
      %all_reduce_population_count3A_1955 = tpu.all_reduce %ge3A_1954 {dim = 0 : i64, kind = #tpu.reduction_kind<sum>} : vector<16xi1> -> vector<16xi32>
      %add3A_1956 = arith.addi %add3A_1953, %all_reduce_population_count3A_1955 : vector<16xi32>
      %ge3A_1957 = arith.cmpi sge, %bitcast_convert_type3A_259, %or3A_1941 : vector<16xi32>
      %all_reduce_population_count3A_1958 = tpu.all_reduce %ge3A_1957 {dim = 0 : i64, kind = #tpu.reduction_kind<sum>} : vector<16xi1> -> vector<16xi32>
      %add3A_1959 = arith.addi %add3A_1956, %all_reduce_population_count3A_1958 : vector<16xi32>
      %ge3A_1960 = arith.cmpi sge, %bitcast_convert_type3A_262, %or3A_1941 : vector<16xi32>
      %all_reduce_population_count3A_1961 = tpu.all_reduce %ge3A_1960 {dim = 0 : i64, kind = #tpu.reduction_kind<sum>} : vector<16xi1> -> vector<16xi32>
      %add3A_1962 = arith.addi %add3A_1959, %all_reduce_population_count3A_1961 : vector<16xi32>
      %ge3A_1963 = arith.cmpi sge, %bitcast_convert_type3A_265, %or3A_1941 : vector<16xi32>
      %all_reduce_population_count3A_1964 = tpu.all_reduce %ge3A_1963 {dim = 0 : i64, kind = #tpu.reduction_kind<sum>} : vector<16xi1> -> vector<16xi32>
      %add3A_1965 = arith.addi %add3A_1962, %all_reduce_population_count3A_1964 : vector<16xi32>
      %ge3A_1966 = arith.cmpi sge, %bitcast_convert_type3A_268, %or3A_1941 : vector<16xi32>
      %all_reduce_population_count3A_1967 = tpu.all_reduce %ge3A_1966 {dim = 0 : i64, kind = #tpu.reduction_kind<sum>} : vector<16xi1> -> vector<16xi32>
      %add3A_1968 = arith.addi %add3A_1965, %all_reduce_population_count3A_1967 : vector<16xi32>
      %ge3A_1969 = arith.cmpi sge, %bitcast_convert_type3A_271, %or3A_1941 : vector<16xi32>
      %all_reduce_population_count3A_1970 = tpu.all_reduce %ge3A_1969 {dim = 0 : i64, kind = #tpu.reduction_kind<sum>} : vector<16xi1> -> vector<16xi32>
      %add3A_1971 = arith.addi %add3A_1968, %all_reduce_population_count3A_1970 : vector<16xi32>
      %ge3A_1972 = arith.cmpi sge, %bitcast_convert_type3A_274, %or3A_1941 : vector<16xi32>
      %all_reduce_population_count3A_1973 = tpu.all_reduce %ge3A_1972 {dim = 0 : i64, kind = #tpu.reduction_kind<sum>} : vector<16xi1> -> vector<16xi32>
      %add3A_1974 = arith.addi %add3A_1971, %all_reduce_population_count3A_1973 : vector<16xi32>
      %ge3A_1975 = arith.cmpi sge, %bitcast_convert_type3A_277, %or3A_1941 : vector<16xi32>
      %all_reduce_population_count3A_1976 = tpu.all_reduce %ge3A_1975 {dim = 0 : i64, kind = #tpu.reduction_kind<sum>} : vector<16xi1> -> vector<16xi32>
      %add3A_1977 = arith.addi %add3A_1974, %all_reduce_population_count3A_1976 : vector<16xi32>
      %ge3A_1978 = arith.cmpi sge, %bitcast_convert_type3A_280, %or3A_1941 : vector<16xi32>
      %all_reduce_population_count3A_1979 = tpu.all_reduce %ge3A_1978 {dim = 0 : i64, kind = #tpu.reduction_kind<sum>} : vector<16xi1> -> vector<16xi32>
      %add3A_1980 = arith.addi %add3A_1977, %all_reduce_population_count3A_1979 : vector<16xi32>
      %ge3A_1981 = arith.cmpi sge, %bitcast_convert_type3A_283, %or3A_1941 : vector<16xi32>
      %all_reduce_population_count3A_1982 = tpu.all_reduce %ge3A_1981 {dim = 0 : i64, kind = #tpu.reduction_kind<sum>} : vector<16xi1> -> vector<16xi32>
      %add3A_1983 = arith.addi %add3A_1980, %all_reduce_population_count3A_1982 : vector<16xi32>
      %ge3A_1984 = arith.cmpi sge, %bitcast_convert_type3A_286, %or3A_1941 : vector<16xi32>
      %all_reduce_population_count3A_1985 = tpu.all_reduce %ge3A_1984 {dim = 0 : i64, kind = #tpu.reduction_kind<sum>} : vector<16xi1> -> vector<16xi32>
      %add3A_1986 = arith.addi %add3A_1983, %all_reduce_population_count3A_1985 : vector<16xi32>
      %ge3A_1987 = arith.cmpi sge, %bitcast_convert_type3A_289, %or3A_1941 : vector<16xi32>
      %all_reduce_population_count3A_1988 = tpu.all_reduce %ge3A_1987 {dim = 0 : i64, kind = #tpu.reduction_kind<sum>} : vector<16xi1> -> vector<16xi32>
      %add3A_1989 = arith.addi %add3A_1986, %all_reduce_population_count3A_1988 : vector<16xi32>
      %ge3A_1990 = arith.constant 64 : i32
      %ge3A_1991 = vector.broadcast %ge3A_1990 : i32 to vector<16xi32>
      %ge3A_1992 = arith.cmpi sge, %add3A_1989, %ge3A_1991 : vector<16xi32>
      %select_n3A_1993 = arith.select %ge3A_1992, %or3A_1941, %select_n3A_1938 : vector<16xi1>, vector<16xi32>
      %gt3A_1994 = arith.constant 0 : i32
      %gt3A_1995 = arith.cmpi sgt, %scan3A_32, %gt3A_1994 : i32
      %convert_element_type3A_1996 = arith.extui %gt3A_1995 : i1 to i32
      %cond3A_1997 = arith.constant 0 : i32
      %cond3A_1998 = arith.cmpi ne, %convert_element_type3A_1996, %cond3A_1997 : i32
      scf.if %cond3A_1998 {
        %sub3A_2133 = arith.constant 1 : i32
        %sub3A_2134 = arith.subi %add3A_34, %sub3A_2133 : i32
        %dma_wait3A_2135 = arith.constant 0 : i32
        %dma_wait3A_2136 = tpu.memref_slice %arg3[%sub3A_2134, %dma_wait3A_2135] : memref<128x32768xf32, #tpu.memory_space<hbm>> -> memref<1x32768xf32, #tpu.memory_space<hbm>>
        %dma_wait3A_2137 = tpu.memref_squeeze %dma_wait3A_2136 : memref<1x32768xf32, #tpu.memory_space<hbm>> -> memref<32768xf32, #tpu.memory_space<hbm>>
        %dma_wait3A_2138 = arith.constant 0 : i32
        %dma_wait3A_2139 = tpu.memref_slice %arg3[%sub3A_2134, %dma_wait3A_2138] : memref<128x32768xf32, #tpu.memory_space<hbm>> -> memref<1x32768xf32, #tpu.memory_space<hbm>>
        %dma_wait3A_2140 = tpu.memref_squeeze %dma_wait3A_2139 : memref<1x32768xf32, #tpu.memory_space<hbm>> -> memref<32768xf32, #tpu.memory_space<hbm>>
        tpu.wait_dma2 semaphore(%arg12 : memref<!tpu.dma_semaphore, #tpu.memory_space<semaphore_mem>>) src(%arg5 : memref<32768xf32, #tpu.memory_space<vmem>>) dst(%dma_wait3A_2140 : memref<32768xf32, #tpu.memory_space<hbm>>)
        %get3A_2141 = arith.constant 0 : index
        %get3A_2142 = tpu.vector_load %arg10[%get3A_2141] {strides = array<i32>} : memref<256xi32, #tpu.memory_space<vmem>>, vector<16xi32>,
        tpu.vector_store_idx %arg5[%get3A_2142], %broadcast_in_dim3A_3 : memref<32768xf32, #tpu.memory_space<vmem>>[vector<16xi32>], vector<16xf32>,
        %get3A_2143 = arith.constant 16 : index
        %get3A_2144 = tpu.vector_load %arg10[%get3A_2143] {strides = array<i32>} : memref<256xi32, #tpu.memory_space<vmem>>, vector<16xi32>,
        tpu.vector_store_idx %arg5[%get3A_2144], %broadcast_in_dim3A_3 : memref<32768xf32, #tpu.memory_space<vmem>>[vector<16xi32>], vector<16xf32>,
        %get3A_2145 = arith.constant 32 : index
        %get3A_2146 = tpu.vector_load %arg10[%get3A_2145] {strides = array<i32>} : memref<256xi32, #tpu.memory_space<vmem>>, vector<16xi32>,
        tpu.vector_store_idx %arg5[%get3A_2146], %broadcast_in_dim3A_3 : memref<32768xf32, #tpu.memory_space<vmem>>[vector<16xi32>], vector<16xf32>,
        %get3A_2147 = arith.constant 48 : index
        %get3A_2148 = tpu.vector_load %arg10[%get3A_2147] {strides = array<i32>} : memref<256xi32, #tpu.memory_space<vmem>>, vector<16xi32>,
        tpu.vector_store_idx %arg5[%get3A_2148], %broadcast_in_dim3A_3 : memref<32768xf32, #tpu.memory_space<vmem>>[vector<16xi32>], vector<16xf32>,
        %get3A_2149 = arith.constant 64 : index
        %get3A_2150 = tpu.vector_load %arg10[%get3A_2149] {strides = array<i32>} : memref<256xi32, #tpu.memory_space<vmem>>, vector<16xi32>,
        tpu.vector_store_idx %arg5[%get3A_2150], %broadcast_in_dim3A_3 : memref<32768xf32, #tpu.memory_space<vmem>>[vector<16xi32>], vector<16xf32>,
        %get3A_2151 = arith.constant 80 : index
        %get3A_2152 = tpu.vector_load %arg10[%get3A_2151] {strides = array<i32>} : memref<256xi32, #tpu.memory_space<vmem>>, vector<16xi32>,
        tpu.vector_store_idx %arg5[%get3A_2152], %broadcast_in_dim3A_3 : memref<32768xf32, #tpu.memory_space<vmem>>[vector<16xi32>], vector<16xf32>,
        %get3A_2153 = arith.constant 96 : index
        %get3A_2154 = tpu.vector_load %arg10[%get3A_2153] {strides = array<i32>} : memref<256xi32, #tpu.memory_space<vmem>>, vector<16xi32>,
        tpu.vector_store_idx %arg5[%get3A_2154], %broadcast_in_dim3A_3 : memref<32768xf32, #tpu.memory_space<vmem>>[vector<16xi32>], vector<16xf32>,
        %get3A_2155 = arith.constant 112 : index
        %get3A_2156 = tpu.vector_load %arg10[%get3A_2155] {strides = array<i32>} : memref<256xi32, #tpu.memory_space<vmem>>, vector<16xi32>,
        tpu.vector_store_idx %arg5[%get3A_2156], %broadcast_in_dim3A_3 : memref<32768xf32, #tpu.memory_space<vmem>>[vector<16xi32>], vector<16xf32>,
        %get3A_2157 = arith.constant 128 : index
        %get3A_2158 = tpu.vector_load %arg10[%get3A_2157] {strides = array<i32>} : memref<256xi32, #tpu.memory_space<vmem>>, vector<16xi32>,
        tpu.vector_store_idx %arg5[%get3A_2158], %broadcast_in_dim3A_3 : memref<32768xf32, #tpu.memory_space<vmem>>[vector<16xi32>], vector<16xf32>,
        %get3A_2159 = arith.constant 144 : index
        %get3A_2160 = tpu.vector_load %arg10[%get3A_2159] {strides = array<i32>} : memref<256xi32, #tpu.memory_space<vmem>>, vector<16xi32>,
        tpu.vector_store_idx %arg5[%get3A_2160], %broadcast_in_dim3A_3 : memref<32768xf32, #tpu.memory_space<vmem>>[vector<16xi32>], vector<16xf32>,
        %get3A_2161 = arith.constant 160 : index
        %get3A_2162 = tpu.vector_load %arg10[%get3A_2161] {strides = array<i32>} : memref<256xi32, #tpu.memory_space<vmem>>, vector<16xi32>,
        tpu.vector_store_idx %arg5[%get3A_2162], %broadcast_in_dim3A_3 : memref<32768xf32, #tpu.memory_space<vmem>>[vector<16xi32>], vector<16xf32>,
        %get3A_2163 = arith.constant 176 : index
        %get3A_2164 = tpu.vector_load %arg10[%get3A_2163] {strides = array<i32>} : memref<256xi32, #tpu.memory_space<vmem>>, vector<16xi32>,
        tpu.vector_store_idx %arg5[%get3A_2164], %broadcast_in_dim3A_3 : memref<32768xf32, #tpu.memory_space<vmem>>[vector<16xi32>], vector<16xf32>,
        %get3A_2165 = arith.constant 192 : index
        %get3A_2166 = tpu.vector_load %arg10[%get3A_2165] {strides = array<i32>} : memref<256xi32, #tpu.memory_space<vmem>>, vector<16xi32>,
        tpu.vector_store_idx %arg5[%get3A_2166], %broadcast_in_dim3A_3 : memref<32768xf32, #tpu.memory_space<vmem>>[vector<16xi32>], vector<16xf32>,
        %get3A_2167 = arith.constant 208 : index
        %get3A_2168 = tpu.vector_load %arg10[%get3A_2167] {strides = array<i32>} : memref<256xi32, #tpu.memory_space<vmem>>, vector<16xi32>,
        tpu.vector_store_idx %arg5[%get3A_2168], %broadcast_in_dim3A_3 : memref<32768xf32, #tpu.memory_space<vmem>>[vector<16xi32>], vector<16xf32>,
        %get3A_2169 = arith.constant 224 : index
        %get3A_2170 = tpu.vector_load %arg10[%get3A_2169] {strides = array<i32>} : memref<256xi32, #tpu.memory_space<vmem>>, vector<16xi32>,
        tpu.vector_store_idx %arg5[%get3A_2170], %broadcast_in_dim3A_3 : memref<32768xf32, #tpu.memory_space<vmem>>[vector<16xi32>], vector<16xf32>,
        %get3A_2171 = arith.constant 240 : index
        %get3A_2172 = tpu.vector_load %arg10[%get3A_2171] {strides = array<i32>} : memref<256xi32, #tpu.memory_space<vmem>>, vector<16xi32>,
        tpu.vector_store_idx %arg5[%get3A_2172], %broadcast_in_dim3A_3 : memref<32768xf32, #tpu.memory_space<vmem>>[vector<16xi32>], vector<16xf32>,
      } else {
      }
      %get3A_1999 = arith.constant 0 : index
      %get3A_2000 = tpu.vector_load %arg8[%get3A_1999] {strides = array<i32>} : memref<256xi32, #tpu.memory_space<vmem>>, vector<16xi32>,
      %ge3A_2001 = arith.cmpi sge, %bitcast_convert_type3A_244, %select_n3A_1993 : vector<16xi32>
      %bitcast_convert_type3A_2002 = tpu.bitcast %bitcast_convert_type3A_244 : vector<16xi32> -> vector<16xf32>
      tpu.vector_store_idx %arg5[%get3A_2000], %bitcast_convert_type3A_2002 masked %ge3A_2001 : memref<32768xf32, #tpu.memory_space<vmem>>[vector<16xi32>], vector<16xf32>, vector<16xi1>
      %get3A_2003 = arith.constant 16 : index
      %get3A_2004 = tpu.vector_load %arg8[%get3A_2003] {strides = array<i32>} : memref<256xi32, #tpu.memory_space<vmem>>, vector<16xi32>,
      %ge3A_2005 = arith.cmpi sge, %bitcast_convert_type3A_247, %select_n3A_1993 : vector<16xi32>
      %bitcast_convert_type3A_2006 = tpu.bitcast %bitcast_convert_type3A_247 : vector<16xi32> -> vector<16xf32>
      tpu.vector_store_idx %arg5[%get3A_2004], %bitcast_convert_type3A_2006 masked %ge3A_2005 : memref<32768xf32, #tpu.memory_space<vmem>>[vector<16xi32>], vector<16xf32>, vector<16xi1>
      %get3A_2007 = arith.constant 32 : index
      %get3A_2008 = tpu.vector_load %arg8[%get3A_2007] {strides = array<i32>} : memref<256xi32, #tpu.memory_space<vmem>>, vector<16xi32>,
      %ge3A_2009 = arith.cmpi sge, %bitcast_convert_type3A_250, %select_n3A_1993 : vector<16xi32>
      %bitcast_convert_type3A_2010 = tpu.bitcast %bitcast_convert_type3A_250 : vector<16xi32> -> vector<16xf32>
      tpu.vector_store_idx %arg5[%get3A_2008], %bitcast_convert_type3A_2010 masked %ge3A_2009 : memref<32768xf32, #tpu.memory_space<vmem>>[vector<16xi32>], vector<16xf32>, vector<16xi1>
      %get3A_2011 = arith.constant 48 : index
      %get3A_2012 = tpu.vector_load %arg8[%get3A_2011] {strides = array<i32>} : memref<256xi32, #tpu.memory_space<vmem>>, vector<16xi32>,
      %ge3A_2013 = arith.cmpi sge, %bitcast_convert_type3A_253, %select_n3A_1993 : vector<16xi32>
      %bitcast_convert_type3A_2014 = tpu.bitcast %bitcast_convert_type3A_253 : vector<16xi32> -> vector<16xf32>
      tpu.vector_store_idx %arg5[%get3A_2012], %bitcast_convert_type3A_2014 masked %ge3A_2013 : memref<32768xf32, #tpu.memory_space<vmem>>[vector<16xi32>], vector<16xf32>, vector<16xi1>
      %get3A_2015 = arith.constant 64 : index
      %get3A_2016 = tpu.vector_load %arg8[%get3A_2015] {strides = array<i32>} : memref<256xi32, #tpu.memory_space<vmem>>, vector<16xi32>,
      %ge3A_2017 = arith.cmpi sge, %bitcast_convert_type3A_256, %select_n3A_1993 : vector<16xi32>
      %bitcast_convert_type3A_2018 = tpu.bitcast %bitcast_convert_type3A_256 : vector<16xi32> -> vector<16xf32>
      tpu.vector_store_idx %arg5[%get3A_2016], %bitcast_convert_type3A_2018 masked %ge3A_2017 : memref<32768xf32, #tpu.memory_space<vmem>>[vector<16xi32>], vector<16xf32>, vector<16xi1>
      %get3A_2019 = arith.constant 80 : index
      %get3A_2020 = tpu.vector_load %arg8[%get3A_2019] {strides = array<i32>} : memref<256xi32, #tpu.memory_space<vmem>>, vector<16xi32>,
      %ge3A_2021 = arith.cmpi sge, %bitcast_convert_type3A_259, %select_n3A_1993 : vector<16xi32>
      %bitcast_convert_type3A_2022 = tpu.bitcast %bitcast_convert_type3A_259 : vector<16xi32> -> vector<16xf32>
      tpu.vector_store_idx %arg5[%get3A_2020], %bitcast_convert_type3A_2022 masked %ge3A_2021 : memref<32768xf32, #tpu.memory_space<vmem>>[vector<16xi32>], vector<16xf32>, vector<16xi1>
      %get3A_2023 = arith.constant 96 : index
      %get3A_2024 = tpu.vector_load %arg8[%get3A_2023] {strides = array<i32>} : memref<256xi32, #tpu.memory_space<vmem>>, vector<16xi32>,
      %ge3A_2025 = arith.cmpi sge, %bitcast_convert_type3A_262, %select_n3A_1993 : vector<16xi32>
      %bitcast_convert_type3A_2026 = tpu.bitcast %bitcast_convert_type3A_262 : vector<16xi32> -> vector<16xf32>
      tpu.vector_store_idx %arg5[%get3A_2024], %bitcast_convert_type3A_2026 masked %ge3A_2025 : memref<32768xf32, #tpu.memory_space<vmem>>[vector<16xi32>], vector<16xf32>, vector<16xi1>
      %get3A_2027 = arith.constant 112 : index
      %get3A_2028 = tpu.vector_load %arg8[%get3A_2027] {strides = array<i32>} : memref<256xi32, #tpu.memory_space<vmem>>, vector<16xi32>,
      %ge3A_2029 = arith.cmpi sge, %bitcast_convert_type3A_265, %select_n3A_1993 : vector<16xi32>
      %bitcast_convert_type3A_2030 = tpu.bitcast %bitcast_convert_type3A_265 : vector<16xi32> -> vector<16xf32>
      tpu.vector_store_idx %arg5[%get3A_2028], %bitcast_convert_type3A_2030 masked %ge3A_2029 : memref<32768xf32, #tpu.memory_space<vmem>>[vector<16xi32>], vector<16xf32>, vector<16xi1>
      %get3A_2031 = arith.constant 128 : index
      %get3A_2032 = tpu.vector_load %arg8[%get3A_2031] {strides = array<i32>} : memref<256xi32, #tpu.memory_space<vmem>>, vector<16xi32>,
      %ge3A_2033 = arith.cmpi sge, %bitcast_convert_type3A_268, %select_n3A_1993 : vector<16xi32>
      %bitcast_convert_type3A_2034 = tpu.bitcast %bitcast_convert_type3A_268 : vector<16xi32> -> vector<16xf32>
      tpu.vector_store_idx %arg5[%get3A_2032], %bitcast_convert_type3A_2034 masked %ge3A_2033 : memref<32768xf32, #tpu.memory_space<vmem>>[vector<16xi32>], vector<16xf32>, vector<16xi1>
      %get3A_2035 = arith.constant 144 : index
      %get3A_2036 = tpu.vector_load %arg8[%get3A_2035] {strides = array<i32>} : memref<256xi32, #tpu.memory_space<vmem>>, vector<16xi32>,
      %ge3A_2037 = arith.cmpi sge, %bitcast_convert_type3A_271, %select_n3A_1993 : vector<16xi32>
      %bitcast_convert_type3A_2038 = tpu.bitcast %bitcast_convert_type3A_271 : vector<16xi32> -> vector<16xf32>
      tpu.vector_store_idx %arg5[%get3A_2036], %bitcast_convert_type3A_2038 masked %ge3A_2037 : memref<32768xf32, #tpu.memory_space<vmem>>[vector<16xi32>], vector<16xf32>, vector<16xi1>
      %get3A_2039 = arith.constant 160 : index
      %get3A_2040 = tpu.vector_load %arg8[%get3A_2039] {strides = array<i32>} : memref<256xi32, #tpu.memory_space<vmem>>, vector<16xi32>,
      %ge3A_2041 = arith.cmpi sge, %bitcast_convert_type3A_274, %select_n3A_1993 : vector<16xi32>
      %bitcast_convert_type3A_2042 = tpu.bitcast %bitcast_convert_type3A_274 : vector<16xi32> -> vector<16xf32>
      tpu.vector_store_idx %arg5[%get3A_2040], %bitcast_convert_type3A_2042 masked %ge3A_2041 : memref<32768xf32, #tpu.memory_space<vmem>>[vector<16xi32>], vector<16xf32>, vector<16xi1>
      %get3A_2043 = arith.constant 176 : index
      %get3A_2044 = tpu.vector_load %arg8[%get3A_2043] {strides = array<i32>} : memref<256xi32, #tpu.memory_space<vmem>>, vector<16xi32>,
      %ge3A_2045 = arith.cmpi sge, %bitcast_convert_type3A_277, %select_n3A_1993 : vector<16xi32>
      %bitcast_convert_type3A_2046 = tpu.bitcast %bitcast_convert_type3A_277 : vector<16xi32> -> vector<16xf32>
      tpu.vector_store_idx %arg5[%get3A_2044], %bitcast_convert_type3A_2046 masked %ge3A_2045 : memref<32768xf32, #tpu.memory_space<vmem>>[vector<16xi32>], vector<16xf32>, vector<16xi1>
      %get3A_2047 = arith.constant 192 : index
      %get3A_2048 = tpu.vector_load %arg8[%get3A_2047] {strides = array<i32>} : memref<256xi32, #tpu.memory_space<vmem>>, vector<16xi32>,
      %ge3A_2049 = arith.cmpi sge, %bitcast_convert_type3A_280, %select_n3A_1993 : vector<16xi32>
      %bitcast_convert_type3A_2050 = tpu.bitcast %bitcast_convert_type3A_280 : vector<16xi32> -> vector<16xf32>
      tpu.vector_store_idx %arg5[%get3A_2048], %bitcast_convert_type3A_2050 masked %ge3A_2049 : memref<32768xf32, #tpu.memory_space<vmem>>[vector<16xi32>], vector<16xf32>, vector<16xi1>
      %get3A_2051 = arith.constant 208 : index
      %get3A_2052 = tpu.vector_load %arg8[%get3A_2051] {strides = array<i32>} : memref<256xi32, #tpu.memory_space<vmem>>, vector<16xi32>,
      %ge3A_2053 = arith.cmpi sge, %bitcast_convert_type3A_283, %select_n3A_1993 : vector<16xi32>
      %bitcast_convert_type3A_2054 = tpu.bitcast %bitcast_convert_type3A_283 : vector<16xi32> -> vector<16xf32>
      tpu.vector_store_idx %arg5[%get3A_2052], %bitcast_convert_type3A_2054 masked %ge3A_2053 : memref<32768xf32, #tpu.memory_space<vmem>>[vector<16xi32>], vector<16xf32>, vector<16xi1>
      %get3A_2055 = arith.constant 224 : index
      %get3A_2056 = tpu.vector_load %arg8[%get3A_2055] {strides = array<i32>} : memref<256xi32, #tpu.memory_space<vmem>>, vector<16xi32>,
      %ge3A_2057 = arith.cmpi sge, %bitcast_convert_type3A_286, %select_n3A_1993 : vector<16xi32>
      %bitcast_convert_type3A_2058 = tpu.bitcast %bitcast_convert_type3A_286 : vector<16xi32> -> vector<16xf32>
      tpu.vector_store_idx %arg5[%get3A_2056], %bitcast_convert_type3A_2058 masked %ge3A_2057 : memref<32768xf32, #tpu.memory_space<vmem>>[vector<16xi32>], vector<16xf32>, vector<16xi1>
      %get3A_2059 = arith.constant 240 : index
      %get3A_2060 = tpu.vector_load %arg8[%get3A_2059] {strides = array<i32>} : memref<256xi32, #tpu.memory_space<vmem>>, vector<16xi32>,
      %ge3A_2061 = arith.cmpi sge, %bitcast_convert_type3A_289, %select_n3A_1993 : vector<16xi32>
      %bitcast_convert_type3A_2062 = tpu.bitcast %bitcast_convert_type3A_289 : vector<16xi32> -> vector<16xf32>
      tpu.vector_store_idx %arg5[%get3A_2060], %bitcast_convert_type3A_2062 masked %ge3A_2061 : memref<32768xf32, #tpu.memory_space<vmem>>[vector<16xi32>], vector<16xf32>, vector<16xi1>
      %dma_start3A_2063 = arith.constant 0 : i32
      %dma_start3A_2064 = tpu.memref_slice %arg3[%add3A_34, %dma_start3A_2063] : memref<128x32768xf32, #tpu.memory_space<hbm>> -> memref<1x32768xf32, #tpu.memory_space<hbm>>
      %dma_start3A_2065 = tpu.memref_squeeze %dma_start3A_2064 : memref<1x32768xf32, #tpu.memory_space<hbm>> -> memref<32768xf32, #tpu.memory_space<hbm>>
      %dma_start3A_2066 = arith.constant 0 : i32
      %dma_start3A_2067 = tpu.memref_slice %arg3[%add3A_34, %dma_start3A_2066] : memref<128x32768xf32, #tpu.memory_space<hbm>> -> memref<1x32768xf32, #tpu.memory_space<hbm>>
      %dma_start3A_2068 = tpu.memref_squeeze %dma_start3A_2067 : memref<1x32768xf32, #tpu.memory_space<hbm>> -> memref<32768xf32, #tpu.memory_space<hbm>>
      tpu.enqueue_dma source(%arg5 : memref<32768xf32, #tpu.memory_space<vmem>>) target(%dma_start3A_2068 : memref<32768xf32, #tpu.memory_space<hbm>>) target_semaphore(%arg12 : memref<!tpu.dma_semaphore, #tpu.memory_space<semaphore_mem>>)
      %get3A_2069 = arith.constant 0 : index
      %get3A_2070 = tpu.vector_load %arg8[%get3A_2069] {strides = array<i32>} : memref<256xi32, #tpu.memory_space<vmem>>, vector<16xi32>,
      %swap3A_2071 = arith.constant 0 : index
      %swap3A_2072 = tpu.vector_load %arg10[%swap3A_2071] {strides = array<i32>} : memref<256xi32, #tpu.memory_space<vmem>>, vector<16xi32>,
      tpu.vector_store %arg10[%swap3A_2071], %get3A_2070 {strides = array<i32>} : memref<256xi32, #tpu.memory_space<vmem>>, vector<16xi32>,
      %get3A_2073 = arith.constant 16 : index
      %get3A_2074 = tpu.vector_load %arg8[%get3A_2073] {strides = array<i32>} : memref<256xi32, #tpu.memory_space<vmem>>, vector<16xi32>,
      %swap3A_2075 = arith.constant 16 : index
      %swap3A_2076 = tpu.vector_load %arg10[%swap3A_2075] {strides = array<i32>} : memref<256xi32, #tpu.memory_space<vmem>>, vector<16xi32>,
      tpu.vector_store %arg10[%swap3A_2075], %get3A_2074 {strides = array<i32>} : memref<256xi32, #tpu.memory_space<vmem>>, vector<16xi32>,
      %get3A_2077 = arith.constant 32 : index
      %get3A_2078 = tpu.vector_load %arg8[%get3A_2077] {strides = array<i32>} : memref<256xi32, #tpu.memory_space<vmem>>, vector<16xi32>,
      %swap3A_2079 = arith.constant 32 : index
      %swap3A_2080 = tpu.vector_load %arg10[%swap3A_2079] {strides = array<i32>} : memref<256xi32, #tpu.memory_space<vmem>>, vector<16xi32>,
      tpu.vector_store %arg10[%swap3A_2079], %get3A_2078 {strides = array<i32>} : memref<256xi32, #tpu.memory_space<vmem>>, vector<16xi32>,
      %get3A_2081 = arith.constant 48 : index
      %get3A_2082 = tpu.vector_load %arg8[%get3A_2081] {strides = array<i32>} : memref<256xi32, #tpu.memory_space<vmem>>, vector<16xi32>,
      %swap3A_2083 = arith.constant 48 : index
      %swap3A_2084 = tpu.vector_load %arg10[%swap3A_2083] {strides = array<i32>} : memref<256xi32, #tpu.memory_space<vmem>>, vector<16xi32>,
      tpu.vector_store %arg10[%swap3A_2083], %get3A_2082 {strides = array<i32>} : memref<256xi32, #tpu.memory_space<vmem>>, vector<16xi32>,
      %get3A_2085 = arith.constant 64 : index
      %get3A_2086 = tpu.vector_load %arg8[%get3A_2085] {strides = array<i32>} : memref<256xi32, #tpu.memory_space<vmem>>, vector<16xi32>,
      %swap3A_2087 = arith.constant 64 : index
      %swap3A_2088 = tpu.vector_load %arg10[%swap3A_2087] {strides = array<i32>} : memref<256xi32, #tpu.memory_space<vmem>>, vector<16xi32>,
      tpu.vector_store %arg10[%swap3A_2087], %get3A_2086 {strides = array<i32>} : memref<256xi32, #tpu.memory_space<vmem>>, vector<16xi32>,
      %get3A_2089 = arith.constant 80 : index
      %get3A_2090 = tpu.vector_load %arg8[%get3A_2089] {strides = array<i32>} : memref<256xi32, #tpu.memory_space<vmem>>, vector<16xi32>,
      %swap3A_2091 = arith.constant 80 : index
      %swap3A_2092 = tpu.vector_load %arg10[%swap3A_2091] {strides = array<i32>} : memref<256xi32, #tpu.memory_space<vmem>>, vector<16xi32>,
      tpu.vector_store %arg10[%swap3A_2091], %get3A_2090 {strides = array<i32>} : memref<256xi32, #tpu.memory_space<vmem>>, vector<16xi32>,
      %get3A_2093 = arith.constant 96 : index
      %get3A_2094 = tpu.vector_load %arg8[%get3A_2093] {strides = array<i32>} : memref<256xi32, #tpu.memory_space<vmem>>, vector<16xi32>,
      %swap3A_2095 = arith.constant 96 : index
      %swap3A_2096 = tpu.vector_load %arg10[%swap3A_2095] {strides = array<i32>} : memref<256xi32, #tpu.memory_space<vmem>>, vector<16xi32>,
      tpu.vector_store %arg10[%swap3A_2095], %get3A_2094 {strides = array<i32>} : memref<256xi32, #tpu.memory_space<vmem>>, vector<16xi32>,
      %get3A_2097 = arith.constant 112 : index
      %get3A_2098 = tpu.vector_load %arg8[%get3A_2097] {strides = array<i32>} : memref<256xi32, #tpu.memory_space<vmem>>, vector<16xi32>,
      %swap3A_2099 = arith.constant 112 : index
      %swap3A_2100 = tpu.vector_load %arg10[%swap3A_2099] {strides = array<i32>} : memref<256xi32, #tpu.memory_space<vmem>>, vector<16xi32>,
      tpu.vector_store %arg10[%swap3A_2099], %get3A_2098 {strides = array<i32>} : memref<256xi32, #tpu.memory_space<vmem>>, vector<16xi32>,
      %get3A_2101 = arith.constant 128 : index
      %get3A_2102 = tpu.vector_load %arg8[%get3A_2101] {strides = array<i32>} : memref<256xi32, #tpu.memory_space<vmem>>, vector<16xi32>,
      %swap3A_2103 = arith.constant 128 : index
      %swap3A_2104 = tpu.vector_load %arg10[%swap3A_2103] {strides = array<i32>} : memref<256xi32, #tpu.memory_space<vmem>>, vector<16xi32>,
      tpu.vector_store %arg10[%swap3A_2103], %get3A_2102 {strides = array<i32>} : memref<256xi32, #tpu.memory_space<vmem>>, vector<16xi32>,
      %get3A_2105 = arith.constant 144 : index
      %get3A_2106 = tpu.vector_load %arg8[%get3A_2105] {strides = array<i32>} : memref<256xi32, #tpu.memory_space<vmem>>, vector<16xi32>,
      %swap3A_2107 = arith.constant 144 : index
      %swap3A_2108 = tpu.vector_load %arg10[%swap3A_2107] {strides = array<i32>} : memref<256xi32, #tpu.memory_space<vmem>>, vector<16xi32>,
      tpu.vector_store %arg10[%swap3A_2107], %get3A_2106 {strides = array<i32>} : memref<256xi32, #tpu.memory_space<vmem>>, vector<16xi32>,
      %get3A_2109 = arith.constant 160 : index
      %get3A_2110 = tpu.vector_load %arg8[%get3A_2109] {strides = array<i32>} : memref<256xi32, #tpu.memory_space<vmem>>, vector<16xi32>,
      %swap3A_2111 = arith.constant 160 : index
      %swap3A_2112 = tpu.vector_load %arg10[%swap3A_2111] {strides = array<i32>} : memref<256xi32, #tpu.memory_space<vmem>>, vector<16xi32>,
      tpu.vector_store %arg10[%swap3A_2111], %get3A_2110 {strides = array<i32>} : memref<256xi32, #tpu.memory_space<vmem>>, vector<16xi32>,
      %get3A_2113 = arith.constant 176 : index
      %get3A_2114 = tpu.vector_load %arg8[%get3A_2113] {strides = array<i32>} : memref<256xi32, #tpu.memory_space<vmem>>, vector<16xi32>,
      %swap3A_2115 = arith.constant 176 : index
      %swap3A_2116 = tpu.vector_load %arg10[%swap3A_2115] {strides = array<i32>} : memref<256xi32, #tpu.memory_space<vmem>>, vector<16xi32>,
      tpu.vector_store %arg10[%swap3A_2115], %get3A_2114 {strides = array<i32>} : memref<256xi32, #tpu.memory_space<vmem>>, vector<16xi32>,
      %get3A_2117 = arith.constant 192 : index
      %get3A_2118 = tpu.vector_load %arg8[%get3A_2117] {strides = array<i32>} : memref<256xi32, #tpu.memory_space<vmem>>, vector<16xi32>,
      %swap3A_2119 = arith.constant 192 : index
      %swap3A_2120 = tpu.vector_load %arg10[%swap3A_2119] {strides = array<i32>} : memref<256xi32, #tpu.memory_space<vmem>>, vector<16xi32>,
      tpu.vector_store %arg10[%swap3A_2119], %get3A_2118 {strides = array<i32>} : memref<256xi32, #tpu.memory_space<vmem>>, vector<16xi32>,
      %get3A_2121 = arith.constant 208 : index
      %get3A_2122 = tpu.vector_load %arg8[%get3A_2121] {strides = array<i32>} : memref<256xi32, #tpu.memory_space<vmem>>, vector<16xi32>,
      %swap3A_2123 = arith.constant 208 : index
      %swap3A_2124 = tpu.vector_load %arg10[%swap3A_2123] {strides = array<i32>} : memref<256xi32, #tpu.memory_space<vmem>>, vector<16xi32>,
      tpu.vector_store %arg10[%swap3A_2123], %get3A_2122 {strides = array<i32>} : memref<256xi32, #tpu.memory_space<vmem>>, vector<16xi32>,
      %get3A_2125 = arith.constant 224 : index
      %get3A_2126 = tpu.vector_load %arg8[%get3A_2125] {strides = array<i32>} : memref<256xi32, #tpu.memory_space<vmem>>, vector<16xi32>,
      %swap3A_2127 = arith.constant 224 : index
      %swap3A_2128 = tpu.vector_load %arg10[%swap3A_2127] {strides = array<i32>} : memref<256xi32, #tpu.memory_space<vmem>>, vector<16xi32>,
      tpu.vector_store %arg10[%swap3A_2127], %get3A_2126 {strides = array<i32>} : memref<256xi32, #tpu.memory_space<vmem>>, vector<16xi32>,
      %get3A_2129 = arith.constant 240 : index
      %get3A_2130 = tpu.vector_load %arg8[%get3A_2129] {strides = array<i32>} : memref<256xi32, #tpu.memory_space<vmem>>, vector<16xi32>,
      %swap3A_2131 = arith.constant 240 : index
      %swap3A_2132 = tpu.vector_load %arg10[%swap3A_2131] {strides = array<i32>} : memref<256xi32, #tpu.memory_space<vmem>>, vector<16xi32>,
      tpu.vector_store %arg10[%swap3A_2131], %get3A_2130 {strides = array<i32>} : memref<256xi32, #tpu.memory_space<vmem>>, vector<16xi32>,
      scf.yield %select_n3A_1993 : vector<16xi32>
    }
    %scan3A_23 = arith.constant 4 : i32
    %add3A_24 = arith.constant 4 : i32
    %add3A_25 = arith.addi %mul3A_2, %add3A_24 : i32
    %sub3A = arith.constant 1 : i32
    %sub3A_26 = arith.subi %add3A_25, %sub3A : i32
    %dma_wait3A = arith.constant 0 : i32
    %dma_wait3A_27 = tpu.memref_slice %arg3[%sub3A_26, %dma_wait3A] : memref<128x32768xf32, #tpu.memory_space<hbm>> -> memref<1x32768xf32, #tpu.memory_space<hbm>>
    %dma_wait3A_28 = tpu.memref_squeeze %dma_wait3A_27 : memref<1x32768xf32, #tpu.memory_space<hbm>> -> memref<32768xf32, #tpu.memory_space<hbm>>
    %dma_wait3A_29 = arith.constant 0 : i32
    %dma_wait3A_30 = tpu.memref_slice %arg3[%sub3A_26, %dma_wait3A_29] : memref<128x32768xf32, #tpu.memory_space<hbm>> -> memref<1x32768xf32, #tpu.memory_space<hbm>>
    %dma_wait3A_31 = tpu.memref_squeeze %dma_wait3A_30 : memref<1x32768xf32, #tpu.memory_space<hbm>> -> memref<32768xf32, #tpu.memory_space<hbm>>
    tpu.wait_dma2 semaphore(%arg12 : memref<!tpu.dma_semaphore, #tpu.memory_space<semaphore_mem>>) src(%arg5 : memref<32768xf32, #tpu.memory_space<vmem>>) dst(%dma_wait3A_31 : memref<32768xf32, #tpu.memory_space<hbm>>)
    return
  }
}

</mosaic_0001>

<sc_bundles>
// kernel: kernel.3.cloned.1.call-start
scs
__scs_entry_jumppad:
0x0: {  	(pc) =	sbr.rel $0x88, $3  }
0x1: {  	(tag) =	ssettag $0x0;
	lr =	simm.s32 $0x1  }
0x2: {  	[smem:$0x3FA0] =	sst lr;
	_ =	strace $0xD0000000  }
0x3: {  	_ = 	snop  }
0x4: {  	_ = 	snop  }
0x5: {  	_ = 	snop  }
0x6: {  	_ = 	snop  }
0x7: {  	_ = 	snop  }
__scs_overlays_trampoline_lowered:
0x8: {  	[smem:$0x3FAF] =	sst s0  }
0x9: {  	[smem:$0x3FB0] =	sst s1  }
0xa: {  	[smem:$0x3FB1] =	sst s2  }
0xb: {  	[smem:$0x3FB2] =	sst s3  }
0xc: {  	[smem:$0x3FB3] =	sst s4  }
0xd: {  	[smem:$0x3FB4] =	sst s5  }
0xe: {  	[smem:$0x3FB5] =	sst s6  }
0xf: {  	[smem:$0x3FB6] =	sst s7  }
0x10: {  	[smem:$0x3FB7] =	sst s8  }
0x11: {  	[smem:$0x3FB8] =	sst s9;
	s0 =	simm.s32 @!p0 $0x0  }
0x12: {  	s1 =	sld [smem:$0x3F9E];
	s0 =	simm.s32 @p0 $0x1  }
0x13: {  	[smem:$0x3FB9] =	sst s0;
	s0 =	simm.s32 @!p1 $0x0  }
0x14: {  	s2 =	sld [smem:$0x3F9D];
	s0 =	simm.s32 @p1 $0x1  }
0x15: {  	[smem:$0x3FBA] =	sst s0;
	s0 =	simm.s32 @!p2 $0x0  }
0x16: {  	s3 =	sld [smem:$0x3FDB];
	s0 =	simm.s32 @p2 $0x1  }
0x17: {  	s4 =	simm.s32 $0x1BF5;
	[smem:$0x3FBC] =	sst s0  }
0x18: {  	s0 =	sld [smem:$0x3F9F];
	_ =	swait.ge [sflag:s4], $0x0  }
0x19: {  	s7 =	sld [smem:$0x3FA0]  }
0x1a: {  	s8 =	sadd.s32 $0xFFFFE003, lr  }
0x1b: {  	s9 =	sadd.s32 $0xFFFFFEF7, lr;
	s5 =	simm.s32 $0xFFFFFFFF;
	p2 =	slt.u32 s8, $0xFFFFF086  }
0x1c: {  	p1 =	slt.u32 s9, $0xF7A;
	s5 =	simm.s32 @!p2 $0x0  }
0x1d: {  	s5 =	simm.s32 @p1 $0x1;
	p0 =	seq.s32 s7, s2  }
0x1e: {  	s7 =	smul.u32 @!p0 $0xF7A, s2;
	p2 =	seq.s32 @!p0 s5, $0x0  }
0x1f: {  	s9 =	smul.u32 $0xF7A, s1;
	s8 =	simm.s32 @!p0 $0x1BF5;
	p2 =	por !p2, p0  }
0x20: {  	[sflag:s8] =	ssyncset.s32 @!p0 $0xFFFFF086;
	s6 =	sadd.s32 @!p0 s3, s7;
	s7 =	simm.s32 @!p0 $0x108  }
0x21: {  	s3 =	sadd.s32 s3, s9;
	s6 =	sadd.s32 @!p0 $0x88, s6;
	s7 =	simm.s32 @p2 $0x1082  }
0x22: {  	[simem:s7], [sflag:s8] =	dma.local @!p0 [hbm:s6], $0xF7A  }
0x23: {  	s9 =	sor.u32 $0xD0000000, s2;
	s6 =	simm.s32 $0x108;
	_ =	swait.ge @!p0 [sflag:s8], $0x0  }
0x24: {  	s3 =	sadd.s32 $0x88, s3;
	s6 =	simm.s32 @!p1 $0x1082;
	[sflag:s4] =	ssyncset.s32 $0xFFFFF086  }
0x25: {  	[simem:s6], [sflag:s4] =	dma.local [hbm:s3], $0xF7A  }
0x26: {  	[smem:$0x3FA0] =	sst s1;
	(tag) =	ssettag s2;
	_ =	strace s9  }
0x27: {  	s1 =	sld [smem:$0x3FB0]  }
0x28: {  	s2 =	sld [smem:$0x3FB1]  }
0x29: {  	s4 =	sld [smem:$0x3FB3]  }
0x2a: {  	p0 =	seq.s32 s5, $0x0;
	s5 =	sld [smem:$0x3FB4]  }
0x2b: {  	s6 =	sld [smem:$0x3FB5]  }
0x2c: {  	s7 =	sld [smem:$0x3FB6]  }
0x2d: {  	s3 =	simm.s32 $0x108;
	s8 =	sld [smem:$0x3FB7]  }
0x2e: {  	s3 =	simm.s32 @!p0 $0x1082;
	s9 =	sld [smem:$0x3FB8]  }
0x2f: {  	lr =	sadd.s32 s0, s3;
	s0 =	sld [smem:$0x3FAF]  }
0x30: {  	s3 =	sld [smem:$0x3FB2]  }
0x31: {  	[smem:$0x3FBB] =	sst s10  }
0x32: {  	s10 =	sld [smem:$0x3FB9];
	_ =	sdelay $0x3  }
0x33: {  	p0 =	seq.s32 s10, $0x1;
	s10 =	sld [smem:$0x3FBB];
	_ =	sdelay $0x3  }
0x34: {  	[smem:$0x3FBB] =	sst s10  }
0x35: {  	s10 =	sld [smem:$0x3FBA];
	_ =	sdelay $0x3  }
0x36: {  	p1 =	seq.s32 s10, $0x1;
	s10 =	sld [smem:$0x3FBB];
	_ =	sdelay $0x3  }
0x37: {  	[smem:$0x3FBB] =	sst s10  }
0x38: {  	s10 =	sld [smem:$0x3FBC]  }
0x39: {  	_ = 	snop;
	(pc) =	sbr.ind lr, $3  }
0x3a: {  	_ = 	snop  }
0x3b: {  	_ = 	snop  }
0x3c: {  	p2 =	seq.s32 s10, $0x1;
	s10 =	sld [smem:$0x3FBB]  }
0x3d: {  	_ =	shalt  }
0x3e: {  	_ =	shalt  }
0x3f: {  	_ =	shalt  }
0x40: {  	_ =	shalt  }
0x41: {  	_ =	shalt  }
0x42: {  	_ =	shalt  }
0x43: {  	_ =	shalt  }
0x44: {  	_ =	shalt  }
0x45: {  	_ =	shalt  }
0x46: {  	_ =	shalt  }
0x47: {  	_ =	shalt  }
0x48: {  	_ =	shalt  }
0x49: {  	_ =	shalt  }
0x4a: {  	_ =	shalt  }
0x4b: {  	_ =	shalt  }
0x4c: {  	_ =	shalt  }
0x4d: {  	_ =	shalt  }
0x4e: {  	_ =	shalt  }
0x4f: {  	_ =	shalt  }
0x50: {  	_ =	shalt  }
0x51: {  	_ =	shalt  }
0x52: {  	_ =	shalt  }
0x53: {  	_ =	shalt  }
0x54: {  	_ =	shalt  }
0x55: {  	_ =	shalt  }
0x56: {  	_ =	shalt  }
0x57: {  	_ =	shalt  }
0x58: {  	_ =	shalt  }
0x59: {  	_ =	shalt  }
0x5a: {  	_ =	shalt  }
0x5b: {  	_ =	shalt  }
0x5c: {  	_ =	shalt  }
0x5d: {  	_ =	shalt  }
0x5e: {  	_ =	shalt  }
0x5f: {  	_ =	shalt  }
0x60: {  	_ =	shalt  }
0x61: {  	_ =	shalt  }
0x62: {  	_ =	shalt  }
0x63: {  	_ =	shalt  }
0x64: {  	_ =	shalt  }
0x65: {  	_ =	shalt  }
0x66: {  	_ =	shalt  }
0x67: {  	_ =	shalt  }
0x68: {  	_ =	shalt  }
0x69: {  	_ =	shalt  }
0x6a: {  	_ =	shalt  }
0x6b: {  	_ =	shalt  }
0x6c: {  	_ =	shalt  }
0x6d: {  	_ =	shalt  }
0x6e: {  	_ =	shalt  }
0x6f: {  	_ =	shalt  }
0x70: {  	_ =	shalt  }
0x71: {  	_ =	shalt  }
0x72: {  	_ =	shalt  }
0x73: {  	_ =	shalt  }
0x74: {  	_ =	shalt  }
0x75: {  	_ =	shalt  }
0x76: {  	_ =	shalt  }
0x77: {  	_ =	shalt  }
0x78: {  	_ =	shalt  }
0x79: {  	_ =	shalt  }
0x7a: {  	_ =	shalt  }
0x7b: {  	_ =	shalt  }
0x7c: {  	_ =	shalt  }
0x7d: {  	_ =	shalt  }
0x7e: {  	_ =	shalt  }
0x7f: {  	_ =	shalt  }
0x80: {  	_ =	shalt  }
0x81: {  	_ =	shalt  }
0x82: {  	_ =	shalt  }
0x83: {  	_ =	shalt  }
0x84: {  	_ =	shalt  }
0x85: {  	_ =	shalt  }
0x86: {  	_ =	shalt  }
0x87: {  	_ =	shalt  }
.Lfunc_end0:
.L_simem_size_0:
called_computation_lowered:
.L_overlay_start_0:
0x88: {  	s2 =	sld [smem:$0x3FD9]  }
0x89: {  	s3 =	sld [smem:$0x3FFE];
	_ =	sdelay $0x1  }
0x8a: {  	s1 =	srdreg.scid  }
0x8b: {  	s0 =	sand.u32 $0x1, s1  }
0x8c: {  	s18 =	sshll.u32 s0, $0xA;
	s2 =	sadd.s32 s3, s2  }
0x8d: {  	s2 =	sadd.s32 s2, s18  }
0x8e: {  	[smem:$0x3FC7] =	sst s2  }
0x8f: {  	_ = 	snop  }
0x90: {  	s2 =	sld [smem:$0x3FC9]  }
0x91: {  	s19 =	sld [smem:$0x3FD0];
	(tm) =	ssettm $0x1  }
0x92: {  	s4 =	sld [smem:$0x3FFB];
	_ =	sdelay $0x3  }
0x93: {  	_ =	strace s4  }
0x94: {  	s4 =	sld [smem:$0x3FFC];
	_ =	sdelay $0x3  }
0x95: {  	_ =	strace s4  }
0x96: {  	s4 =	sld [smem:$0x3FFD];
	_ =	sdelay $0x3  }
0x97: {  	_ =	strace s4  }
0x98: {  	_ =	strace $0x8FFFFFFF  }
0x99: {  	s20 =	sld [smem:$0x3FDB];
	_ =	sdelay $0x1  }
0x9a: {  	s5 =	simm.s32 $_scs_section_size  }
0x9b: {  	s6 =	simm.s32 $_size__tile_overlayer_lowered;
	s7 =	simm.s32 $_tile_overlayer_lowered  }
0x9c: {  	s23 =	simm.s32 $0x1BFF;
	s22 =	sshll.u32 s7, $0x1;
	s4 =	sadd.s32 s5, s20  }
0x9d: {  	s8 =	simm.s32 $0x0;
	s21 =	sshll.u32 s6, $0x1;
	s6 =	sadd.s32 s22, s4  }
0x9e: {  	[timem:s8], [sflag:s23] =	dma.local [hbm:s6], s21  }
0x9f: {  	_ =	swait.ge [sflag:s23], s21  }
0xa0: {  	s5 =	ssub.s32 $0x0, s21;
	[sflag:s23] =	ssyncset.done $0x0  }
0xa1: {  	[sflag:s23] =	ssyncadd.s32 s5;
	_ =	sdelay $0x1  }
0xa2: {  	s24 =	simm.s32 $0x1B8B  }
0xa3: {  	_ =	swait.ge [sflag:s24], $0x1  }
0xa4: {  	[sflag:s24] =	ssyncset.done $0x0  }
0xa5: {  	s25 =	simm.s32 $0x1B8E;
	[sflag:s24] =	ssyncadd.s32 $0xFFFFFFFF  }
0xa6: {  	s26 =	simm.s32 $execute0_lowered;
	[smem:$0x3FD2] =	sst s25  }
0xa7: {  	s5 =	sshll.u32 s26, $0x1;
	_ =	strace $0x80000046;
	[dreg:$0x1] =	wrdreg $0xFFFFFFFF  }
0xa8: {  	s28 =	simm.s32 $_size_execute0_lowered;
	s4 =	sadd.s32 s4, s5;
	[dreg:$0x0] =	wrdreg $0x0  }
0xa9: {  	s5 =	sshll.u32 s28, $0x1;
	[dreg:$0x2] =	wrdreg s4  }
0xaa: {  	[dreg:$0x3] =	wrdreg s5  }
0xab: {  	[dreg:$0x4] =	wrdreg $0xC0  }
0xac: {  	_ =	task [dreg:s8], $0x5FFFF  }
0xad: {  	[dreg:$0x1] =	wrdreg $0xFFFFFFFF  }
0xae: {  	[dreg:$0x0] =	wrdreg $0x60  }
0xaf: {  	[dreg:$0x2] =	wrdreg s2  }
0xb0: {  	[dreg:$0x3] =	wrdreg s19  }
0xb1: {  	[dreg:$0x4] =	wrdreg $0x9  }
0xb2: {  	_ =	task.clear_ibuf [dreg:s8], $0x5FFFF;
	_ =	strace $0x90000046  }
0xb3: {  	s29 =	simm.s32 $0x9;
	_ =	strace $0x80000048  }
0xb4: {  	_ =	swait.ge [sflag:s29], $0x1  }
0xb5: {  	[sflag:s29] =	ssyncadd.s32 $0xFFFFFFFF  }
0xb6: {  	_ =	strace $0x90000048  }
0xb7: {  	_ =	sfence  }
0xb8: {  	s30 =	sld [smem:$0x0];
	_ =	sdelay $0x2  }
0xb9: {  	s31 =	sshll.u32 s1, $0xD;
	s1 =	sshrl.u32 s1, $0x2  }
0xba: {  	s3 =	sand.u32 $0x4000, s31;
	s1 =	sadd.s32 s1, s30  }
0xbb: {  	s0 =	sor.u32 s3, s0;
	s1 =	sshll.u32 s1, $0x11  }
0xbc: {  	s0 =	sor.u32 s1, s0  }
0xbd: {  	s0 =	sadd.s32 $0x8F2B, s0  }
0xbe: {  	[sflag:s0] =	ssyncadd.remote.s32 $0x1  }
0xbf: {  	_ =	sfence.sel $0xFFFF  }
0xc0: {  	[dreg:$0x0] =	wrdreg $0xFFFFFFFF;
	(pc) =	sbr.abs _section_cstart, $3  }
0xc1: {  	[dreg:$0x1] =	wrdreg $0xFFFFFFFF  }
0xc2: {  	_ =	task.clear_ibuf [dreg:s8], $0x2FFFF;
	_ =	strace $0x9FFFFFFF  }
0xc3: {  	(tm) =	ssettm $0x7FFFFFFF  }
tec
execute0_lowered:
.L_overlay_start_1:
0x0: {  	(tag) =	ssettag $0x1  }
0x1: {  	s1 =	rddreg [dreg:$0x0]  }
0x2: {  	s0 =	srdreg.scid;
	s3 =	rddreg [dreg:$0x1];
	s2 =	simm.s32 $0x0  }
0x3: {  	s7 =	stileid.u32;
	s8 =	simm.s32 $0x80;
	s9 =	simm.s32 $0x400  }
0x4: {  	s10 =	simm.s32 $0x1;
	s11 =	simm.s32 $0x18080;
	s12 =	simm.s32 $0x18280  }
0x5: {  	s13 =	simm.s32 $0x18380;
	s14 =	simm.s32 $0x10000;
	s0 =	sand.u32 $0x1, s0  }
0x6: {  	[smem:$0x7FF] =	sst s2;
	s29 =	sshll.u32 s7, $0x3;
	s4 =	ssub.s32 $0x2, s0  }
.Ltmp0:
0x7: {  	s6 =	sshll.u32 s0, $0x2;
	s0 =	sshll.u32 s0, $0x6;
	(pc) =	sbr.rel .LBB2_1-.Ltmp0, $4  }
0x8: {  	s30 =	sshll.u32 s7, $0xF;
	s5 =	sshrl.u32 s4, $0x1;
	s0 =	sadd.s32 s1, s0  }
0x9: {  	_ =	strace $0x80000047;
	s5 =	ssub.s32 s4, s5;
	s0 =	sadd.s32 s30, s0  }
0xa: {  	v0 =	vlaneseq.u32;
	s4 =	sor.u32 s6, s29;
	[dreg:$0x3] =	wrdreg s0;
	s31 =	smax.u32 s5, $0x1  }
0xb: {  	v1 =	vimm.f32 $0.0e+00;
	v2 =	vimm.s32 $0x0;
	v3 =	vmul.u32 $0xFFFFFFFF, v0;
	s6 =	sadd.s32 s3, s30;
	s3 =	simm.s32 $0x0;
	[dreg:$0x4] =	wrdreg s31  }
.LBB2_31:
0xc: {  	s1 =	simm.s32 $0x2  }
0xd: {  	_ =	swait.ge [sflag:s1], $0x8000  }
0xe: {  	s3 =	rddreg [dreg:$0x5]  }
0xf: {  	s0 =	rddreg [dreg:$0x4];
	s3 =	sadd.s32 $0x1, s3  }
0x10: {  	p0 =	sne.s32 s3, s0  }
.Ltmp1:
0x11: {  	_ = 	snop;
	(pc) =	sbr.rel @!p0 .LBB2_32-.Ltmp1, $3  }
0x12: {  	_ =	sdelay $0x1  }
0x13: {  	[sflag:s1] =	ssyncset.done $0x0  }
0x14: {  	[sflag:s1] =	ssyncadd.s32 $0xFFFF8000  }
.LBB2_1:
0x15: {  	s0 =	rddreg [dreg:$0x3]  }
0x16: {  	[tilespmem:s2], [sflag:$0x1] =	stream.strided.gather [hbm4b:s0+s8], $0x8000, s9, s8, $0x38;
	[tilespmem:$0x18580] =	vst v63  }
0x17: {  	[dreg:$0x5] =	wrdreg s3;
	s0 =	simm.s32 $0x10040  }
0x18: {  	[tilespmem:s0+$0xFFFFFFC0] =	vst v1  }
0x19: {  	[tilespmem:s0+$0x30] =	vst v1  }
0x1a: {  	[tilespmem:s0+$0x20] =	vst v1  }
0x1b: {  	[tilespmem:s0+$0x10] =	vst v1  }
0x1c: {  	[tilespmem:s0+$0x0] =	vst v1  }
0x1d: {  	[tilespmem:s0+$0xFFFFFFF0] =	vst v1  }
0x1e: {  	s3 =	simm.s32 $0x0;
	p0 =	por $0x0, $0x0;
	[tilespmem:s0+$0xFFFFFFE0] =	vst v1  }
.LBB2_2:
0x1f: {  	s3 =	sadd.s32 $0x8, s3;
	[tilespmem:s0+$0xFFFFFFD0] =	vst v1;
	s0 =	sadd.s32 $0x80, s0;
	v20 =	vimm.s32 $0x7F7FFFFF  }
0x20: {  	[tilespmem:s0+$0xFFFFFFC0] =	vst v1;
	p1 =	slt.u32 s3, $0x7F8  }
0x21: {  	[tilespmem:s0+$0x30] =	vst v1  }
.Ltmp2:
0x22: {  	[tilespmem:s0+$0x20] =	vst v1;
	(pc) =	sbr.rel @p1 .LBB2_2-.Ltmp2, $4  }
0x23: {  	[tilespmem:s0+$0x10] =	vst v1  }
0x24: {  	[tilespmem:s0+$0x0] =	vst v1  }
0x25: {  	[tilespmem:s0+$0xFFFFFFF0] =	vst v1  }
0x26: {  	[tilespmem:s0+$0xFFFFFFE0] =	vst v1  }
.Ltmp3:
0x27: {  	(pc) =	sbr.rel .LBB2_4-.Ltmp3, $2  }
0x28: {  	_ =	sdelay $0x2  }
0x29: {  	[tilespmem:s0+$0xFFFFFFD0] =	vst v1;
	s17 =	simm.s32 $0x0  }
.LBB2_30:
0x2a: {  	v19 =	vld [tilespmem:$0x18380]  }
0x2b: {  	v18 =	vld [tilespmem:$0x18390]  }
0x2c: {  	v17 =	vld [tilespmem:$0x183A0]  }
0x2d: {  	v14 =	vld [tilespmem:$0x183B0]  }
0x2e: {  	v11 =	vld [tilespmem:$0x183C0]  }
0x2f: {  	v8 =	vld [tilespmem:$0x183D0]  }
0x30: {  	v4 =	vld [tilespmem:$0x183E0];
	vm0 =	vgt.s32 v19, $0x3FFFFFFF;
	vm1 =	vgt.s32 v18, $0x3FFFFFFF  }
0x31: {  	v5 =	vld [tilespmem:$0x183F0];
	vm4 =	vgt.s32 v17, $0x3FFFFFFF;
	v9 =	vmpcnt.ones.xlane vm0;
	v10 =	vmpcnt.ones.xlane vm1  }
0x32: {  	v6 =	vld [tilespmem:$0x18400];
	vm5 =	vgt.s32 v14, $0x3FFFFFFF;
	v12 =	vmpcnt.ones.xlane vm4  }
0x33: {  	v7 =	vld [tilespmem:$0x18410];
	vm6 =	vgt.s32 v11, $0x3FFFFFFF;
	v13 =	vmpcnt.ones.xlane vm5;
	v10 =	vadd.s32 v9, v10  }
0x34: {  	vm7 =	vgt.s32 v8, $0x3FFFFFFF;
	v15 =	vmpcnt.ones.xlane vm6;
	v9 =	vld [tilespmem:$0x18420];
	v12 =	vadd.s32 v12, v10  }
0x35: {  	vm8 =	vgt.s32 v4, $0x3FFFFFFF;
	v16 =	vmpcnt.ones.xlane vm7;
	v10 =	vld [tilespmem:$0x18430];
	v13 =	vadd.s32 v13, v12  }
0x36: {  	vm9 =	vgt.s32 v5, $0x3FFFFFFF;
	v20 =	vmpcnt.ones.xlane vm8;
	v12 =	vld [tilespmem:$0x18440];
	v15 =	vadd.s32 v15, v13  }
0x37: {  	vm10 =	vgt.s32 v6, $0x3FFFFFFF;
	v21 =	vmpcnt.ones.xlane vm9;
	v13 =	vld [tilespmem:$0x18450];
	v16 =	vadd.s32 v16, v15  }
0x38: {  	vm11 =	vgt.s32 v7, $0x3FFFFFFF;
	v22 =	vmpcnt.ones.xlane vm10;
	v15 =	vld [tilespmem:$0x18460];
	v20 =	vadd.s32 v20, v16  }
0x39: {  	v16 =	vld [tilespmem:$0x18470];
	vm12 =	vgt.s32 v9, $0x3FFFFFFF;
	v20 =	vadd.s32 v21, v20;
	v21 =	vmpcnt.ones.xlane vm11  }
0x3a: {  	vm13 =	vgt.s32 v10, $0x3FFFFFFF;
	v20 =	vadd.s32 v22, v20;
	v22 =	vmpcnt.ones.xlane vm12  }
0x3b: {  	vm14 =	vgt.s32 v12, $0x3FFFFFFF;
	v20 =	vadd.s32 v21, v20;
	v21 =	vmpcnt.ones.xlane vm13  }
0x3c: {  	vm15 =	vgt.s32 v13, $0x3FFFFFFF;
	v20 =	vadd.s32 v22, v20;
	v22 =	vmpcnt.ones.xlane vm14  }
0x3d: {  	vm4 =	vgt.s32 v15, $0x3FFFFFFF;
	v20 =	vadd.s32 v21, v20;
	v21 =	vmpcnt.ones.xlane vm15  }
0x3e: {  	vm5 =	vgt.s32 v16, $0x3FFFFFFF;
	v20 =	vadd.s32 v22, v20;
	v22 =	vmpcnt.ones.xlane vm4  }
0x3f: {  	v20 =	vadd.s32 v21, v20;
	v21 =	vmpcnt.ones.xlane vm5  }
0x40: {  	v20 =	vadd.s32 v22, v20  }
0x41: {  	v20 =	vadd.s32 v21, v20  }
0x42: {  	vm6 =	vgt.s32 v20, $0x3F  }
0x43: {  	v20 =	vsel vm6, $0x40000000, v2  }
0x44: {  	v21 =	vor.u32 $0x20000000, v20  }
0x45: {  	vm7 =	vle.s32 v21, v19;
	vm8 =	vle.s32 v21, v18  }
0x46: {  	vm9 =	vle.s32 v21, v17;
	v22 =	vmpcnt.ones.xlane vm7;
	v23 =	vmpcnt.ones.xlane vm8  }
0x47: {  	vm10 =	vle.s32 v21, v14;
	v24 =	vmpcnt.ones.xlane vm9  }
0x48: {  	vm11 =	vle.s32 v21, v11;
	v22 =	vadd.s32 v22, v23;
	v23 =	vmpcnt.ones.xlane vm10  }
0x49: {  	vm12 =	vle.s32 v21, v8;
	v46 =	vmpcnt.ones.xlane vm11;
	v22 =	vadd.s32 v24, v22  }
0x4a: {  	vm13 =	vle.s32 v21, v4;
	v22 =	vadd.s32 v23, v22;
	v23 =	vmpcnt.ones.xlane vm12  }
0x4b: {  	vm14 =	vle.s32 v21, v5;
	v47 =	vmpcnt.ones.xlane vm13;
	v22 =	vadd.s32 v46, v22  }
0x4c: {  	vm15 =	vle.s32 v21, v6;
	v22 =	vadd.s32 v23, v22;
	v23 =	vmpcnt.ones.xlane vm14  }
0x4d: {  	vm4 =	vle.s32 v21, v7;
	v48 =	vmpcnt.ones.xlane vm15;
	v22 =	vadd.s32 v47, v22  }
0x4e: {  	vm5 =	vle.s32 v21, v9;
	v22 =	vadd.s32 v23, v22;
	v23 =	vmpcnt.ones.xlane vm4  }
0x4f: {  	vm6 =	vle.s32 v21, v10;
	v49 =	vmpcnt.ones.xlane vm5;
	v22 =	vadd.s32 v48, v22  }
0x50: {  	vm7 =	vle.s32 v21, v12;
	v22 =	vadd.s32 v23, v22;
	v23 =	vmpcnt.ones.xlane vm6  }
0x51: {  	vm8 =	vle.s32 v21, v13;
	v50 =	vmpcnt.ones.xlane vm7;
	v22 =	vadd.s32 v49, v22  }
0x52: {  	vm9 =	vle.s32 v21, v15;
	v22 =	vadd.s32 v23, v22;
	v23 =	vmpcnt.ones.xlane vm8  }
0x53: {  	v51 =	vmpcnt.ones.xlane vm9;
	vm10 =	vle.s32 v21, v16;
	v22 =	vadd.s32 v50, v22  }
0x54: {  	v22 =	vadd.s32 v23, v22;
	v23 =	vmpcnt.ones.xlane vm10  }
0x55: {  	v22 =	vadd.s32 v51, v22  }
0x56: {  	v22 =	vadd.s32 v23, v22  }
0x57: {  	vm11 =	vgt.s32 v22, $0x3F  }
0x58: {  	v20 =	vsel vm11, v21, v20  }
0x59: {  	v21 =	vor.u32 $0x10000000, v20  }
0x5a: {  	vm12 =	vle.s32 v21, v19;
	vm13 =	vle.s32 v21, v18  }
0x5b: {  	vm14 =	vle.s32 v21, v17;
	v22 =	vmpcnt.ones.xlane vm12;
	v23 =	vmpcnt.ones.xlane vm13  }
0x5c: {  	vm15 =	vle.s32 v21, v14;
	v52 =	vmpcnt.ones.xlane vm14  }
0x5d: {  	vm4 =	vle.s32 v21, v11;
	v22 =	vadd.s32 v22, v23;
	v23 =	vmpcnt.ones.xlane vm15  }
0x5e: {  	vm5 =	vle.s32 v21, v8;
	v53 =	vmpcnt.ones.xlane vm4;
	v22 =	vadd.s32 v52, v22  }
0x5f: {  	vm6 =	vle.s32 v21, v4;
	v22 =	vadd.s32 v23, v22;
	v23 =	vmpcnt.ones.xlane vm5  }
0x60: {  	vm7 =	vle.s32 v21, v5;
	v54 =	vmpcnt.ones.xlane vm6;
	v22 =	vadd.s32 v53, v22  }
0x61: {  	vm8 =	vle.s32 v21, v6;
	v22 =	vadd.s32 v23, v22;
	v23 =	vmpcnt.ones.xlane vm7  }
0x62: {  	vm9 =	vle.s32 v21, v7;
	v55 =	vmpcnt.ones.xlane vm8;
	v22 =	vadd.s32 v54, v22  }
0x63: {  	vm10 =	vle.s32 v21, v9;
	v22 =	vadd.s32 v23, v22;
	v23 =	vmpcnt.ones.xlane vm9  }
0x64: {  	vm11 =	vle.s32 v21, v10;
	v56 =	vmpcnt.ones.xlane vm10;
	v22 =	vadd.s32 v55, v22  }
0x65: {  	vm12 =	vle.s32 v21, v12;
	v22 =	vadd.s32 v23, v22;
	v23 =	vmpcnt.ones.xlane vm11  }
0x66: {  	vm13 =	vle.s32 v21, v13;
	v57 =	vmpcnt.ones.xlane vm12;
	v22 =	vadd.s32 v56, v22  }
0x67: {  	vm14 =	vle.s32 v21, v15;
	v22 =	vadd.s32 v23, v22;
	v23 =	vmpcnt.ones.xlane vm13  }
0x68: {  	v58 =	vmpcnt.ones.xlane vm14;
	vm15 =	vle.s32 v21, v16;
	v22 =	vadd.s32 v57, v22  }
0x69: {  	v22 =	vadd.s32 v23, v22;
	v23 =	vmpcnt.ones.xlane vm15  }
0x6a: {  	v22 =	vadd.s32 v58, v22  }
0x6b: {  	v22 =	vadd.s32 v23, v22  }
0x6c: {  	vm4 =	vgt.s32 v22, $0x3F  }
0x6d: {  	v20 =	vsel vm4, v21, v20  }
0x6e: {  	v21 =	vor.u32 $0x8000000, v20  }
0x6f: {  	vm5 =	vle.s32 v21, v19;
	vm6 =	vle.s32 v21, v18  }
0x70: {  	vm7 =	vle.s32 v21, v17;
	v22 =	vmpcnt.ones.xlane vm5;
	v23 =	vmpcnt.ones.xlane vm6  }
0x71: {  	vm8 =	vle.s32 v21, v14;
	v59 =	vmpcnt.ones.xlane vm7  }
0x72: {  	vm9 =	vle.s32 v21, v11;
	v22 =	vadd.s32 v22, v23;
	v23 =	vmpcnt.ones.xlane vm8  }
0x73: {  	vm10 =	vle.s32 v21, v8;
	v60 =	vmpcnt.ones.xlane vm9;
	v22 =	vadd.s32 v59, v22  }
0x74: {  	vm11 =	vle.s32 v21, v4;
	v22 =	vadd.s32 v23, v22;
	v23 =	vmpcnt.ones.xlane vm10  }
0x75: {  	vm12 =	vle.s32 v21, v5;
	v61 =	vmpcnt.ones.xlane vm11;
	v22 =	vadd.s32 v60, v22  }
0x76: {  	vm13 =	vle.s32 v21, v6;
	v22 =	vadd.s32 v23, v22;
	v23 =	vmpcnt.ones.xlane vm12  }
0x77: {  	vm14 =	vle.s32 v21, v7;
	v62 =	vmpcnt.ones.xlane vm13;
	v22 =	vadd.s32 v61, v22  }
0x78: {  	vm15 =	vle.s32 v21, v9;
	v22 =	vadd.s32 v23, v22;
	v23 =	vmpcnt.ones.xlane vm14  }
0x79: {  	vm4 =	vle.s32 v21, v10;
	v63 =	vmpcnt.ones.xlane vm15;
	v22 =	vadd.s32 v62, v22  }
0x7a: {  	vm5 =	vle.s32 v21, v12;
	v22 =	vadd.s32 v23, v22;
	v23 =	vmpcnt.ones.xlane vm4  }
0x7b: {  	vm6 =	vle.s32 v21, v13;
	v28 =	vmpcnt.ones.xlane vm5;
	v22 =	vadd.s32 v63, v22  }
0x7c: {  	vm7 =	vle.s32 v21, v15;
	v22 =	vadd.s32 v23, v22;
	v23 =	vmpcnt.ones.xlane vm6  }
0x7d: {  	v29 =	vmpcnt.ones.xlane vm7;
	vm8 =	vle.s32 v21, v16;
	v22 =	vadd.s32 v28, v22  }
0x7e: {  	v22 =	vadd.s32 v23, v22;
	v23 =	vmpcnt.ones.xlane vm8  }
0x7f: {  	v22 =	vadd.s32 v29, v22  }
0x80: {  	v22 =	vadd.s32 v23, v22  }
0x81: {  	vm9 =	vgt.s32 v22, $0x3F  }
0x82: {  	v20 =	vsel vm9, v21, v20  }
0x83: {  	v21 =	vor.u32 $0x4000000, v20  }
0x84: {  	vm10 =	vle.s32 v21, v19;
	vm11 =	vle.s32 v21, v18  }
0x85: {  	vm12 =	vle.s32 v21, v17;
	v22 =	vmpcnt.ones.xlane vm10;
	v23 =	vmpcnt.ones.xlane vm11  }
0x86: {  	vm13 =	vle.s32 v21, v14;
	v30 =	vmpcnt.ones.xlane vm12  }
0x87: {  	vm14 =	vle.s32 v21, v11;
	v22 =	vadd.s32 v22, v23;
	v23 =	vmpcnt.ones.xlane vm13  }
0x88: {  	vm15 =	vle.s32 v21, v8;
	v31 =	vmpcnt.ones.xlane vm14;
	v22 =	vadd.s32 v30, v22  }
0x89: {  	vm4 =	vle.s32 v21, v4;
	v22 =	vadd.s32 v23, v22;
	v23 =	vmpcnt.ones.xlane vm15  }
0x8a: {  	vm5 =	vle.s32 v21, v5;
	v32 =	vmpcnt.ones.xlane vm4;
	v22 =	vadd.s32 v31, v22  }
0x8b: {  	vm6 =	vle.s32 v21, v6;
	v22 =	vadd.s32 v23, v22;
	v23 =	vmpcnt.ones.xlane vm5  }
0x8c: {  	vm7 =	vle.s32 v21, v7;
	v33 =	vmpcnt.ones.xlane vm6;
	v22 =	vadd.s32 v32, v22  }
0x8d: {  	vm8 =	vle.s32 v21, v9;
	v22 =	vadd.s32 v23, v22;
	v23 =	vmpcnt.ones.xlane vm7  }
0x8e: {  	vm9 =	vle.s32 v21, v10;
	v34 =	vmpcnt.ones.xlane vm8;
	v22 =	vadd.s32 v33, v22  }
0x8f: {  	vm10 =	vle.s32 v21, v12;
	v22 =	vadd.s32 v23, v22;
	v23 =	vmpcnt.ones.xlane vm9  }
0x90: {  	vm11 =	vle.s32 v21, v13;
	v35 =	vmpcnt.ones.xlane vm10;
	v22 =	vadd.s32 v34, v22  }
0x91: {  	vm12 =	vle.s32 v21, v15;
	v22 =	vadd.s32 v23, v22;
	v23 =	vmpcnt.ones.xlane vm11  }
0x92: {  	v36 =	vmpcnt.ones.xlane vm12;
	vm13 =	vle.s32 v21, v16;
	v22 =	vadd.s32 v35, v22  }
0x93: {  	v22 =	vadd.s32 v23, v22;
	v23 =	vmpcnt.ones.xlane vm13  }
0x94: {  	v22 =	vadd.s32 v36, v22  }
0x95: {  	v22 =	vadd.s32 v23, v22  }
0x96: {  	vm14 =	vgt.s32 v22, $0x3F  }
0x97: {  	v20 =	vsel vm14, v21, v20  }
0x98: {  	v21 =	vor.u32 $0x2000000, v20  }
0x99: {  	vm15 =	vle.s32 v21, v19;
	vm4 =	vle.s32 v21, v18  }
0x9a: {  	vm5 =	vle.s32 v21, v17;
	v22 =	vmpcnt.ones.xlane vm15;
	v23 =	vmpcnt.ones.xlane vm4  }
0x9b: {  	vm6 =	vle.s32 v21, v14;
	v37 =	vmpcnt.ones.xlane vm5  }
0x9c: {  	vm7 =	vle.s32 v21, v11;
	v22 =	vadd.s32 v22, v23;
	v23 =	vmpcnt.ones.xlane vm6  }
0x9d: {  	vm8 =	vle.s32 v21, v8;
	v38 =	vmpcnt.ones.xlane vm7;
	v22 =	vadd.s32 v37, v22  }
0x9e: {  	vm9 =	vle.s32 v21, v4;
	v22 =	vadd.s32 v23, v22;
	v23 =	vmpcnt.ones.xlane vm8  }
0x9f: {  	vm10 =	vle.s32 v21, v5;
	v39 =	vmpcnt.ones.xlane vm9;
	v22 =	vadd.s32 v38, v22  }
0xa0: {  	vm11 =	vle.s32 v21, v6;
	v22 =	vadd.s32 v23, v22;
	v23 =	vmpcnt.ones.xlane vm10  }
0xa1: {  	vm12 =	vle.s32 v21, v7;
	v40 =	vmpcnt.ones.xlane vm11;
	v22 =	vadd.s32 v39, v22  }
0xa2: {  	vm13 =	vle.s32 v21, v9;
	v22 =	vadd.s32 v23, v22;
	v23 =	vmpcnt.ones.xlane vm12  }
0xa3: {  	vm14 =	vle.s32 v21, v10;
	v41 =	vmpcnt.ones.xlane vm13;
	v22 =	vadd.s32 v40, v22  }
0xa4: {  	vm15 =	vle.s32 v21, v12;
	v22 =	vadd.s32 v23, v22;
	v23 =	vmpcnt.ones.xlane vm14  }
0xa5: {  	vm4 =	vle.s32 v21, v13;
	v42 =	vmpcnt.ones.xlane vm15;
	v22 =	vadd.s32 v41, v22  }
0xa6: {  	vm5 =	vle.s32 v21, v15;
	v22 =	vadd.s32 v23, v22;
	v23 =	vmpcnt.ones.xlane vm4  }
0xa7: {  	v43 =	vmpcnt.ones.xlane vm5;
	vm6 =	vle.s32 v21, v16;
	v22 =	vadd.s32 v42, v22  }
0xa8: {  	v22 =	vadd.s32 v23, v22;
	v23 =	vmpcnt.ones.xlane vm6  }
0xa9: {  	v22 =	vadd.s32 v43, v22  }
0xaa: {  	v22 =	vadd.s32 v23, v22  }
0xab: {  	vm7 =	vgt.s32 v22, $0x3F  }
0xac: {  	v20 =	vsel vm7, v21, v20  }
0xad: {  	v21 =	vor.u32 $0x1000000, v20  }
0xae: {  	vm8 =	vle.s32 v21, v19;
	vm9 =	vle.s32 v21, v18  }
0xaf: {  	vm10 =	vle.s32 v21, v17;
	v22 =	vmpcnt.ones.xlane vm8;
	v23 =	vmpcnt.ones.xlane vm9  }
0xb0: {  	vm11 =	vle.s32 v21, v14;
	v44 =	vmpcnt.ones.xlane vm10  }
0xb1: {  	vm12 =	vle.s32 v21, v11;
	v22 =	vadd.s32 v22, v23;
	v23 =	vmpcnt.ones.xlane vm11  }
0xb2: {  	vm13 =	vle.s32 v21, v8;
	v45 =	vmpcnt.ones.xlane vm12;
	v22 =	vadd.s32 v44, v22  }
0xb3: {  	vm14 =	vle.s32 v21, v4;
	v22 =	vadd.s32 v23, v22;
	v23 =	vmpcnt.ones.xlane vm13  }
0xb4: {  	vm15 =	vle.s32 v21, v5;
	v46 =	vmpcnt.ones.xlane vm14;
	v22 =	vadd.s32 v45, v22  }
0xb5: {  	vm4 =	vle.s32 v21, v6;
	v22 =	vadd.s32 v23, v22;
	v23 =	vmpcnt.ones.xlane vm15  }
0xb6: {  	vm5 =	vle.s32 v21, v7;
	v47 =	vmpcnt.ones.xlane vm4;
	v22 =	vadd.s32 v46, v22  }
0xb7: {  	vm6 =	vle.s32 v21, v9;
	v22 =	vadd.s32 v23, v22;
	v23 =	vmpcnt.ones.xlane vm5  }
0xb8: {  	vm7 =	vle.s32 v21, v10;
	v48 =	vmpcnt.ones.xlane vm6;
	v22 =	vadd.s32 v47, v22  }
0xb9: {  	vm8 =	vle.s32 v21, v12;
	v22 =	vadd.s32 v23, v22;
	v23 =	vmpcnt.ones.xlane vm7  }
0xba: {  	vm9 =	vle.s32 v21, v13;
	v49 =	vmpcnt.ones.xlane vm8;
	v22 =	vadd.s32 v48, v22  }
0xbb: {  	vm10 =	vle.s32 v21, v15;
	v22 =	vadd.s32 v23, v22;
	v23 =	vmpcnt.ones.xlane vm9  }
0xbc: {  	v50 =	vmpcnt.ones.xlane vm10;
	vm11 =	vle.s32 v21, v16;
	v22 =	vadd.s32 v49, v22  }
0xbd: {  	v22 =	vadd.s32 v23, v22;
	v23 =	vmpcnt.ones.xlane vm11  }
0xbe: {  	v22 =	vadd.s32 v50, v22  }
0xbf: {  	v22 =	vadd.s32 v23, v22  }
0xc0: {  	vm12 =	vgt.s32 v22, $0x3F  }
0xc1: {  	v20 =	vsel vm12, v21, v20  }
0xc2: {  	v21 =	vor.u32 $0x800000, v20  }
0xc3: {  	vm13 =	vle.s32 v21, v19;
	vm14 =	vle.s32 v21, v18  }
0xc4: {  	vm15 =	vle.s32 v21, v17;
	v22 =	vmpcnt.ones.xlane vm13;
	v23 =	vmpcnt.ones.xlane vm14  }
0xc5: {  	vm4 =	vle.s32 v21, v14;
	v51 =	vmpcnt.ones.xlane vm15  }
0xc6: {  	vm5 =	vle.s32 v21, v11;
	v22 =	vadd.s32 v22, v23;
	v23 =	vmpcnt.ones.xlane vm4  }
0xc7: {  	vm6 =	vle.s32 v21, v8;
	v52 =	vmpcnt.ones.xlane vm5;
	v22 =	vadd.s32 v51, v22  }
0xc8: {  	vm7 =	vle.s32 v21, v4;
	v22 =	vadd.s32 v23, v22;
	v23 =	vmpcnt.ones.xlane vm6  }
0xc9: {  	vm8 =	vle.s32 v21, v5;
	v53 =	vmpcnt.ones.xlane vm7;
	v22 =	vadd.s32 v52, v22  }
0xca: {  	vm9 =	vle.s32 v21, v6;
	v22 =	vadd.s32 v23, v22;
	v23 =	vmpcnt.ones.xlane vm8  }
0xcb: {  	vm10 =	vle.s32 v21, v7;
	v54 =	vmpcnt.ones.xlane vm9;
	v22 =	vadd.s32 v53, v22  }
0xcc: {  	vm11 =	vle.s32 v21, v9;
	v22 =	vadd.s32 v23, v22;
	v23 =	vmpcnt.ones.xlane vm10  }
0xcd: {  	vm12 =	vle.s32 v21, v10;
	v55 =	vmpcnt.ones.xlane vm11;
	v22 =	vadd.s32 v54, v22  }
0xce: {  	vm13 =	vle.s32 v21, v12;
	v22 =	vadd.s32 v23, v22;
	v23 =	vmpcnt.ones.xlane vm12  }
0xcf: {  	vm14 =	vle.s32 v21, v13;
	v56 =	vmpcnt.ones.xlane vm13;
	v22 =	vadd.s32 v55, v22  }
0xd0: {  	vm15 =	vle.s32 v21, v15;
	v22 =	vadd.s32 v23, v22;
	v23 =	vmpcnt.ones.xlane vm14  }
0xd1: {  	v57 =	vmpcnt.ones.xlane vm15;
	vm4 =	vle.s32 v21, v16;
	v22 =	vadd.s32 v56, v22  }
0xd2: {  	v22 =	vadd.s32 v23, v22;
	v23 =	vmpcnt.ones.xlane vm4  }
0xd3: {  	v22 =	vadd.s32 v57, v22  }
0xd4: {  	v22 =	vadd.s32 v23, v22  }
0xd5: {  	vm5 =	vgt.s32 v22, $0x3F  }
0xd6: {  	v20 =	vsel vm5, v21, v20  }
0xd7: {  	v21 =	vor.u32 $0x400000, v20  }
0xd8: {  	vm6 =	vle.s32 v21, v19;
	vm7 =	vle.s32 v21, v18  }
0xd9: {  	vm8 =	vle.s32 v21, v17;
	v22 =	vmpcnt.ones.xlane vm6;
	v23 =	vmpcnt.ones.xlane vm7  }
0xda: {  	vm9 =	vle.s32 v21, v14;
	v58 =	vmpcnt.ones.xlane vm8  }
0xdb: {  	vm10 =	vle.s32 v21, v11;
	v22 =	vadd.s32 v22, v23;
	v23 =	vmpcnt.ones.xlane vm9  }
0xdc: {  	vm11 =	vle.s32 v21, v8;
	v59 =	vmpcnt.ones.xlane vm10;
	v22 =	vadd.s32 v58, v22  }
0xdd: {  	vm12 =	vle.s32 v21, v4;
	v22 =	vadd.s32 v23, v22;
	v23 =	vmpcnt.ones.xlane vm11  }
0xde: {  	vm13 =	vle.s32 v21, v5;
	v60 =	vmpcnt.ones.xlane vm12;
	v22 =	vadd.s32 v59, v22  }
0xdf: {  	vm14 =	vle.s32 v21, v6;
	v22 =	vadd.s32 v23, v22;
	v23 =	vmpcnt.ones.xlane vm13  }
0xe0: {  	vm15 =	vle.s32 v21, v7;
	v61 =	vmpcnt.ones.xlane vm14;
	v22 =	vadd.s32 v60, v22  }
0xe1: {  	vm4 =	vle.s32 v21, v9;
	v22 =	vadd.s32 v23, v22;
	v23 =	vmpcnt.ones.xlane vm15  }
0xe2: {  	vm5 =	vle.s32 v21, v10;
	v62 =	vmpcnt.ones.xlane vm4;
	v22 =	vadd.s32 v61, v22  }
0xe3: {  	vm6 =	vle.s32 v21, v12;
	v22 =	vadd.s32 v23, v22;
	v23 =	vmpcnt.ones.xlane vm5  }
0xe4: {  	vm7 =	vle.s32 v21, v13;
	v63 =	vmpcnt.ones.xlane vm6;
	v22 =	vadd.s32 v62, v22  }
0xe5: {  	vm8 =	vle.s32 v21, v15;
	v22 =	vadd.s32 v23, v22;
	v23 =	vmpcnt.ones.xlane vm7  }
0xe6: {  	v28 =	vmpcnt.ones.xlane vm8;
	vm9 =	vle.s32 v21, v16;
	v22 =	vadd.s32 v63, v22  }
0xe7: {  	v22 =	vadd.s32 v23, v22;
	v23 =	vmpcnt.ones.xlane vm9  }
0xe8: {  	v22 =	vadd.s32 v28, v22  }
0xe9: {  	v22 =	vadd.s32 v23, v22  }
0xea: {  	vm10 =	vgt.s32 v22, $0x3F  }
0xeb: {  	v20 =	vsel vm10, v21, v20  }
0xec: {  	v21 =	vor.u32 $0x200000, v20  }
0xed: {  	vm11 =	vle.s32 v21, v19;
	vm12 =	vle.s32 v21, v18  }
0xee: {  	vm13 =	vle.s32 v21, v17;
	v22 =	vmpcnt.ones.xlane vm11;
	v23 =	vmpcnt.ones.xlane vm12  }
0xef: {  	vm14 =	vle.s32 v21, v14;
	v29 =	vmpcnt.ones.xlane vm13  }
0xf0: {  	vm15 =	vle.s32 v21, v11;
	v22 =	vadd.s32 v22, v23;
	v23 =	vmpcnt.ones.xlane vm14  }
0xf1: {  	vm4 =	vle.s32 v21, v8;
	v30 =	vmpcnt.ones.xlane vm15;
	v22 =	vadd.s32 v29, v22  }
0xf2: {  	vm5 =	vle.s32 v21, v4;
	v22 =	vadd.s32 v23, v22;
	v23 =	vmpcnt.ones.xlane vm4  }
0xf3: {  	vm6 =	vle.s32 v21, v5;
	v31 =	vmpcnt.ones.xlane vm5;
	v22 =	vadd.s32 v30, v22  }
0xf4: {  	vm7 =	vle.s32 v21, v6;
	v22 =	vadd.s32 v23, v22;
	v23 =	vmpcnt.ones.xlane vm6  }
0xf5: {  	vm8 =	vle.s32 v21, v7;
	v32 =	vmpcnt.ones.xlane vm7;
	v22 =	vadd.s32 v31, v22  }
0xf6: {  	vm9 =	vle.s32 v21, v9;
	v22 =	vadd.s32 v23, v22;
	v23 =	vmpcnt.ones.xlane vm8  }
0xf7: {  	vm10 =	vle.s32 v21, v10;
	v33 =	vmpcnt.ones.xlane vm9;
	v22 =	vadd.s32 v32, v22  }
0xf8: {  	vm11 =	vle.s32 v21, v12;
	v22 =	vadd.s32 v23, v22;
	v23 =	vmpcnt.ones.xlane vm10  }
0xf9: {  	vm12 =	vle.s32 v21, v13;
	v34 =	vmpcnt.ones.xlane vm11;
	v22 =	vadd.s32 v33, v22  }
0xfa: {  	vm13 =	vle.s32 v21, v15;
	v22 =	vadd.s32 v23, v22;
	v23 =	vmpcnt.ones.xlane vm12  }
0xfb: {  	v35 =	vmpcnt.ones.xlane vm13;
	vm14 =	vle.s32 v21, v16;
	v22 =	vadd.s32 v34, v22  }
0xfc: {  	v22 =	vadd.s32 v23, v22;
	v23 =	vmpcnt.ones.xlane vm14  }
0xfd: {  	v22 =	vadd.s32 v35, v22  }
0xfe: {  	v22 =	vadd.s32 v23, v22  }
0xff: {  	vm15 =	vgt.s32 v22, $0x3F  }
0x100: {  	v20 =	vsel vm15, v21, v20  }
0x101: {  	v21 =	vor.u32 $0x100000, v20  }
0x102: {  	vm4 =	vle.s32 v21, v19;
	vm5 =	vle.s32 v21, v18  }
0x103: {  	vm6 =	vle.s32 v21, v17;
	v22 =	vmpcnt.ones.xlane vm4;
	v23 =	vmpcnt.ones.xlane vm5  }
0x104: {  	vm7 =	vle.s32 v21, v14;
	v36 =	vmpcnt.ones.xlane vm6  }
0x105: {  	vm8 =	vle.s32 v21, v11;
	v22 =	vadd.s32 v22, v23;
	v23 =	vmpcnt.ones.xlane vm7  }
0x106: {  	vm9 =	vle.s32 v21, v8;
	v37 =	vmpcnt.ones.xlane vm8;
	v22 =	vadd.s32 v36, v22  }
0x107: {  	vm10 =	vle.s32 v21, v4;
	v22 =	vadd.s32 v23, v22;
	v23 =	vmpcnt.ones.xlane vm9  }
0x108: {  	vm11 =	vle.s32 v21, v5;
	v38 =	vmpcnt.ones.xlane vm10;
	v22 =	vadd.s32 v37, v22  }
0x109: {  	vm12 =	vle.s32 v21, v6;
	v22 =	vadd.s32 v23, v22;
	v23 =	vmpcnt.ones.xlane vm11  }
0x10a: {  	vm13 =	vle.s32 v21, v7;
	v39 =	vmpcnt.ones.xlane vm12;
	v22 =	vadd.s32 v38, v22  }
0x10b: {  	vm14 =	vle.s32 v21, v9;
	v22 =	vadd.s32 v23, v22;
	v23 =	vmpcnt.ones.xlane vm13  }
0x10c: {  	vm15 =	vle.s32 v21, v10;
	v40 =	vmpcnt.ones.xlane vm14;
	v22 =	vadd.s32 v39, v22  }
0x10d: {  	vm4 =	vle.s32 v21, v12;
	v22 =	vadd.s32 v23, v22;
	v23 =	vmpcnt.ones.xlane vm15  }
0x10e: {  	vm5 =	vle.s32 v21, v13;
	v41 =	vmpcnt.ones.xlane vm4;
	v22 =	vadd.s32 v40, v22  }
0x10f: {  	vm6 =	vle.s32 v21, v15;
	v22 =	vadd.s32 v23, v22;
	v23 =	vmpcnt.ones.xlane vm5  }
0x110: {  	v42 =	vmpcnt.ones.xlane vm6;
	vm7 =	vle.s32 v21, v16;
	v22 =	vadd.s32 v41, v22  }
0x111: {  	v22 =	vadd.s32 v23, v22;
	v23 =	vmpcnt.ones.xlane vm7  }
0x112: {  	v22 =	vadd.s32 v42, v22  }
0x113: {  	v22 =	vadd.s32 v23, v22  }
0x114: {  	vm8 =	vgt.s32 v22, $0x3F  }
0x115: {  	v20 =	vsel vm8, v21, v20  }
0x116: {  	v21 =	vor.u32 $0x80000, v20  }
0x117: {  	vm9 =	vle.s32 v21, v19;
	vm10 =	vle.s32 v21, v18  }
0x118: {  	vm11 =	vle.s32 v21, v17;
	v22 =	vmpcnt.ones.xlane vm9;
	v23 =	vmpcnt.ones.xlane vm10  }
0x119: {  	vm12 =	vle.s32 v21, v14;
	v43 =	vmpcnt.ones.xlane vm11  }
0x11a: {  	vm13 =	vle.s32 v21, v11;
	v22 =	vadd.s32 v22, v23;
	v23 =	vmpcnt.ones.xlane vm12  }
0x11b: {  	vm14 =	vle.s32 v21, v8;
	v44 =	vmpcnt.ones.xlane vm13;
	v22 =	vadd.s32 v43, v22  }
0x11c: {  	vm15 =	vle.s32 v21, v4;
	v22 =	vadd.s32 v23, v22;
	v23 =	vmpcnt.ones.xlane vm14  }
0x11d: {  	vm4 =	vle.s32 v21, v5;
	v45 =	vmpcnt.ones.xlane vm15;
	v22 =	vadd.s32 v44, v22  }
0x11e: {  	vm5 =	vle.s32 v21, v6;
	v22 =	vadd.s32 v23, v22;
	v23 =	vmpcnt.ones.xlane vm4  }
0x11f: {  	vm6 =	vle.s32 v21, v7;
	v46 =	vmpcnt.ones.xlane vm5;
	v22 =	vadd.s32 v45, v22  }
0x120: {  	vm7 =	vle.s32 v21, v9;
	v22 =	vadd.s32 v23, v22;
	v23 =	vmpcnt.ones.xlane vm6  }
0x121: {  	vm8 =	vle.s32 v21, v10;
	v47 =	vmpcnt.ones.xlane vm7;
	v22 =	vadd.s32 v46, v22  }
0x122: {  	vm9 =	vle.s32 v21, v12;
	v22 =	vadd.s32 v23, v22;
	v23 =	vmpcnt.ones.xlane vm8  }
0x123: {  	vm10 =	vle.s32 v21, v13;
	v48 =	vmpcnt.ones.xlane vm9;
	v22 =	vadd.s32 v47, v22  }
0x124: {  	vm11 =	vle.s32 v21, v15;
	v22 =	vadd.s32 v23, v22;
	v23 =	vmpcnt.ones.xlane vm10  }
0x125: {  	v49 =	vmpcnt.ones.xlane vm11;
	vm12 =	vle.s32 v21, v16;
	v22 =	vadd.s32 v48, v22  }
0x126: {  	v22 =	vadd.s32 v23, v22;
	v23 =	vmpcnt.ones.xlane vm12  }
0x127: {  	v22 =	vadd.s32 v49, v22  }
0x128: {  	v22 =	vadd.s32 v23, v22  }
0x129: {  	vm13 =	vgt.s32 v22, $0x3F  }
0x12a: {  	v20 =	vsel vm13, v21, v20  }
0x12b: {  	v21 =	vor.u32 $0x40000, v20  }
0x12c: {  	vm14 =	vle.s32 v21, v19;
	vm15 =	vle.s32 v21, v18  }
0x12d: {  	vm4 =	vle.s32 v21, v17;
	v22 =	vmpcnt.ones.xlane vm14;
	v23 =	vmpcnt.ones.xlane vm15  }
0x12e: {  	vm5 =	vle.s32 v21, v14;
	v50 =	vmpcnt.ones.xlane vm4  }
0x12f: {  	vm6 =	vle.s32 v21, v11;
	v22 =	vadd.s32 v22, v23;
	v23 =	vmpcnt.ones.xlane vm5  }
0x130: {  	vm7 =	vle.s32 v21, v8;
	v51 =	vmpcnt.ones.xlane vm6;
	v22 =	vadd.s32 v50, v22  }
0x131: {  	vm8 =	vle.s32 v21, v4;
	v22 =	vadd.s32 v23, v22;
	v23 =	vmpcnt.ones.xlane vm7  }
0x132: {  	vm9 =	vle.s32 v21, v5;
	v52 =	vmpcnt.ones.xlane vm8;
	v22 =	vadd.s32 v51, v22  }
0x133: {  	vm10 =	vle.s32 v21, v6;
	v22 =	vadd.s32 v23, v22;
	v23 =	vmpcnt.ones.xlane vm9  }
0x134: {  	vm11 =	vle.s32 v21, v7;
	v53 =	vmpcnt.ones.xlane vm10;
	v22 =	vadd.s32 v52, v22  }
0x135: {  	vm12 =	vle.s32 v21, v9;
	v22 =	vadd.s32 v23, v22;
	v23 =	vmpcnt.ones.xlane vm11  }
0x136: {  	vm13 =	vle.s32 v21, v10;
	v54 =	vmpcnt.ones.xlane vm12;
	v22 =	vadd.s32 v53, v22  }
0x137: {  	vm14 =	vle.s32 v21, v12;
	v22 =	vadd.s32 v23, v22;
	v23 =	vmpcnt.ones.xlane vm13  }
0x138: {  	vm15 =	vle.s32 v21, v13;
	v55 =	vmpcnt.ones.xlane vm14;
	v22 =	vadd.s32 v54, v22  }
0x139: {  	vm4 =	vle.s32 v21, v15;
	v22 =	vadd.s32 v23, v22;
	v23 =	vmpcnt.ones.xlane vm15  }
0x13a: {  	v56 =	vmpcnt.ones.xlane vm4;
	vm5 =	vle.s32 v21, v16;
	v22 =	vadd.s32 v55, v22  }
0x13b: {  	v22 =	vadd.s32 v23, v22;
	v23 =	vmpcnt.ones.xlane vm5  }
0x13c: {  	v22 =	vadd.s32 v56, v22  }
0x13d: {  	v22 =	vadd.s32 v23, v22  }
0x13e: {  	vm6 =	vgt.s32 v22, $0x3F  }
0x13f: {  	v20 =	vsel vm6, v21, v20  }
0x140: {  	v21 =	vor.u32 $0x20000, v20  }
0x141: {  	vm7 =	vle.s32 v21, v19;
	vm8 =	vle.s32 v21, v18  }
0x142: {  	vm9 =	vle.s32 v21, v17;
	v22 =	vmpcnt.ones.xlane vm7;
	v23 =	vmpcnt.ones.xlane vm8  }
0x143: {  	vm10 =	vle.s32 v21, v14;
	v57 =	vmpcnt.ones.xlane vm9  }
0x144: {  	vm11 =	vle.s32 v21, v11;
	v22 =	vadd.s32 v22, v23;
	v23 =	vmpcnt.ones.xlane vm10  }
0x145: {  	vm12 =	vle.s32 v21, v8;
	v58 =	vmpcnt.ones.xlane vm11;
	v22 =	vadd.s32 v57, v22  }
0x146: {  	vm13 =	vle.s32 v21, v4;
	v22 =	vadd.s32 v23, v22;
	v23 =	vmpcnt.ones.xlane vm12  }
0x147: {  	vm14 =	vle.s32 v21, v5;
	v59 =	vmpcnt.ones.xlane vm13;
	v22 =	vadd.s32 v58, v22  }
0x148: {  	vm15 =	vle.s32 v21, v6;
	v22 =	vadd.s32 v23, v22;
	v23 =	vmpcnt.ones.xlane vm14  }
0x149: {  	vm4 =	vle.s32 v21, v7;
	v60 =	vmpcnt.ones.xlane vm15;
	v22 =	vadd.s32 v59, v22  }
0x14a: {  	vm5 =	vle.s32 v21, v9;
	v22 =	vadd.s32 v23, v22;
	v23 =	vmpcnt.ones.xlane vm4  }
0x14b: {  	vm6 =	vle.s32 v21, v10;
	v61 =	vmpcnt.ones.xlane vm5;
	v22 =	vadd.s32 v60, v22  }
0x14c: {  	vm7 =	vle.s32 v21, v12;
	v22 =	vadd.s32 v23, v22;
	v23 =	vmpcnt.ones.xlane vm6  }
0x14d: {  	vm8 =	vle.s32 v21, v13;
	v62 =	vmpcnt.ones.xlane vm7;
	v22 =	vadd.s32 v61, v22  }
0x14e: {  	vm9 =	vle.s32 v21, v15;
	v22 =	vadd.s32 v23, v22;
	v23 =	vmpcnt.ones.xlane vm8  }
0x14f: {  	v63 =	vmpcnt.ones.xlane vm9;
	vm10 =	vle.s32 v21, v16;
	v22 =	vadd.s32 v62, v22  }
0x150: {  	v22 =	vadd.s32 v23, v22;
	v23 =	vmpcnt.ones.xlane vm10  }
0x151: {  	v22 =	vadd.s32 v63, v22  }
0x152: {  	v22 =	vadd.s32 v23, v22  }
0x153: {  	vm11 =	vgt.s32 v22, $0x3F  }
0x154: {  	v20 =	vsel vm11, v21, v20  }
0x155: {  	v21 =	vor.u32 $0x10000, v20  }
0x156: {  	vm12 =	vle.s32 v21, v19;
	vm13 =	vle.s32 v21, v18  }
0x157: {  	vm14 =	vle.s32 v21, v17;
	v22 =	vmpcnt.ones.xlane vm12;
	v23 =	vmpcnt.ones.xlane vm13  }
0x158: {  	vm15 =	vle.s32 v21, v14;
	v28 =	vmpcnt.ones.xlane vm14  }
0x159: {  	vm4 =	vle.s32 v21, v11;
	v22 =	vadd.s32 v22, v23;
	v23 =	vmpcnt.ones.xlane vm15  }
0x15a: {  	vm5 =	vle.s32 v21, v8;
	v29 =	vmpcnt.ones.xlane vm4;
	v22 =	vadd.s32 v28, v22  }
0x15b: {  	vm6 =	vle.s32 v21, v4;
	v22 =	vadd.s32 v23, v22;
	v23 =	vmpcnt.ones.xlane vm5  }
0x15c: {  	vm7 =	vle.s32 v21, v5;
	v30 =	vmpcnt.ones.xlane vm6;
	v22 =	vadd.s32 v29, v22  }
0x15d: {  	vm8 =	vle.s32 v21, v6;
	v22 =	vadd.s32 v23, v22;
	v23 =	vmpcnt.ones.xlane vm7  }
0x15e: {  	vm9 =	vle.s32 v21, v7;
	v31 =	vmpcnt.ones.xlane vm8;
	v22 =	vadd.s32 v30, v22  }
0x15f: {  	vm10 =	vle.s32 v21, v9;
	v22 =	vadd.s32 v23, v22;
	v23 =	vmpcnt.ones.xlane vm9  }
0x160: {  	vm11 =	vle.s32 v21, v10;
	v32 =	vmpcnt.ones.xlane vm10;
	v22 =	vadd.s32 v31, v22  }
0x161: {  	vm12 =	vle.s32 v21, v12;
	v22 =	vadd.s32 v23, v22;
	v23 =	vmpcnt.ones.xlane vm11  }
0x162: {  	vm13 =	vle.s32 v21, v13;
	v33 =	vmpcnt.ones.xlane vm12;
	v22 =	vadd.s32 v32, v22  }
0x163: {  	vm14 =	vle.s32 v21, v15;
	v22 =	vadd.s32 v23, v22;
	v23 =	vmpcnt.ones.xlane vm13  }
0x164: {  	v34 =	vmpcnt.ones.xlane vm14;
	vm15 =	vle.s32 v21, v16;
	v22 =	vadd.s32 v33, v22  }
0x165: {  	v22 =	vadd.s32 v23, v22;
	v23 =	vmpcnt.ones.xlane vm15  }
0x166: {  	v22 =	vadd.s32 v34, v22  }
0x167: {  	v22 =	vadd.s32 v23, v22  }
0x168: {  	vm4 =	vgt.s32 v22, $0x3F  }
0x169: {  	v20 =	vsel vm4, v21, v20  }
0x16a: {  	v21 =	vor.u32 $0x8000, v20  }
0x16b: {  	vm5 =	vle.s32 v21, v19;
	vm6 =	vle.s32 v21, v18  }
0x16c: {  	vm7 =	vle.s32 v21, v17;
	v22 =	vmpcnt.ones.xlane vm5;
	v23 =	vmpcnt.ones.xlane vm6  }
0x16d: {  	vm8 =	vle.s32 v21, v14;
	v35 =	vmpcnt.ones.xlane vm7  }
0x16e: {  	vm9 =	vle.s32 v21, v11;
	v22 =	vadd.s32 v22, v23;
	v23 =	vmpcnt.ones.xlane vm8  }
0x16f: {  	vm10 =	vle.s32 v21, v8;
	v36 =	vmpcnt.ones.xlane vm9;
	v22 =	vadd.s32 v35, v22  }
0x170: {  	vm11 =	vle.s32 v21, v4;
	v22 =	vadd.s32 v23, v22;
	v23 =	vmpcnt.ones.xlane vm10  }
0x171: {  	vm12 =	vle.s32 v21, v5;
	v37 =	vmpcnt.ones.xlane vm11;
	v22 =	vadd.s32 v36, v22  }
0x172: {  	vm13 =	vle.s32 v21, v6;
	v22 =	vadd.s32 v23, v22;
	v23 =	vmpcnt.ones.xlane vm12  }
0x173: {  	vm14 =	vle.s32 v21, v7;
	v38 =	vmpcnt.ones.xlane vm13;
	v22 =	vadd.s32 v37, v22  }
0x174: {  	vm15 =	vle.s32 v21, v9;
	v22 =	vadd.s32 v23, v22;
	v23 =	vmpcnt.ones.xlane vm14  }
0x175: {  	vm4 =	vle.s32 v21, v10;
	v39 =	vmpcnt.ones.xlane vm15;
	v22 =	vadd.s32 v38, v22  }
0x176: {  	vm5 =	vle.s32 v21, v12;
	v22 =	vadd.s32 v23, v22;
	v23 =	vmpcnt.ones.xlane vm4  }
0x177: {  	vm6 =	vle.s32 v21, v13;
	v40 =	vmpcnt.ones.xlane vm5;
	v22 =	vadd.s32 v39, v22  }
0x178: {  	vm7 =	vle.s32 v21, v15;
	v22 =	vadd.s32 v23, v22;
	v23 =	vmpcnt.ones.xlane vm6  }
0x179: {  	v41 =	vmpcnt.ones.xlane vm7;
	vm8 =	vle.s32 v21, v16;
	v22 =	vadd.s32 v40, v22  }
0x17a: {  	v22 =	vadd.s32 v23, v22;
	v23 =	vmpcnt.ones.xlane vm8  }
0x17b: {  	v22 =	vadd.s32 v41, v22  }
0x17c: {  	v22 =	vadd.s32 v23, v22  }
0x17d: {  	vm9 =	vgt.s32 v22, $0x3F  }
0x17e: {  	v20 =	vsel vm9, v21, v20  }
0x17f: {  	v21 =	vor.u32 $0x4000, v20  }
0x180: {  	vm10 =	vle.s32 v21, v19;
	vm11 =	vle.s32 v21, v18  }
0x181: {  	vm12 =	vle.s32 v21, v17;
	v22 =	vmpcnt.ones.xlane vm10;
	v23 =	vmpcnt.ones.xlane vm11  }
0x182: {  	vm13 =	vle.s32 v21, v14;
	v42 =	vmpcnt.ones.xlane vm12  }
0x183: {  	vm14 =	vle.s32 v21, v11;
	v22 =	vadd.s32 v22, v23;
	v23 =	vmpcnt.ones.xlane vm13  }
0x184: {  	vm15 =	vle.s32 v21, v8;
	v43 =	vmpcnt.ones.xlane vm14;
	v22 =	vadd.s32 v42, v22  }
0x185: {  	vm4 =	vle.s32 v21, v4;
	v22 =	vadd.s32 v23, v22;
	v23 =	vmpcnt.ones.xlane vm15  }
0x186: {  	vm5 =	vle.s32 v21, v5;
	v44 =	vmpcnt.ones.xlane vm4;
	v22 =	vadd.s32 v43, v22  }
0x187: {  	vm6 =	vle.s32 v21, v6;
	v22 =	vadd.s32 v23, v22;
	v23 =	vmpcnt.ones.xlane vm5  }
0x188: {  	vm7 =	vle.s32 v21, v7;
	v45 =	vmpcnt.ones.xlane vm6;
	v22 =	vadd.s32 v44, v22  }
0x189: {  	vm8 =	vle.s32 v21, v9;
	v22 =	vadd.s32 v23, v22;
	v23 =	vmpcnt.ones.xlane vm7  }
0x18a: {  	vm9 =	vle.s32 v21, v10;
	v46 =	vmpcnt.ones.xlane vm8;
	v22 =	vadd.s32 v45, v22  }
0x18b: {  	vm10 =	vle.s32 v21, v12;
	v22 =	vadd.s32 v23, v22;
	v23 =	vmpcnt.ones.xlane vm9  }
0x18c: {  	vm11 =	vle.s32 v21, v13;
	v47 =	vmpcnt.ones.xlane vm10;
	v22 =	vadd.s32 v46, v22  }
0x18d: {  	vm12 =	vle.s32 v21, v15;
	v22 =	vadd.s32 v23, v22;
	v23 =	vmpcnt.ones.xlane vm11  }
0x18e: {  	v48 =	vmpcnt.ones.xlane vm12;
	vm13 =	vle.s32 v21, v16;
	v22 =	vadd.s32 v47, v22  }
0x18f: {  	v22 =	vadd.s32 v23, v22;
	v23 =	vmpcnt.ones.xlane vm13  }
0x190: {  	v22 =	vadd.s32 v48, v22  }
0x191: {  	v22 =	vadd.s32 v23, v22  }
0x192: {  	vm14 =	vgt.s32 v22, $0x3F  }
0x193: {  	v20 =	vsel vm14, v21, v20  }
0x194: {  	v21 =	vor.u32 $0x2000, v20  }
0x195: {  	vm15 =	vle.s32 v21, v19;
	vm4 =	vle.s32 v21, v18  }
0x196: {  	vm5 =	vle.s32 v21, v17;
	v22 =	vmpcnt.ones.xlane vm15;
	v23 =	vmpcnt.ones.xlane vm4  }
0x197: {  	vm6 =	vle.s32 v21, v14;
	v49 =	vmpcnt.ones.xlane vm5  }
0x198: {  	vm7 =	vle.s32 v21, v11;
	v22 =	vadd.s32 v22, v23;
	v23 =	vmpcnt.ones.xlane vm6  }
0x199: {  	vm8 =	vle.s32 v21, v8;
	v50 =	vmpcnt.ones.xlane vm7;
	v22 =	vadd.s32 v49, v22  }
0x19a: {  	vm9 =	vle.s32 v21, v4;
	v22 =	vadd.s32 v23, v22;
	v23 =	vmpcnt.ones.xlane vm8  }
0x19b: {  	vm10 =	vle.s32 v21, v5;
	v51 =	vmpcnt.ones.xlane vm9;
	v22 =	vadd.s32 v50, v22  }
0x19c: {  	vm11 =	vle.s32 v21, v6;
	v22 =	vadd.s32 v23, v22;
	v23 =	vmpcnt.ones.xlane vm10  }
0x19d: {  	vm12 =	vle.s32 v21, v7;
	v52 =	vmpcnt.ones.xlane vm11;
	v22 =	vadd.s32 v51, v22  }
0x19e: {  	vm13 =	vle.s32 v21, v9;
	v22 =	vadd.s32 v23, v22;
	v23 =	vmpcnt.ones.xlane vm12  }
0x19f: {  	vm14 =	vle.s32 v21, v10;
	v53 =	vmpcnt.ones.xlane vm13;
	v22 =	vadd.s32 v52, v22  }
0x1a0: {  	vm15 =	vle.s32 v21, v12;
	v22 =	vadd.s32 v23, v22;
	v23 =	vmpcnt.ones.xlane vm14  }
0x1a1: {  	vm4 =	vle.s32 v21, v13;
	v54 =	vmpcnt.ones.xlane vm15;
	v22 =	vadd.s32 v53, v22  }
0x1a2: {  	vm5 =	vle.s32 v21, v15;
	v22 =	vadd.s32 v23, v22;
	v23 =	vmpcnt.ones.xlane vm4  }
0x1a3: {  	v55 =	vmpcnt.ones.xlane vm5;
	vm6 =	vle.s32 v21, v16;
	v22 =	vadd.s32 v54, v22  }
0x1a4: {  	v22 =	vadd.s32 v23, v22;
	v23 =	vmpcnt.ones.xlane vm6  }
0x1a5: {  	v22 =	vadd.s32 v55, v22  }
0x1a6: {  	v22 =	vadd.s32 v23, v22  }
0x1a7: {  	vm7 =	vgt.s32 v22, $0x3F  }
0x1a8: {  	v20 =	vsel vm7, v21, v20  }
0x1a9: {  	v21 =	vor.u32 $0x1000, v20  }
0x1aa: {  	vm8 =	vle.s32 v21, v19;
	vm9 =	vle.s32 v21, v18  }
0x1ab: {  	vm10 =	vle.s32 v21, v17;
	v22 =	vmpcnt.ones.xlane vm8;
	v23 =	vmpcnt.ones.xlane vm9  }
0x1ac: {  	vm11 =	vle.s32 v21, v14;
	v56 =	vmpcnt.ones.xlane vm10  }
0x1ad: {  	vm12 =	vle.s32 v21, v11;
	v22 =	vadd.s32 v22, v23;
	v23 =	vmpcnt.ones.xlane vm11  }
0x1ae: {  	vm13 =	vle.s32 v21, v8;
	v57 =	vmpcnt.ones.xlane vm12;
	v22 =	vadd.s32 v56, v22  }
0x1af: {  	vm14 =	vle.s32 v21, v4;
	v22 =	vadd.s32 v23, v22;
	v23 =	vmpcnt.ones.xlane vm13  }
0x1b0: {  	vm15 =	vle.s32 v21, v5;
	v58 =	vmpcnt.ones.xlane vm14;
	v22 =	vadd.s32 v57, v22  }
0x1b1: {  	vm4 =	vle.s32 v21, v6;
	v22 =	vadd.s32 v23, v22;
	v23 =	vmpcnt.ones.xlane vm15  }
0x1b2: {  	vm5 =	vle.s32 v21, v7;
	v59 =	vmpcnt.ones.xlane vm4;
	v22 =	vadd.s32 v58, v22  }
0x1b3: {  	vm6 =	vle.s32 v21, v9;
	v22 =	vadd.s32 v23, v22;
	v23 =	vmpcnt.ones.xlane vm5  }
0x1b4: {  	vm7 =	vle.s32 v21, v10;
	v60 =	vmpcnt.ones.xlane vm6;
	v22 =	vadd.s32 v59, v22  }
0x1b5: {  	vm8 =	vle.s32 v21, v12;
	v22 =	vadd.s32 v23, v22;
	v23 =	vmpcnt.ones.xlane vm7  }
0x1b6: {  	vm9 =	vle.s32 v21, v13;
	v61 =	vmpcnt.ones.xlane vm8;
	v22 =	vadd.s32 v60, v22  }
0x1b7: {  	vm10 =	vle.s32 v21, v15;
	v22 =	vadd.s32 v23, v22;
	v23 =	vmpcnt.ones.xlane vm9  }
0x1b8: {  	v62 =	vmpcnt.ones.xlane vm10;
	vm11 =	vle.s32 v21, v16;
	v22 =	vadd.s32 v61, v22  }
0x1b9: {  	v22 =	vadd.s32 v23, v22;
	v23 =	vmpcnt.ones.xlane vm11  }
0x1ba: {  	v22 =	vadd.s32 v62, v22  }
0x1bb: {  	v22 =	vadd.s32 v23, v22  }
0x1bc: {  	vm12 =	vgt.s32 v22, $0x3F  }
0x1bd: {  	v20 =	vsel vm12, v21, v20  }
0x1be: {  	v21 =	vor.u32 $0x800, v20  }
0x1bf: {  	vm13 =	vle.s32 v21, v19;
	vm14 =	vle.s32 v21, v18  }
0x1c0: {  	vm15 =	vle.s32 v21, v17;
	v22 =	vmpcnt.ones.xlane vm13;
	v23 =	vmpcnt.ones.xlane vm14  }
0x1c1: {  	vm4 =	vle.s32 v21, v14;
	v63 =	vmpcnt.ones.xlane vm15  }
0x1c2: {  	vm5 =	vle.s32 v21, v11;
	v22 =	vadd.s32 v22, v23;
	v23 =	vmpcnt.ones.xlane vm4  }
0x1c3: {  	vm6 =	vle.s32 v21, v8;
	v28 =	vmpcnt.ones.xlane vm5;
	v22 =	vadd.s32 v63, v22  }
0x1c4: {  	vm7 =	vle.s32 v21, v4;
	v22 =	vadd.s32 v23, v22;
	v23 =	vmpcnt.ones.xlane vm6  }
0x1c5: {  	vm8 =	vle.s32 v21, v5;
	v29 =	vmpcnt.ones.xlane vm7;
	v22 =	vadd.s32 v28, v22  }
0x1c6: {  	vm9 =	vle.s32 v21, v6;
	v22 =	vadd.s32 v23, v22;
	v23 =	vmpcnt.ones.xlane vm8  }
0x1c7: {  	vm10 =	vle.s32 v21, v7;
	v30 =	vmpcnt.ones.xlane vm9;
	v22 =	vadd.s32 v29, v22  }
0x1c8: {  	vm11 =	vle.s32 v21, v9;
	v22 =	vadd.s32 v23, v22;
	v23 =	vmpcnt.ones.xlane vm10  }
0x1c9: {  	vm12 =	vle.s32 v21, v10;
	v31 =	vmpcnt.ones.xlane vm11;
	v22 =	vadd.s32 v30, v22  }
0x1ca: {  	vm13 =	vle.s32 v21, v12;
	v22 =	vadd.s32 v23, v22;
	v23 =	vmpcnt.ones.xlane vm12  }
0x1cb: {  	vm14 =	vle.s32 v21, v13;
	v32 =	vmpcnt.ones.xlane vm13;
	v22 =	vadd.s32 v31, v22  }
0x1cc: {  	vm15 =	vle.s32 v21, v15;
	v22 =	vadd.s32 v23, v22;
	v23 =	vmpcnt.ones.xlane vm14  }
0x1cd: {  	v33 =	vmpcnt.ones.xlane vm15;
	vm4 =	vle.s32 v21, v16;
	v22 =	vadd.s32 v32, v22  }
0x1ce: {  	v22 =	vadd.s32 v23, v22;
	v23 =	vmpcnt.ones.xlane vm4  }
0x1cf: {  	v22 =	vadd.s32 v33, v22  }
0x1d0: {  	v22 =	vadd.s32 v23, v22  }
0x1d1: {  	vm5 =	vgt.s32 v22, $0x3F  }
0x1d2: {  	v20 =	vsel vm5, v21, v20  }
0x1d3: {  	v21 =	vor.u32 $0x400, v20  }
0x1d4: {  	vm6 =	vle.s32 v21, v19;
	vm7 =	vle.s32 v21, v18  }
0x1d5: {  	vm8 =	vle.s32 v21, v17;
	v22 =	vmpcnt.ones.xlane vm6;
	v23 =	vmpcnt.ones.xlane vm7  }
0x1d6: {  	vm9 =	vle.s32 v21, v14;
	v34 =	vmpcnt.ones.xlane vm8  }
0x1d7: {  	vm10 =	vle.s32 v21, v11;
	v22 =	vadd.s32 v22, v23;
	v23 =	vmpcnt.ones.xlane vm9  }
0x1d8: {  	vm11 =	vle.s32 v21, v8;
	v35 =	vmpcnt.ones.xlane vm10;
	v22 =	vadd.s32 v34, v22  }
0x1d9: {  	vm12 =	vle.s32 v21, v4;
	v22 =	vadd.s32 v23, v22;
	v23 =	vmpcnt.ones.xlane vm11  }
0x1da: {  	vm13 =	vle.s32 v21, v5;
	v36 =	vmpcnt.ones.xlane vm12;
	v22 =	vadd.s32 v35, v22  }
0x1db: {  	vm14 =	vle.s32 v21, v6;
	v22 =	vadd.s32 v23, v22;
	v23 =	vmpcnt.ones.xlane vm13  }
0x1dc: {  	vm15 =	vle.s32 v21, v7;
	v37 =	vmpcnt.ones.xlane vm14;
	v22 =	vadd.s32 v36, v22  }
0x1dd: {  	vm4 =	vle.s32 v21, v9;
	v22 =	vadd.s32 v23, v22;
	v23 =	vmpcnt.ones.xlane vm15  }
0x1de: {  	vm5 =	vle.s32 v21, v10;
	v38 =	vmpcnt.ones.xlane vm4;
	v22 =	vadd.s32 v37, v22  }
0x1df: {  	vm6 =	vle.s32 v21, v12;
	v22 =	vadd.s32 v23, v22;
	v23 =	vmpcnt.ones.xlane vm5  }
0x1e0: {  	vm7 =	vle.s32 v21, v13;
	v39 =	vmpcnt.ones.xlane vm6;
	v22 =	vadd.s32 v38, v22  }
0x1e1: {  	vm8 =	vle.s32 v21, v15;
	v22 =	vadd.s32 v23, v22;
	v23 =	vmpcnt.ones.xlane vm7  }
0x1e2: {  	v40 =	vmpcnt.ones.xlane vm8;
	vm9 =	vle.s32 v21, v16;
	v22 =	vadd.s32 v39, v22  }
0x1e3: {  	v22 =	vadd.s32 v23, v22;
	v23 =	vmpcnt.ones.xlane vm9  }
0x1e4: {  	v22 =	vadd.s32 v40, v22  }
0x1e5: {  	v22 =	vadd.s32 v23, v22  }
0x1e6: {  	vm10 =	vgt.s32 v22, $0x3F  }
0x1e7: {  	v20 =	vsel vm10, v21, v20  }
0x1e8: {  	v21 =	vor.u32 $0x200, v20  }
0x1e9: {  	vm11 =	vle.s32 v21, v19;
	vm12 =	vle.s32 v21, v18  }
0x1ea: {  	vm13 =	vle.s32 v21, v17;
	v22 =	vmpcnt.ones.xlane vm11;
	v23 =	vmpcnt.ones.xlane vm12  }
0x1eb: {  	vm14 =	vle.s32 v21, v14;
	v41 =	vmpcnt.ones.xlane vm13  }
0x1ec: {  	vm15 =	vle.s32 v21, v11;
	v22 =	vadd.s32 v22, v23;
	v23 =	vmpcnt.ones.xlane vm14  }
0x1ed: {  	vm4 =	vle.s32 v21, v8;
	v42 =	vmpcnt.ones.xlane vm15;
	v22 =	vadd.s32 v41, v22  }
0x1ee: {  	vm5 =	vle.s32 v21, v4;
	v22 =	vadd.s32 v23, v22;
	v23 =	vmpcnt.ones.xlane vm4  }
0x1ef: {  	vm6 =	vle.s32 v21, v5;
	v43 =	vmpcnt.ones.xlane vm5;
	v22 =	vadd.s32 v42, v22  }
0x1f0: {  	vm7 =	vle.s32 v21, v6;
	v22 =	vadd.s32 v23, v22;
	v23 =	vmpcnt.ones.xlane vm6  }
0x1f1: {  	vm8 =	vle.s32 v21, v7;
	v44 =	vmpcnt.ones.xlane vm7;
	v22 =	vadd.s32 v43, v22  }
0x1f2: {  	vm9 =	vle.s32 v21, v9;
	v22 =	vadd.s32 v23, v22;
	v23 =	vmpcnt.ones.xlane vm8  }
0x1f3: {  	vm10 =	vle.s32 v21, v10;
	v45 =	vmpcnt.ones.xlane vm9;
	v22 =	vadd.s32 v44, v22  }
0x1f4: {  	vm11 =	vle.s32 v21, v12;
	v22 =	vadd.s32 v23, v22;
	v23 =	vmpcnt.ones.xlane vm10  }
0x1f5: {  	vm12 =	vle.s32 v21, v13;
	v46 =	vmpcnt.ones.xlane vm11;
	v22 =	vadd.s32 v45, v22  }
0x1f6: {  	vm13 =	vle.s32 v21, v15;
	v22 =	vadd.s32 v23, v22;
	v23 =	vmpcnt.ones.xlane vm12  }
0x1f7: {  	v47 =	vmpcnt.ones.xlane vm13;
	vm14 =	vle.s32 v21, v16;
	v22 =	vadd.s32 v46, v22  }
0x1f8: {  	v22 =	vadd.s32 v23, v22;
	v23 =	vmpcnt.ones.xlane vm14  }
0x1f9: {  	v22 =	vadd.s32 v47, v22  }
0x1fa: {  	v22 =	vadd.s32 v23, v22  }
0x1fb: {  	vm15 =	vgt.s32 v22, $0x3F  }
0x1fc: {  	v20 =	vsel vm15, v21, v20  }
0x1fd: {  	v21 =	vor.u32 $0x100, v20  }
0x1fe: {  	vm4 =	vle.s32 v21, v19;
	vm5 =	vle.s32 v21, v18  }
0x1ff: {  	vm6 =	vle.s32 v21, v17;
	v22 =	vmpcnt.ones.xlane vm4;
	v23 =	vmpcnt.ones.xlane vm5  }
0x200: {  	vm7 =	vle.s32 v21, v14;
	v48 =	vmpcnt.ones.xlane vm6  }
0x201: {  	vm8 =	vle.s32 v21, v11;
	v22 =	vadd.s32 v22, v23;
	v23 =	vmpcnt.ones.xlane vm7  }
0x202: {  	vm9 =	vle.s32 v21, v8;
	v49 =	vmpcnt.ones.xlane vm8;
	v22 =	vadd.s32 v48, v22  }
0x203: {  	vm10 =	vle.s32 v21, v4;
	v22 =	vadd.s32 v23, v22;
	v23 =	vmpcnt.ones.xlane vm9  }
0x204: {  	vm11 =	vle.s32 v21, v5;
	v50 =	vmpcnt.ones.xlane vm10;
	v22 =	vadd.s32 v49, v22  }
0x205: {  	vm12 =	vle.s32 v21, v6;
	v22 =	vadd.s32 v23, v22;
	v23 =	vmpcnt.ones.xlane vm11  }
0x206: {  	vm13 =	vle.s32 v21, v7;
	v51 =	vmpcnt.ones.xlane vm12;
	v22 =	vadd.s32 v50, v22  }
0x207: {  	vm14 =	vle.s32 v21, v9;
	v22 =	vadd.s32 v23, v22;
	v23 =	vmpcnt.ones.xlane vm13  }
0x208: {  	vm15 =	vle.s32 v21, v10;
	v52 =	vmpcnt.ones.xlane vm14;
	v22 =	vadd.s32 v51, v22  }
0x209: {  	vm4 =	vle.s32 v21, v12;
	v22 =	vadd.s32 v23, v22;
	v23 =	vmpcnt.ones.xlane vm15  }
0x20a: {  	vm5 =	vle.s32 v21, v13;
	v53 =	vmpcnt.ones.xlane vm4;
	v22 =	vadd.s32 v52, v22  }
0x20b: {  	vm6 =	vle.s32 v21, v15;
	v22 =	vadd.s32 v23, v22;
	v23 =	vmpcnt.ones.xlane vm5  }
0x20c: {  	v54 =	vmpcnt.ones.xlane vm6;
	vm7 =	vle.s32 v21, v16;
	v22 =	vadd.s32 v53, v22  }
0x20d: {  	v22 =	vadd.s32 v23, v22;
	v23 =	vmpcnt.ones.xlane vm7  }
0x20e: {  	v22 =	vadd.s32 v54, v22  }
0x20f: {  	v22 =	vadd.s32 v23, v22  }
0x210: {  	vm8 =	vgt.s32 v22, $0x3F  }
0x211: {  	v20 =	vsel vm8, v21, v20  }
0x212: {  	v21 =	vor.u32 $0x80, v20  }
0x213: {  	vm9 =	vle.s32 v21, v19;
	vm10 =	vle.s32 v21, v18  }
0x214: {  	vm11 =	vle.s32 v21, v17;
	v22 =	vmpcnt.ones.xlane vm9;
	v23 =	vmpcnt.ones.xlane vm10  }
0x215: {  	vm12 =	vle.s32 v21, v14;
	v55 =	vmpcnt.ones.xlane vm11  }
0x216: {  	vm13 =	vle.s32 v21, v11;
	v22 =	vadd.s32 v22, v23;
	v23 =	vmpcnt.ones.xlane vm12  }
0x217: {  	vm14 =	vle.s32 v21, v8;
	v56 =	vmpcnt.ones.xlane vm13;
	v22 =	vadd.s32 v55, v22  }
0x218: {  	vm15 =	vle.s32 v21, v4;
	v22 =	vadd.s32 v23, v22;
	v23 =	vmpcnt.ones.xlane vm14  }
0x219: {  	vm4 =	vle.s32 v21, v5;
	v57 =	vmpcnt.ones.xlane vm15;
	v22 =	vadd.s32 v56, v22  }
0x21a: {  	vm5 =	vle.s32 v21, v6;
	v22 =	vadd.s32 v23, v22;
	v23 =	vmpcnt.ones.xlane vm4  }
0x21b: {  	vm6 =	vle.s32 v21, v7;
	v58 =	vmpcnt.ones.xlane vm5;
	v22 =	vadd.s32 v57, v22  }
0x21c: {  	vm7 =	vle.s32 v21, v9;
	v22 =	vadd.s32 v23, v22;
	v23 =	vmpcnt.ones.xlane vm6  }
0x21d: {  	vm8 =	vle.s32 v21, v10;
	v59 =	vmpcnt.ones.xlane vm7;
	v22 =	vadd.s32 v58, v22  }
0x21e: {  	vm9 =	vle.s32 v21, v12;
	v22 =	vadd.s32 v23, v22;
	v23 =	vmpcnt.ones.xlane vm8  }
0x21f: {  	vm10 =	vle.s32 v21, v13;
	v60 =	vmpcnt.ones.xlane vm9;
	v22 =	vadd.s32 v59, v22  }
0x220: {  	vm11 =	vle.s32 v21, v15;
	v22 =	vadd.s32 v23, v22;
	v23 =	vmpcnt.ones.xlane vm10  }
0x221: {  	v61 =	vmpcnt.ones.xlane vm11;
	vm12 =	vle.s32 v21, v16;
	v22 =	vadd.s32 v60, v22  }
0x222: {  	v22 =	vadd.s32 v23, v22;
	v23 =	vmpcnt.ones.xlane vm12  }
0x223: {  	p1 =	seq.s32 s19, $0x0;
	v22 =	vadd.s32 v61, v22  }
0x224: {  	s0 =	simm.s32 @!p1 $0x2;
	v22 =	vadd.s32 v23, v22  }
0x225: {  	_ =	swait.ge @!p1 [sflag:s0], $0x8000;
	vm13 =	vgt.s32 v22, $0x3F  }
0x226: {  	[sflag:s0] =	ssyncset.done @!p1 $0x0;
	v21 =	vsel vm13, v21, v20  }
0x227: {  	[sflag:s0] =	ssyncadd.s32 @!p1 $0xFFFF8000;
	v22 =	vor.u32 $0x40, v21  }
0x228: {  	v24 =	vld @!p1 [tilespmem:$0x18480];
	vm14 =	vle.s32 v22, v19;
	vm15 =	vle.s32 v22, v18  }
0x229: {  	vm4 =	vle.s32 v22, v17;
	v20 =	vmpcnt.ones.xlane vm14;
	v23 =	vmpcnt.ones.xlane vm15  }
0x22a: {  	vm5 =	vle.s32 v22, v14;
	vm6 =	vle.s32 v22, v11;
	v25 =	vmpcnt.ones.xlane vm4  }
0x22b: {  	vm7 =	vle.s32 v22, v8;
	v20 =	vadd.s32 v20, v23;
	v23 =	vmpcnt.ones.xlane vm5  }
0x22c: {  	vm8 =	vle.s32 v22, v4;
	v62 =	vmpcnt.ones.xlane vm6;
	v20 =	vadd.s32 v25, v20  }
0x22d: {  	vm9 =	vle.s32 v22, v5;
	v20 =	vadd.s32 v23, v20;
	v23 =	vmpcnt.ones.xlane vm7  }
0x22e: {  	vm10 =	vle.s32 v22, v6;
	v63 =	vmpcnt.ones.xlane vm8;
	v20 =	vadd.s32 v62, v20  }
0x22f: {  	s19 =	simm.s32 @!p1 $0x10000;
	v26 =	vmpcnt.ones.xlane vm9;
	v23 =	vadd.s32 v23, v20;
	v20 =	vimm.f32 @!p1 $0.0e+00  }
0x230: {  	vm11 =	vle.s32 v22, v7;
	v28 =	vmpcnt.ones.xlane vm10;
	v23 =	vadd.s32 v63, v23;
	[tilespmem:v24+s19+$0x0] =	vst.idx.msk @!p1 $0xffff, v20  }
0x231: {  	vm12 =	vle.s32 v22, v9;
	v29 =	vmpcnt.ones.xlane vm11;
	v23 =	vadd.s32 v26, v23;
	v26 =	vld @!p1 [tilespmem:$0x18490]  }
0x232: {  	vm13 =	vle.s32 v22, v10;
	v30 =	vmpcnt.ones.xlane vm12;
	v23 =	vadd.s32 v28, v23  }
0x233: {  	v31 =	vmpcnt.ones.xlane vm13;
	vm14 =	vle.s32 v22, v12;
	v23 =	vadd.s32 v29, v23  }
0x234: {  	vm15 =	vle.s32 v22, v13;
	v32 =	vmpcnt.ones.xlane vm14;
	v23 =	vadd.s32 v30, v23  }
0x235: {  	vm4 =	vle.s32 v22, v15;
	v33 =	vmpcnt.ones.xlane vm15;
	v23 =	vadd.s32 v31, v23  }
0x236: {  	v34 =	vmpcnt.ones.xlane vm4;
	vm5 =	vle.s32 v22, v16;
	v23 =	vadd.s32 v32, v23  }
0x237: {  	v35 =	vmpcnt.ones.xlane vm5;
	v23 =	vadd.s32 v33, v23  }
0x238: {  	v23 =	vadd.s32 v34, v23  }
0x239: {  	v23 =	vadd.s32 v35, v23;
	[tilespmem:v26+s19+$0x0] =	vst.idx.msk @!p1 $0xffff, v20  }
0x23a: {  	vm6 =	vgt.s32 v23, $0x3F;
	v23 =	vld @!p1 [tilespmem:$0x184A0]  }
0x23b: {  	v21 =	vsel vm6, v22, v21  }
0x23c: {  	v22 =	vor.u32 $0x20, v21  }
0x23d: {  	vm7 =	vle.s32 v22, v19;
	vm8 =	vle.s32 v22, v18  }
0x23e: {  	vm9 =	vle.s32 v22, v17;
	v36 =	vmpcnt.ones.xlane vm7;
	v37 =	vmpcnt.ones.xlane vm8  }
0x23f: {  	vm10 =	vle.s32 v22, v14;
	v38 =	vmpcnt.ones.xlane vm9  }
0x240: {  	vm11 =	vle.s32 v22, v11;
	v39 =	vmpcnt.ones.xlane vm10;
	v24 =	vadd.s32 v36, v37  }
0x241: {  	vm12 =	vle.s32 v22, v8;
	v40 =	vmpcnt.ones.xlane vm11;
	v24 =	vadd.s32 v38, v24  }
0x242: {  	vm13 =	vle.s32 v22, v4;
	v41 =	vmpcnt.ones.xlane vm12;
	v24 =	vadd.s32 v39, v24;
	[tilespmem:v23+s19+$0x0] =	vst.idx.msk @!p1 $0xffff, v20  }
0x243: {  	vm14 =	vle.s32 v22, v5;
	v42 =	vmpcnt.ones.xlane vm13;
	v23 =	vadd.s32 v40, v24;
	v26 =	vld @!p1 [tilespmem:$0x184B0]  }
0x244: {  	vm15 =	vle.s32 v22, v6;
	v43 =	vmpcnt.ones.xlane vm14;
	v23 =	vadd.s32 v41, v23  }
0x245: {  	vm4 =	vle.s32 v22, v7;
	v44 =	vmpcnt.ones.xlane vm15;
	v23 =	vadd.s32 v42, v23  }
0x246: {  	vm5 =	vle.s32 v22, v9;
	v45 =	vmpcnt.ones.xlane vm4;
	v23 =	vadd.s32 v43, v23  }
0x247: {  	vm6 =	vle.s32 v22, v10;
	v46 =	vmpcnt.ones.xlane vm5;
	v23 =	vadd.s32 v44, v23  }
0x248: {  	v47 =	vmpcnt.ones.xlane vm6;
	vm7 =	vle.s32 v22, v12;
	v23 =	vadd.s32 v45, v23  }
0x249: {  	vm8 =	vle.s32 v22, v13;
	v48 =	vmpcnt.ones.xlane vm7;
	v23 =	vadd.s32 v46, v23  }
0x24a: {  	vm9 =	vle.s32 v22, v15;
	v49 =	vmpcnt.ones.xlane vm8;
	v23 =	vadd.s32 v47, v23  }
0x24b: {  	vm10 =	vle.s32 v22, v16;
	v50 =	vmpcnt.ones.xlane vm9;
	v23 =	vadd.s32 v48, v23;
	[tilespmem:v26+s19+$0x0] =	vst.idx.msk @!p1 $0xffff, v20  }
0x24c: {  	v51 =	vmpcnt.ones.xlane vm10;
	v23 =	vadd.s32 v49, v23;
	v26 =	vld @!p1 [tilespmem:$0x184C0]  }
0x24d: {  	v23 =	vadd.s32 v50, v23  }
0x24e: {  	v23 =	vadd.s32 v51, v23  }
0x24f: {  	vm11 =	vgt.s32 v23, $0x3F  }
0x250: {  	v21 =	vsel vm11, v22, v21  }
0x251: {  	v22 =	vor.u32 $0x10, v21  }
0x252: {  	vm12 =	vle.s32 v22, v19;
	vm13 =	vle.s32 v22, v18  }
0x253: {  	vm14 =	vle.s32 v22, v17;
	v23 =	vmpcnt.ones.xlane vm12;
	v52 =	vmpcnt.ones.xlane vm13  }
0x254: {  	vm15 =	vle.s32 v22, v14;
	v53 =	vmpcnt.ones.xlane vm14;
	[tilespmem:v26+s19+$0x0] =	vst.idx.msk @!p1 $0xffff, v20  }
0x255: {  	vm4 =	vle.s32 v22, v11;
	v54 =	vmpcnt.ones.xlane vm15;
	v23 =	vadd.s32 v23, v52;
	v26 =	vld @!p1 [tilespmem:$0x184D0]  }
0x256: {  	vm5 =	vle.s32 v22, v8;
	v55 =	vmpcnt.ones.xlane vm4;
	v23 =	vadd.s32 v53, v23  }
0x257: {  	vm6 =	vle.s32 v22, v4;
	v56 =	vmpcnt.ones.xlane vm5;
	v23 =	vadd.s32 v54, v23  }
0x258: {  	vm7 =	vle.s32 v22, v5;
	v57 =	vmpcnt.ones.xlane vm6;
	v23 =	vadd.s32 v55, v23  }
0x259: {  	vm8 =	vle.s32 v22, v6;
	v58 =	vmpcnt.ones.xlane vm7;
	v23 =	vadd.s32 v56, v23  }
0x25a: {  	vm9 =	vle.s32 v22, v7;
	v59 =	vmpcnt.ones.xlane vm8;
	v23 =	vadd.s32 v57, v23  }
0x25b: {  	vm10 =	vle.s32 v22, v9;
	v60 =	vmpcnt.ones.xlane vm9;
	v23 =	vadd.s32 v58, v23  }
0x25c: {  	vm11 =	vle.s32 v22, v10;
	v61 =	vmpcnt.ones.xlane vm10;
	v23 =	vadd.s32 v59, v23  }
0x25d: {  	v62 =	vmpcnt.ones.xlane vm11;
	vm12 =	vle.s32 v22, v12;
	v23 =	vadd.s32 v60, v23;
	[tilespmem:v26+s19+$0x0] =	vst.idx.msk @!p1 $0xffff, v20  }
0x25e: {  	vm13 =	vle.s32 v22, v13;
	v63 =	vmpcnt.ones.xlane vm12;
	v23 =	vadd.s32 v61, v23;
	v26 =	vld @!p1 [tilespmem:$0x184E0]  }
0x25f: {  	vm14 =	vle.s32 v22, v15;
	v28 =	vmpcnt.ones.xlane vm13;
	v23 =	vadd.s32 v62, v23  }
0x260: {  	vm15 =	vle.s32 v22, v16;
	v29 =	vmpcnt.ones.xlane vm14;
	v23 =	vadd.s32 v63, v23  }
0x261: {  	v30 =	vmpcnt.ones.xlane vm15;
	v23 =	vadd.s32 v28, v23  }
0x262: {  	v23 =	vadd.s32 v29, v23  }
0x263: {  	v23 =	vadd.s32 v30, v23  }
0x264: {  	vm4 =	vgt.s32 v23, $0x3F  }
0x265: {  	v21 =	vsel vm4, v22, v21  }
0x266: {  	v22 =	vor.u32 $0x8, v21;
	[tilespmem:v26+s19+$0x0] =	vst.idx.msk @!p1 $0xffff, v20  }
0x267: {  	vm5 =	vle.s32 v22, v19;
	vm6 =	vle.s32 v22, v18;
	v23 =	vld @!p1 [tilespmem:$0x184F0]  }
0x268: {  	vm7 =	vle.s32 v22, v17;
	v31 =	vmpcnt.ones.xlane vm5;
	v32 =	vmpcnt.ones.xlane vm6  }
0x269: {  	vm8 =	vle.s32 v22, v14;
	v33 =	vmpcnt.ones.xlane vm7  }
0x26a: {  	vm9 =	vle.s32 v22, v11;
	v34 =	vmpcnt.ones.xlane vm8;
	v24 =	vadd.s32 v31, v32  }
0x26b: {  	vm10 =	vle.s32 v22, v8;
	v35 =	vmpcnt.ones.xlane vm9;
	v24 =	vadd.s32 v33, v24  }
0x26c: {  	vm11 =	vle.s32 v22, v4;
	v36 =	vmpcnt.ones.xlane vm10;
	v24 =	vadd.s32 v34, v24  }
0x26d: {  	vm12 =	vle.s32 v22, v5;
	v37 =	vmpcnt.ones.xlane vm11;
	v24 =	vadd.s32 v35, v24  }
0x26e: {  	vm13 =	vle.s32 v22, v6;
	v38 =	vmpcnt.ones.xlane vm12;
	v24 =	vadd.s32 v36, v24  }
0x26f: {  	vm14 =	vle.s32 v22, v7;
	v39 =	vmpcnt.ones.xlane vm13;
	v24 =	vadd.s32 v37, v24;
	[tilespmem:v23+s19+$0x0] =	vst.idx.msk @!p1 $0xffff, v20  }
0x270: {  	vm15 =	vle.s32 v22, v9;
	v40 =	vmpcnt.ones.xlane vm14;
	v23 =	vadd.s32 v38, v24;
	v25 =	vld @!p1 [tilespmem:$0x18500]  }
0x271: {  	vm4 =	vle.s32 v22, v10;
	v41 =	vmpcnt.ones.xlane vm15;
	v23 =	vadd.s32 v39, v23  }
0x272: {  	v42 =	vmpcnt.ones.xlane vm4;
	vm5 =	vle.s32 v22, v12;
	v23 =	vadd.s32 v40, v23  }
0x273: {  	vm6 =	vle.s32 v22, v13;
	v43 =	vmpcnt.ones.xlane vm5;
	v23 =	vadd.s32 v41, v23  }
0x274: {  	vm7 =	vle.s32 v22, v15;
	v44 =	vmpcnt.ones.xlane vm6;
	v23 =	vadd.s32 v42, v23  }
0x275: {  	vm8 =	vle.s32 v22, v16;
	v45 =	vmpcnt.ones.xlane vm7;
	v23 =	vadd.s32 v43, v23  }
0x276: {  	v46 =	vmpcnt.ones.xlane vm8;
	v23 =	vadd.s32 v44, v23  }
0x277: {  	v23 =	vadd.s32 v45, v23  }
0x278: {  	v23 =	vadd.s32 v46, v23;
	[tilespmem:v25+s19+$0x0] =	vst.idx.msk @!p1 $0xffff, v20  }
0x279: {  	vm9 =	vgt.s32 v23, $0x3F;
	v23 =	vld @!p1 [tilespmem:$0x18510]  }
0x27a: {  	v21 =	vsel vm9, v22, v21  }
0x27b: {  	v22 =	vor.u32 $0x4, v21  }
0x27c: {  	vm10 =	vle.s32 v22, v19;
	vm11 =	vle.s32 v22, v18  }
0x27d: {  	vm12 =	vle.s32 v22, v17;
	v47 =	vmpcnt.ones.xlane vm10;
	v48 =	vmpcnt.ones.xlane vm11  }
0x27e: {  	vm13 =	vle.s32 v22, v14;
	v49 =	vmpcnt.ones.xlane vm12  }
0x27f: {  	vm14 =	vle.s32 v22, v11;
	v50 =	vmpcnt.ones.xlane vm13;
	v24 =	vadd.s32 v47, v48  }
0x280: {  	vm15 =	vle.s32 v22, v8;
	v51 =	vmpcnt.ones.xlane vm14;
	v24 =	vadd.s32 v49, v24  }
0x281: {  	vm4 =	vle.s32 v22, v4;
	v52 =	vmpcnt.ones.xlane vm15;
	v24 =	vadd.s32 v50, v24;
	[tilespmem:v23+s19+$0x0] =	vst.idx.msk @!p1 $0xffff, v20  }
0x282: {  	vm5 =	vle.s32 v22, v5;
	v53 =	vmpcnt.ones.xlane vm4;
	v23 =	vadd.s32 v51, v24;
	v26 =	vld @!p1 [tilespmem:$0x18520]  }
0x283: {  	vm6 =	vle.s32 v22, v6;
	v54 =	vmpcnt.ones.xlane vm5;
	v23 =	vadd.s32 v52, v23  }
0x284: {  	vm7 =	vle.s32 v22, v7;
	v55 =	vmpcnt.ones.xlane vm6;
	v23 =	vadd.s32 v53, v23  }
0x285: {  	vm8 =	vle.s32 v22, v9;
	v56 =	vmpcnt.ones.xlane vm7;
	v23 =	vadd.s32 v54, v23  }
0x286: {  	vm9 =	vle.s32 v22, v10;
	v57 =	vmpcnt.ones.xlane vm8;
	v23 =	vadd.s32 v55, v23  }
0x287: {  	v58 =	vmpcnt.ones.xlane vm9;
	vm10 =	vle.s32 v22, v12;
	v23 =	vadd.s32 v56, v23  }
0x288: {  	vm11 =	vle.s32 v22, v13;
	v59 =	vmpcnt.ones.xlane vm10;
	v23 =	vadd.s32 v57, v23  }
0x289: {  	vm12 =	vle.s32 v22, v15;
	v60 =	vmpcnt.ones.xlane vm11;
	v23 =	vadd.s32 v58, v23  }
0x28a: {  	vm13 =	vle.s32 v22, v16;
	v61 =	vmpcnt.ones.xlane vm12;
	v23 =	vadd.s32 v59, v23;
	[tilespmem:v26+s19+$0x0] =	vst.idx.msk @!p1 $0xffff, v20  }
0x28b: {  	v62 =	vmpcnt.ones.xlane vm13;
	v23 =	vadd.s32 v60, v23;
	v26 =	vld @!p1 [tilespmem:$0x18530]  }
0x28c: {  	v23 =	vadd.s32 v61, v23  }
0x28d: {  	v23 =	vadd.s32 v62, v23  }
0x28e: {  	vm14 =	vgt.s32 v23, $0x3F  }
0x28f: {  	v21 =	vsel vm14, v22, v21  }
0x290: {  	v22 =	vor.u32 $0x2, v21  }
0x291: {  	vm15 =	vle.s32 v22, v19;
	vm4 =	vle.s32 v22, v18  }
0x292: {  	vm5 =	vle.s32 v22, v17;
	v23 =	vmpcnt.ones.xlane vm15;
	v63 =	vmpcnt.ones.xlane vm4  }
0x293: {  	vm6 =	vle.s32 v22, v14;
	v28 =	vmpcnt.ones.xlane vm5;
	[tilespmem:v26+s19+$0x0] =	vst.idx.msk @!p1 $0xffff, v20  }
0x294: {  	vm7 =	vle.s32 v22, v11;
	v29 =	vmpcnt.ones.xlane vm6;
	v23 =	vadd.s32 v23, v63;
	v26 =	vld @!p1 [tilespmem:$0x18540]  }
0x295: {  	vm8 =	vle.s32 v22, v8;
	v30 =	vmpcnt.ones.xlane vm7;
	v23 =	vadd.s32 v28, v23  }
0x296: {  	vm9 =	vle.s32 v22, v4;
	v31 =	vmpcnt.ones.xlane vm8;
	v23 =	vadd.s32 v29, v23  }
0x297: {  	vm10 =	vle.s32 v22, v5;
	v32 =	vmpcnt.ones.xlane vm9;
	v23 =	vadd.s32 v30, v23  }
0x298: {  	vm11 =	vle.s32 v22, v6;
	v33 =	vmpcnt.ones.xlane vm10;
	v23 =	vadd.s32 v31, v23  }
0x299: {  	vm12 =	vle.s32 v22, v7;
	v34 =	vmpcnt.ones.xlane vm11;
	v23 =	vadd.s32 v32, v23  }
0x29a: {  	vm13 =	vle.s32 v22, v9;
	v35 =	vmpcnt.ones.xlane vm12;
	v23 =	vadd.s32 v33, v23  }
0x29b: {  	vm14 =	vle.s32 v22, v10;
	v36 =	vmpcnt.ones.xlane vm13;
	v23 =	vadd.s32 v34, v23  }
0x29c: {  	v37 =	vmpcnt.ones.xlane vm14;
	vm15 =	vle.s32 v22, v12;
	v23 =	vadd.s32 v35, v23;
	[tilespmem:v26+s19+$0x0] =	vst.idx.msk @!p1 $0xffff, v20  }
0x29d: {  	vm4 =	vle.s32 v22, v13;
	v38 =	vmpcnt.ones.xlane vm15;
	v23 =	vadd.s32 v36, v23;
	v26 =	vld @!p1 [tilespmem:$0x18550]  }
0x29e: {  	vm5 =	vle.s32 v22, v15;
	v39 =	vmpcnt.ones.xlane vm4;
	v23 =	vadd.s32 v37, v23  }
0x29f: {  	vm6 =	vle.s32 v22, v16;
	v40 =	vmpcnt.ones.xlane vm5;
	v23 =	vadd.s32 v38, v23  }
0x2a0: {  	v41 =	vmpcnt.ones.xlane vm6;
	v23 =	vadd.s32 v39, v23  }
0x2a1: {  	v23 =	vadd.s32 v40, v23  }
0x2a2: {  	v23 =	vadd.s32 v41, v23  }
0x2a3: {  	vm7 =	vgt.s32 v23, $0x3F  }
0x2a4: {  	v21 =	vsel vm7, v22, v21  }
0x2a5: {  	v22 =	vor.u32 $0x1, v21;
	[tilespmem:v26+s19+$0x0] =	vst.idx.msk @!p1 $0xffff, v20  }
0x2a6: {  	vm8 =	vle.s32 v22, v19;
	vm9 =	vle.s32 v22, v18;
	v23 =	vld @!p1 [tilespmem:$0x18560]  }
0x2a7: {  	vm10 =	vle.s32 v22, v17;
	v42 =	vmpcnt.ones.xlane vm8;
	v43 =	vmpcnt.ones.xlane vm9  }
0x2a8: {  	vm11 =	vle.s32 v22, v14;
	v44 =	vmpcnt.ones.xlane vm10  }
0x2a9: {  	vm12 =	vle.s32 v22, v11;
	v45 =	vmpcnt.ones.xlane vm11;
	v24 =	vadd.s32 v42, v43  }
0x2aa: {  	vm13 =	vle.s32 v22, v8;
	v46 =	vmpcnt.ones.xlane vm12;
	v24 =	vadd.s32 v44, v24  }
0x2ab: {  	vm14 =	vle.s32 v22, v4;
	v47 =	vmpcnt.ones.xlane vm13;
	v24 =	vadd.s32 v45, v24  }
0x2ac: {  	vm15 =	vle.s32 v22, v5;
	v48 =	vmpcnt.ones.xlane vm14;
	v24 =	vadd.s32 v46, v24  }
0x2ad: {  	vm4 =	vle.s32 v22, v6;
	v49 =	vmpcnt.ones.xlane vm15;
	v24 =	vadd.s32 v47, v24  }
0x2ae: {  	vm5 =	vle.s32 v22, v7;
	v50 =	vmpcnt.ones.xlane vm4;
	v24 =	vadd.s32 v48, v24;
	[tilespmem:v23+s19+$0x0] =	vst.idx.msk @!p1 $0xffff, v20  }
0x2af: {  	vm6 =	vle.s32 v22, v9;
	v51 =	vmpcnt.ones.xlane vm5;
	v23 =	vadd.s32 v49, v24;
	v25 =	vld @!p1 [tilespmem:$0x18570]  }
0x2b0: {  	vm7 =	vle.s32 v22, v10;
	v52 =	vmpcnt.ones.xlane vm6;
	v23 =	vadd.s32 v50, v23  }
0x2b1: {  	v53 =	vmpcnt.ones.xlane vm7;
	vm8 =	vle.s32 v22, v12;
	v23 =	vadd.s32 v51, v23  }
0x2b2: {  	vm9 =	vle.s32 v22, v13;
	v54 =	vmpcnt.ones.xlane vm8;
	v23 =	vadd.s32 v52, v23  }
0x2b3: {  	vm10 =	vle.s32 v22, v15;
	v55 =	vmpcnt.ones.xlane vm9;
	v23 =	vadd.s32 v53, v23  }
0x2b4: {  	vm11 =	vle.s32 v22, v16;
	v56 =	vmpcnt.ones.xlane vm10;
	v23 =	vadd.s32 v54, v23  }
0x2b5: {  	v57 =	vmpcnt.ones.xlane vm11;
	v23 =	vadd.s32 v55, v23  }
0x2b6: {  	v23 =	vadd.s32 v56, v23  }
0x2b7: {  	[tilespmem:v25+s19+$0x0] =	vst.idx.msk @!p1 $0xffff, v20;
	v20 =	vadd.s32 v57, v23  }
0x2b8: {  	vm12 =	vgt.s32 v20, $0x3F;
	v23 =	vld [tilespmem:$0x18280]  }
0x2b9: {  	v20 =	vsel vm12, v22, v21  }
0x2ba: {  	vm0 =	vle.s32 v20, v19;
	_ =	sdelay $0x5  }
0x2bb: {  	[tilespmem:v23+s14+$0x0] =	vst.idx.msk vm0, v19  }
0x2bc: {  	v19 =	vld [tilespmem:$0x18290];
	_ =	sdelay $0x1  }
0x2bd: {  	vm13 =	vle.s32 v20, v18;
	_ =	sdelay $0x5  }
0x2be: {  	[tilespmem:v19+s14+$0x0] =	vst.idx.msk vm13, v18  }
0x2bf: {  	v18 =	vld [tilespmem:$0x182A0];
	_ =	sdelay $0x1  }
0x2c0: {  	vm14 =	vle.s32 v20, v17;
	_ =	sdelay $0x5  }
0x2c1: {  	[tilespmem:v18+s14+$0x0] =	vst.idx.msk vm14, v17  }
0x2c2: {  	v17 =	vld [tilespmem:$0x182B0];
	_ =	sdelay $0x1  }
0x2c3: {  	vm15 =	vle.s32 v20, v14;
	_ =	sdelay $0x5  }
0x2c4: {  	[tilespmem:v17+s14+$0x0] =	vst.idx.msk vm15, v14  }
0x2c5: {  	v14 =	vld [tilespmem:$0x182C0];
	_ =	sdelay $0x1  }
0x2c6: {  	vm4 =	vle.s32 v20, v11;
	_ =	sdelay $0x5  }
0x2c7: {  	[tilespmem:v14+s14+$0x0] =	vst.idx.msk vm4, v11  }
0x2c8: {  	v11 =	vld [tilespmem:$0x182D0];
	_ =	sdelay $0x1  }
0x2c9: {  	vm5 =	vle.s32 v20, v8;
	_ =	sdelay $0x5  }
0x2ca: {  	[tilespmem:v11+s14+$0x0] =	vst.idx.msk vm5, v8  }
0x2cb: {  	v8 =	vld [tilespmem:$0x182E0];
	_ =	sdelay $0x1  }
0x2cc: {  	vm6 =	vle.s32 v20, v4;
	_ =	sdelay $0x5  }
0x2cd: {  	[tilespmem:v8+s14+$0x0] =	vst.idx.msk vm6, v4  }
0x2ce: {  	v4 =	vld [tilespmem:$0x182F0];
	_ =	sdelay $0x1  }
0x2cf: {  	vm7 =	vle.s32 v20, v5;
	_ =	sdelay $0x5  }
0x2d0: {  	[tilespmem:v4+s14+$0x0] =	vst.idx.msk vm7, v5  }
0x2d1: {  	v4 =	vld [tilespmem:$0x18300];
	_ =	sdelay $0x1  }
0x2d2: {  	vm8 =	vle.s32 v20, v6;
	_ =	sdelay $0x5  }
0x2d3: {  	[tilespmem:v4+s14+$0x0] =	vst.idx.msk vm8, v6  }
0x2d4: {  	v4 =	vld [tilespmem:$0x18310];
	_ =	sdelay $0x1  }
0x2d5: {  	vm9 =	vle.s32 v20, v7;
	_ =	sdelay $0x5  }
0x2d6: {  	[tilespmem:v4+s14+$0x0] =	vst.idx.msk vm9, v7  }
0x2d7: {  	v4 =	vld [tilespmem:$0x18320];
	_ =	sdelay $0x1  }
0x2d8: {  	vm10 =	vle.s32 v20, v9;
	_ =	sdelay $0x5  }
0x2d9: {  	[tilespmem:v4+s14+$0x0] =	vst.idx.msk vm10, v9  }
0x2da: {  	v4 =	vld [tilespmem:$0x18330];
	_ =	sdelay $0x1  }
0x2db: {  	vm11 =	vle.s32 v20, v10;
	_ =	sdelay $0x5  }
0x2dc: {  	[tilespmem:v4+s14+$0x0] =	vst.idx.msk vm11, v10  }
0x2dd: {  	v4 =	vld [tilespmem:$0x18340];
	_ =	sdelay $0x1  }
0x2de: {  	vm12 =	vle.s32 v20, v12;
	_ =	sdelay $0x5  }
0x2df: {  	[tilespmem:v4+s14+$0x0] =	vst.idx.msk vm12, v12  }
0x2e0: {  	v4 =	vld [tilespmem:$0x18350];
	_ =	sdelay $0x1  }
0x2e1: {  	vm13 =	vle.s32 v20, v13;
	_ =	sdelay $0x5  }
0x2e2: {  	[tilespmem:v4+s14+$0x0] =	vst.idx.msk vm13, v13  }
0x2e3: {  	v4 =	vld [tilespmem:$0x18360];
	_ =	sdelay $0x1  }
0x2e4: {  	vm14 =	vle.s32 v20, v15;
	_ =	sdelay $0x5  }
0x2e5: {  	[tilespmem:v4+s14+$0x0] =	vst.idx.msk vm14, v15  }
0x2e6: {  	v4 =	vld [tilespmem:$0x18370];
	_ =	sdelay $0x1  }
0x2e7: {  	vm15 =	vle.s32 v20, v16;
	_ =	sdelay $0x5  }
0x2e8: {  	s31 =	sadd.s32 s18, s6;
	[tilespmem:v4+s14+$0x0] =	vst.idx.msk vm15, v16  }
0x2e9: {  	[hbm4b:s31+s8] =	stream.strided.scatter [tilespmem:s14], [sflag:$0x2], $0x8000, s9, s8, $0x38;
	[tilespmem:$0x18580] =	vst v63  }
0x2ea: {  	v4 =	vld [tilespmem:$0x18280]  }
0x2eb: {  	v5 =	vld [tilespmem:$0x18290]  }
0x2ec: {  	v6 =	vld [tilespmem:$0x182A0]  }
0x2ed: {  	v7 =	vld [tilespmem:$0x182B0]  }
0x2ee: {  	v8 =	vld [tilespmem:$0x182C0]  }
0x2ef: {  	[tilespmem:$0x18480] =	vst v4;
	v4 =	vld [tilespmem:$0x182D0]  }
0x2f0: {  	v58 =	vld [tilespmem:$0x182F0];
	[tilespmem:$0x18490] =	vst v5  }
0x2f1: {  	v59 =	vld [tilespmem:$0x18300];
	[tilespmem:$0x184A0] =	vst v6  }
0x2f2: {  	v60 =	vld [tilespmem:$0x18310];
	[tilespmem:$0x184B0] =	vst v7  }
0x2f3: {  	v5 =	vld [tilespmem:$0x182E0];
	[tilespmem:$0x184C0] =	vst v8  }
0x2f4: {  	[tilespmem:$0x184D0] =	vst v4;
	v4 =	vld [tilespmem:$0x18320]  }
0x2f5: {  	v61 =	vld [tilespmem:$0x18340];
	[tilespmem:$0x184F0] =	vst v58  }
0x2f6: {  	v62 =	vld [tilespmem:$0x18350];
	[tilespmem:$0x18500] =	vst v59  }
0x2f7: {  	v63 =	vld [tilespmem:$0x18360];
	[tilespmem:$0x18510] =	vst v60  }
0x2f8: {  	[tilespmem:$0x184E0] =	vst v5;
	v5 =	vld [tilespmem:$0x18330]  }
0x2f9: {  	p1 =	sne.s32 s17, $0x4;
	[tilespmem:$0x18520] =	vst v4;
	v4 =	vld [tilespmem:$0x18370]  }
.Ltmp4:
0x2fa: {  	[tilespmem:$0x18540] =	vst v61;
	(pc) =	sbr.rel @!p1 .LBB2_31-.Ltmp4, $4  }
0x2fb: {  	[tilespmem:$0x18550] =	vst v62  }
0x2fc: {  	[tilespmem:$0x18560] =	vst v63  }
0x2fd: {  	[tilespmem:$0x18530] =	vst v5  }
0x2fe: {  	p0 =	por !p0, !p0;
	[tilespmem:$0x18570] =	vst v4  }
.LBB2_4:
0x2ff: {  	s19 =	smov.u32 s17  }
0x300: {  	s0 =	sadd.s32 s4, s17;
	_ =	swait.ge [sflag:s10], $0x8000;
	p1 =	seq.s32 s17, $0x3  }
0x301: {  	s17 =	sadd.s32 $0x1, s17;
	[sflag:s10] =	ssyncset.done $0x0;
	s3 =	sadd.s32 @!p1 $0x1, s0  }
0x302: {  	s18 =	sshll.u32 @!p1 s17, $0xF;
	[sflag:s10] =	ssyncadd.s32 $0xFFFF8000;
	s5 =	sshll.u32 @!p1 s3, $0x4  }
0x303: {  	s3 =	sshll.u32 @!p1 s3, $0xC;
	s5 =	sand.u32 @!p1 $0x70, s5;
	s1 =	rddreg [dreg:$0x0]  }
0x304: {  	s20 =	simm.s32 @!p1 $0x400;
	s3 =	sand.u32 @!p1 $0xFFF8000, s3;
	s5 =	sadd.s32 @!p1 s1, s5  }
0x305: {  	s18 =	sand.u32 @!p1 $0x8000, s18;
	s3 =	sadd.s32 @!p1 s3, s5;
	s5 =	simm.s32 @!p1 $0x80  }
0x306: {  	[tilespmem:s18], [sflag:$0x1] =	stream.strided.gather @!p1 [hbm4b:s3+s5], $0x8000, s20, s5, $0x38;
	[tilespmem:$0x18580] =	vst v63  }
0x307: {  	[tilespmem:$0x18080] =	vst v2  }
0x308: {  	[tilespmem:$0x18090] =	vst v2  }
0x309: {  	[tilespmem:$0x180A0] =	vst v2  }
0x30a: {  	[tilespmem:$0x180B0] =	vst v2  }
0x30b: {  	[tilespmem:$0x180C0] =	vst v2  }
0x30c: {  	[tilespmem:$0x180D0] =	vst v2  }
0x30d: {  	[tilespmem:$0x180E0] =	vst v2  }
0x30e: {  	[tilespmem:$0x180F0] =	vst v2  }
0x30f: {  	[tilespmem:$0x18100] =	vst v2  }
0x310: {  	[tilespmem:$0x18110] =	vst v2  }
0x311: {  	[tilespmem:$0x18120] =	vst v2  }
0x312: {  	[tilespmem:$0x18130] =	vst v2  }
0x313: {  	[tilespmem:$0x18140] =	vst v2  }
0x314: {  	[tilespmem:$0x18150] =	vst v2  }
0x315: {  	[tilespmem:$0x18160] =	vst v2  }
0x316: {  	[tilespmem:$0x18170] =	vst v2  }
0x317: {  	[tilespmem:$0x18180] =	vst v2  }
0x318: {  	[tilespmem:$0x18190] =	vst v2  }
0x319: {  	[tilespmem:$0x181A0] =	vst v2  }
0x31a: {  	[tilespmem:$0x181B0] =	vst v2  }
0x31b: {  	[tilespmem:$0x181C0] =	vst v2  }
0x31c: {  	[tilespmem:$0x181D0] =	vst v2  }
0x31d: {  	[tilespmem:$0x181E0] =	vst v2  }
0x31e: {  	[tilespmem:$0x181F0] =	vst v2  }
0x31f: {  	[tilespmem:$0x18200] =	vst v2  }
0x320: {  	[tilespmem:$0x18210] =	vst v2  }
0x321: {  	[tilespmem:$0x18220] =	vst v2  }
0x322: {  	[tilespmem:$0x18230] =	vst v2  }
0x323: {  	s3 =	simm.s32 $0x1;
	[tilespmem:$0x18240] =	vst v2  }
0x324: {  	s3 =	simm.s32 @!p0 $0x0;
	[tilespmem:$0x18250] =	vst v2  }
0x325: {  	[tilespmem:$0x18260] =	vst v2;
	s3 =	sshll.u32 s3, $0xF  }
0x326: {  	[tilespmem:$0x18270] =	vst v2;
	s20 =	sor.u32 $0x80, s3  }
0x327: {  	v6 =	vld [tilespmem:s20+$0xFFFFFF90]  }
0x328: {  	v7 =	vld [tilespmem:s20+$0x30]  }
0x329: {  	v8 =	vld [tilespmem:s20+$0x20]  }
0x32a: {  	v9 =	vld [tilespmem:s20+$0x0]  }
0x32b: {  	v10 =	vld [tilespmem:s20+$0xFFFFFFE0]  }
0x32c: {  	v11 =	vld [tilespmem:s20+$0x10]  }
0x32d: {  	v12 =	vld [tilespmem:s20+$0xFFFFFFA0]  }
0x32e: {  	v14 =	vld [tilespmem:s20+$0xFFFFFF80]  }
0x32f: {  	v5 =	vmul.f32 $9.375000000e-01, v20;
	v13 =	vlaneseq.u32;
	s25 =	simm.s32 $0x60;
	s22 =	sshll.u32 s19, $0xF;
	v15 =	vld [tilespmem:s20+$0xFFFFFFD0]  }
0x330: {  	v16 =	vand.u32 $0x1FF, v13;
	v19 =	vor.u32 s25, v0;
	s5 =	sand.u32 $0x8000, s22;
	s22 =	simm.s32 $0x40;
	v17 =	vld [tilespmem:s20+$0xFFFFFFB0]  }
0x331: {  	s23 =	simm.s32 $0x80;
	v4 =	vmov s5;
	v18 =	vor.u32 s22, v0;
	v20 =	vld [tilespmem:s20+$0xFFFFFFF0];
	vm10 =	vge.f32 v6, v5  }
0x332: {  	s24 =	simm.s32 $0x50;
	v6 =	vor.u32 s23, v0;
	vm0 =	vge.f32 v7, v5;
	vm1 =	vge.f32 v8, v5  }
0x333: {  	s21 =	simm.s32 $0x10;
	vm9 =	vge.f32 v10, v5;
	v8 =	vor.u32 s24, v0;
	vm5 =	vge.f32 v11, v5  }
0x334: {  	s26 =	simm.s32 $0x0;
	v10 =	vld [tilespmem:s20+$0xFFFFFFC0];
	v11 =	vor.u32 s21, v0;
	vm7 =	vge.f32 v9, v5;
	vm12 =	vge.f32 v14, v5  }
0x335: {  	v14 =	vor.u32 s26, v0;
	vm3 =	vge.f32 v12, v5;
	vm8 =	vge.f32 v15, v5  }
0x336: {  	vm6 =	vge.f32 v17, v5;
	v17 =	vld [tilespmem:s20+$0x40];
	vm4 =	vge.f32 v20, v5;
	v9 =	vsel vm12, $0x10, v2  }
0x337: {  	v7 =	vsel vm10, $0x10, v2;
	v12 =	vsel vm3, $0x10, v2;
	v13 =	vadd.s32 v13, v9  }
0x338: {  	v15 =	vsel vm8, $0x10, v2;
	v9 =	vadd.s32 v13, v7;
	v13 =	vand.u32 $0x1FF, v13  }
0x339: {  	v7 =	vsel vm6, $0x10, v2;
	v21 =	vadd.s32 v9, v12;
	vm11 =	vge.f32 v10, v5  }
0x33a: {  	v20 =	vsel vm4, $0x10, v2;
	v7 =	vadd.s32 v21, v7;
	v12 =	vsel vm11, $0x10, v2  }
0x33b: {  	v10 =	vsel vm7, $0x10, v2;
	vm2 =	vge.f32 v17, v5;
	v12 =	vadd.s32 v7, v12  }
0x33c: {  	v22 =	vand.u32 $0x1FF, v7;
	v7 =	vadd.s32 v12, v15;
	v15 =	vsel vm9, $0x10, v2  }
0x33d: {  	v17 =	vsel vm5, $0x10, v2;
	v15 =	vadd.s32 v7, v15;
	v23 =	vand.u32 $0x1FF, v7  }
0x33e: {  	s30 =	simm.s32 $0x0;
	s31 =	simm.s32 $0x1F0;
	s0 =	sshll.u32 s0, $0x4;
	v12 =	vand.u32 $0x1FF, v12;
	[tilespmem:v13+s11+$0x0] =	vst.idx.msk vm10, v11;
	v11 =	vand.u32 $0x1FF, v21;
	v20 =	vadd.s32 v15, v20  }
0x33f: {  	s18 =	sand.u32 $0x70, s0;
	s0 =	simm.s32 $0xF0;
	s22 =	sor.u32 $0x6070, s3;
	[tilespmem:v16+s11+$0x0] =	vst.idx.msk vm12, v14;
	v7 =	vand.u32 $0x1FF, v15;
	v16 =	vand.u32 $0x1FF, v20;
	v10 =	vadd.s32 v20, v10  }
0x340: {  	s25 =	sor.u32 $0x3070, s3;
	s28 =	sor.u32 $0x1070, s3;
	s29 =	sor.u32 $0x40, s3;
	v13 =	vld [tilespmem:s20+$0x60];
	v15 =	vsel vm1, $0x10, v2;
	v14 =	vand.u32 $0x1FF, v10;
	v10 =	vadd.s32 v10, v17  }
0x341: {  	s5 =	sadd.s32 $0x100, s20;
	s21 =	sor.u32 $0x7070, s3;
	s23 =	sor.u32 $0x5070, s3;
	v20 =	vsel vm0, $0x10, v2;
	[tilespmem:v22+s11+$0x0] =	vst.idx.msk vm11, v18;
	v18 =	vld [tilespmem:s20+$0x70];
	v17 =	vand.u32 $0x1FF, v10;
	v10 =	vadd.s32 v10, v15  }
0x342: {  	s24 =	sor.u32 $0x4070, s3;
	s26 =	sor.u32 $0x2070, s3;
	s3 =	simm.s32 $0x90;
	v15 =	vsel vm2, $0x10, v2;
	[tilespmem:v23+s11+$0x0] =	vst.idx.msk vm9, v19;
	v19 =	vand.u32 $0x1FF, v10;
	v10 =	vadd.s32 v10, v20;
	v20 =	vld [tilespmem:s20+$0x50]  }
.LBB2_5:
0x343: {  	v21 =	vld [tilespmem:s5+$0xFFFFFF90];
	s7 =	sadd.s32 $0xFFFFFF90, s31;
	s15 =	sadd.s32 $0xFFFFFFA0, s31;
	s30 =	sadd.s32 $0x10, s30;
	v9 =	vand.u32 $0x1FF, v9;
	[tilespmem:v12+s11+$0x0] =	vst.idx.msk vm8, v8  }
0x344: {  	s16 =	sadd.s32 $0xFFFFFF30, s0;
	v12 =	vor.u32 s3, v0;
	s3 =	sadd.s32 $0xFFFFFFB0, s0;
	v8 =	vld [tilespmem:s5+$0x30];
	p1 =	slt.u32 s30, $0x7F0;
	[tilespmem:v16+s11+$0x0] =	vst.idx.msk vm7, v6;
	v6 =	vor.u32 s7, v0  }
0x345: {  	v22 =	vor.u32 s16, v0;
	s7 =	sadd.s32 $0xFFFFFF40, s0;
	s16 =	sadd.s32 $0xFFFFFFC0, s0;
	v16 =	vld [tilespmem:s5+$0x20];
	[tilespmem:v14+s11+$0x0] =	vst.idx.msk vm5, v12;
	v12 =	vor.u32 s3, v0;
	s3 =	smov.u32 s15  }
0x346: {  	v23 =	vor.u32 s7, v0;
	v14 =	vld [tilespmem:s5+$0x0];
	[tilespmem:v17+s11+$0x0] =	vst.idx.msk vm1, v12;
	v12 =	vor.u32 s16, v0;
	vm11 =	vge.f32 v18, v5  }
0x347: {  	vm7 =	vge.f32 v13, v5;
	v17 =	vld [tilespmem:s5+$0x10];
	[tilespmem:v19+s11+$0x0] =	vst.idx.msk vm0, v12;
	vm8 =	vge.f32 v20, v5;
	v12 =	vsel vm11, $0x10, v2  }
0x348: {  	vm9 =	vge.f32 v21, v5;
	v13 =	vld [tilespmem:s5+$0xFFFFFFF0];
	[tilespmem:v11+s11+$0x0] =	vst.idx.msk vm6, v23;
	v11 =	vadd.s32 v10, v15;
	v15 =	vsel vm8, $0x10, v2  }
0x349: {  	v18 =	vld [tilespmem:s5+$0xFFFFFFE0];
	vm0 =	vge.f32 v8, v5;
	[tilespmem:v9+s11+$0x0] =	vst.idx.msk vm3, v22;
	v8 =	vadd.s32 v11, v15;
	v9 =	vsel vm7, $0x10, v2  }
0x34a: {  	v11 =	vand.u32 $0x1FF, v11;
	v15 =	vld [tilespmem:s5+$0xFFFFFFC0];
	v19 =	vand.u32 $0x1FF, v8;
	v8 =	vadd.s32 v8, v9  }
0x34b: {  	s7 =	sadd.s32 $0xFFFFFFD0, s0;
	v9 =	vsel vm9, $0x10, v2;
	v20 =	vld [tilespmem:s5+$0xFFFFFFA0];
	v21 =	vand.u32 $0x1FF, v8;
	v12 =	vadd.s32 v8, v12  }
0x34c: {  	s15 =	sadd.s32 $0xFFFFFF80, s0;
	vm1 =	vge.f32 v16, v5;
	v16 =	vor.u32 s7, v0;
	s7 =	sadd.s32 $0xFFFFFFE0, s0;
	v22 =	vld [tilespmem:s5+$0xFFFFFF80];
	v23 =	vand.u32 $0x1FF, v12  }
0x34d: {  	v10 =	vand.u32 $0x1FF, v10;
	v8 =	vor.u32 s15, v0;
	v25 =	vor.u32 s7, v0;
	s7 =	sadd.s32 $0xFFFFFFF0, s0;
	v24 =	vld [tilespmem:s5+$0xFFFFFFD0]  }
0x34e: {  	s16 =	sadd.s32 $0xFFFFFF70, s31;
	s15 =	sadd.s32 $0xFFFFFF60, s31;
	v26 =	vld [tilespmem:s5+$0xFFFFFFB0];
	vm10 =	vge.f32 v18, v5;
	[tilespmem:v7+s11+$0x0] =	vst.idx.msk vm4, v8;
	v7 =	vor.u32 s7, v0;
	v18 =	vor.u32 s0, v0;
	s0 =	smov.u32 s31  }
0x34f: {  	s1 =	sadd.s32 $0xFFFFFF50, s31;
	v27 =	vor.u32 s16, v0;
	vm5 =	vge.f32 v17, v5;
	s7 =	sadd.s32 $0xFFFFFF20, s31;
	v8 =	vor.u32 s15, v0;
	[tilespmem:v19+s11+$0x0] =	vst.idx.msk vm7, v7  }
0x350: {  	v17 =	vor.u32 s1, v0;
	s15 =	sadd.s32 $0xFFFFFF10, s31;
	v7 =	vor.u32 s7, v0;
	vm7 =	vge.f32 v14, v5;
	[tilespmem:v21+s11+$0x0] =	vst.idx.msk vm11, v18  }
0x351: {  	v14 =	vor.u32 s15, v0;
	vm3 =	vge.f32 v20, v5;
	vm12 =	vge.f32 v22, v5;
	[tilespmem:v11+s11+$0x0] =	vst.idx.msk vm8, v25  }
0x352: {  	v18 =	vsel vm3, $0x10, v2;
	v11 =	vsel vm12, $0x10, v2;
	vm8 =	vge.f32 v24, v5;
	[tilespmem:v10+s11+$0x0] =	vst.idx.msk vm2, v16  }
0x353: {  	v10 =	vadd.s32 v12, v11;
	vm6 =	vge.f32 v26, v5;
	v11 =	vsel vm8, $0x10, v2  }
0x354: {  	vm11 =	vge.f32 v15, v5;
	v15 =	vsel vm7, $0x10, v2;
	v9 =	vadd.s32 v10, v9  }
0x355: {  	v10 =	vand.u32 $0x1FF, v10;
	v12 =	vsel vm6, $0x10, v2;
	v19 =	vadd.s32 v9, v18;
	v16 =	vld [tilespmem:s5+$0x40]  }
0x356: {  	vm4 =	vge.f32 v13, v5;
	v18 =	vsel vm11, $0x10, v2;
	v12 =	vadd.s32 v19, v12  }
0x357: {  	[tilespmem:v23+s11+$0x0] =	vst.idx.msk vm12, v14;
	v13 =	vadd.s32 v12, v18;
	v14 =	vsel vm4, $0x10, v2;
	v18 =	vsel vm5, $0x10, v2  }
0x358: {  	v21 =	vsel vm10, $0x10, v2;
	v20 =	vand.u32 $0x1FF, v12;
	v11 =	vadd.s32 v13, v11  }
0x359: {  	v12 =	vand.u32 $0x1FF, v13;
	v22 =	vand.u32 $0x1FF, v11;
	v11 =	vadd.s32 v11, v21  }
.Ltmp5:
0x35a: {  	[tilespmem:v10+s11+$0x0] =	vst.idx.msk vm9, v7;
	v7 =	vand.u32 $0x1FF, v11;
	v10 =	vadd.s32 v11, v14;
	vm2 =	vge.f32 v16, v5;
	(pc) =	sbr.rel @p1 .LBB2_5-.Ltmp5, $4  }
0x35b: {  	v11 =	vsel vm1, $0x10, v2;
	v16 =	vand.u32 $0x1FF, v10;
	v10 =	vadd.s32 v10, v15  }
0x35c: {  	v21 =	vsel vm0, $0x10, v2;
	v14 =	vand.u32 $0x1FF, v10;
	v10 =	vadd.s32 v10, v18;
	v13 =	vld [tilespmem:s5+$0x60]  }
0x35d: {  	v15 =	vsel vm2, $0x10, v2;
	[tilespmem:v20+s11+$0x0] =	vst.idx.msk vm11, v17;
	v17 =	vand.u32 $0x1FF, v10;
	v10 =	vadd.s32 v10, v11;
	v18 =	vld [tilespmem:s5+$0x70]  }
0x35e: {  	s31 =	sadd.s32 $0x100, s31;
	v11 =	vand.u32 $0x1FF, v19;
	[tilespmem:v22+s11+$0x0] =	vst.idx.msk vm10, v27;
	v19 =	vand.u32 $0x1FF, v10;
	v10 =	vadd.s32 v10, v21;
	v20 =	vld [tilespmem:s5+$0x50];
	s5 =	sadd.s32 $0x100, s5  }
0x35f: {  	_ =	sdelay $0x4  }
0x360: {  	v9 =	vand.u32 $0x1FF, v9;
	[tilespmem:v12+s11+$0x0] =	vst.idx.msk vm8, v8  }
0x361: {  	s1 =	sadd.s32 $0xFFFFFFB0, s0;
	v8 =	vor.u32 s3, v0;
	[tilespmem:v16+s11+$0x0] =	vst.idx.msk vm7, v6;
	v6 =	vadd.s32 v10, v15;
	vm8 =	vge.f32 v20, v5  }
0x362: {  	s5 =	sadd.s32 $0xFFFFFFC0, s0;
	v12 =	vor.u32 s1, v0;
	vm7 =	vge.f32 v13, v5;
	v13 =	vsel vm8, $0x10, v2  }
0x363: {  	[tilespmem:v14+s11+$0x0] =	vst.idx.msk vm5, v8;
	v8 =	vor.u32 s5, v0;
	v14 =	vsel vm7, $0x10, v2;
	v13 =	vadd.s32 v6, v13  }
0x364: {  	s7 =	sadd.s32 $0xFFFFFF40, s0;
	[tilespmem:v17+s11+$0x0] =	vst.idx.msk vm1, v12;
	vm1 =	vge.f32 v18, v5;
	v5 =	vand.u32 $0x1FF, v13;
	v12 =	vadd.s32 v13, v14  }
0x365: {  	s15 =	sadd.s32 $0xFFFFFF30, s0;
	[tilespmem:v19+s11+$0x0] =	vst.idx.msk vm0, v8;
	v13 =	vor.u32 s7, v0;
	v8 =	vand.u32 $0x1FF, v12  }
0x366: {  	s16 =	sadd.s32 $0xFFFFFF80, s0;
	v6 =	vand.u32 $0x1FF, v6;
	v14 =	vor.u32 s15, v0;
	[tilespmem:v11+s11+$0x0] =	vst.idx.msk vm6, v13  }
0x367: {  	v10 =	vand.u32 $0x1FF, v10;
	s3 =	sadd.s32 $0xFFFFFFF0, s0;
	[tilespmem:v9+s11+$0x0] =	vst.idx.msk vm3, v14;
	v9 =	vor.u32 s16, v0  }
0x368: {  	[tilespmem:v7+s11+$0x0] =	vst.idx.msk vm4, v9;
	v7 =	vor.u32 s3, v0  }
0x369: {  	s5 =	sadd.s32 $0xFFFFFFE0, s0;
	v9 =	vor.u32 s0, v0;
	[tilespmem:v5+s11+$0x0] =	vst.idx.msk vm7, v7  }
0x36a: {  	s7 =	sadd.s32 $0xFFFFFFD0, s0;
	v5 =	vor.u32 s5, v0;
	[tilespmem:v8+s11+$0x0] =	vst.idx.msk vm1, v9  }
0x36b: {  	v7 =	vor.u32 s7, v0;
	[tilespmem:v6+s11+$0x0] =	vst.idx.msk vm8, v5  }
0x36c: {  	[tilespmem:v10+s11+$0x0] =	vst.idx.msk vm2, v7;
	v6 =	vimm.s32 $0x0  }
0x36d: {  	[tilespmem:$0x18280] =	vst v6  }
0x36e: {  	[tilespmem:$0x18380] =	vst v1  }
0x36f: {  	[tilespmem:$0x18290] =	vst v6  }
0x370: {  	[tilespmem:$0x18390] =	vst v1  }
0x371: {  	[tilespmem:$0x182A0] =	vst v6  }
0x372: {  	[tilespmem:$0x183A0] =	vst v1  }
0x373: {  	[tilespmem:$0x182B0] =	vst v6  }
0x374: {  	[tilespmem:$0x183B0] =	vst v1  }
0x375: {  	[tilespmem:$0x182C0] =	vst v6  }
0x376: {  	[tilespmem:$0x183C0] =	vst v1  }
0x377: {  	[tilespmem:$0x182D0] =	vst v6  }
0x378: {  	[tilespmem:$0x183D0] =	vst v1  }
0x379: {  	[tilespmem:$0x182E0] =	vst v6  }
0x37a: {  	[tilespmem:$0x183E0] =	vst v1  }
0x37b: {  	[tilespmem:$0x182F0] =	vst v6  }
0x37c: {  	[tilespmem:$0x183F0] =	vst v1  }
0x37d: {  	[tilespmem:$0x18300] =	vst v6  }
0x37e: {  	[tilespmem:$0x18400] =	vst v1  }
0x37f: {  	[tilespmem:$0x18310] =	vst v6  }
0x380: {  	[tilespmem:$0x18410] =	vst v1  }
0x381: {  	[tilespmem:$0x18320] =	vst v6  }
0x382: {  	[tilespmem:$0x18420] =	vst v1  }
0x383: {  	[tilespmem:$0x18330] =	vst v6  }
0x384: {  	[tilespmem:$0x18430] =	vst v1  }
0x385: {  	[tilespmem:$0x18340] =	vst v6  }
0x386: {  	[tilespmem:$0x18440] =	vst v1  }
0x387: {  	v5 =	vsel vm1, $0x10, v2;
	[tilespmem:$0x18350] =	vst v6  }
0x388: {  	[tilespmem:$0x18450] =	vst v1;
	v5 =	vadd.s32 v12, v5  }
0x389: {  	[tilespmem:$0x18360] =	vst v6;
	v5 =	vadd.s32 v3, v5  }
0x38a: {  	s15 =	simm.s32 $0x0;
	[tilespmem:$0x18460] =	vst v1;
	v5 =	vshrl.u32 v5, $0x4  }
0x38b: {  	[tilespmem:$0x18370] =	vst v6;
	vm1 =	vgt.u32 v5, s15  }
0x38c: {  	s31 =	simm.s32 $0x180C0;
	s16 =	simm.s32 $0x1;
	[tilespmem:$0x18470] =	vst v1;
	v7 =	vsel vm1, $0x1, v2  }
0x38d: {  	s1 =	simm.s32 $0x2;
	v11 =	vld [tilespmem:s31+$0xFFFFFFC0];
	vm3 =	vgt.u32 v5, s16;
	(xrf0) =	vadd.scan.msk.s32 $0xffff, v7  }
0x38e: {  	s3 =	simm.s32 $0x3;
	s5 =	simm.s32 $0x4;
	s7 =	simm.s32 $0x5;
	vm2 =	vgt.u32 v5, s1;
	v14 =	vsel vm3, $0x1, v2  }
0x38f: {  	v25 =	vld [tilespmem:s31+$0xFFFFFFD0];
	vm8 =	vgt.u32 v5, s3;
	vm4 =	vgt.u32 v5, s5;
	vm5 =	vgt.u32 v5, s7;
	s15 =	simm.s32 $0x6;
	(xrf0) =	vadd.scan.msk.s32 $0xffff, v14  }
0x390: {  	s16 =	simm.s32 $0x7;
	v8 =	vmpcnt.ones.xlane vm1;
	v15 =	vmpcnt.ones.xlane vm3;
	vm7 =	vgt.u32 v5, s15  }
0x391: {  	vm0 =	vgt.u32 v5, s16;
	v20 =	vsel vm8, $0x1, v2;
	v21 =	vsel vm4, $0x1, v2  }
0x392: {  	v7 =	vmpcnt.ones.xlane vm2;
	v12 =	vadd.s32 v4, v11;
	v16 =	vadd.s32 v6, v8  }
0x393: {  	v8 =	vmpcnt.ones.xlane vm8;
	v14 =	vadd.s32 v16, v15;
	v15 =	vsel vm2, $0x1, v2;
	v18, _, _ =	vpop (xrf0)  }
0x394: {  	v13 =	vadd.s32 v4, v25;
	v19 =	vadd.s32 v14, v7;
	(xrf0) =	vadd.scan.msk.s32 $0xffff, v15;
	v6 =	vadd.s32 v18, v6  }
0x395: {  	v7 =	vmpcnt.ones.xlane vm4;
	v24 =	vadd.s32 v19, v8;
	v22, _, _ =	vpop (xrf0);
	(xrf0) =	vadd.scan.msk.s32 $0xffff, v20;
	v6 =	vadd.s32 $0xFFFFFFFF, v6  }
0x396: {  	v9 =	vld [tilespmem:s31+$0xFFFFFFE0];
	v8 =	vmpcnt.ones.xlane vm5;
	v20 =	vsel vm5, $0x1, v2;
	(xrf0) =	vadd.scan.msk.s32 $0xffff, v21;
	vm6 =	vgt.s32 v6, $0x0  }
0x397: {  	v26 =	vadd.s32 v24, v7;
	v7 =	vmpcnt.ones.xlane vm7;
	(xrf0) =	vadd.scan.msk.s32 $0xffff, v20;
	v6 =	vnsel vm6, $0x0, v6  }
0x398: {  	v27 =	vadd.s32 v26, v8;
	v15 =	vmpcnt.ones.xlane vm0;
	v16 =	vadd.s32 v16, v22  }
0x399: {  	v8 =	vld [tilespmem:s31+$0xFFFFFFF0];
	v17 =	vadd.s32 v27, v7;
	v18 =	vsel vm7, $0x1, v2;
	v16 =	vadd.s32 $0xFFFFFFFF, v16  }
0x39a: {  	v7 =	vld [tilespmem:s31+$0x0];
	v20 =	vsel vm0, $0x1, v2;
	vm9 =	vgt.s32 v16, $0x0;
	(xrf0) =	vadd.scan.msk.s32 $0xffff, v18;
	v18 =	vmin.u32 v6, $0xFF;
	v6, _, _ =	vpop (xrf0)  }
0x39b: {  	v10 =	vadd.s32 v4, v9;
	v15 =	vadd.s32 v17, v15;
	v16 =	vnsel vm9, $0x0, v16;
	(xrf0) =	vadd.scan.msk.s32 $0xffff, v20;
	v23, _, _ =	vpop (xrf0)  }
0x39c: {  	v21 =	vld.idx.msk [tilespmem:v13+s2+$0x0], $0xffff;
	vm6 =	vmmov vm2;
	v20 =	vmin.u32 v16, $0xFF;
	v6 =	vadd.s32 v14, v6;
	v13, _, _ =	vpop (xrf0)  }
0x39d: {  	vm2 =	vmmov vm8;
	v22 =	vadd.s32 $0xFFFFFFFF, v6;
	v6 =	vadd.s32 v19, v23;
	v19 =	vld.idx.msk [tilespmem:v12+s2+$0x0], $0xffff;
	v12, _, _ =	vpop (xrf0)  }
0x39e: {  	v23 =	vadd.s32 $0xFFFFFFFF, v6;
	v6 =	vadd.s32 v24, v13;
	v12 =	vadd.s32 v26, v12  }
0x39f: {  	s30 =	simm.s32 $0x18140;
	v16 =	vadd.s32 v4, v8;
	v14 =	vadd.s32 v4, v7;
	v24 =	vadd.s32 $0xFFFFFFFF, v6  }
0x3a0: {  	vm12 =	vgt.s32 v22, $0x0;
	v13 =	vld [tilespmem:s30+$0xFFFFFFC0];
	vm13 =	vgt.s32 v23, $0x0;
	v26, _, _ =	vpop (xrf0);
	vm14 =	vgt.s32 v24, $0x0  }
0x3a1: {  	s0 =	simm.s32 $0x8;
	s3 =	simm.s32 $0x10;
	v6 =	vld [tilespmem:s30+$0xFFFFFFD0];
	[tilespmem:v20+s12+$0x0] =	vst.idx.msk vm3, v25;
	v25 =	vadd.s32 $0xFFFFFFFF, v12;
	v26 =	vadd.s32 v27, v26;
	v27, _, _ =	vpop (xrf0);
	v12 =	vmov v15  }
.LBB2_7:
0x3a2: {  	[tilespmem:v20+s13+$0x0] =	vst.idx.msk vm3, v21;
	vm3 =	vgt.s32 v25, $0x0;
	v20 =	vadd.s32 $0xFFFFFFFF, v26;
	v17 =	vadd.s32 v17, v27  }
0x3a3: {  	p1 =	slt.u32 s3, $0x18;
	v28 =	vld [tilespmem:s30+$0xFFFFFFE0];
	vm11 =	vmmov vm4;
	vm9 =	vmmov vm5;
	vm8 =	vmmov vm7  }
0x3a4: {  	v21 =	vnsel vm12, $0x0, v22;
	[tilespmem:v18+s12+$0x0] =	vst.idx.msk vm1, v11;
	v22 =	vld [tilespmem:s31+$0x10];
	vm4 =	vgt.s32 v20, $0x0;
	v26 =	vadd.s32 $0xFFFFFFFF, v17  }
0x3a5: {  	v17 =	vnsel vm13, $0x0, v23;
	[tilespmem:v18+s13+$0x0] =	vst.idx.msk vm1, v19;
	v18 =	vnsel vm14, $0x0, v24;
	v19 =	vld [tilespmem:s31+$0x20];
	vm1 =	vgt.s32 v26, $0x0  }
0x3a6: {  	v23 =	vnsel vm3, $0x0, v25;
	v20 =	vnsel vm4, $0x0, v20;
	v24 =	vld [tilespmem:s31+$0x30];
	v25 =	vnsel vm1, $0x0, v26;
	v11 =	vmovc v13;
	s31 =	smov.u32 s30  }
0x3a7: {  	v17 =	vmin.u32 v17, $0xFF;
	v13 =	vmin.u32 v21, $0xFF;
	v18 =	vmin.u32 v18, $0xFF  }
0x3a8: {  	v21 =	vmin.u32 v23, $0xFF;
	v23 =	vmin.u32 v20, $0xFF;
	v25 =	vmin.u32 v25, $0xFF  }
0x3a9: {  	vm10 =	vmmov vm0;
	v26 =	vadd.s32 v4, v11;
	v20 =	vld.idx.msk [tilespmem:v10+s2+$0x0], $0xffff  }
0x3aa: {  	v27 =	vadd.s32 v4, v6;
	v10 =	vadd.s32 v4, v28;
	v29 =	vadd.s32 v4, v22  }
0x3ab: {  	s1 =	sadd.s32 $0x1, s0;
	vm1 =	vgt.u32 v5, s0;
	v30 =	vadd.s32 v4, v19;
	v16 =	vld.idx.msk [tilespmem:v16+s2+$0x0], $0xffff;
	v31 =	vadd.s32 v4, v24  }
0x3ac: {  	vm3 =	vgt.u32 v5, s1;
	s1 =	sadd.s32 $0x2, s0;
	v32 =	vsel vm1, $0x1, v2;
	v33 =	vmpcnt.ones.xlane vm1;
	[tilespmem:v13+s12+$0x0] =	vst.idx.msk vm6, v9;
	v9 =	vmovc v28  }
0x3ad: {  	v34 =	vmpcnt.ones.xlane vm3;
	vm12 =	vgt.u32 v5, s1;
	s1 =	sadd.s32 $0x3, s0;
	v28 =	vsel vm3, $0x1, v2;
	(xrf0) =	vadd.scan.msk.s32 $0xffff, v32;
	v14 =	vld.idx.msk [tilespmem:v14+s2+$0x0], $0xffff  }
0x3ae: {  	vm13 =	vgt.u32 v5, s1;
	s1 =	sadd.s32 $0x4, s0;
	v32 =	vadd.s32 v15, v33;
	v15 =	vmpcnt.ones.xlane vm12;
	(xrf0) =	vadd.scan.msk.s32 $0xffff, v28  }
0x3af: {  	vm4 =	vgt.u32 v5, s1;
	s1 =	sadd.s32 $0x5, s0;
	v33 =	vmpcnt.ones.xlane vm13;
	v28 =	vadd.s32 v32, v34;
	[tilespmem:v13+s13+$0x0] =	vst.idx.msk vm6, v20  }
0x3b0: {  	vm5 =	vgt.u32 v5, s1;
	s1 =	sadd.s32 $0x6, s0;
	v13 =	vadd.s32 v28, v15;
	v15 =	vmpcnt.ones.xlane vm4;
	[tilespmem:v17+s12+$0x0] =	vst.idx.msk vm2, v8  }
0x3b1: {  	vm7 =	vgt.u32 v5, s1;
	s1 =	sadd.s32 $0x7, s0;
	s0 =	smov.u32 s3;
	v20 =	vmpcnt.ones.xlane vm5;
	v33 =	vadd.s32 v13, v33;
	[tilespmem:v17+s13+$0x0] =	vst.idx.msk vm2, v16  }
0x3b2: {  	vm0 =	vgt.u32 v5, s1;
	v34 =	vadd.s32 v33, v15;
	v15 =	vmpcnt.ones.xlane vm7;
	[tilespmem:v18+s12+$0x0] =	vst.idx.msk vm11, v7;
	v16 =	vld.idx.msk [tilespmem:v29+s2+$0x0], $0xffff  }
0x3b3: {  	v7 =	vsel vm12, $0x1, v2;
	v29 =	vadd.s32 v34, v20;
	v20 =	vmpcnt.ones.xlane vm0;
	v8 =	vld [tilespmem:s30+$0xFFFFFFF0];
	v35, _, _ =	vpop (xrf0);
	[tilespmem:v18+s13+$0x0] =	vst.idx.msk vm11, v14  }
0x3b4: {  	v14 =	vsel vm13, $0x1, v2;
	v18 =	vsel vm4, $0x1, v2;
	v17 =	vadd.s32 v29, v15;
	v36, _, _ =	vpop (xrf0);
	(xrf0) =	vadd.scan.msk.s32 $0xffff, v7;
	v30 =	vld.idx.msk [tilespmem:v30+s2+$0x0], $0xffff  }
0x3b5: {  	v37 =	vsel vm5, $0x1, v2;
	v38 =	vsel vm7, $0x1, v2;
	v15 =	vadd.s32 v17, v20;
	v7 =	vld [tilespmem:s30+$0x0];
	(xrf0) =	vadd.scan.msk.s32 $0xffff, v14  }
0x3b6: {  	v35 =	vadd.s32 v35, v12;
	v20 =	vsel vm0, $0x1, v2;
	v14 =	vadd.s32 v32, v36;
	(xrf0) =	vadd.scan.msk.s32 $0xffff, v18;
	v31 =	vld.idx.msk [tilespmem:v31+s2+$0x0], $0xffff  }
0x3b7: {  	v12 =	vmovc v15;
	v18 =	vadd.s32 $0xFFFFFFFF, v35;
	v14 =	vadd.s32 $0xFFFFFFFF, v14;
	(xrf0) =	vadd.scan.msk.s32 $0xffff, v37;
	[tilespmem:v21+s12+$0x0] =	vst.idx.msk vm9, v22  }
0x3b8: {  	vm2 =	vgt.s32 v18, $0x0;
	vm6 =	vgt.s32 v14, $0x0;
	(xrf0) =	vadd.scan.msk.s32 $0xffff, v38;
	[tilespmem:v21+s13+$0x0] =	vst.idx.msk vm9, v16  }
0x3b9: {  	v16 =	vnsel vm2, $0x0, v18;
	v22 =	vnsel vm6, $0x0, v14;
	(xrf0) =	vadd.scan.msk.s32 $0xffff, v20;
	[tilespmem:v23+s12+$0x0] =	vst.idx.msk vm8, v19  }
0x3ba: {  	v18 =	vmin.u32 v16, $0xFF;
	v20 =	vmin.u32 v22, $0xFF;
	v16 =	vadd.s32 v4, v8;
	v21 =	vld.idx.msk [tilespmem:v27+s2+$0x0], $0xffff;
	v14, _, _ =	vpop (xrf0);
	[tilespmem:v23+s13+$0x0] =	vst.idx.msk vm8, v30  }
.Ltmp6:
0x3bb: {  	vm6 =	vmmov vm12;
	v22 =	vadd.s32 v28, v14;
	v14 =	vadd.s32 v4, v7;
	v23, _, _ =	vpop (xrf0);
	[tilespmem:v25+s12+$0x0] =	vst.idx.msk vm10, v24;
	(pc) =	sbr.rel @p1 .LBB2_7-.Ltmp6, $4  }
0x3bc: {  	vm2 =	vmmov vm13;
	v19 =	vld.idx.msk [tilespmem:v26+s2+$0x0], $0xffff;
	v22 =	vadd.s32 $0xFFFFFFFF, v22;
	v13 =	vadd.s32 v13, v23;
	v24, _, _ =	vpop (xrf0);
	[tilespmem:v25+s13+$0x0] =	vst.idx.msk vm10, v31  }
0x3bd: {  	s30 =	sadd.s32 $0x80, s30;
	vm12 =	vgt.s32 v22, $0x0;
	v23 =	vadd.s32 $0xFFFFFFFF, v13;
	v24 =	vadd.s32 v33, v24;
	v25, _, _ =	vpop (xrf0)  }
0x3be: {  	v13 =	vld [tilespmem:s30+$0xFFFFFFC0];
	vm13 =	vgt.s32 v23, $0x0;
	v24 =	vadd.s32 $0xFFFFFFFF, v24;
	v25 =	vadd.s32 v34, v25;
	v26, _, _ =	vpop (xrf0)  }
0x3bf: {  	s3 =	sadd.s32 $0x8, s3;
	[tilespmem:v20+s12+$0x0] =	vst.idx.msk vm3, v6;
	v6 =	vld [tilespmem:s30+$0xFFFFFFD0];
	vm14 =	vgt.s32 v24, $0x0;
	v25 =	vadd.s32 $0xFFFFFFFF, v25;
	v26 =	vadd.s32 v29, v26;
	v27, _, _ =	vpop (xrf0)  }
0x3c0: {  	_ =	sdelay $0x2  }
0x3c1: {  	vm9 =	vgt.s32 v25, $0x0;
	v26 =	vadd.s32 $0xFFFFFFFF, v26  }
0x3c2: {  	vm10 =	vmmov vm4;
	vm8 =	vmmov vm5;
	vm5 =	vmmov vm7  }
0x3c3: {  	v22 =	vnsel vm12, $0x0, v22;
	[tilespmem:v20+s13+$0x0] =	vst.idx.msk vm3, v21;
	vm3 =	vgt.u32 v5, s0;
	vm12 =	vgt.s32 v26, $0x0  }
0x3c4: {  	s1 =	sadd.s32 $0x1, s0;
	s3 =	sadd.s32 $0x3, s0;
	v22 =	vmin.u32 v22, $0xFF;
	v25 =	vnsel vm9, $0x0, v25;
	v44 =	vmpcnt.ones.xlane vm3  }
0x3c5: {  	s5 =	sadd.s32 $0x4, s0;
	s15 =	sadd.s32 $0x6, s0;
	vm4 =	vgt.u32 v5, s1;
	v47 =	vsel vm3, $0x1, v2;
	vm11 =	vgt.u32 v5, s3  }
0x3c6: {  	v10 =	vld.idx.msk [tilespmem:v10+s2+$0x0], $0xffff;
	s16 =	sadd.s32 $0x2, s0;
	vm9 =	vgt.u32 v5, s5;
	vm7 =	vgt.u32 v5, s15;
	v42 =	vnsel vm12, $0x0, v26  }
0x3c7: {  	[tilespmem:v18+s12+$0x0] =	vst.idx.msk vm1, v11;
	v46 =	vmpcnt.ones.xlane vm4;
	vm12 =	vgt.u32 v5, s16;
	v50 =	vsel vm4, $0x1, v2  }
0x3c8: {  	[tilespmem:v18+s13+$0x0] =	vst.idx.msk vm1, v19;
	v51 =	vmpcnt.ones.xlane vm11;
	v52 =	vmpcnt.ones.xlane vm9;
	v28 =	vsel vm11, $0x1, v2  }
0x3c9: {  	(xrf0) =	vadd.scan.msk.s32 $0xffff, v47;
	v29 =	vsel vm9, $0x1, v2;
	v48 =	vadd.s32 v15, v44;
	v49 =	vmpcnt.ones.xlane vm12  }
0x3ca: {  	s7 =	sadd.s32 $0x5, s0;
	(xrf0) =	vadd.scan.msk.s32 $0xffff, v50;
	v53 =	vsel vm12, $0x1, v2;
	v19 =	vadd.s32 v48, v46;
	[tilespmem:v22+s12+$0x0] =	vst.idx.msk vm6, v9  }
0x3cb: {  	(xrf0) =	vadd.scan.msk.s32 $0xffff, v53;
	v15 =	vadd.s32 v19, v49;
	[tilespmem:v22+s13+$0x0] =	vst.idx.msk vm6, v10;
	vm6 =	vgt.u32 v5, s7  }
0x3cc: {  	s16 =	sadd.s32 $0x7, s0;
	v57 =	vmpcnt.ones.xlane vm7;
	(xrf0) =	vadd.scan.msk.s32 $0xffff, v28;
	v21 =	vadd.s32 v15, v51;
	v55 =	vmpcnt.ones.xlane vm6  }
0x3cd: {  	vm1 =	vgt.u32 v5, s16;
	(xrf0) =	vadd.scan.msk.s32 $0xffff, v29;
	v10 =	vadd.s32 v21, v52;
	v30 =	vsel vm6, $0x1, v2  }
0x3ce: {  	v54 =	vld [tilespmem:s31+$0x20];
	v32 =	vsel vm7, $0x1, v2;
	v31 =	vmpcnt.ones.xlane vm1;
	(xrf0) =	vadd.scan.msk.s32 $0xffff, v30;
	v26 =	vadd.s32 v10, v55  }
0x3cf: {  	v41 =	vld [tilespmem:s31+$0x10];
	v33 =	vsel vm1, $0x1, v2;
	v58, _, _ =	vpop (xrf0);
	(xrf0) =	vadd.scan.msk.s32 $0xffff, v32;
	v28 =	vadd.s32 v26, v57  }
0x3d0: {  	v5 =	vor.u32 $0x80000000, v5;
	v34, _, _ =	vpop (xrf0);
	(xrf0) =	vadd.scan.msk.s32 $0xffff, v33;
	v31 =	vadd.s32 v28, v31  }
0x3d1: {  	v23 =	vnsel vm13, $0x0, v23;
	v56 =	vld [tilespmem:s31+$0x30];
	v35, _, _ =	vpop (xrf0);
	(xrf0) =	vmax.scan.msk.u32 $0xffff, v5;
	v5 =	vxor.u32 $0x80000000, v31  }
0x3d2: {  	v17 =	vadd.s32 v17, v27;
	v24 =	vnsel vm14, $0x0, v24;
	v43 =	vmin.u32 v23, $0xFF;
	v61, _, _ =	vpop (xrf0);
	(xrf0) =	vmax.scan.msk.u32 $0xffff, v5  }
0x3d3: {  	v17 =	vadd.s32 $0xFFFFFFFF, v17;
	v24 =	vmin.u32 v24, $0xFF;
	v59 =	vadd.s32 v4, v54;
	v62, _, _ =	vpop (xrf0)  }
0x3d4: {  	v16 =	vld.idx.msk [tilespmem:v16+s2+$0x0], $0xffff;
	vm14 =	vgt.s32 v17, $0x0;
	v45 =	vadd.s32 v4, v41;
	v36, _, _ =	vpop (xrf0)  }
0x3d5: {  	v14 =	vld.idx.msk [tilespmem:v14+s2+$0x0], $0xffff;
	vm13 =	vmmov vm0;
	v25 =	vmin.u32 v25, $0xFF;
	v17 =	vnsel vm14, $0x0, v17;
	v37, _, _ =	vpop (xrf0)  }
0x3d6: {  	v20 =	vmin.u32 v42, $0xFF;
	v63 =	vadd.s32 v4, v13;
	v60 =	vadd.s32 v4, v56;
	v29 =	vld [tilespmem:s30+$0xFFFFFFE0];
	v40, _, _ =	vpop (xrf0)  }
0x3d7: {  	v17 =	vmin.u32 v17, $0xFF;
	[tilespmem:v43+s12+$0x0] =	vst.idx.msk vm2, v8;
	v8 =	vld [tilespmem:s30+$0x0];
	v12 =	vadd.s32 v58, v12;
	v9 =	vadd.s32 v48, v34;
	v42, _, _ =	vpop (xrf0)  }
0x3d8: {  	[tilespmem:v24+s12+$0x0] =	vst.idx.msk vm10, v7;
	v12 =	vadd.s32 $0xFFFFFFFF, v12;
	v7 =	vld.idx.msk [tilespmem:v59+s2+$0x0], $0xffff;
	v9 =	vadd.s32 $0xFFFFFFFF, v9;
	(v2sf) =	vpush v42, $0xF;
	v44, _, _ =	vpop (xrf0)  }
0x3d9: {  	[tilespmem:v43+s13+$0x0] =	vst.idx.msk vm2, v16;
	v18 =	vld.idx.msk [tilespmem:v45+s2+$0x0], $0xffff;
	vm2 =	vgt.s32 v12, $0x0;
	v5 =	vadd.s32 v4, v6;
	(v2sf) =	vpush v44, $0xF  }
0x3da: {  	[tilespmem:v24+s13+$0x0] =	vst.idx.msk vm10, v14;
	v12 =	vnsel vm2, $0x0, v12;
	vm15 =	vgt.s32 v9, $0x0;
	v31 =	vld [tilespmem:s30+$0xFFFFFFF0]  }
0x3db: {  	v39 =	vld.idx.msk [tilespmem:v60+s2+$0x0], $0xffff;
	[tilespmem:v25+s12+$0x0] =	vst.idx.msk vm8, v41;
	v38 =	vadd.s32 v4, v29;
	v9 =	vnsel vm15, $0x0, v9;
	v12 =	vmin.u32 v12, $0xFF  }
0x3dc: {  	[tilespmem:v20+s12+$0x0] =	vst.idx.msk vm5, v54;
	v48 =	vld [tilespmem:s30+$0x20];
	v19 =	vadd.s32 v19, v35;
	v43 =	vadd.s32 v4, v8;
	v9 =	vmin.u32 v9, $0xFF  }
0x3dd: {  	vm14 =	vmmov vm12;
	v19 =	vadd.s32 $0xFFFFFFFF, v19;
	v15 =	vadd.s32 v15, v61;
	[tilespmem:v20+s13+$0x0] =	vst.idx.msk vm5, v7;
	v7 =	vld.idx.msk [tilespmem:v63+s2+$0x0], $0xffff  }
0x3de: {  	[tilespmem:v17+s12+$0x0] =	vst.idx.msk vm13, v56;
	vm0 =	vgt.s32 v19, $0x0;
	v46 =	vadd.s32 $0xFFFFFFFF, v15;
	v47 =	vadd.s32 v21, v62;
	v5 =	vld.idx.msk [tilespmem:v5+s2+$0x0], $0xffff  }
0x3df: {  	v45 =	vld [tilespmem:s30+$0x10];
	v19 =	vnsel vm0, $0x0, v19;
	v15 =	vadd.s32 $0xFFFFFFFF, v47;
	[tilespmem:v25+s13+$0x0] =	vst.idx.msk vm8, v18;
	v41 =	vadd.s32 v4, v31  }
0x3e0: {  	v49 =	vld [tilespmem:s30+$0x30];
	vm2 =	vgt.s32 v46, $0x0;
	v50 =	vmin.u32 v19, $0xFF;
	vm14 =	vgt.s32 v15, $0x0;
	[tilespmem:v12+s12+$0x0] =	vst.idx.msk vm3, v13  }
0x3e1: {  	vm15 =	vmmov vm11;
	v51 =	vnsel vm2, $0x0, v46;
	v52 =	vld.idx.msk [tilespmem:v38+s2+$0x0], $0xffff;
	v55 =	vnsel vm14, $0x0, v15;
	[tilespmem:v9+s12+$0x0] =	vst.idx.msk vm4, v6  }
0x3e2: {  	v57 =	vadd.s32 v4, v48;
	v53 =	vadd.s32 v26, v37;
	[tilespmem:v12+s13+$0x0] =	vst.idx.msk vm3, v7;
	v7 =	vmin.u32 v55, $0xFF  }
0x3e3: {  	v10 =	vadd.s32 v10, v36;
	v14 =	vadd.s32 $0xFFFFFFFF, v53;
	[tilespmem:v9+s13+$0x0] =	vst.idx.msk vm4, v5;
	v5 =	vmin.u32 v51, $0xFF  }
0x3e4: {  	[tilespmem:v17+s13+$0x0] =	vst.idx.msk vm13, v39;
	v54 =	vadd.s32 v4, v45;
	v6 =	vadd.s32 $0xFFFFFFFF, v10;
	vm14 =	vgt.s32 v14, $0x0;
	v56 =	vld.idx.msk [tilespmem:v41+s2+$0x0], $0xffff  }
0x3e5: {  	v60 =	vadd.s32 v4, v49;
	v59 =	vld.idx.msk [tilespmem:v43+s2+$0x0], $0xffff;
	vm15 =	vgt.s32 v6, $0x0;
	[tilespmem:v50+s12+$0x0] =	vst.idx.msk vm12, v29;
	v62 =	vnsel vm14, $0x0, v14  }
0x3e6: {  	v58 =	vadd.s32 v28, v40;
	v6 =	vnsel vm15, $0x0, v6;
	[tilespmem:v50+s13+$0x0] =	vst.idx.msk vm12, v52;
	v12 =	vmin.u32 v62, $0xFF  }
0x3e7: {  	v61 =	vadd.s32 $0xFFFFFFFF, v58;
	v6 =	vmin.u32 v6, $0xFF;
	[tilespmem:v7+s12+$0x0] =	vst.idx.msk vm9, v8;
	s30 =	spop (v2sf)  }
0x3e8: {  	v63 =	vld.idx.msk [tilespmem:v57+s2+$0x0], $0xffff;
	vm15 =	vgt.s32 v61, $0x0;
	[tilespmem:v5+s12+$0x0] =	vst.idx.msk vm11, v31;
	s31 =	spop (v2sf)  }
0x3e9: {  	vm1 =	vmmov vm1;
	v9 =	vld.idx.msk [tilespmem:v54+s2+$0x0], $0xffff;
	[tilespmem:v5+s13+$0x0] =	vst.idx.msk vm11, v56;
	v5 =	vnsel vm15, $0x0, v61;
	p1 =	sgt.u32 s30, $0x8000001F;
	s0 =	sadd.s32 $0x7FFFFEFF, s31  }
0x3ea: {  	[tilespmem:v7+s13+$0x0] =	vst.idx.msk vm9, v59;
	v5 =	vmin.u32 v5, $0xFF;
	p2 =	sgt.u32 @!p1 s0, $0xFFFFFF3E  }
0x3eb: {  	v7 =	vld.idx.msk [tilespmem:v60+s2+$0x0], $0xffff;
	[tilespmem:v12+s12+$0x0] =	vst.idx.msk vm7, v48;
	p2 =	por p1, !p2  }
.Ltmp7:
0x3ec: {  	[tilespmem:v6+s12+$0x0] =	vst.idx.msk vm6, v45;
	(pc) =	sbr.rel @!p2 .LBB2_30-.Ltmp7, $4  }
0x3ed: {  	[tilespmem:v12+s13+$0x0] =	vst.idx.msk vm7, v63  }
0x3ee: {  	[tilespmem:v6+s13+$0x0] =	vst.idx.msk vm6, v9  }
0x3ef: {  	[tilespmem:v5+s12+$0x0] =	vst.idx.msk vm1, v49  }
0x3f0: {  	vm0 =	vmmov vm7;
	vm2 =	vmmov vm9;
	vm13 =	vmmov vm6;
	[tilespmem:v5+s13+$0x0] =	vst.idx.msk vm1, v7  }
0x3f1: {  	s29 =	smov.u32 @p1 s29;
	s0 =	simm.s32 $0xFFFFFFF8  }
0x3f2: {  	v7 =	vld [tilespmem:s29+$0xFFFFFFC0];
	s0 =	simm.s32 @p1 $0xFFFFFFF8  }
0x3f3: {  	v8 =	vld [tilespmem:s29+$0xFFFFFFD0];
	s0 =	sadd.s32 $0x8, s0  }
0x3f4: {  	v10 =	vpsel p1, $0x0, v1;
	v9 =	vld [tilespmem:s29+$0xFFFFFFE0];
	p1 =	slt.u32 s0, $0xF8  }
.Ltmp8:
0x3f5: {  	v5 =	vld [tilespmem:s29+$0xFFFFFFF0];
	(pc) =	sbr.rel @!p1 .LBB2_11-.Ltmp8, $4  }
0x3f6: {  	v6 =	vld [tilespmem:s29+$0x0]  }
0x3f7: {  	v10 =	vmax.f32 v10, v7;
	v7 =	vld [tilespmem:s29+$0x10]  }
0x3f8: {  	v10 =	vmax.f32 v10, v8;
	v8 =	vld [tilespmem:s29+$0x20]  }
0x3f9: {  	s3 =	sadd.s32 $0x80, s29;
	v10 =	vmax.f32 v10, v9;
	v9 =	vld [tilespmem:s29+$0x30]  }
.LBB2_10:
0x3fa: {  	v11 =	vld [tilespmem:s3+$0xFFFFFFC0];
	s0 =	sadd.s32 $0x8, s0;
	v5 =	vmax.f32 v10, v5  }
0x3fb: {  	v10 =	vld [tilespmem:s3+$0xFFFFFFD0];
	p1 =	slt.u32 s0, $0xF8;
	v5 =	vmax.f32 v5, v6  }
0x3fc: {  	v12 =	vld [tilespmem:s3+$0xFFFFFFE0];
	v6 =	vmax.f32 v5, v7  }
.Ltmp9:
0x3fd: {  	v5 =	vld [tilespmem:s3+$0xFFFFFFF0];
	v7 =	vmax.f32 v6, v8;
	(pc) =	sbr.rel @p1 .LBB2_10-.Ltmp9, $4  }
0x3fe: {  	v6 =	vld [tilespmem:s3+$0x0];
	v7 =	vmax.f32 v7, v9  }
0x3ff: {  	v8 =	vmax.f32 v7, v11;
	v7 =	vld [tilespmem:s3+$0x10]  }
0x400: {  	v9 =	vmax.f32 v8, v10;
	v8 =	vld [tilespmem:s3+$0x20]  }
0x401: {  	v10 =	vmax.f32 v9, v12;
	v9 =	vld [tilespmem:s3+$0x30];
	s3 =	sadd.s32 $0x80, s3  }
.LBB2_11:
0x402: {  	v5 =	vmax.f32 v10, v5  }
0x403: {  	v5 =	vmax.f32 v5, v6  }
0x404: {  	v5 =	vmax.f32 v5, v7  }
0x405: {  	v5 =	vmax.f32 v5, v8  }
0x406: {  	v5 =	vmax.f32 v5, v9  }
0x407: {  	[tilespmem:$0x18000] =	vst v5  }
0x408: {  	v8 =	vld [tilespmem:s28+$0xFFFFFF90]  }
0x409: {  	v9 =	vld [tilespmem:s28+$0xFFFFFFA0]  }
0x40a: {  	v10 =	vld [tilespmem:s28+$0xFFFFFFB0]  }
0x40b: {  	v6 =	vld [tilespmem:s28+$0xFFFFFFC0]  }
0x40c: {  	v11 =	vimm.f32 $0.0e+00;
	v7 =	vld [tilespmem:s28+$0xFFFFFFD0]  }
0x40d: {  	v11 =	vmax.f32 v11, v8;
	v8 =	vld [tilespmem:s28+$0xFFFFFFE0]  }
0x40e: {  	v11 =	vmax.f32 v11, v9;
	v9 =	vld [tilespmem:s28+$0xFFFFFFF0]  }
0x40f: {  	s0 =	simm.s32 $0x0;
	s3 =	sadd.s32 $0x80, s28;
	v11 =	vmax.f32 v11, v10;
	v10 =	vld [tilespmem:s28+$0x0]  }
.LBB2_12:
0x410: {  	v12 =	vld [tilespmem:s3+$0xFFFFFF90];
	s0 =	sadd.s32 $0x8, s0;
	v6 =	vmax.f32 v11, v6  }
0x411: {  	v11 =	vld [tilespmem:s3+$0xFFFFFFA0];
	p1 =	slt.u32 s0, $0xF8;
	v6 =	vmax.f32 v6, v7  }
0x412: {  	v13 =	vld [tilespmem:s3+$0xFFFFFFB0];
	v7 =	vmax.f32 v6, v8  }
.Ltmp10:
0x413: {  	v6 =	vld [tilespmem:s3+$0xFFFFFFC0];
	v8 =	vmax.f32 v7, v9;
	(pc) =	sbr.rel @p1 .LBB2_12-.Ltmp10, $4  }
0x414: {  	v7 =	vld [tilespmem:s3+$0xFFFFFFD0];
	v8 =	vmax.f32 v8, v10  }
0x415: {  	v9 =	vmax.f32 v8, v12;
	v8 =	vld [tilespmem:s3+$0xFFFFFFE0]  }
0x416: {  	v10 =	vmax.f32 v9, v11;
	v9 =	vld [tilespmem:s3+$0xFFFFFFF0]  }
0x417: {  	v11 =	vmax.f32 v10, v13;
	v10 =	vld [tilespmem:s3+$0x0];
	s3 =	sadd.s32 $0x80, s3  }
0x418: {  	v6 =	vmax.f32 v11, v6  }
0x419: {  	v6 =	vmax.f32 v6, v7  }
0x41a: {  	v6 =	vmax.f32 v6, v8  }
0x41b: {  	v6 =	vmax.f32 v6, v9  }
0x41c: {  	v6 =	vmax.f32 v6, v10  }
0x41d: {  	[tilespmem:$0x18010] =	vst v6  }
0x41e: {  	v9 =	vld [tilespmem:s26+$0xFFFFFF90]  }
0x41f: {  	v10 =	vld [tilespmem:s26+$0xFFFFFFA0]  }
0x420: {  	v11 =	vld [tilespmem:s26+$0xFFFFFFB0]  }
0x421: {  	v7 =	vld [tilespmem:s26+$0xFFFFFFC0]  }
0x422: {  	v12 =	vimm.f32 $0.0e+00;
	v8 =	vld [tilespmem:s26+$0xFFFFFFD0]  }
0x423: {  	v12 =	vmax.f32 v12, v9;
	v9 =	vld [tilespmem:s26+$0xFFFFFFE0]  }
0x424: {  	v12 =	vmax.f32 v12, v10;
	v10 =	vld [tilespmem:s26+$0xFFFFFFF0]  }
0x425: {  	s0 =	simm.s32 $0x0;
	s3 =	sadd.s32 $0x80, s26;
	v12 =	vmax.f32 v12, v11;
	v11 =	vld [tilespmem:s26+$0x0]  }
.LBB2_14:
0x426: {  	v13 =	vld [tilespmem:s3+$0xFFFFFF90];
	s0 =	sadd.s32 $0x8, s0;
	v7 =	vmax.f32 v12, v7  }
0x427: {  	v12 =	vld [tilespmem:s3+$0xFFFFFFA0];
	p1 =	slt.u32 s0, $0xF8;
	v7 =	vmax.f32 v7, v8  }
0x428: {  	v14 =	vld [tilespmem:s3+$0xFFFFFFB0];
	v8 =	vmax.f32 v7, v9  }
.Ltmp11:
0x429: {  	v7 =	vld [tilespmem:s3+$0xFFFFFFC0];
	v9 =	vmax.f32 v8, v10;
	(pc) =	sbr.rel @p1 .LBB2_14-.Ltmp11, $4  }
0x42a: {  	v8 =	vld [tilespmem:s3+$0xFFFFFFD0];
	v9 =	vmax.f32 v9, v11  }
0x42b: {  	v10 =	vmax.f32 v9, v13;
	v9 =	vld [tilespmem:s3+$0xFFFFFFE0]  }
0x42c: {  	v11 =	vmax.f32 v10, v12;
	v10 =	vld [tilespmem:s3+$0xFFFFFFF0]  }
0x42d: {  	v12 =	vmax.f32 v11, v14;
	v11 =	vld [tilespmem:s3+$0x0];
	s3 =	sadd.s32 $0x80, s3  }
0x42e: {  	v7 =	vmax.f32 v12, v7  }
0x42f: {  	v7 =	vmax.f32 v7, v8  }
0x430: {  	v7 =	vmax.f32 v7, v9  }
0x431: {  	v7 =	vmax.f32 v7, v10  }
0x432: {  	v7 =	vmax.f32 v7, v11  }
0x433: {  	[tilespmem:$0x18020] =	vst v7  }
0x434: {  	v10 =	vld [tilespmem:s25+$0xFFFFFF90]  }
0x435: {  	v11 =	vld [tilespmem:s25+$0xFFFFFFA0]  }
0x436: {  	v12 =	vld [tilespmem:s25+$0xFFFFFFB0]  }
0x437: {  	v8 =	vld [tilespmem:s25+$0xFFFFFFC0]  }
0x438: {  	v13 =	vimm.f32 $0.0e+00;
	v9 =	vld [tilespmem:s25+$0xFFFFFFD0]  }
0x439: {  	v13 =	vmax.f32 v13, v10;
	v10 =	vld [tilespmem:s25+$0xFFFFFFE0]  }
0x43a: {  	v13 =	vmax.f32 v13, v11;
	v11 =	vld [tilespmem:s25+$0xFFFFFFF0]  }
0x43b: {  	s0 =	simm.s32 $0x0;
	s3 =	sadd.s32 $0x80, s25;
	v13 =	vmax.f32 v13, v12;
	v12 =	vld [tilespmem:s25+$0x0]  }
.LBB2_16:
0x43c: {  	v14 =	vld [tilespmem:s3+$0xFFFFFF90];
	s0 =	sadd.s32 $0x8, s0;
	v8 =	vmax.f32 v13, v8  }
0x43d: {  	v13 =	vld [tilespmem:s3+$0xFFFFFFA0];
	p1 =	slt.u32 s0, $0xF8;
	v8 =	vmax.f32 v8, v9  }
0x43e: {  	v15 =	vld [tilespmem:s3+$0xFFFFFFB0];
	v9 =	vmax.f32 v8, v10  }
.Ltmp12:
0x43f: {  	v8 =	vld [tilespmem:s3+$0xFFFFFFC0];
	v10 =	vmax.f32 v9, v11;
	(pc) =	sbr.rel @p1 .LBB2_16-.Ltmp12, $4  }
0x440: {  	v9 =	vld [tilespmem:s3+$0xFFFFFFD0];
	v10 =	vmax.f32 v10, v12  }
0x441: {  	v11 =	vmax.f32 v10, v14;
	v10 =	vld [tilespmem:s3+$0xFFFFFFE0]  }
0x442: {  	v12 =	vmax.f32 v11, v13;
	v11 =	vld [tilespmem:s3+$0xFFFFFFF0]  }
0x443: {  	v13 =	vmax.f32 v12, v15;
	v12 =	vld [tilespmem:s3+$0x0];
	s3 =	sadd.s32 $0x80, s3  }
0x444: {  	v8 =	vmax.f32 v13, v8  }
0x445: {  	v8 =	vmax.f32 v8, v9  }
0x446: {  	v8 =	vmax.f32 v8, v10  }
0x447: {  	v8 =	vmax.f32 v8, v11  }
0x448: {  	v8 =	vmax.f32 v8, v12  }
0x449: {  	[tilespmem:$0x18030] =	vst v8  }
0x44a: {  	v11 =	vld [tilespmem:s24+$0xFFFFFF90]  }
0x44b: {  	v12 =	vld [tilespmem:s24+$0xFFFFFFA0]  }
0x44c: {  	v13 =	vld [tilespmem:s24+$0xFFFFFFB0]  }
0x44d: {  	v9 =	vld [tilespmem:s24+$0xFFFFFFC0]  }
0x44e: {  	v14 =	vimm.f32 $0.0e+00;
	v10 =	vld [tilespmem:s24+$0xFFFFFFD0]  }
0x44f: {  	v14 =	vmax.f32 v14, v11;
	v11 =	vld [tilespmem:s24+$0xFFFFFFE0]  }
0x450: {  	v14 =	vmax.f32 v14, v12;
	v12 =	vld [tilespmem:s24+$0xFFFFFFF0]  }
0x451: {  	s0 =	simm.s32 $0x0;
	s3 =	sadd.s32 $0x80, s24;
	v14 =	vmax.f32 v14, v13;
	v13 =	vld [tilespmem:s24+$0x0]  }
.LBB2_18:
0x452: {  	v15 =	vld [tilespmem:s3+$0xFFFFFF90];
	s0 =	sadd.s32 $0x8, s0;
	v9 =	vmax.f32 v14, v9  }
0x453: {  	v14 =	vld [tilespmem:s3+$0xFFFFFFA0];
	p1 =	slt.u32 s0, $0xF8;
	v9 =	vmax.f32 v9, v10  }
0x454: {  	v16 =	vld [tilespmem:s3+$0xFFFFFFB0];
	v10 =	vmax.f32 v9, v11  }
.Ltmp13:
0x455: {  	v9 =	vld [tilespmem:s3+$0xFFFFFFC0];
	v11 =	vmax.f32 v10, v12;
	(pc) =	sbr.rel @p1 .LBB2_18-.Ltmp13, $4  }
0x456: {  	v10 =	vld [tilespmem:s3+$0xFFFFFFD0];
	v11 =	vmax.f32 v11, v13  }
0x457: {  	v12 =	vmax.f32 v11, v15;
	v11 =	vld [tilespmem:s3+$0xFFFFFFE0]  }
0x458: {  	v13 =	vmax.f32 v12, v14;
	v12 =	vld [tilespmem:s3+$0xFFFFFFF0]  }
0x459: {  	v14 =	vmax.f32 v13, v16;
	v13 =	vld [tilespmem:s3+$0x0];
	s3 =	sadd.s32 $0x80, s3  }
0x45a: {  	v9 =	vmax.f32 v14, v9  }
0x45b: {  	v9 =	vmax.f32 v9, v10  }
0x45c: {  	v9 =	vmax.f32 v9, v11  }
0x45d: {  	v9 =	vmax.f32 v9, v12  }
0x45e: {  	v9 =	vmax.f32 v9, v13  }
0x45f: {  	[tilespmem:$0x18040] =	vst v9  }
0x460: {  	v12 =	vld [tilespmem:s23+$0xFFFFFF90]  }
0x461: {  	v13 =	vld [tilespmem:s23+$0xFFFFFFA0]  }
0x462: {  	v14 =	vld [tilespmem:s23+$0xFFFFFFB0]  }
0x463: {  	v10 =	vld [tilespmem:s23+$0xFFFFFFC0]  }
0x464: {  	v15 =	vimm.f32 $0.0e+00;
	v11 =	vld [tilespmem:s23+$0xFFFFFFD0]  }
0x465: {  	v15 =	vmax.f32 v15, v12;
	v12 =	vld [tilespmem:s23+$0xFFFFFFE0]  }
0x466: {  	v15 =	vmax.f32 v15, v13;
	v13 =	vld [tilespmem:s23+$0xFFFFFFF0]  }
0x467: {  	s0 =	simm.s32 $0x0;
	s3 =	sadd.s32 $0x80, s23;
	v15 =	vmax.f32 v15, v14;
	v14 =	vld [tilespmem:s23+$0x0]  }
.LBB2_20:
0x468: {  	v16 =	vld [tilespmem:s3+$0xFFFFFF90];
	s0 =	sadd.s32 $0x8, s0;
	v10 =	vmax.f32 v15, v10  }
0x469: {  	v15 =	vld [tilespmem:s3+$0xFFFFFFA0];
	p1 =	slt.u32 s0, $0xF8;
	v10 =	vmax.f32 v10, v11  }
0x46a: {  	v17 =	vld [tilespmem:s3+$0xFFFFFFB0];
	v11 =	vmax.f32 v10, v12  }
.Ltmp14:
0x46b: {  	v10 =	vld [tilespmem:s3+$0xFFFFFFC0];
	v12 =	vmax.f32 v11, v13;
	(pc) =	sbr.rel @p1 .LBB2_20-.Ltmp14, $4  }
0x46c: {  	v11 =	vld [tilespmem:s3+$0xFFFFFFD0];
	v12 =	vmax.f32 v12, v14  }
0x46d: {  	v13 =	vmax.f32 v12, v16;
	v12 =	vld [tilespmem:s3+$0xFFFFFFE0]  }
0x46e: {  	v14 =	vmax.f32 v13, v15;
	v13 =	vld [tilespmem:s3+$0xFFFFFFF0]  }
0x46f: {  	v15 =	vmax.f32 v14, v17;
	v14 =	vld [tilespmem:s3+$0x0];
	s3 =	sadd.s32 $0x80, s3  }
0x470: {  	v10 =	vmax.f32 v15, v10  }
0x471: {  	v10 =	vmax.f32 v10, v11  }
0x472: {  	v10 =	vmax.f32 v10, v12  }
0x473: {  	v10 =	vmax.f32 v10, v13  }
0x474: {  	v10 =	vmax.f32 v10, v14  }
0x475: {  	[tilespmem:$0x18050] =	vst v10  }
0x476: {  	v13 =	vld [tilespmem:s22+$0xFFFFFF90]  }
0x477: {  	v14 =	vld [tilespmem:s22+$0xFFFFFFA0]  }
0x478: {  	v15 =	vld [tilespmem:s22+$0xFFFFFFB0]  }
0x479: {  	v11 =	vld [tilespmem:s22+$0xFFFFFFC0]  }
0x47a: {  	v16 =	vimm.f32 $0.0e+00;
	v12 =	vld [tilespmem:s22+$0xFFFFFFD0]  }
0x47b: {  	v16 =	vmax.f32 v16, v13;
	v13 =	vld [tilespmem:s22+$0xFFFFFFE0]  }
0x47c: {  	v16 =	vmax.f32 v16, v14;
	v14 =	vld [tilespmem:s22+$0xFFFFFFF0]  }
0x47d: {  	s0 =	simm.s32 $0x0;
	s3 =	sadd.s32 $0x80, s22;
	v16 =	vmax.f32 v16, v15;
	v15 =	vld [tilespmem:s22+$0x0]  }
.LBB2_22:
0x47e: {  	v17 =	vld [tilespmem:s3+$0xFFFFFF90];
	s0 =	sadd.s32 $0x8, s0;
	v11 =	vmax.f32 v16, v11  }
0x47f: {  	v16 =	vld [tilespmem:s3+$0xFFFFFFA0];
	p1 =	slt.u32 s0, $0xF8;
	v11 =	vmax.f32 v11, v12  }
0x480: {  	v18 =	vld [tilespmem:s3+$0xFFFFFFB0];
	v12 =	vmax.f32 v11, v13  }
.Ltmp15:
0x481: {  	v11 =	vld [tilespmem:s3+$0xFFFFFFC0];
	v13 =	vmax.f32 v12, v14;
	(pc) =	sbr.rel @p1 .LBB2_22-.Ltmp15, $4  }
0x482: {  	v12 =	vld [tilespmem:s3+$0xFFFFFFD0];
	v13 =	vmax.f32 v13, v15  }
0x483: {  	v14 =	vmax.f32 v13, v17;
	v13 =	vld [tilespmem:s3+$0xFFFFFFE0]  }
0x484: {  	v15 =	vmax.f32 v14, v16;
	v14 =	vld [tilespmem:s3+$0xFFFFFFF0]  }
0x485: {  	v16 =	vmax.f32 v15, v18;
	v15 =	vld [tilespmem:s3+$0x0];
	s3 =	sadd.s32 $0x80, s3  }
0x486: {  	v11 =	vmax.f32 v16, v11  }
0x487: {  	v11 =	vmax.f32 v11, v12  }
0x488: {  	v11 =	vmax.f32 v11, v13  }
0x489: {  	v11 =	vmax.f32 v11, v14  }
0x48a: {  	v11 =	vmax.f32 v11, v15  }
0x48b: {  	[tilespmem:$0x18060] =	vst v11  }
0x48c: {  	v14 =	vld [tilespmem:s21+$0xFFFFFF90]  }
0x48d: {  	v16 =	vld [tilespmem:s21+$0xFFFFFFA0]  }
0x48e: {  	v17 =	vld [tilespmem:s21+$0xFFFFFFB0]  }
0x48f: {  	v12 =	vld [tilespmem:s21+$0xFFFFFFC0]  }
0x490: {  	v15 =	vimm.f32 $0.0e+00;
	v13 =	vld [tilespmem:s21+$0xFFFFFFD0]  }
0x491: {  	v14 =	vmax.f32 v15, v14;
	v15 =	vld [tilespmem:s21+$0xFFFFFFE0]  }
0x492: {  	v14 =	vmax.f32 v14, v16;
	v16 =	vld [tilespmem:s21+$0xFFFFFFF0]  }
0x493: {  	s0 =	simm.s32 $0x0;
	s3 =	sadd.s32 $0x80, s21;
	v17 =	vmax.f32 v14, v17;
	v14 =	vld [tilespmem:s21+$0x0]  }
.LBB2_24:
0x494: {  	v18 =	vld [tilespmem:s3+$0xFFFFFF90];
	s0 =	sadd.s32 $0x8, s0;
	v12 =	vmax.f32 v17, v12  }
0x495: {  	v17 =	vld [tilespmem:s3+$0xFFFFFFA0];
	p1 =	slt.u32 s0, $0xF8;
	v12 =	vmax.f32 v12, v13  }
0x496: {  	v19 =	vld [tilespmem:s3+$0xFFFFFFB0];
	v13 =	vmax.f32 v12, v15  }
.Ltmp16:
0x497: {  	v12 =	vld [tilespmem:s3+$0xFFFFFFC0];
	v15 =	vmax.f32 v13, v16;
	(pc) =	sbr.rel @p1 .LBB2_24-.Ltmp16, $4  }
0x498: {  	v13 =	vld [tilespmem:s3+$0xFFFFFFD0];
	v14 =	vmax.f32 v15, v14  }
0x499: {  	v14 =	vmax.f32 v14, v18;
	v15 =	vld [tilespmem:s3+$0xFFFFFFE0]  }
0x49a: {  	v14 =	vmax.f32 v14, v17;
	v16 =	vld [tilespmem:s3+$0xFFFFFFF0]  }
0x49b: {  	v17 =	vmax.f32 v14, v19;
	v14 =	vld [tilespmem:s3+$0x0];
	s3 =	sadd.s32 $0x80, s3  }
0x49c: {  	v12 =	vmax.f32 v17, v12  }
0x49d: {  	vm0 =	vgt.s32 v5, $0x3FFFFFFF;
	v12 =	vmax.f32 v12, v13  }
0x49e: {  	vm1 =	vgt.s32 v6, $0x3FFFFFFF;
	v13 =	vmpcnt.ones.xlane vm0;
	v12 =	vmax.f32 v12, v15  }
0x49f: {  	vm0 =	vgt.s32 v7, $0x3FFFFFFF;
	v15 =	vmpcnt.ones.xlane vm1;
	v12 =	vmax.f32 v12, v16  }
0x4a0: {  	v12 =	vmax.f32 v12, v14;
	v14 =	vmpcnt.ones.xlane vm0;
	vm0 =	vgt.s32 v8, $0x3FFFFFFF  }
0x4a1: {  	v13 =	vadd.s32 v13, v15;
	v15 =	vmpcnt.ones.xlane vm0;
	vm0 =	vgt.s32 v9, $0x3FFFFFFF  }
0x4a2: {  	v13 =	vadd.s32 v14, v13;
	v14 =	vmpcnt.ones.xlane vm0;
	vm0 =	vgt.s32 v10, $0x3FFFFFFF  }
0x4a3: {  	v13 =	vadd.s32 v15, v13;
	v15 =	vmpcnt.ones.xlane vm0;
	vm0 =	vgt.s32 v11, $0x3FFFFFFF  }
0x4a4: {  	v13 =	vadd.s32 v14, v13;
	v14 =	vmpcnt.ones.xlane vm0;
	vm0 =	vgt.s32 v12, $0x3FFFFFFF  }
0x4a5: {  	v13 =	vadd.s32 v15, v13;
	v15 =	vmpcnt.ones.xlane vm0  }
0x4a6: {  	v13 =	vadd.s32 v14, v13  }
0x4a7: {  	v13 =	vadd.s32 v15, v13  }
0x4a8: {  	vm0 =	vgt.s32 v13, $0x3F  }
0x4a9: {  	v13 =	vsel vm0, $0x40000000, v2  }
0x4aa: {  	v14 =	vor.u32 $0x20000000, v13  }
0x4ab: {  	vm0 =	vle.s32 v14, v5;
	vm1 =	vle.s32 v14, v6  }
0x4ac: {  	v15 =	vmpcnt.ones.xlane vm0;
	v16 =	vmpcnt.ones.xlane vm1;
	vm0 =	vle.s32 v14, v7  }
0x4ad: {  	v17 =	vmpcnt.ones.xlane vm0;
	vm0 =	vle.s32 v14, v8  }
0x4ae: {  	v15 =	vadd.s32 v15, v16;
	v16 =	vmpcnt.ones.xlane vm0;
	vm0 =	vle.s32 v14, v9  }
0x4af: {  	v15 =	vadd.s32 v17, v15;
	v17 =	vmpcnt.ones.xlane vm0;
	vm0 =	vle.s32 v14, v10  }
0x4b0: {  	v15 =	vadd.s32 v16, v15;
	v16 =	vmpcnt.ones.xlane vm0;
	vm0 =	vle.s32 v14, v11  }
0x4b1: {  	v15 =	vadd.s32 v17, v15;
	v17 =	vmpcnt.ones.xlane vm0;
	vm0 =	vle.s32 v14, v12  }
0x4b2: {  	v15 =	vadd.s32 v16, v15;
	v16 =	vmpcnt.ones.xlane vm0  }
0x4b3: {  	v15 =	vadd.s32 v17, v15  }
0x4b4: {  	v15 =	vadd.s32 v16, v15  }
0x4b5: {  	vm0 =	vgt.s32 v15, $0x3F  }
0x4b6: {  	v13 =	vsel vm0, v14, v13  }
0x4b7: {  	v14 =	vor.u32 $0x10000000, v13  }
0x4b8: {  	vm0 =	vle.s32 v14, v5;
	vm1 =	vle.s32 v14, v6  }
0x4b9: {  	v15 =	vmpcnt.ones.xlane vm0;
	v16 =	vmpcnt.ones.xlane vm1;
	vm0 =	vle.s32 v14, v7  }
0x4ba: {  	v17 =	vmpcnt.ones.xlane vm0;
	vm0 =	vle.s32 v14, v8  }
0x4bb: {  	v15 =	vadd.s32 v15, v16;
	v16 =	vmpcnt.ones.xlane vm0;
	vm0 =	vle.s32 v14, v9  }
0x4bc: {  	v15 =	vadd.s32 v17, v15;
	v17 =	vmpcnt.ones.xlane vm0;
	vm0 =	vle.s32 v14, v10  }
0x4bd: {  	v15 =	vadd.s32 v16, v15;
	v16 =	vmpcnt.ones.xlane vm0;
	vm0 =	vle.s32 v14, v11  }
0x4be: {  	v15 =	vadd.s32 v17, v15;
	v17 =	vmpcnt.ones.xlane vm0;
	vm0 =	vle.s32 v14, v12  }
0x4bf: {  	v15 =	vadd.s32 v16, v15;
	v16 =	vmpcnt.ones.xlane vm0  }
0x4c0: {  	v15 =	vadd.s32 v17, v15  }
0x4c1: {  	v15 =	vadd.s32 v16, v15  }
0x4c2: {  	vm0 =	vgt.s32 v15, $0x3F  }
0x4c3: {  	v13 =	vsel vm0, v14, v13  }
0x4c4: {  	v14 =	vor.u32 $0x8000000, v13  }
0x4c5: {  	vm0 =	vle.s32 v14, v5;
	vm1 =	vle.s32 v14, v6  }
0x4c6: {  	v15 =	vmpcnt.ones.xlane vm0;
	v16 =	vmpcnt.ones.xlane vm1;
	vm0 =	vle.s32 v14, v7  }
0x4c7: {  	v17 =	vmpcnt.ones.xlane vm0;
	vm0 =	vle.s32 v14, v8  }
0x4c8: {  	v15 =	vadd.s32 v15, v16;
	v16 =	vmpcnt.ones.xlane vm0;
	vm0 =	vle.s32 v14, v9  }
0x4c9: {  	v15 =	vadd.s32 v17, v15;
	v17 =	vmpcnt.ones.xlane vm0;
	vm0 =	vle.s32 v14, v10  }
0x4ca: {  	v15 =	vadd.s32 v16, v15;
	v16 =	vmpcnt.ones.xlane vm0;
	vm0 =	vle.s32 v14, v11  }
0x4cb: {  	v15 =	vadd.s32 v17, v15;
	v17 =	vmpcnt.ones.xlane vm0;
	vm0 =	vle.s32 v14, v12  }
0x4cc: {  	v15 =	vadd.s32 v16, v15;
	v16 =	vmpcnt.ones.xlane vm0  }
0x4cd: {  	v15 =	vadd.s32 v17, v15  }
0x4ce: {  	v15 =	vadd.s32 v16, v15  }
0x4cf: {  	vm0 =	vgt.s32 v15, $0x3F  }
0x4d0: {  	v13 =	vsel vm0, v14, v13  }
0x4d1: {  	v14 =	vor.u32 $0x4000000, v13  }
0x4d2: {  	vm0 =	vle.s32 v14, v5;
	vm1 =	vle.s32 v14, v6  }
0x4d3: {  	v15 =	vmpcnt.ones.xlane vm0;
	v16 =	vmpcnt.ones.xlane vm1;
	vm0 =	vle.s32 v14, v7  }
0x4d4: {  	v17 =	vmpcnt.ones.xlane vm0;
	vm0 =	vle.s32 v14, v8  }
0x4d5: {  	v15 =	vadd.s32 v15, v16;
	v16 =	vmpcnt.ones.xlane vm0;
	vm0 =	vle.s32 v14, v9  }
0x4d6: {  	v15 =	vadd.s32 v17, v15;
	v17 =	vmpcnt.ones.xlane vm0;
	vm0 =	vle.s32 v14, v10  }
0x4d7: {  	v15 =	vadd.s32 v16, v15;
	v16 =	vmpcnt.ones.xlane vm0;
	vm0 =	vle.s32 v14, v11  }
0x4d8: {  	v15 =	vadd.s32 v17, v15;
	v17 =	vmpcnt.ones.xlane vm0;
	vm0 =	vle.s32 v14, v12  }
0x4d9: {  	v15 =	vadd.s32 v16, v15;
	v16 =	vmpcnt.ones.xlane vm0  }
0x4da: {  	v15 =	vadd.s32 v17, v15  }
0x4db: {  	v15 =	vadd.s32 v16, v15  }
0x4dc: {  	vm0 =	vgt.s32 v15, $0x3F  }
0x4dd: {  	v13 =	vsel vm0, v14, v13  }
0x4de: {  	v14 =	vor.u32 $0x2000000, v13  }
0x4df: {  	vm0 =	vle.s32 v14, v5;
	vm1 =	vle.s32 v14, v6  }
0x4e0: {  	v15 =	vmpcnt.ones.xlane vm0;
	v16 =	vmpcnt.ones.xlane vm1;
	vm0 =	vle.s32 v14, v7  }
0x4e1: {  	v17 =	vmpcnt.ones.xlane vm0;
	vm0 =	vle.s32 v14, v8  }
0x4e2: {  	v15 =	vadd.s32 v15, v16;
	v16 =	vmpcnt.ones.xlane vm0;
	vm0 =	vle.s32 v14, v9  }
0x4e3: {  	v15 =	vadd.s32 v17, v15;
	v17 =	vmpcnt.ones.xlane vm0;
	vm0 =	vle.s32 v14, v10  }
0x4e4: {  	v15 =	vadd.s32 v16, v15;
	v16 =	vmpcnt.ones.xlane vm0;
	vm0 =	vle.s32 v14, v11  }
0x4e5: {  	v15 =	vadd.s32 v17, v15;
	v17 =	vmpcnt.ones.xlane vm0;
	vm0 =	vle.s32 v14, v12  }
0x4e6: {  	v15 =	vadd.s32 v16, v15;
	v16 =	vmpcnt.ones.xlane vm0  }
0x4e7: {  	v15 =	vadd.s32 v17, v15  }
0x4e8: {  	v15 =	vadd.s32 v16, v15  }
0x4e9: {  	vm0 =	vgt.s32 v15, $0x3F  }
0x4ea: {  	v13 =	vsel vm0, v14, v13  }
0x4eb: {  	v14 =	vor.u32 $0x1000000, v13  }
0x4ec: {  	vm0 =	vle.s32 v14, v5;
	vm1 =	vle.s32 v14, v6  }
0x4ed: {  	v15 =	vmpcnt.ones.xlane vm0;
	v16 =	vmpcnt.ones.xlane vm1;
	vm0 =	vle.s32 v14, v7  }
0x4ee: {  	v17 =	vmpcnt.ones.xlane vm0;
	vm0 =	vle.s32 v14, v8  }
0x4ef: {  	v15 =	vadd.s32 v15, v16;
	v16 =	vmpcnt.ones.xlane vm0;
	vm0 =	vle.s32 v14, v9  }
0x4f0: {  	v15 =	vadd.s32 v17, v15;
	v17 =	vmpcnt.ones.xlane vm0;
	vm0 =	vle.s32 v14, v10  }
0x4f1: {  	v15 =	vadd.s32 v16, v15;
	v16 =	vmpcnt.ones.xlane vm0;
	vm0 =	vle.s32 v14, v11  }
0x4f2: {  	v15 =	vadd.s32 v17, v15;
	v17 =	vmpcnt.ones.xlane vm0;
	vm0 =	vle.s32 v14, v12  }
0x4f3: {  	v15 =	vadd.s32 v16, v15;
	v16 =	vmpcnt.ones.xlane vm0  }
0x4f4: {  	v15 =	vadd.s32 v17, v15  }
0x4f5: {  	v15 =	vadd.s32 v16, v15  }
0x4f6: {  	vm0 =	vgt.s32 v15, $0x3F  }
0x4f7: {  	v13 =	vsel vm0, v14, v13  }
0x4f8: {  	v14 =	vor.u32 $0x800000, v13  }
0x4f9: {  	vm0 =	vle.s32 v14, v5;
	vm1 =	vle.s32 v14, v6  }
0x4fa: {  	v15 =	vmpcnt.ones.xlane vm0;
	v16 =	vmpcnt.ones.xlane vm1;
	vm0 =	vle.s32 v14, v7  }
0x4fb: {  	v17 =	vmpcnt.ones.xlane vm0;
	vm0 =	vle.s32 v14, v8  }
0x4fc: {  	v15 =	vadd.s32 v15, v16;
	v16 =	vmpcnt.ones.xlane vm0;
	vm0 =	vle.s32 v14, v9  }
0x4fd: {  	v15 =	vadd.s32 v17, v15;
	v17 =	vmpcnt.ones.xlane vm0;
	vm0 =	vle.s32 v14, v10  }
0x4fe: {  	v15 =	vadd.s32 v16, v15;
	v16 =	vmpcnt.ones.xlane vm0;
	vm0 =	vle.s32 v14, v11  }
0x4ff: {  	v15 =	vadd.s32 v17, v15;
	v17 =	vmpcnt.ones.xlane vm0;
	vm0 =	vle.s32 v14, v12  }
0x500: {  	v15 =	vadd.s32 v16, v15;
	v16 =	vmpcnt.ones.xlane vm0  }
0x501: {  	v15 =	vadd.s32 v17, v15  }
0x502: {  	v15 =	vadd.s32 v16, v15  }
0x503: {  	vm0 =	vgt.s32 v15, $0x3F  }
0x504: {  	v13 =	vsel vm0, v14, v13  }
0x505: {  	v14 =	vor.u32 $0x400000, v13  }
0x506: {  	vm0 =	vle.s32 v14, v5;
	vm1 =	vle.s32 v14, v6  }
0x507: {  	v15 =	vmpcnt.ones.xlane vm0;
	v16 =	vmpcnt.ones.xlane vm1;
	vm0 =	vle.s32 v14, v7  }
0x508: {  	v17 =	vmpcnt.ones.xlane vm0;
	vm0 =	vle.s32 v14, v8  }
0x509: {  	v15 =	vadd.s32 v15, v16;
	v16 =	vmpcnt.ones.xlane vm0;
	vm0 =	vle.s32 v14, v9  }
0x50a: {  	v15 =	vadd.s32 v17, v15;
	v17 =	vmpcnt.ones.xlane vm0;
	vm0 =	vle.s32 v14, v10  }
0x50b: {  	v15 =	vadd.s32 v16, v15;
	v16 =	vmpcnt.ones.xlane vm0;
	vm0 =	vle.s32 v14, v11  }
0x50c: {  	v15 =	vadd.s32 v17, v15;
	v17 =	vmpcnt.ones.xlane vm0;
	vm0 =	vle.s32 v14, v12  }
0x50d: {  	v15 =	vadd.s32 v16, v15;
	v16 =	vmpcnt.ones.xlane vm0  }
0x50e: {  	v15 =	vadd.s32 v17, v15  }
0x50f: {  	v15 =	vadd.s32 v16, v15  }
0x510: {  	vm0 =	vgt.s32 v15, $0x3F  }
0x511: {  	v13 =	vsel vm0, v14, v13  }
0x512: {  	v14 =	vor.u32 $0x200000, v13  }
0x513: {  	vm0 =	vle.s32 v14, v5;
	vm1 =	vle.s32 v14, v6  }
0x514: {  	v15 =	vmpcnt.ones.xlane vm0;
	v16 =	vmpcnt.ones.xlane vm1;
	vm0 =	vle.s32 v14, v7  }
0x515: {  	v17 =	vmpcnt.ones.xlane vm0;
	vm0 =	vle.s32 v14, v8  }
0x516: {  	v15 =	vadd.s32 v15, v16;
	v16 =	vmpcnt.ones.xlane vm0;
	vm0 =	vle.s32 v14, v9  }
0x517: {  	v15 =	vadd.s32 v17, v15;
	v17 =	vmpcnt.ones.xlane vm0;
	vm0 =	vle.s32 v14, v10  }
0x518: {  	v15 =	vadd.s32 v16, v15;
	v16 =	vmpcnt.ones.xlane vm0;
	vm0 =	vle.s32 v14, v11  }
0x519: {  	v15 =	vadd.s32 v17, v15;
	v17 =	vmpcnt.ones.xlane vm0;
	vm0 =	vle.s32 v14, v12  }
0x51a: {  	v15 =	vadd.s32 v16, v15;
	v16 =	vmpcnt.ones.xlane vm0  }
0x51b: {  	v15 =	vadd.s32 v17, v15  }
0x51c: {  	v15 =	vadd.s32 v16, v15  }
0x51d: {  	vm0 =	vgt.s32 v15, $0x3F  }
0x51e: {  	v13 =	vsel vm0, v14, v13  }
0x51f: {  	v14 =	vor.u32 $0x100000, v13  }
0x520: {  	vm0 =	vle.s32 v14, v5;
	vm1 =	vle.s32 v14, v6  }
0x521: {  	v15 =	vmpcnt.ones.xlane vm0;
	v16 =	vmpcnt.ones.xlane vm1;
	vm0 =	vle.s32 v14, v7  }
0x522: {  	v17 =	vmpcnt.ones.xlane vm0;
	vm0 =	vle.s32 v14, v8  }
0x523: {  	v15 =	vadd.s32 v15, v16;
	v16 =	vmpcnt.ones.xlane vm0;
	vm0 =	vle.s32 v14, v9  }
0x524: {  	v15 =	vadd.s32 v17, v15;
	v17 =	vmpcnt.ones.xlane vm0;
	vm0 =	vle.s32 v14, v10  }
0x525: {  	v15 =	vadd.s32 v16, v15;
	v16 =	vmpcnt.ones.xlane vm0;
	vm0 =	vle.s32 v14, v11  }
0x526: {  	v15 =	vadd.s32 v17, v15;
	v17 =	vmpcnt.ones.xlane vm0;
	vm0 =	vle.s32 v14, v12  }
0x527: {  	v15 =	vadd.s32 v16, v15;
	v16 =	vmpcnt.ones.xlane vm0  }
0x528: {  	v15 =	vadd.s32 v17, v15  }
0x529: {  	v15 =	vadd.s32 v16, v15  }
0x52a: {  	vm0 =	vgt.s32 v15, $0x3F  }
0x52b: {  	v13 =	vsel vm0, v14, v13  }
0x52c: {  	v14 =	vor.u32 $0x80000, v13  }
0x52d: {  	vm0 =	vle.s32 v14, v5;
	vm1 =	vle.s32 v14, v6  }
0x52e: {  	v15 =	vmpcnt.ones.xlane vm0;
	v16 =	vmpcnt.ones.xlane vm1;
	vm0 =	vle.s32 v14, v7  }
0x52f: {  	v17 =	vmpcnt.ones.xlane vm0;
	vm0 =	vle.s32 v14, v8  }
0x530: {  	v15 =	vadd.s32 v15, v16;
	v16 =	vmpcnt.ones.xlane vm0;
	vm0 =	vle.s32 v14, v9  }
0x531: {  	v15 =	vadd.s32 v17, v15;
	v17 =	vmpcnt.ones.xlane vm0;
	vm0 =	vle.s32 v14, v10  }
0x532: {  	v15 =	vadd.s32 v16, v15;
	v16 =	vmpcnt.ones.xlane vm0;
	vm0 =	vle.s32 v14, v11  }
0x533: {  	v15 =	vadd.s32 v17, v15;
	v17 =	vmpcnt.ones.xlane vm0;
	vm0 =	vle.s32 v14, v12  }
0x534: {  	v15 =	vadd.s32 v16, v15;
	v16 =	vmpcnt.ones.xlane vm0  }
0x535: {  	v15 =	vadd.s32 v17, v15  }
0x536: {  	v15 =	vadd.s32 v16, v15  }
0x537: {  	vm0 =	vgt.s32 v15, $0x3F  }
0x538: {  	v13 =	vsel vm0, v14, v13  }
0x539: {  	v14 =	vor.u32 $0x40000, v13  }
0x53a: {  	vm0 =	vle.s32 v14, v5;
	vm1 =	vle.s32 v14, v6  }
0x53b: {  	v15 =	vmpcnt.ones.xlane vm0;
	v16 =	vmpcnt.ones.xlane vm1;
	vm0 =	vle.s32 v14, v7  }
0x53c: {  	v17 =	vmpcnt.ones.xlane vm0;
	vm0 =	vle.s32 v14, v8  }
0x53d: {  	v15 =	vadd.s32 v15, v16;
	v16 =	vmpcnt.ones.xlane vm0;
	vm0 =	vle.s32 v14, v9  }
0x53e: {  	v15 =	vadd.s32 v17, v15;
	v17 =	vmpcnt.ones.xlane vm0;
	vm0 =	vle.s32 v14, v10  }
0x53f: {  	v15 =	vadd.s32 v16, v15;
	v16 =	vmpcnt.ones.xlane vm0;
	vm0 =	vle.s32 v14, v11  }
0x540: {  	v15 =	vadd.s32 v17, v15;
	v17 =	vmpcnt.ones.xlane vm0;
	vm0 =	vle.s32 v14, v12  }
0x541: {  	v15 =	vadd.s32 v16, v15;
	v16 =	vmpcnt.ones.xlane vm0  }
0x542: {  	v15 =	vadd.s32 v17, v15  }
0x543: {  	v15 =	vadd.s32 v16, v15  }
0x544: {  	vm0 =	vgt.s32 v15, $0x3F  }
0x545: {  	v13 =	vsel vm0, v14, v13  }
0x546: {  	v14 =	vor.u32 $0x20000, v13  }
0x547: {  	vm0 =	vle.s32 v14, v5;
	vm1 =	vle.s32 v14, v6  }
0x548: {  	v15 =	vmpcnt.ones.xlane vm0;
	v16 =	vmpcnt.ones.xlane vm1;
	vm0 =	vle.s32 v14, v7  }
0x549: {  	v17 =	vmpcnt.ones.xlane vm0;
	vm0 =	vle.s32 v14, v8  }
0x54a: {  	v15 =	vadd.s32 v15, v16;
	v16 =	vmpcnt.ones.xlane vm0;
	vm0 =	vle.s32 v14, v9  }
0x54b: {  	v15 =	vadd.s32 v17, v15;
	v17 =	vmpcnt.ones.xlane vm0;
	vm0 =	vle.s32 v14, v10  }
0x54c: {  	v15 =	vadd.s32 v16, v15;
	v16 =	vmpcnt.ones.xlane vm0;
	vm0 =	vle.s32 v14, v11  }
0x54d: {  	v15 =	vadd.s32 v17, v15;
	v17 =	vmpcnt.ones.xlane vm0;
	vm0 =	vle.s32 v14, v12  }
0x54e: {  	v15 =	vadd.s32 v16, v15;
	v16 =	vmpcnt.ones.xlane vm0  }
0x54f: {  	v15 =	vadd.s32 v17, v15  }
0x550: {  	v15 =	vadd.s32 v16, v15  }
0x551: {  	vm0 =	vgt.s32 v15, $0x3F  }
0x552: {  	v13 =	vsel vm0, v14, v13  }
0x553: {  	v14 =	vor.u32 $0x10000, v13  }
0x554: {  	vm0 =	vle.s32 v14, v5;
	vm1 =	vle.s32 v14, v6  }
0x555: {  	v15 =	vmpcnt.ones.xlane vm0;
	v16 =	vmpcnt.ones.xlane vm1;
	vm0 =	vle.s32 v14, v7  }
0x556: {  	v17 =	vmpcnt.ones.xlane vm0;
	vm0 =	vle.s32 v14, v8  }
0x557: {  	v15 =	vadd.s32 v15, v16;
	v16 =	vmpcnt.ones.xlane vm0;
	vm0 =	vle.s32 v14, v9  }
0x558: {  	v15 =	vadd.s32 v17, v15;
	v17 =	vmpcnt.ones.xlane vm0;
	vm0 =	vle.s32 v14, v10  }
0x559: {  	v15 =	vadd.s32 v16, v15;
	v16 =	vmpcnt.ones.xlane vm0;
	vm0 =	vle.s32 v14, v11  }
0x55a: {  	v15 =	vadd.s32 v17, v15;
	v17 =	vmpcnt.ones.xlane vm0;
	vm0 =	vle.s32 v14, v12  }
0x55b: {  	v15 =	vadd.s32 v16, v15;
	v16 =	vmpcnt.ones.xlane vm0  }
0x55c: {  	v15 =	vadd.s32 v17, v15  }
0x55d: {  	[tilespmem:$0x18080] =	vst v2;
	v15 =	vadd.s32 v16, v15  }
0x55e: {  	[tilespmem:$0x18090] =	vst v2;
	vm0 =	vgt.s32 v15, $0x3F  }
0x55f: {  	[tilespmem:$0x180A0] =	vst v2;
	v13 =	vsel vm0, v14, v13  }
0x560: {  	[tilespmem:$0x180B0] =	vst v2;
	v14 =	vor.u32 $0x8000, v13  }
0x561: {  	[tilespmem:$0x180C0] =	vst v2;
	vm0 =	vle.s32 v14, v5;
	vm1 =	vle.s32 v14, v6  }
0x562: {  	[tilespmem:$0x180D0] =	vst v2;
	v15 =	vmpcnt.ones.xlane vm0;
	v16 =	vmpcnt.ones.xlane vm1;
	vm0 =	vle.s32 v14, v7  }
0x563: {  	[tilespmem:$0x180E0] =	vst v2;
	v17 =	vmpcnt.ones.xlane vm0;
	vm0 =	vle.s32 v14, v8  }
0x564: {  	[tilespmem:$0x180F0] =	vst v2;
	v15 =	vadd.s32 v15, v16;
	v16 =	vmpcnt.ones.xlane vm0;
	vm0 =	vle.s32 v14, v9  }
0x565: {  	[tilespmem:$0x18100] =	vst v2;
	v15 =	vadd.s32 v17, v15;
	v17 =	vmpcnt.ones.xlane vm0;
	vm0 =	vle.s32 v14, v10  }
0x566: {  	[tilespmem:$0x18110] =	vst v2;
	v15 =	vadd.s32 v16, v15;
	v16 =	vmpcnt.ones.xlane vm0;
	vm0 =	vle.s32 v14, v11  }
0x567: {  	[tilespmem:$0x18120] =	vst v2;
	v15 =	vadd.s32 v17, v15;
	v17 =	vmpcnt.ones.xlane vm0;
	vm0 =	vle.s32 v14, v12  }
0x568: {  	[tilespmem:$0x18130] =	vst v2;
	v15 =	vadd.s32 v16, v15;
	v16 =	vmpcnt.ones.xlane vm0  }
0x569: {  	[tilespmem:$0x18140] =	vst v2;
	v15 =	vadd.s32 v17, v15  }
0x56a: {  	[tilespmem:$0x18150] =	vst v2;
	v15 =	vadd.s32 v16, v15  }
0x56b: {  	[tilespmem:$0x18160] =	vst v2;
	vm0 =	vgt.s32 v15, $0x3F  }
0x56c: {  	[tilespmem:$0x18170] =	vst v2;
	v13 =	vsel vm0, v14, v13  }
0x56d: {  	[tilespmem:$0x18180] =	vst v2;
	v14 =	vor.u32 $0x4000, v13  }
0x56e: {  	[tilespmem:$0x18190] =	vst v2;
	vm0 =	vle.s32 v14, v5;
	vm1 =	vle.s32 v14, v6  }
0x56f: {  	[tilespmem:$0x181A0] =	vst v2;
	v15 =	vmpcnt.ones.xlane vm0;
	v16 =	vmpcnt.ones.xlane vm1;
	vm0 =	vle.s32 v14, v7  }
0x570: {  	[tilespmem:$0x181B0] =	vst v2;
	v17 =	vmpcnt.ones.xlane vm0;
	vm0 =	vle.s32 v14, v8  }
0x571: {  	[tilespmem:$0x181C0] =	vst v2;
	v15 =	vadd.s32 v15, v16;
	v16 =	vmpcnt.ones.xlane vm0;
	vm0 =	vle.s32 v14, v9  }
0x572: {  	[tilespmem:$0x181D0] =	vst v2;
	v15 =	vadd.s32 v17, v15;
	v17 =	vmpcnt.ones.xlane vm0;
	vm0 =	vle.s32 v14, v10  }
0x573: {  	[tilespmem:$0x181E0] =	vst v2;
	v15 =	vadd.s32 v16, v15;
	v16 =	vmpcnt.ones.xlane vm0;
	vm0 =	vle.s32 v14, v11  }
0x574: {  	[tilespmem:$0x181F0] =	vst v2;
	v15 =	vadd.s32 v17, v15;
	v17 =	vmpcnt.ones.xlane vm0;
	vm0 =	vle.s32 v14, v12  }
0x575: {  	[tilespmem:$0x18200] =	vst v2;
	v15 =	vadd.s32 v16, v15;
	v16 =	vmpcnt.ones.xlane vm0  }
0x576: {  	[tilespmem:$0x18210] =	vst v2;
	v15 =	vadd.s32 v17, v15  }
0x577: {  	[tilespmem:$0x18220] =	vst v2;
	v15 =	vadd.s32 v16, v15  }
0x578: {  	[tilespmem:$0x18230] =	vst v2;
	vm0 =	vgt.s32 v15, $0x3F  }
0x579: {  	[tilespmem:$0x18240] =	vst v2;
	v13 =	vsel vm0, v14, v13  }
0x57a: {  	[tilespmem:$0x18250] =	vst v2;
	v14 =	vor.u32 $0x2000, v13  }
0x57b: {  	[tilespmem:$0x18260] =	vst v2;
	vm0 =	vle.s32 v14, v5;
	vm1 =	vle.s32 v14, v6  }
0x57c: {  	[tilespmem:$0x18270] =	vst v2;
	v5 =	vmpcnt.ones.xlane vm0;
	v6 =	vmpcnt.ones.xlane vm1;
	vm0 =	vle.s32 v14, v7  }
0x57d: {  	[tilespmem:$0x18070] =	vst v12;
	v7 =	vmpcnt.ones.xlane vm0;
	vm0 =	vle.s32 v14, v8  }
0x57e: {  	v16 =	vld [tilespmem:s20+$0xFFFFFFD0];
	v5 =	vadd.s32 v5, v6;
	v6 =	vmpcnt.ones.xlane vm0;
	vm0 =	vle.s32 v14, v9  }
0x57f: {  	v15 =	vld [tilespmem:s20+$0xFFFFFF80];
	v5 =	vadd.s32 v7, v5;
	v7 =	vmpcnt.ones.xlane vm0;
	vm0 =	vle.s32 v14, v10  }
0x580: {  	v8 =	vld [tilespmem:s20+$0xFFFFFF90];
	v5 =	vadd.s32 v6, v5;
	v6 =	vmpcnt.ones.xlane vm0;
	vm0 =	vle.s32 v14, v11  }
0x581: {  	v9 =	vld [tilespmem:s20+$0x30];
	v5 =	vadd.s32 v7, v5;
	v7 =	vmpcnt.ones.xlane vm0;
	vm0 =	vle.s32 v14, v12  }
0x582: {  	v10 =	vld [tilespmem:s20+$0x20];
	v5 =	vadd.s32 v6, v5;
	v6 =	vmpcnt.ones.xlane vm0  }
0x583: {  	v11 =	vld [tilespmem:s20+$0xFFFFFFE0];
	v5 =	vadd.s32 v7, v5  }
0x584: {  	v12 =	vld [tilespmem:s20+$0x10];
	v5 =	vadd.s32 v6, v5  }
0x585: {  	s1 =	simm.s32 $0x60;
	s5 =	simm.s32 $0x40;
	v7 =	vld [tilespmem:s20+$0x0];
	vm0 =	vgt.s32 v5, $0x3F  }
0x586: {  	s0 =	simm.s32 $0x80;
	s31 =	simm.s32 $0x0;
	v18 =	vor.u32 s1, v0;
	v20 =	vor.u32 s5, v0;
	v5 =	vsel vm0, v14, v13;
	v13 =	vld [tilespmem:s20+$0xFFFFFFA0]  }
0x587: {  	v19 =	vor.u32 s31, v0;
	v6 =	vor.u32 s0, v0;
	vm1 =	vge.f32 v10, v5;
	v10 =	vld [tilespmem:s20+$0xFFFFFFB0]  }
0x588: {  	v14 =	vlaneseq.u32;
	vm10 =	vge.f32 v8, v5;
	vm9 =	vge.f32 v11, v5;
	v11 =	vld [tilespmem:s20+$0xFFFFFFC0]  }
0x589: {  	s30 =	simm.s32 $0x50;
	s3 =	simm.s32 $0x10;
	vm0 =	vge.f32 v9, v5;
	v17 =	vand.u32 $0x1FF, v14;
	vm8 =	vge.f32 v16, v5;
	v16 =	vld [tilespmem:s20+$0x40]  }
0x58a: {  	v8 =	vor.u32 s30, v0;
	vm5 =	vge.f32 v12, v5;
	v12 =	vor.u32 s3, v0  }
0x58b: {  	vm11 =	vge.f32 v15, v5;
	v9 =	vsel vm10, $0x10, v2;
	vm3 =	vge.f32 v13, v5  }
0x58c: {  	vm7 =	vge.f32 v7, v5;
	v7 =	vld [tilespmem:s20+$0xFFFFFFF0];
	v13 =	vsel vm11, $0x10, v2;
	v15 =	vsel vm3, $0x10, v2  }
0x58d: {  	v13 =	vadd.s32 v14, v13;
	vm6 =	vge.f32 v10, v5;
	v14 =	vsel vm8, $0x10, v2  }
0x58e: {  	vm12 =	vge.f32 v11, v5;
	vm2 =	vge.f32 v16, v5;
	v10 =	vadd.s32 v13, v9  }
0x58f: {  	v11 =	vand.u32 $0x1FF, v13;
	v13 =	vsel vm6, $0x10, v2;
	v21 =	vadd.s32 v10, v15  }
0x590: {  	v16 =	vsel vm5, $0x10, v2;
	v15 =	vsel vm12, $0x10, v2;
	v13 =	vadd.s32 v21, v13  }
0x591: {  	v9 =	vsel vm7, $0x10, v2;
	vm4 =	vge.f32 v7, v5;
	v7 =	vadd.s32 v13, v15  }
0x592: {  	v13 =	vand.u32 $0x1FF, v13;
	v15 =	vsel vm9, $0x10, v2;
	v14 =	vadd.s32 v7, v14  }
0x593: {  	v22 =	vsel vm4, $0x10, v2;
	v23 =	vadd.s32 v14, v15;
	v24 =	vand.u32 $0x1FF, v14  }
0x594: {  	[tilespmem:v17+s11+$0x0] =	vst.idx.msk vm11, v19;
	v17 =	vsel vm1, $0x10, v2;
	v15 =	vand.u32 $0x1FF, v7;
	v14 =	vadd.s32 v23, v22  }
0x595: {  	[tilespmem:v11+s11+$0x0] =	vst.idx.msk vm10, v12;
	v11 =	vand.u32 $0x1FF, v21;
	v19 =	vand.u32 $0x1FF, v14;
	v9 =	vadd.s32 v14, v9  }
0x596: {  	v12 =	vld [tilespmem:s20+$0x60];
	v7 =	vand.u32 $0x1FF, v23;
	v14 =	vand.u32 $0x1FF, v9;
	v9 =	vadd.s32 v9, v16  }
0x597: {  	s21 =	simm.s32 $0x0;
	s22 =	simm.s32 $0x1F0;
	v22 =	vsel vm0, $0x10, v2;
	[tilespmem:v13+s11+$0x0] =	vst.idx.msk vm12, v20;
	v16 =	vand.u32 $0x1FF, v9;
	v9 =	vadd.s32 v9, v17;
	v17 =	vld [tilespmem:s20+$0x70]  }
0x598: {  	s5 =	sadd.s32 $0x100, s20;
	s0 =	simm.s32 $0xF0;
	s3 =	simm.s32 $0x90;
	v13 =	vsel vm2, $0x10, v2;
	v20 =	vld [tilespmem:s20+$0x50];
	[tilespmem:v24+s11+$0x0] =	vst.idx.msk vm9, v18;
	v18 =	vand.u32 $0x1FF, v9;
	v9 =	vadd.s32 v9, v22  }
.LBB2_26:
0x599: {  	v21 =	vld [tilespmem:s5+$0xFFFFFF90];
	s1 =	sadd.s32 $0xFFFFFF90, s22;
	s7 =	sadd.s32 $0xFFFFFFA0, s22;
	s21 =	sadd.s32 $0x10, s21;
	v10 =	vand.u32 $0x1FF, v10;
	[tilespmem:v15+s11+$0x0] =	vst.idx.msk vm8, v8  }
0x59a: {  	s15 =	sadd.s32 $0xFFFFFF30, s0;
	v15 =	vor.u32 s3, v0;
	v8 =	vld [tilespmem:s5+$0x30];
	p1 =	slt.u32 s21, $0x7F0;
	[tilespmem:v19+s11+$0x0] =	vst.idx.msk vm7, v6;
	v6 =	vor.u32 s1, v0;
	s1 =	sadd.s32 $0xFFFFFFB0, s0  }
0x59b: {  	v22 =	vor.u32 s15, v0;
	s15 =	sadd.s32 $0xFFFFFF40, s0;
	s3 =	smov.u32 s7;
	v19 =	vld [tilespmem:s5+$0x20];
	[tilespmem:v14+s11+$0x0] =	vst.idx.msk vm5, v15;
	v14 =	vor.u32 s1, v0;
	s1 =	sadd.s32 $0xFFFFFFC0, s0  }
0x59c: {  	v23 =	vor.u32 s15, v0;
	v15 =	vld [tilespmem:s5+$0x0];
	[tilespmem:v16+s11+$0x0] =	vst.idx.msk vm1, v14;
	v14 =	vor.u32 s1, v0;
	vm11 =	vge.f32 v17, v5  }
0x59d: {  	vm7 =	vge.f32 v12, v5;
	v16 =	vld [tilespmem:s5+$0x10];
	[tilespmem:v18+s11+$0x0] =	vst.idx.msk vm0, v14;
	vm8 =	vge.f32 v20, v5;
	v12 =	vsel vm11, $0x10, v2  }
0x59e: {  	vm9 =	vge.f32 v21, v5;
	v14 =	vld [tilespmem:s5+$0xFFFFFFF0];
	[tilespmem:v11+s11+$0x0] =	vst.idx.msk vm6, v23;
	v11 =	vadd.s32 v9, v13;
	v13 =	vsel vm8, $0x10, v2  }
0x59f: {  	v17 =	vld [tilespmem:s5+$0xFFFFFFE0];
	vm0 =	vge.f32 v8, v5;
	[tilespmem:v10+s11+$0x0] =	vst.idx.msk vm3, v22;
	v8 =	vadd.s32 v11, v13;
	v10 =	vsel vm7, $0x10, v2  }
0x5a0: {  	v11 =	vand.u32 $0x1FF, v11;
	v13 =	vld [tilespmem:s5+$0xFFFFFFC0];
	v18 =	vand.u32 $0x1FF, v8;
	v8 =	vadd.s32 v8, v10  }
0x5a1: {  	s1 =	sadd.s32 $0xFFFFFFD0, s0;
	v10 =	vsel vm9, $0x10, v2;
	v20 =	vld [tilespmem:s5+$0xFFFFFFA0];
	v21 =	vand.u32 $0x1FF, v8;
	v12 =	vadd.s32 v8, v12  }
0x5a2: {  	s7 =	sadd.s32 $0xFFFFFF80, s0;
	vm1 =	vge.f32 v19, v5;
	v19 =	vor.u32 s1, v0;
	s1 =	sadd.s32 $0xFFFFFFE0, s0;
	v22 =	vld [tilespmem:s5+$0xFFFFFF80];
	v23 =	vand.u32 $0x1FF, v12  }
0x5a3: {  	v9 =	vand.u32 $0x1FF, v9;
	v8 =	vor.u32 s7, v0;
	v25 =	vor.u32 s1, v0;
	s1 =	sadd.s32 $0xFFFFFFF0, s0;
	v24 =	vld [tilespmem:s5+$0xFFFFFFD0]  }
0x5a4: {  	s15 =	sadd.s32 $0xFFFFFF70, s22;
	s7 =	sadd.s32 $0xFFFFFF60, s22;
	v26 =	vld [tilespmem:s5+$0xFFFFFFB0];
	vm10 =	vge.f32 v17, v5;
	[tilespmem:v7+s11+$0x0] =	vst.idx.msk vm4, v8;
	v7 =	vor.u32 s1, v0;
	v17 =	vor.u32 s0, v0;
	s0 =	smov.u32 s22  }
0x5a5: {  	s16 =	sadd.s32 $0xFFFFFF50, s22;
	v27 =	vor.u32 s15, v0;
	vm5 =	vge.f32 v16, v5;
	s1 =	sadd.s32 $0xFFFFFF20, s22;
	v8 =	vor.u32 s7, v0;
	[tilespmem:v18+s11+$0x0] =	vst.idx.msk vm7, v7  }
0x5a6: {  	v16 =	vor.u32 s16, v0;
	s7 =	sadd.s32 $0xFFFFFF10, s22;
	v7 =	vor.u32 s1, v0;
	vm7 =	vge.f32 v15, v5;
	[tilespmem:v21+s11+$0x0] =	vst.idx.msk vm11, v17  }
0x5a7: {  	v15 =	vor.u32 s7, v0;
	vm3 =	vge.f32 v20, v5;
	vm12 =	vge.f32 v22, v5;
	[tilespmem:v11+s11+$0x0] =	vst.idx.msk vm8, v25  }
0x5a8: {  	v17 =	vsel vm3, $0x10, v2;
	v11 =	vsel vm12, $0x10, v2;
	vm8 =	vge.f32 v24, v5;
	[tilespmem:v9+s11+$0x0] =	vst.idx.msk vm2, v19  }
0x5a9: {  	v9 =	vadd.s32 v12, v11;
	vm6 =	vge.f32 v26, v5;
	v11 =	vsel vm8, $0x10, v2  }
0x5aa: {  	vm11 =	vge.f32 v13, v5;
	v12 =	vsel vm7, $0x10, v2;
	v10 =	vadd.s32 v9, v10  }
0x5ab: {  	v9 =	vand.u32 $0x1FF, v9;
	v13 =	vsel vm6, $0x10, v2;
	v18 =	vadd.s32 v10, v17;
	v17 =	vld [tilespmem:s5+$0x40]  }
0x5ac: {  	vm4 =	vge.f32 v14, v5;
	v19 =	vsel vm11, $0x10, v2;
	v13 =	vadd.s32 v18, v13  }
0x5ad: {  	v20 =	vsel vm5, $0x10, v2;
	[tilespmem:v23+s11+$0x0] =	vst.idx.msk vm12, v15;
	v14 =	vadd.s32 v13, v19;
	v19 =	vsel vm4, $0x10, v2  }
0x5ae: {  	v21 =	vsel vm10, $0x10, v2;
	v13 =	vand.u32 $0x1FF, v13;
	v11 =	vadd.s32 v14, v11  }
0x5af: {  	v15 =	vand.u32 $0x1FF, v14;
	v22 =	vand.u32 $0x1FF, v11;
	v11 =	vadd.s32 v11, v21  }
.Ltmp17:
0x5b0: {  	[tilespmem:v9+s11+$0x0] =	vst.idx.msk vm9, v7;
	v7 =	vand.u32 $0x1FF, v11;
	v9 =	vadd.s32 v11, v19;
	vm2 =	vge.f32 v17, v5;
	(pc) =	sbr.rel @p1 .LBB2_26-.Ltmp17, $4  }
0x5b1: {  	v11 =	vsel vm1, $0x10, v2;
	v19 =	vand.u32 $0x1FF, v9;
	v9 =	vadd.s32 v9, v12  }
0x5b2: {  	v14 =	vand.u32 $0x1FF, v9;
	v9 =	vadd.s32 v9, v20;
	v20 =	vsel vm0, $0x10, v2;
	v12 =	vld [tilespmem:s5+$0x60]  }
0x5b3: {  	[tilespmem:v13+s11+$0x0] =	vst.idx.msk vm11, v16;
	v16 =	vand.u32 $0x1FF, v9;
	v9 =	vadd.s32 v9, v11;
	v13 =	vsel vm2, $0x10, v2;
	v17 =	vld [tilespmem:s5+$0x70]  }
0x5b4: {  	s22 =	sadd.s32 $0x100, s22;
	v11 =	vand.u32 $0x1FF, v18;
	[tilespmem:v22+s11+$0x0] =	vst.idx.msk vm10, v27;
	v18 =	vand.u32 $0x1FF, v9;
	v9 =	vadd.s32 v9, v20;
	v20 =	vld [tilespmem:s5+$0x50];
	s5 =	sadd.s32 $0x100, s5  }
0x5b5: {  	_ =	sdelay $0x4  }
0x5b6: {  	v10 =	vand.u32 $0x1FF, v10;
	[tilespmem:v15+s11+$0x0] =	vst.idx.msk vm8, v8  }
0x5b7: {  	s1 =	sadd.s32 $0xFFFFFFB0, s0;
	v8 =	vor.u32 s3, v0;
	[tilespmem:v19+s11+$0x0] =	vst.idx.msk vm7, v6;
	v6 =	vadd.s32 v9, v13;
	vm8 =	vge.f32 v20, v5  }
0x5b8: {  	s5 =	sadd.s32 $0xFFFFFFC0, s0;
	v15 =	vor.u32 s1, v0;
	vm7 =	vge.f32 v12, v5;
	v12 =	vsel vm8, $0x10, v2  }
0x5b9: {  	[tilespmem:v14+s11+$0x0] =	vst.idx.msk vm5, v8;
	v8 =	vor.u32 s5, v0;
	v13 =	vsel vm7, $0x10, v2;
	v12 =	vadd.s32 v6, v12  }
0x5ba: {  	s15 =	sadd.s32 $0xFFFFFF30, s0;
	[tilespmem:v16+s11+$0x0] =	vst.idx.msk vm1, v15;
	vm1 =	vge.f32 v17, v5;
	v5 =	vand.u32 $0x1FF, v12;
	v12 =	vadd.s32 v12, v13  }
0x5bb: {  	s16 =	sadd.s32 $0xFFFFFF80, s0;
	v14 =	vor.u32 s15, v0;
	[tilespmem:v18+s11+$0x0] =	vst.idx.msk vm0, v8;
	v8 =	vand.u32 $0x1FF, v12  }
0x5bc: {  	s7 =	sadd.s32 $0xFFFFFF40, s0;
	[tilespmem:v10+s11+$0x0] =	vst.idx.msk vm3, v14;
	v10 =	vor.u32 s16, v0;
	v6 =	vand.u32 $0x1FF, v6  }
0x5bd: {  	v9 =	vand.u32 $0x1FF, v9;
	s20 =	sadd.s32 $0xFFFFFFF0, s0;
	[tilespmem:v7+s11+$0x0] =	vst.idx.msk vm4, v10;
	v13 =	vor.u32 s7, v0  }
0x5be: {  	v7 =	vor.u32 s20, v0;
	[tilespmem:v11+s11+$0x0] =	vst.idx.msk vm6, v13  }
0x5bf: {  	s21 =	sadd.s32 $0xFFFFFFE0, s0;
	v10 =	vor.u32 s0, v0;
	[tilespmem:v5+s11+$0x0] =	vst.idx.msk vm7, v7  }
0x5c0: {  	s22 =	sadd.s32 $0xFFFFFFD0, s0;
	v5 =	vor.u32 s21, v0;
	[tilespmem:v8+s11+$0x0] =	vst.idx.msk vm1, v10  }
0x5c1: {  	v7 =	vor.u32 s22, v0;
	[tilespmem:v6+s11+$0x0] =	vst.idx.msk vm8, v5  }
0x5c2: {  	[tilespmem:v9+s11+$0x0] =	vst.idx.msk vm2, v7;
	v7 =	vimm.s32 $0x0  }
0x5c3: {  	[tilespmem:$0x18280] =	vst v7  }
0x5c4: {  	[tilespmem:$0x18380] =	vst v1  }
0x5c5: {  	[tilespmem:$0x18290] =	vst v7  }
0x5c6: {  	[tilespmem:$0x18390] =	vst v1  }
0x5c7: {  	[tilespmem:$0x182A0] =	vst v7  }
0x5c8: {  	[tilespmem:$0x183A0] =	vst v1  }
0x5c9: {  	[tilespmem:$0x182B0] =	vst v7  }
0x5ca: {  	[tilespmem:$0x183B0] =	vst v1  }
0x5cb: {  	[tilespmem:$0x182C0] =	vst v7  }
0x5cc: {  	[tilespmem:$0x183C0] =	vst v1  }
0x5cd: {  	[tilespmem:$0x182D0] =	vst v7  }
0x5ce: {  	[tilespmem:$0x183D0] =	vst v1  }
0x5cf: {  	[tilespmem:$0x182E0] =	vst v7  }
0x5d0: {  	[tilespmem:$0x183E0] =	vst v1  }
0x5d1: {  	[tilespmem:$0x182F0] =	vst v7  }
0x5d2: {  	[tilespmem:$0x183F0] =	vst v1  }
0x5d3: {  	[tilespmem:$0x18300] =	vst v7  }
0x5d4: {  	[tilespmem:$0x18400] =	vst v1  }
0x5d5: {  	[tilespmem:$0x18310] =	vst v7  }
0x5d6: {  	[tilespmem:$0x18410] =	vst v1  }
0x5d7: {  	[tilespmem:$0x18320] =	vst v7  }
0x5d8: {  	[tilespmem:$0x18420] =	vst v1  }
0x5d9: {  	[tilespmem:$0x18330] =	vst v7  }
0x5da: {  	[tilespmem:$0x18430] =	vst v1  }
0x5db: {  	[tilespmem:$0x18340] =	vst v7  }
0x5dc: {  	[tilespmem:$0x18440] =	vst v1  }
0x5dd: {  	v5 =	vsel vm1, $0x10, v2;
	[tilespmem:$0x18350] =	vst v7  }
0x5de: {  	[tilespmem:$0x18450] =	vst v1;
	v5 =	vadd.s32 v12, v5  }
0x5df: {  	[tilespmem:$0x18360] =	vst v7;
	v5 =	vadd.s32 v3, v5  }
0x5e0: {  	s23 =	simm.s32 $0x0;
	[tilespmem:$0x18460] =	vst v1;
	v5 =	vshrl.u32 v5, $0x4  }
0x5e1: {  	[tilespmem:$0x18370] =	vst v7;
	vm0 =	vgt.u32 v5, s23  }
0x5e2: {  	s24 =	simm.s32 $0x1;
	s21 =	simm.s32 $0x180C0;
	[tilespmem:$0x18470] =	vst v1;
	v10 =	vsel vm0, $0x1, v2  }
0x5e3: {  	s25 =	simm.s32 $0x2;
	v9 =	vld [tilespmem:s21+$0xFFFFFFC0];
	vm1 =	vgt.u32 v5, s24;
	(xrf0) =	vadd.scan.msk.s32 $0xffff, v10  }
0x5e4: {  	s26 =	simm.s32 $0x3;
	s28 =	simm.s32 $0x4;
	s29 =	simm.s32 $0x5;
	vm3 =	vgt.u32 v5, s25;
	v13 =	vsel vm1, $0x1, v2  }
0x5e5: {  	s30 =	simm.s32 $0x6;
	s31 =	simm.s32 $0x7;
	v17 =	vld [tilespmem:s21+$0xFFFFFFD0];
	vm8 =	vgt.u32 v5, s26;
	vm5 =	vgt.u32 v5, s28;
	vm6 =	vgt.u32 v5, s29;
	(xrf0) =	vadd.scan.msk.s32 $0xffff, v13  }
0x5e6: {  	vm7 =	vgt.u32 v5, s30;
	vm2 =	vgt.u32 v5, s31;
	v11 =	vmpcnt.ones.xlane vm0  }
0x5e7: {  	v15 =	vmpcnt.ones.xlane vm1;
	v21 =	vsel vm8, $0x1, v2;
	v22 =	vsel vm5, $0x1, v2  }
0x5e8: {  	v10 =	vmpcnt.ones.xlane vm3;
	v12 =	vadd.s32 v4, v9;
	v16 =	vadd.s32 v7, v11  }
0x5e9: {  	v11 =	vmpcnt.ones.xlane vm8;
	v13 =	vsel vm3, $0x1, v2;
	v15 =	vadd.s32 v16, v15;
	v19, _, _ =	vpop (xrf0)  }
0x5ea: {  	v14 =	vadd.s32 v4, v17;
	v20 =	vadd.s32 v15, v10;
	(xrf0) =	vadd.scan.msk.s32 $0xffff, v13;
	v7 =	vadd.s32 v19, v7  }
0x5eb: {  	v10 =	vmpcnt.ones.xlane vm5;
	v25 =	vadd.s32 v20, v11;
	v23, _, _ =	vpop (xrf0);
	(xrf0) =	vadd.scan.msk.s32 $0xffff, v21;
	v7 =	vadd.s32 $0xFFFFFFFF, v7  }
0x5ec: {  	v6 =	vld [tilespmem:s21+$0xFFFFFFE0];
	v11 =	vmpcnt.ones.xlane vm6;
	v21 =	vsel vm6, $0x1, v2;
	(xrf0) =	vadd.scan.msk.s32 $0xffff, v22;
	vm4 =	vgt.s32 v7, $0x0  }
0x5ed: {  	v26 =	vadd.s32 v25, v10;
	v10 =	vmpcnt.ones.xlane vm7;
	(xrf0) =	vadd.scan.msk.s32 $0xffff, v21;
	v7 =	vnsel vm4, $0x0, v7  }
0x5ee: {  	v27 =	vadd.s32 v26, v11;
	v13 =	vmpcnt.ones.xlane vm2;
	v16 =	vadd.s32 v16, v23  }
0x5ef: {  	v11 =	vld [tilespmem:s21+$0xFFFFFFF0];
	v18 =	vadd.s32 v27, v10;
	v19 =	vsel vm7, $0x1, v2;
	v16 =	vadd.s32 $0xFFFFFFFF, v16  }
0x5f0: {  	v10 =	vld [tilespmem:s21+$0x0];
	v21 =	vsel vm2, $0x1, v2;
	vm9 =	vgt.s32 v16, $0x0;
	(xrf0) =	vadd.scan.msk.s32 $0xffff, v19;
	v19 =	vmin.u32 v7, $0xFF;
	v7, _, _ =	vpop (xrf0)  }
0x5f1: {  	v8 =	vadd.s32 v4, v6;
	v13 =	vadd.s32 v18, v13;
	v16 =	vnsel vm9, $0x0, v16;
	(xrf0) =	vadd.scan.msk.s32 $0xffff, v21;
	v24, _, _ =	vpop (xrf0)  }
0x5f2: {  	v22 =	vld.idx.msk [tilespmem:v14+s2+$0x0], $0xffff;
	vm4 =	vmmov vm3;
	v21 =	vmin.u32 v16, $0xFF;
	v7 =	vadd.s32 v15, v7;
	v14, _, _ =	vpop (xrf0)  }
0x5f3: {  	vm3 =	vmmov vm8;
	v23 =	vadd.s32 $0xFFFFFFFF, v7;
	v7 =	vadd.s32 v20, v24;
	v20 =	vld.idx.msk [tilespmem:v12+s2+$0x0], $0xffff;
	v12, _, _ =	vpop (xrf0)  }
0x5f4: {  	v24 =	vadd.s32 $0xFFFFFFFF, v7;
	v7 =	vadd.s32 v25, v14;
	v12 =	vadd.s32 v26, v12  }
0x5f5: {  	s20 =	simm.s32 $0x18140;
	v16 =	vadd.s32 v4, v11;
	v15 =	vadd.s32 v4, v10;
	v25 =	vadd.s32 $0xFFFFFFFF, v7  }
0x5f6: {  	vm10 =	vgt.s32 v23, $0x0;
	v14 =	vld [tilespmem:s20+$0xFFFFFFC0];
	vm12 =	vgt.s32 v24, $0x0;
	v28, _, _ =	vpop (xrf0);
	vm13 =	vgt.s32 v25, $0x0  }
0x5f7: {  	s0 =	simm.s32 $0x10;
	s22 =	simm.s32 $0x8;
	v7 =	vld [tilespmem:s20+$0xFFFFFFD0];
	[tilespmem:v21+s12+$0x0] =	vst.idx.msk vm1, v17;
	v26 =	vadd.s32 $0xFFFFFFFF, v12;
	v17 =	vadd.s32 v27, v28;
	v27, _, _ =	vpop (xrf0);
	v12 =	vmov v13  }
.LBB2_28:
0x5f8: {  	[tilespmem:v21+s13+$0x0] =	vst.idx.msk vm1, v22;
	vm1 =	vgt.s32 v26, $0x0;
	v17 =	vadd.s32 $0xFFFFFFFF, v17;
	v18 =	vadd.s32 v18, v27  }
0x5f9: {  	p1 =	slt.u32 s0, $0x18;
	v28 =	vld [tilespmem:s20+$0xFFFFFFE0];
	vm11 =	vmmov vm5;
	vm9 =	vmmov vm6;
	vm8 =	vmmov vm7  }
0x5fa: {  	v21 =	vnsel vm10, $0x0, v23;
	[tilespmem:v19+s12+$0x0] =	vst.idx.msk vm0, v9;
	v22 =	vld [tilespmem:s21+$0x10];
	vm5 =	vgt.s32 v17, $0x0;
	v27 =	vadd.s32 $0xFFFFFFFF, v18  }
0x5fb: {  	v18 =	vnsel vm12, $0x0, v24;
	[tilespmem:v19+s13+$0x0] =	vst.idx.msk vm0, v20;
	v19 =	vnsel vm13, $0x0, v25;
	v20 =	vld [tilespmem:s21+$0x20];
	vm0 =	vgt.s32 v27, $0x0  }
0x5fc: {  	v23 =	vnsel vm1, $0x0, v26;
	v17 =	vnsel vm5, $0x0, v17;
	v24 =	vld [tilespmem:s21+$0x30];
	v25 =	vnsel vm0, $0x0, v27;
	v9 =	vmovc v14;
	s21 =	smov.u32 s20  }
0x5fd: {  	v18 =	vmin.u32 v18, $0xFF;
	v14 =	vmin.u32 v21, $0xFF;
	v19 =	vmin.u32 v19, $0xFF  }
0x5fe: {  	v21 =	vmin.u32 v23, $0xFF;
	v17 =	vmin.u32 v17, $0xFF;
	v25 =	vmin.u32 v25, $0xFF  }
0x5ff: {  	vm10 =	vmmov vm2;
	v23 =	vadd.s32 v4, v9;
	v26 =	vld.idx.msk [tilespmem:v8+s2+$0x0], $0xffff  }
0x600: {  	v27 =	vadd.s32 v4, v7;
	v8 =	vadd.s32 v4, v28;
	v29 =	vadd.s32 v4, v22  }
0x601: {  	s1 =	sadd.s32 $0x1, s22;
	vm0 =	vgt.u32 v5, s22;
	v30 =	vadd.s32 v4, v20;
	v16 =	vld.idx.msk [tilespmem:v16+s2+$0x0], $0xffff;
	v31 =	vadd.s32 v4, v24  }
0x602: {  	vm1 =	vgt.u32 v5, s1;
	s1 =	sadd.s32 $0x2, s22;
	v32 =	vsel vm0, $0x1, v2;
	v33 =	vmpcnt.ones.xlane vm0;
	[tilespmem:v14+s12+$0x0] =	vst.idx.msk vm4, v6;
	v6 =	vmovc v28  }
0x603: {  	v34 =	vmpcnt.ones.xlane vm1;
	vm12 =	vgt.u32 v5, s1;
	s1 =	sadd.s32 $0x3, s22;
	v28 =	vsel vm1, $0x1, v2;
	(xrf0) =	vadd.scan.msk.s32 $0xffff, v32;
	v15 =	vld.idx.msk [tilespmem:v15+s2+$0x0], $0xffff  }
0x604: {  	vm13 =	vgt.u32 v5, s1;
	s1 =	sadd.s32 $0x4, s22;
	v32 =	vadd.s32 v13, v33;
	v13 =	vmpcnt.ones.xlane vm12;
	(xrf0) =	vadd.scan.msk.s32 $0xffff, v28  }
0x605: {  	vm5 =	vgt.u32 v5, s1;
	s1 =	sadd.s32 $0x5, s22;
	v33 =	vmpcnt.ones.xlane vm13;
	v28 =	vadd.s32 v32, v34;
	[tilespmem:v14+s13+$0x0] =	vst.idx.msk vm4, v26  }
0x606: {  	vm6 =	vgt.u32 v5, s1;
	s1 =	sadd.s32 $0x6, s22;
	v14 =	vadd.s32 v28, v13;
	v13 =	vmpcnt.ones.xlane vm5;
	[tilespmem:v18+s12+$0x0] =	vst.idx.msk vm3, v11  }
0x607: {  	vm7 =	vgt.u32 v5, s1;
	s1 =	sadd.s32 $0x7, s22;
	s22 =	smov.u32 s0;
	v26 =	vadd.s32 v14, v33;
	v33 =	vmpcnt.ones.xlane vm6;
	[tilespmem:v18+s13+$0x0] =	vst.idx.msk vm3, v16  }
0x608: {  	vm2 =	vgt.u32 v5, s1;
	v34 =	vadd.s32 v26, v13;
	v13 =	vmpcnt.ones.xlane vm7;
	[tilespmem:v19+s12+$0x0] =	vst.idx.msk vm11, v10;
	v16 =	vld.idx.msk [tilespmem:v29+s2+$0x0], $0xffff  }
0x609: {  	v10 =	vsel vm12, $0x1, v2;
	v29 =	vadd.s32 v34, v33;
	v33 =	vmpcnt.ones.xlane vm2;
	v11 =	vld [tilespmem:s20+$0xFFFFFFF0];
	v35, _, _ =	vpop (xrf0);
	[tilespmem:v19+s13+$0x0] =	vst.idx.msk vm11, v15  }
0x60a: {  	v15 =	vsel vm13, $0x1, v2;
	v19 =	vsel vm5, $0x1, v2;
	v18 =	vadd.s32 v29, v13;
	v36, _, _ =	vpop (xrf0);
	(xrf0) =	vadd.scan.msk.s32 $0xffff, v10;
	v30 =	vld.idx.msk [tilespmem:v30+s2+$0x0], $0xffff  }
0x60b: {  	v37 =	vsel vm6, $0x1, v2;
	v38 =	vsel vm7, $0x1, v2;
	v13 =	vadd.s32 v18, v33;
	v10 =	vld [tilespmem:s20+$0x0];
	(xrf0) =	vadd.scan.msk.s32 $0xffff, v15  }
0x60c: {  	v33 =	vadd.s32 v35, v12;
	v15 =	vadd.s32 v32, v36;
	v32 =	vsel vm2, $0x1, v2;
	(xrf0) =	vadd.scan.msk.s32 $0xffff, v19;
	v31 =	vld.idx.msk [tilespmem:v31+s2+$0x0], $0xffff  }
0x60d: {  	v12 =	vmovc v13;
	v19 =	vadd.s32 $0xFFFFFFFF, v33;
	v15 =	vadd.s32 $0xFFFFFFFF, v15;
	(xrf0) =	vadd.scan.msk.s32 $0xffff, v37;
	[tilespmem:v21+s12+$0x0] =	vst.idx.msk vm9, v22  }
0x60e: {  	vm3 =	vgt.s32 v19, $0x0;
	vm4 =	vgt.s32 v15, $0x0;
	(xrf0) =	vadd.scan.msk.s32 $0xffff, v38;
	[tilespmem:v21+s13+$0x0] =	vst.idx.msk vm9, v16  }
0x60f: {  	v16 =	vnsel vm3, $0x0, v19;
	v33 =	vnsel vm4, $0x0, v15;
	(xrf0) =	vadd.scan.msk.s32 $0xffff, v32;
	[tilespmem:v17+s12+$0x0] =	vst.idx.msk vm8, v20  }
0x610: {  	v19 =	vmin.u32 v16, $0xFF;
	v21 =	vmin.u32 v33, $0xFF;
	v16 =	vadd.s32 v4, v11;
	v22 =	vld.idx.msk [tilespmem:v27+s2+$0x0], $0xffff;
	v15, _, _ =	vpop (xrf0);
	[tilespmem:v17+s13+$0x0] =	vst.idx.msk vm8, v30  }
.Ltmp18:
0x611: {  	vm4 =	vmmov vm12;
	v28 =	vadd.s32 v28, v15;
	v15 =	vadd.s32 v4, v10;
	v27, _, _ =	vpop (xrf0);
	[tilespmem:v25+s12+$0x0] =	vst.idx.msk vm10, v24;
	(pc) =	sbr.rel @p1 .LBB2_28-.Ltmp18, $4  }
0x612: {  	vm3 =	vmmov vm13;
	v20 =	vld.idx.msk [tilespmem:v23+s2+$0x0], $0xffff;
	v23 =	vadd.s32 $0xFFFFFFFF, v28;
	v14 =	vadd.s32 v14, v27;
	v17, _, _ =	vpop (xrf0);
	[tilespmem:v25+s13+$0x0] =	vst.idx.msk vm10, v31  }
0x613: {  	s20 =	sadd.s32 $0x80, s20;
	vm10 =	vgt.s32 v23, $0x0;
	v24 =	vadd.s32 $0xFFFFFFFF, v14;
	v17 =	vadd.s32 v26, v17;
	v26, _, _ =	vpop (xrf0)  }
0x614: {  	v14 =	vld [tilespmem:s20+$0xFFFFFFC0];
	vm12 =	vgt.s32 v24, $0x0;
	v25 =	vadd.s32 $0xFFFFFFFF, v17;
	v17 =	vadd.s32 v34, v26;
	v27, _, _ =	vpop (xrf0)  }
0x615: {  	s0 =	sadd.s32 $0x8, s0;
	[tilespmem:v21+s12+$0x0] =	vst.idx.msk vm1, v7;
	v7 =	vld [tilespmem:s20+$0xFFFFFFD0];
	vm13 =	vgt.s32 v25, $0x0;
	v26 =	vadd.s32 $0xFFFFFFFF, v17;
	v17 =	vadd.s32 v29, v27;
	v27, _, _ =	vpop (xrf0)  }
0x616: {  	_ =	sdelay $0x1  }
0x617: {  	vm8 =	vgt.s32 v26, $0x0;
	v28 =	vadd.s32 $0xFFFFFFFF, v17;
	v18 =	vadd.s32 v18, v27  }
0x618: {  	vm9 =	vmmov vm5;
	vm6 =	vmmov vm6;
	vm5 =	vmmov vm7  }
0x619: {  	v23 =	vnsel vm10, $0x0, v23;
	v24 =	vnsel vm12, $0x0, v24;
	v25 =	vnsel vm13, $0x0, v25  }
0x61a: {  	[tilespmem:v21+s13+$0x0] =	vst.idx.msk vm1, v22;
	vm2 =	vmmov vm2;
	vm1 =	vgt.u32 v5, s22;
	vm14 =	vgt.s32 v28, $0x0  }
0x61b: {  	v18 =	vadd.s32 $0xFFFFFFFF, v18;
	v26 =	vnsel vm8, $0x0, v26;
	v23 =	vmin.u32 v23, $0xFF  }
0x61c: {  	[tilespmem:v19+s12+$0x0] =	vst.idx.msk vm0, v9;
	s0 =	sadd.s32 $0x1, s22;
	s25 =	sadd.s32 $0x2, s22;
	v24 =	vmin.u32 v24, $0xFF;
	v44 =	vmin.u32 v25, $0xFF;
	v48 =	vsel vm1, $0x1, v2  }
0x61d: {  	s26 =	sadd.s32 $0x3, s22;
	s28 =	sadd.s32 $0x4, s22;
	s29 =	sadd.s32 $0x5, s22;
	[tilespmem:v19+s13+$0x0] =	vst.idx.msk vm0, v20;
	v49 =	vmpcnt.ones.xlane vm1;
	vm0 =	vgt.u32 v5, s0;
	vm11 =	vgt.u32 v5, s25  }
0x61e: {  	v17 =	vld [tilespmem:s20+$0xFFFFFFE0];
	vm10 =	vgt.u32 v5, s26;
	vm8 =	vgt.u32 v5, s28;
	vm7 =	vgt.u32 v5, s29  }
0x61f: {  	v43 =	vld [tilespmem:s21+$0x10];
	vm15 =	vgt.s32 v18, $0x0;
	v28 =	vnsel vm14, $0x0, v28;
	v35 =	vmpcnt.ones.xlane vm0  }
0x620: {  	v29 =	vld [tilespmem:s21+$0x20];
	v45 =	vmin.u32 v26, $0xFF;
	v50 =	vmpcnt.ones.xlane vm11;
	v52 =	vmpcnt.ones.xlane vm10  }
0x621: {  	v30 =	vld [tilespmem:s21+$0x30];
	v34 =	vsel vm0, $0x1, v2;
	v54 =	vmpcnt.ones.xlane vm8;
	v56 =	vmpcnt.ones.xlane vm7  }
0x622: {  	v8 =	vld.idx.msk [tilespmem:v8+s2+$0x0], $0xffff;
	v59 =	vsel vm11, $0x1, v2;
	v61 =	vsel vm10, $0x1, v2;
	v62 =	vsel vm8, $0x1, v2  }
0x623: {  	v16 =	vld.idx.msk [tilespmem:v16+s2+$0x0], $0xffff;
	(xrf0) =	vadd.scan.msk.s32 $0xffff, v48;
	v63 =	vsel vm7, $0x1, v2;
	vm8 =	vmmov vm8;
	v18 =	vnsel vm15, $0x0, v18  }
0x624: {  	v15 =	vld.idx.msk [tilespmem:v15+s2+$0x0], $0xffff;
	v25 =	vmin.u32 v28, $0xFF;
	v46 =	vadd.s32 v4, v14;
	v13 =	vadd.s32 v13, v49;
	(xrf0) =	vadd.scan.msk.s32 $0xffff, v34  }
0x625: {  	v9 =	vmin.u32 v18, $0xFF;
	v47 =	vadd.s32 v4, v7;
	v51 =	vadd.s32 v13, v35;
	[tilespmem:v23+s12+$0x0] =	vst.idx.msk vm4, v6  }
0x626: {  	(xrf0) =	vadd.scan.msk.s32 $0xffff, v59;
	v28 =	vadd.s32 v4, v17;
	v31 =	vadd.s32 v4, v43;
	[tilespmem:v24+s12+$0x0] =	vst.idx.msk vm3, v11  }
0x627: {  	v32 =	vadd.s32 v4, v29;
	v53 =	vadd.s32 v51, v50;
	(xrf0) =	vadd.scan.msk.s32 $0xffff, v61;
	[tilespmem:v44+s12+$0x0] =	vst.idx.msk vm9, v10  }
0x628: {  	s30 =	sadd.s32 $0x6, s22;
	s31 =	sadd.s32 $0x7, s22;
	v48 =	vld [tilespmem:s20+$0x20];
	v33 =	vadd.s32 v4, v30;
	v55 =	vadd.s32 v53, v52;
	(xrf0) =	vadd.scan.msk.s32 $0xffff, v62;
	[tilespmem:v23+s13+$0x0] =	vst.idx.msk vm4, v8  }
0x629: {  	v10 =	vld [tilespmem:s20+$0xFFFFFFF0];
	vm4 =	vgt.u32 v5, s30;
	[tilespmem:v24+s13+$0x0] =	vst.idx.msk vm3, v16;
	v57 =	vadd.s32 v55, v54;
	vm3 =	vgt.u32 v5, s31;
	v60, _, _ =	vpop (xrf0)  }
0x62a: {  	[tilespmem:v44+s13+$0x0] =	vst.idx.msk vm9, v15;
	v58 =	vmpcnt.ones.xlane vm4;
	v20 =	vadd.s32 v57, v56;
	v35 =	vsel vm4, $0x1, v2;
	v34, _, _ =	vpop (xrf0)  }
0x62b: {  	v15 =	vld [tilespmem:s20+$0x0];
	(xrf0) =	vadd.scan.msk.s32 $0xffff, v63;
	v37 =	vsel vm3, $0x1, v2;
	v12 =	vadd.s32 v60, v12;
	v13 =	vadd.s32 v13, v34  }
0x62c: {  	(xrf0) =	vadd.scan.msk.s32 $0xffff, v35;
	v5 =	vld.idx.msk [tilespmem:v31+s2+$0x0], $0xffff;
	v19 =	vadd.s32 v20, v58;
	v12 =	vadd.s32 $0xFFFFFFFF, v12;
	v13 =	vadd.s32 $0xFFFFFFFF, v13  }
0x62d: {  	v36 =	vld.idx.msk [tilespmem:v32+s2+$0x0], $0xffff;
	[tilespmem:v45+s12+$0x0] =	vst.idx.msk vm6, v43;
	v40, _, _ =	vpop (xrf0);
	v58 =	vadd.s32 v4, v48;
	vm9 =	vgt.s32 v12, $0x0;
	vm12 =	vgt.s32 v13, $0x0  }
0x62e: {  	v38 =	vld.idx.msk [tilespmem:v33+s2+$0x0], $0xffff;
	(xrf0) =	vadd.scan.msk.s32 $0xffff, v37;
	v42 =	vadd.s32 v4, v10;
	v6 =	vadd.s32 v51, v40;
	v13 =	vnsel vm12, $0x0, v13  }
0x62f: {  	v41 =	vld.idx.msk [tilespmem:v47+s2+$0x0], $0xffff;
	[tilespmem:v25+s12+$0x0] =	vst.idx.msk vm5, v29;
	v44, _, _ =	vpop (xrf0);
	v12 =	vnsel vm9, $0x0, v12;
	v6 =	vadd.s32 $0xFFFFFFFF, v6;
	v39 =	vmin.u32 v13, $0xFF  }
0x630: {  	[tilespmem:v9+s12+$0x0] =	vst.idx.msk vm2, v30;
	v43 =	vadd.s32 v4, v15;
	v8 =	vadd.s32 v53, v44;
	vm12 =	vgt.s32 v6, $0x0  }
0x631: {  	v18 =	vld.idx.msk [tilespmem:v46+s2+$0x0], $0xffff;
	v46, _, _ =	vpop (xrf0);
	v8 =	vadd.s32 $0xFFFFFFFF, v8;
	v6 =	vnsel vm12, $0x0, v6;
	[tilespmem:v45+s13+$0x0] =	vst.idx.msk vm6, v5;
	v5 =	vmin.u32 v12, $0xFF  }
0x632: {  	v11 =	vadd.s32 v55, v46;
	v47, _, _ =	vpop (xrf0);
	vm13 =	vgt.s32 v8, $0x0;
	v45 =	vld [tilespmem:s20+$0x10];
	[tilespmem:v25+s13+$0x0] =	vst.idx.msk vm5, v36;
	v6 =	vmin.u32 v6, $0xFF  }
0x633: {  	v54 =	vld.idx.msk [tilespmem:v28+s2+$0x0], $0xffff;
	v49 =	vadd.s32 $0xFFFFFFFF, v11;
	v50 =	vadd.s32 v57, v47;
	vm5 =	vmmov vm10;
	[tilespmem:v9+s13+$0x0] =	vst.idx.msk vm2, v38;
	v52, _, _ =	vpop (xrf0)  }
0x634: {  	v51 =	vld [tilespmem:s20+$0x30];
	v53 =	vadd.s32 $0xFFFFFFFF, v50;
	v8 =	vnsel vm13, $0x0, v8;
	v20 =	vadd.s32 v20, v52;
	[tilespmem:v39+s12+$0x0] =	vst.idx.msk vm0, v7  }
0x635: {  	v8 =	vmin.u32 v8, $0xFF;
	vm15 =	vgt.s32 v53, $0x0;
	v20 =	vadd.s32 $0xFFFFFFFF, v20;
	[tilespmem:v39+s13+$0x0] =	vst.idx.msk vm0, v41  }
0x636: {  	vm14 =	vgt.s32 v49, $0x0;
	v56 =	vld.idx.msk [tilespmem:v42+s2+$0x0], $0xffff;
	vm12 =	vgt.s32 v20, $0x0;
	v7 =	vnsel vm15, $0x0, v53;
	[tilespmem:v5+s12+$0x0] =	vst.idx.msk vm1, v14  }
0x637: {  	v57, _, _ =	vpop (xrf0);
	v61 =	vnsel vm12, $0x0, v20;
	v55 =	vadd.s32 v4, v45;
	[tilespmem:v6+s12+$0x0] =	vst.idx.msk vm11, v17;
	v7 =	vmin.u32 v7, $0xFF  }
0x638: {  	v9 =	vnsel vm14, $0x0, v49;
	v59 =	vadd.s32 v19, v57;
	v11 =	vmin.u32 v61, $0xFF;
	[tilespmem:v5+s13+$0x0] =	vst.idx.msk vm1, v18  }
0x639: {  	v60 =	vadd.s32 $0xFFFFFFFF, v59;
	v4 =	vadd.s32 v4, v51;
	v5 =	vmin.u32 v9, $0xFF;
	[tilespmem:v6+s13+$0x0] =	vst.idx.msk vm11, v54  }
0x63a: {  	v63 =	vld.idx.msk [tilespmem:v58+s2+$0x0], $0xffff;
	vm14 =	vgt.s32 v60, $0x0;
	[tilespmem:v8+s12+$0x0] =	vst.idx.msk vm5, v10  }
0x63b: {  	v13 =	vld.idx.msk [tilespmem:v43+s2+$0x0], $0xffff;
	v6 =	vnsel vm14, $0x0, v60;
	[tilespmem:v8+s13+$0x0] =	vst.idx.msk vm5, v56  }
0x63c: {  	v6 =	vmin.u32 v6, $0xFF;
	v62 =	vld.idx.msk [tilespmem:v55+s2+$0x0], $0xffff;
	[tilespmem:v7+s12+$0x0] =	vst.idx.msk vm7, v45  }
0x63d: {  	[tilespmem:v11+s12+$0x0] =	vst.idx.msk vm4, v48  }
0x63e: {  	v4 =	vld.idx.msk [tilespmem:v4+s2+$0x0], $0xffff;
	[tilespmem:v5+s12+$0x0] =	vst.idx.msk vm8, v15  }
.Ltmp19:
0x63f: {  	[tilespmem:v11+s13+$0x0] =	vst.idx.msk vm4, v63;
	(pc) =	sbr.rel .LBB2_30-.Ltmp19, $4  }
0x640: {  	[tilespmem:v5+s13+$0x0] =	vst.idx.msk vm8, v13  }
0x641: {  	[tilespmem:v6+s12+$0x0] =	vst.idx.msk vm3, v51  }
0x642: {  	vm9 =	vmmov vm11;
	[tilespmem:v7+s13+$0x0] =	vst.idx.msk vm7, v62  }
0x643: {  	vm10 =	vmmov vm7;
	vm13 =	vmmov vm4;
	vm15 =	vmmov vm3;
	[tilespmem:v6+s13+$0x0] =	vst.idx.msk vm3, v4  }
.LBB2_32:
0x644: {  	_ =	sfence.sel $0x180000  }
0x645: {  	[bflag:$0x0] =	sbarrier.arrive $0xFFFF  }
0x646: {  	_ =	strace $0x90000047  }
0x647: {  	s0 =	stileid.u32;
	[bflag:$0x2] =	sbarrier.arrive $0xFFFF  }
0x648: {  	p0 =	sne.s32 s0, $0x0;
	s0 =	rddreg [dreg:$0x2]  }
0x649: {  	s0 =	sadd.s32 @!p0 $0x100000, s0  }
0x64a: {  	[sflag:s0] =	ssyncadd.tile.s32 @!p0 $0x1;
	_ =	shalt  }
.Lfunc_end2:
_tile_overlayer_lowered:
.L_overlay_start_2:
0x64b: {  	(tag) =	ssettag $0x2  }
0x64c: {  	s0 =	rddreg [dreg:$0x0];
	s2 =	stileid.u32  }
0x64d: {  	s1 =	rddreg [dreg:$0x1];
	p0 =	sne.s32 s2, $0x0  }
0x64e: {  	s3 =	rddreg [dreg:$0x2];
	[bflag:$0x3] =	sbarrier.arrive $0xFFFF;
	s2 =	simm.s32 @!p0 $0x1C03  }
0x64f: {  	[timem:s3], [sflag:s2] =	dma.local @!p0 [hbm:s0], s1  }
0x650: {  	s0 =	simm.s32 @!p0 $0x3  }
0x651: {  	_ =	swait.ge @!p0 [sflag:s0], s1  }
0x652: {  	s1 =	ssub.s32 @!p0 $0x0, s1;
	[sflag:s0] =	ssyncset.done @!p0 $0x0  }
0x653: {  	[sflag:s0] =	ssyncadd.s32 @!p0 s1  }
0x654: {  	[bflag:$0x3] =	sbarrier.arrive $0xFFFF  }
0x655: {  	_ =	shalt  }

</sc_bundles>
